<compile_context>
chip_gen: v7x
topology: tpu7x:2x2x1
jax: 0.10.2.dev20260603
libtpu: 0.0.44.dev20260713+nightly
codegen_flags: <defaults>
</compile_context>

<pallas_src>
import functools

import jax
import jax.numpy as jnp
from jax import lax
from jax.experimental import pallas as pl
from jax.experimental.pallas import tpu as pltpu
from jax.experimental.pallas import tpu_sc as plsc

HIGH = lax.Precision.HIGHEST

N = 10000
E = 320000
A = E + N
NW = 32
EW = 10320
A_PAD = EW * NW
NP = 10240
ROWS_W = NP // 16

_MESH = None


def _mesh():
    global _MESH
    if _MESH is None:
        _MESH = plsc.VectorSubcoreMesh(core_axis_name="c", subcore_axis_name="s")
    return _MESH



def _proj_body(x_ref, wl_ref, bl_ref, wr_ref, br_ref, absa_ref,
               xl_ref, xr_ref, p_ref):
    xb = x_ref[...]
    xl = jnp.dot(xb, wl_ref[...], precision=HIGH) + bl_ref[...]
    xr = jnp.dot(xb, wr_ref[...], precision=HIGH) + br_ref[...]
    xl_ref[...] = xl
    xr_ref[...] = xr
    p_ref[...] = jnp.dot(jnp.abs(xl), absa_ref[...], precision=HIGH)


def _proj(x, wl, bl, wr, br, absa, bn=1000):
    n, d = x.shape
    f = wl.shape[1]
    h = absa.shape[1]
    return pl.pallas_call(
        _proj_body,
        grid=(n // bn,),
        in_specs=[
            pl.BlockSpec((bn, d), lambda i: (i, 0)),
            pl.BlockSpec((d, f), lambda i: (0, 0)),
            pl.BlockSpec((1, f), lambda i: (0, 0)),
            pl.BlockSpec((d, f), lambda i: (0, 0)),
            pl.BlockSpec((1, f), lambda i: (0, 0)),
            pl.BlockSpec((f, h), lambda i: (0, 0)),
        ],
        out_specs=[
            pl.BlockSpec((bn, f), lambda i: (i, 0)),
            pl.BlockSpec((bn, f), lambda i: (i, 0)),
            pl.BlockSpec((bn, h), lambda i: (i, 0)),
        ],
        out_shape=[
            jax.ShapeDtypeStruct((n, f), jnp.float32),
            jax.ShapeDtypeStruct((n, f), jnp.float32),
            jax.ShapeDtypeStruct((n, h), jnp.float32),
        ],
    )(x, wl, bl, wr, br, absa)


def _colmax_body(p_ref, out_ref):
    out_ref[...] = jnp.max(p_ref[...], axis=0, keepdims=True)


def _colmax(p):
    _, h = p.shape
    return pl.pallas_call(
        _colmax_body,
        out_shape=jax.ShapeDtypeStruct((1, h), jnp.float32),
    )(p)


def _edge_body(gxl_ref, gxr_ref, maxp_ref, amask_ref, absa_ref, emaskt_ref,
               pick_ref, uw_ref, *, h, be, feff, fext):
    a = gxl_ref[...]
    b = gxr_ref[...]
    z = a + b
    lz = jnp.maximum(z, 0.2 * z)
    logits = jnp.dot(lz, amask_ref[...], precision=HIGH)
    sh = jnp.dot(jnp.abs(b), absa_ref[...], precision=HIGH) + maxp_ref[...]
    ex = jnp.exp(logits - sh)
    eid = pl.program_id(0) * be + lax.broadcasted_iota(jnp.int32, (be, 1), 0)
    ex = jnp.where(eid < A, ex, 0.0)
    exb = jnp.dot(ex, emaskt_ref[...], precision=HIGH)
    pad = fext - feff - h
    uw_ref[...] = jnp.concatenate(
        [a[:, :feff] * exb, ex, jnp.zeros((be, pad), jnp.float32)], axis=1)


def _edge(gxl, gxr, maxp, amask, absa, emaskt, pick, fext, be=960):
    a_pad, f = gxl.shape
    h = amask.shape[1]
    feff = emaskt.shape[1]
    return pl.pallas_call(
        functools.partial(_edge_body, h=h, be=be, feff=feff, fext=fext),
        grid=(a_pad // be,),
        in_specs=[
            pl.BlockSpec((be, f), lambda i: (i, 0)),
            pl.BlockSpec((be, f), lambda i: (i, 0)),
            pl.BlockSpec((1, h), lambda i: (0, 0)),
            pl.BlockSpec((f, h), lambda i: (0, 0)),
            pl.BlockSpec((f, h), lambda i: (0, 0)),
            pl.BlockSpec((h, feff), lambda i: (0, 0)),
            pl.BlockSpec((feff, h), lambda i: (0, 0)),
        ],
        out_specs=pl.BlockSpec((be, fext), lambda i: (i, 0)),
        out_shape=jax.ShapeDtypeStruct((a_pad, fext), jnp.float32),
    )(gxl, gxr, maxp, amask, absa, emaskt, pick)


def _mid_body(uo_ref, b1_ref, emaskt_ref, wl_ref, bl_ref,
              wr_ref, br_ref, absa_ref, xl_ref, xr_ref, p_ref):
    u = uo_ref[0, :, 0:512] + uo_ref[1, :, 0:512]
    d8 = uo_ref[0, :, 512:520] + uo_ref[1, :, 512:520]
    db = jnp.dot(d8, emaskt_ref[...], precision=HIGH) + 1e-16
    hid = u / db + b1_ref[...]
    hid = jnp.where(hid > 0, hid, jnp.exp(jnp.minimum(hid, 0.0)) - 1.0)
    xl = jnp.dot(hid, wl_ref[...], precision=HIGH) + bl_ref[...]
    xr = jnp.dot(hid, wr_ref[...], precision=HIGH) + br_ref[...]
    pad = jnp.zeros((xl.shape[0], 128 - xl.shape[1]), jnp.float32)
    xl_ref[...] = jnp.concatenate([xl, pad], axis=1)
    xr_ref[...] = jnp.concatenate([xr, pad], axis=1)
    p_ref[...] = jnp.dot(jnp.abs(xl), absa_ref[...], precision=HIGH)


def _mid(uo, b1, emaskt, wl2, bl2, wr2, br2, absa2, bn=1024):
    f = uo.shape[2]
    f2 = wl2.shape[1]
    h2 = absa2.shape[1]
    return pl.pallas_call(
        _mid_body,
        grid=(NP // bn,),
        in_specs=[
            pl.BlockSpec((2, bn, f), lambda i: (0, i, 0)),
            pl.BlockSpec((1, 512), lambda i: (0, 0)),
            pl.BlockSpec((8, 512), lambda i: (0, 0)),
            pl.BlockSpec((512, f2), lambda i: (0, 0)),
            pl.BlockSpec((1, f2), lambda i: (0, 0)),
            pl.BlockSpec((512, f2), lambda i: (0, 0)),
            pl.BlockSpec((1, f2), lambda i: (0, 0)),
            pl.BlockSpec((f2, h2), lambda i: (0, 0)),
        ],
        out_specs=[
            pl.BlockSpec((bn, 128), lambda i: (i, 0)),
            pl.BlockSpec((bn, 128), lambda i: (i, 0)),
            pl.BlockSpec((bn, h2), lambda i: (i, 0)),
        ],
        out_shape=[
            jax.ShapeDtypeStruct((NP, 128), jnp.float32),
            jax.ShapeDtypeStruct((NP, 128), jnp.float32),
            jax.ShapeDtypeStruct((NP, h2), jnp.float32),
        ],
    )(uo, b1, emaskt, wl2, bl2, wr2, br2, absa2)


def _fin_body(uo_ref, b2_ref, wlin_ref, blin_ref, out_ref):
    u = uo_ref[0, :, 0:64] + uo_ref[1, :, 0:64]
    d = uo_ref[0, :, 64:65] + uo_ref[1, :, 64:65]
    hid = u / (d + 1e-16) + b2_ref[...]
    hid = jnp.where(hid > 0, hid, jnp.exp(jnp.minimum(hid, 0.0)) - 1.0)
    out_ref[...] = jnp.dot(hid, wlin_ref[...], precision=HIGH) + blin_ref[...]


def _fin(uo, b2, wlin, blin, bn=1024):
    f = uo.shape[2]
    fo = wlin.shape[1]
    return pl.pallas_call(
        _fin_body,
        grid=(NP // bn,),
        in_specs=[
            pl.BlockSpec((2, bn, f), lambda i: (0, i, 0)),
            pl.BlockSpec((1, 64), lambda i: (0, 0)),
            pl.BlockSpec((64, fo), lambda i: (0, 0)),
            pl.BlockSpec((1, fo), lambda i: (0, 0)),
        ],
        out_specs=pl.BlockSpec((bn, fo), lambda i: (i, 0)),
        out_shape=jax.ShapeDtypeStruct((NP, fo), jnp.float32),
    )(uo, b2, wlin, blin)



def _gather(xl, xr, src, dst, c2=40):
    f = xl.shape[1]
    nch = EW // c2
    npairs = nch // 2

    @functools.partial(
        pl.kernel,
        mesh=_mesh(),
        out_type=[
            jax.ShapeDtypeStruct((A_PAD, f), jnp.float32),
            jax.ShapeDtypeStruct((A_PAD, f), jnp.float32),
        ],
        scratch_types=[
            pltpu.VMEM((c2,), jnp.int32),
            pltpu.VMEM((c2,), jnp.int32),
            pltpu.VMEM((c2,), jnp.int32),
            pltpu.VMEM((c2,), jnp.int32),
            pltpu.VMEM((c2, f), jnp.float32),
            pltpu.VMEM((c2, f), jnp.float32),
            pltpu.VMEM((c2, f), jnp.float32),
            pltpu.VMEM((c2, f), jnp.float32),
        ] + [pltpu.SemaphoreType.DMA] * 8,
    )
    def k(xl_h, xr_h, src_h, dst_h, gxl_h, gxr_h,
          si0, di0, si1, di1, bl0, br0, bl1, br1,
          sgl0, sgr0, sgl1, sgr1, swl0, swr0, swl1, swr1):
        wid = lax.axis_index("s") * 2 + lax.axis_index("c")
        base = wid * EW

        def wait_g(bl, br, sgl, sgr):
            pltpu.make_async_copy(xl_h.at[pl.ds(0, c2)], bl, sgl).wait()
            pltpu.make_async_copy(xr_h.at[pl.ds(0, c2)], br, sgr).wait()

        def wait_w(bl, br, swl, swr):
            pltpu.make_async_copy(bl, gxl_h.at[pl.ds(0, c2)], swl).wait()
            pltpu.make_async_copy(br, gxr_h.at[pl.ds(0, c2)], swr).wait()

        pltpu.sync_copy(src_h.at[pl.ds(base, c2)], si0)
        pltpu.sync_copy(dst_h.at[pl.ds(base, c2)], di0)
        pltpu.async_copy(xl_h.at[si0], bl0, sgl0)
        pltpu.async_copy(xr_h.at[di0], br0, sgr0)

        @pl.loop(0, npairs)
        def _(p):
            c0 = base + (2 * p) * c2
            c1 = c0 + c2
            cn = c0 + 2 * c2
            wait_g(bl0, br0, sgl0, sgr0)
            pltpu.async_copy(bl0, gxl_h.at[pl.ds(c0, c2)], swl0)
            pltpu.async_copy(br0, gxr_h.at[pl.ds(c0, c2)], swr0)

            pltpu.sync_copy(src_h.at[pl.ds(c1, c2)], si1)
            pltpu.sync_copy(dst_h.at[pl.ds(c1, c2)], di1)

            @pl.when(p > 0)
            def _():
                wait_w(bl1, br1, swl1, swr1)

            pltpu.async_copy(xl_h.at[si1], bl1, sgl1)
            pltpu.async_copy(xr_h.at[di1], br1, sgr1)
            wait_g(bl1, br1, sgl1, sgr1)
            pltpu.async_copy(bl1, gxl_h.at[pl.ds(c1, c2)], swl1)
            pltpu.async_copy(br1, gxr_h.at[pl.ds(c1, c2)], swr1)

            @pl.when(p < npairs - 1)
            def _():
                pltpu.sync_copy(src_h.at[pl.ds(cn, c2)], si0)
                pltpu.sync_copy(dst_h.at[pl.ds(cn, c2)], di0)
                wait_w(bl0, br0, swl0, swr0)
                pltpu.async_copy(xl_h.at[si0], bl0, sgl0)
                pltpu.async_copy(xr_h.at[di0], br0, sgr0)

        wait_w(bl0, br0, swl0, swr0)
        wait_w(bl1, br1, swl1, swr1)

    return k(xl, xr, src, dst)


def _segsum(uw, dst, rowidx, z80, slices, c4=40):
    f = uw.shape[1]
    cw = f // slices
    nch = EW // c4
    nzch = ROWS_W // c4

    @functools.partial(
        pl.kernel,
        mesh=_mesh(),
        out_type=jax.ShapeDtypeStruct((2, NP, f), jnp.float32),
        scratch_types=[
            pltpu.VMEM_SHARED((NP, cw), jnp.float32),
            pltpu.VMEM((c4, cw), jnp.float32),
            pltpu.VMEM((c4, cw), jnp.float32),
            pltpu.VMEM((c4,), jnp.int32),
            pltpu.VMEM((c4,), jnp.int32),
            pltpu.VMEM((c4,), jnp.int32),
        ] + [pltpu.SemaphoreType.DMA] * 6,
    )
    def k(uw_h, dst_h, ri_h, z80_h, uo_h, slabm, bufm, bufm2, ibuf, ibuf2,
          ribuf, sli0, slm0, sli1, slm1, ssc0, ssc1):
        c = lax.axis_index("c")
        s = lax.axis_index("s")
        wid = s * 2 + c
        base = wid * EW
        rs = s * ROWS_W

        for sl in range(slices):
            pltpu.sync_copy(z80_h, bufm)

            @pl.loop(0, nzch)
            def _(r):
                pltpu.sync_copy(ri_h.at[pl.ds(rs + r * c4, c4)], ribuf)
                pltpu.sync_copy(bufm, slabm.at[ribuf])

            plsc.subcore_barrier()

            def load(i, ib, bm, sli, slm):
                off = base + i * c4
                pltpu.async_copy(dst_h.at[pl.ds(off, c4)], ib, sli)
                if slices == 1:
                    pltpu.async_copy(uw_h.at[pl.ds(off, c4)], bm, slm)
                else:
                    pltpu.async_copy(
                        uw_h.at[pl.ds(off, c4), pl.ds(sl * cw, cw)], bm, slm)

            def wait_load(ib, bm, sli, slm):
                pltpu.make_async_copy(dst_h.at[pl.ds(0, c4)], ib, sli).wait()
                pltpu.make_async_copy(
                    uw_h.at[pl.ds(0, c4), pl.ds(0, cw)], bm, slm).wait()

            def wait_sc(bm, ssc):
                pltpu.make_async_copy(bm, slabm.at[pl.ds(0, c4)], ssc).wait()

            load(0, ibuf, bufm, sli0, slm0)

            @pl.loop(0, nch // 2)
            def _(p):
                wait_load(ibuf, bufm, sli0, slm0)
                pltpu.async_copy(bufm, slabm.at[ibuf], ssc0, add=True)

                @pl.when(p > 0)
                def _():
                    wait_sc(bufm2, ssc1)

                load(2 * p + 1, ibuf2, bufm2, sli1, slm1)
                wait_load(ibuf2, bufm2, sli1, slm1)
                pltpu.async_copy(bufm2, slabm.at[ibuf2], ssc1, add=True)

                @pl.when(p < nch // 2 - 1)
                def _():
                    wait_sc(bufm, ssc0)
                    load(2 * p + 2, ibuf, bufm, sli0, slm0)

            wait_sc(bufm, ssc0)
            wait_sc(bufm2, ssc1)
            plsc.subcore_barrier()

            @pl.loop(0, nzch)
            def _(r):
                row = rs + r * c4
                pltpu.sync_copy(ri_h.at[pl.ds(row, c4)], ribuf)
                pltpu.sync_copy(slabm.at[ribuf], bufm)
                if slices == 1:
                    pltpu.sync_copy(bufm, uo_h.at[c, pl.ds(row, c4)])
                else:
                    pltpu.sync_copy(
                        bufm, uo_h.at[c, pl.ds(row, c4), pl.ds(sl * cw, cw)])

            plsc.subcore_barrier()

    return k(uw, dst, rowidx, z80)



def kernel(x, edge_index, Wl1, bl1, Wr1, br1, att1, b1,
           Wl2, bl2, Wr2, br2, att2, b2, Wlin, blin):
    f32 = jnp.float32
    loop = jnp.arange(N, dtype=jnp.int32)
    padz = jnp.zeros((A_PAD - A,), jnp.int32)
    src = jnp.concatenate([edge_index[0].astype(jnp.int32), loop, padz])
    dst = jnp.concatenate([edge_index[1].astype(jnp.int32), loop, padz])
    rowidx = jnp.arange(NP, dtype=jnp.int32)

    attf1 = att1.reshape(-1).astype(f32)
    hm1 = (jnp.arange(512)[:, None] // 64) == jnp.arange(8)[None, :]
    amask1 = jnp.where(hm1, attf1[:, None], 0.0)
    absa1 = jnp.where(hm1, jnp.abs(attf1)[:, None], 0.0)
    emaskt1 = hm1.astype(f32).T
    attf2 = att2.reshape(-1).astype(f32)
    amask2 = jnp.concatenate(
        [attf2[:, None], jnp.zeros((64, 1), f32)], axis=0)
    absa2 = jnp.abs(amask2)
    absa2u = jnp.abs(attf2)[:, None]
    emaskt2 = jnp.ones((1, 64), f32)

    pick1 = (jnp.arange(512)[:, None] == jnp.arange(8)[None, :] * 64
             ).astype(f32)
    pick2 = (jnp.arange(64)[:, None] == 0).astype(f32)

    z80 = jnp.zeros((40, 128), f32)

    xl1, xr1, p1 = _proj(x, Wl1, bl1.reshape(1, -1), Wr1,
                         br1.reshape(1, -1), absa1)
    maxp1 = _colmax(p1)
    gxl1, gxr1 = _gather(xl1, xr1, src, dst)
    uw1 = _edge(gxl1, gxr1, maxp1, amask1, absa1, emaskt1, pick1, fext=640)
    uo1 = _segsum(uw1, dst, rowidx, z80, slices=5)

    xl2, xr2, p2 = _mid(uo1, b1.reshape(1, -1), emaskt1,
                        Wl2, bl2.reshape(1, -1), Wr2,
                        br2.reshape(1, -1), absa2u)
    maxp2 = _colmax(p2)
    gxl2, gxr2 = _gather(xl2, xr2, src, dst)
    uw2 = _edge(gxl2, gxr2, maxp2, amask2, absa2, emaskt2, pick2, fext=128)
    uo2 = _segsum(uw2, dst, rowidx, z80, slices=1)

    out = _fin(uo2, b2.reshape(1, -1), Wlin, blin.reshape(1, -1))
    return out[:N]

# --- scband reference (transcript-rebuilt; emitter-appended) ---
"""Pipeline reference for scband-gat-33663953666346 (READ-ONLY COPY).

The authoritative reference and input builder live on the scoring server;
editing this copy changes nothing except your own understanding.
"""

import jax, jax.numpy as jnp
import numpy as np

N = 10000
E = 320000
IN_DIM = 128
HID = 64
HEADS = 8
OUT_DIM = 64


def setup_inputs(seed: int = 0) -> dict:
    key = jax.random.key(seed)
    ks = jax.random.split(key, 16)

    def g(k, shape, fan_in):
        return jax.random.normal(k, shape, dtype=jnp.float32) / np.sqrt(fan_in)

    inp = {}
    inp["x"] = jax.random.normal(ks[0], (N, IN_DIM), dtype=jnp.float32)
    inp["edge_index"] = jax.random.randint(ks[1], (2, E), 0, N, dtype=jnp.int32)
    # GATv2 layer 1: in=IN_DIM, heads=HEADS, out_channels=HID
    inp["Wl1"] = g(ks[2], (IN_DIM, HEADS * HID), IN_DIM)
    inp["bl1"] = jnp.zeros((HEADS * HID,), dtype=jnp.float32)
    inp["Wr1"] = g(ks[3], (IN_DIM, HEADS * HID), IN_DIM)
    inp["br1"] = jnp.zeros((HEADS * HID,), dtype=jnp.float32)
    inp["att1"] = g(ks[4], (HEADS, HID), HID)
    inp["b1"] = jnp.zeros((HEADS * HID,), dtype=jnp.float32)
    # GATv2 layer 2: in=HEADS*HID, heads=1, out_channels=HID
    inp["Wl2"] = g(ks[5], (HEADS * HID, HID), HEADS * HID)
    inp["bl2"] = jnp.zeros((HID,), dtype=jnp.float32)
    inp["Wr2"] = g(ks[6], (HEADS * HID, HID), HEADS * HID)
    inp["br2"] = jnp.zeros((HID,), dtype=jnp.float32)
    inp["att2"] = g(ks[7], (1, HID), HID)
    inp["b2"] = jnp.zeros((HID,), dtype=jnp.float32)
    # final linear: HID -> OUT_DIM
    inp["Wlin"] = g(ks[8], (HID, OUT_DIM), HID)
    inp["blin"] = jnp.zeros((OUT_DIM,), dtype=jnp.float32)
    return inp


def _gatv2_conv(x, edge_index, Wl, bl, Wr, br, att, b, heads, ch):
    n = x.shape[0]
    loop = jnp.arange(n, dtype=edge_index.dtype)
    src = jnp.concatenate([edge_index[0], loop])
    dst = jnp.concatenate([edge_index[1], loop])
    xl = (x @ Wl + bl).reshape(n, heads, ch)
    xr = (x @ Wr + br).reshape(n, heads, ch)
    e = jax.nn.leaky_relu(xl[src] + xr[dst], negative_slope=0.2)
    logits = jnp.sum(e * att[None, :, :], axis=-1)  # [E+N, heads]
    m = jax.ops.segment_max(logits, dst, num_segments=n)
    m = jnp.where(jnp.isfinite(m), m, 0.0)
    ex = jnp.exp(logits - m[dst])
    denom = jax.ops.segment_sum(ex, dst, num_segments=n)
    alpha = ex / (denom[dst] + 1e-16)
    out = jax.ops.segment_sum(xl[src] * alpha[:, :, None], dst, num_segments=n)
    return out.reshape(n, heads * ch) + b


def reference(x, edge_index, Wl1, bl1, Wr1, br1, att1, b1, Wl2, bl2, Wr2, br2, att2, b2, Wlin, blin):
    h = _gatv2_conv(x, edge_index, Wl1, bl1, Wr1, br1, att1, b1, HEADS, HID)
    h = jax.nn.elu(h)
    # dropout disabled (eval mode)
    h = _gatv2_conv(h, edge_index, Wl2, bl2, Wr2, br2, att2, b2, 1, HID)
    h = jax.nn.elu(h)
    return h @ Wlin + blin

if __name__ == "__main__":
    import jax
    _d = setup_inputs()
    print(jax.jit(kernel)(*tuple(_d.values())))

</pallas_src>

<mosaic_0001>
#map = affine_map<(d0, d1) -> (0, 0)>
#map1 = affine_map<(d0, d1) -> (0)>
#map2 = affine_map<(d0, d1) -> (0, 0, 0)>
module attributes {stable_mosaic.version = 14 : i64} {
  func.func @k(%arg0: i32, %arg1: i32, %arg2: memref<330240x128xf32, #tpu.memory_space<hbm>>, %arg3: memref<330240xi32, #tpu.memory_space<hbm>>, %arg4: memref<10240xi32, #tpu.memory_space<hbm>>, %arg5: memref<40x128xf32, #tpu.memory_space<hbm>>, %arg6: memref<2x10240x128xf32, #tpu.memory_space<hbm>>, %arg7: memref<10240x128xf32, #tpu.memory_space<vmem_shared>>, %arg8: memref<40x128xf32, #tpu.memory_space<vmem>>, %arg9: memref<40x128xf32, #tpu.memory_space<vmem>>, %arg10: memref<40xi32, #tpu.memory_space<vmem>>, %arg11: memref<40xi32, #tpu.memory_space<vmem>>, %arg12: memref<40xi32, #tpu.memory_space<vmem>>, %arg13: memref<!tpu.dma_semaphore, #tpu.memory_space<semaphore_mem>>, %arg14: memref<!tpu.dma_semaphore, #tpu.memory_space<semaphore_mem>>, %arg15: memref<!tpu.dma_semaphore, #tpu.memory_space<semaphore_mem>>, %arg16: memref<!tpu.dma_semaphore, #tpu.memory_space<semaphore_mem>>, %arg17: memref<!tpu.dma_semaphore, #tpu.memory_space<semaphore_mem>>, %arg18: memref<!tpu.dma_semaphore, #tpu.memory_space<semaphore_mem>>) attributes {dimension_semantics = [#tpu.dimension_semantics<core_parallel>, #tpu.dimension_semantics<subcore_parallel>], iteration_bounds = array<i64: 2, 16>, scalar_prefetch = 0 : i64, scratch_operands = 12 : i64, tpu.core_type = #tpu.core_type<sc_vector_subcore>, window_params = [{transform_indices = #map}, {transform_indices = #map1}, {transform_indices = #map1}, {transform_indices = #map}, {transform_indices = #map2}]} {
    %mul3A = arith.constant 2 : i32
    %mul3A_0 = arith.muli %arg1, %mul3A : i32
    %add3A = arith.addi %mul3A_0, %arg0 : i32
    %mul3A_1 = arith.constant 10320 : i32
    %mul3A_2 = arith.muli %add3A, %mul3A_1 : i32
    %mul3A_3 = arith.constant 640 : i32
    %mul3A_4 = arith.muli %arg1, %mul3A_3 : i32
    "tpu.region"() ({
      %run_scoped3A = tpu.sem_alloc : memref<!tpu.dma_semaphore, #tpu.memory_space<semaphore_mem>>
      tpu.enqueue_dma source(%arg5 : memref<40x128xf32, #tpu.memory_space<hbm>>) target(%arg8 : memref<40x128xf32, #tpu.memory_space<vmem>>) target_semaphore(%run_scoped3A : memref<!tpu.dma_semaphore, #tpu.memory_space<semaphore_mem>>)
      tpu.wait_dma2 semaphore(%run_scoped3A : memref<!tpu.dma_semaphore, #tpu.memory_space<semaphore_mem>>) src(%arg5 : memref<40x128xf32, #tpu.memory_space<hbm>>) dst(%arg8 : memref<40x128xf32, #tpu.memory_space<vmem>>)
      tpu.yield
    }) : () -> ()
    %scan3A = arith.constant 0 : i32
    %scan3A_5 = arith.constant 16 : i32
    %scan3A_6 = arith.addi %scan3A, %scan3A_5 : i32
    %scan3A_7 = arith.constant 1 : i32
    scf.for %scan3A_39 = %scan3A to %scan3A_6 step %scan3A_7  : i32 {
      %mul3A_40 = arith.constant 1 : i32
      %mul3A_41 = arith.muli %scan3A_39, %mul3A_40 : i32
      %add3A_42 = arith.constant 0 : i32
      %add3A_43 = arith.addi %add3A_42, %mul3A_41 : i32
      %mul3A_44 = arith.constant 40 : i32
      %mul3A_45 = arith.muli %add3A_43, %mul3A_44 : i32
      %add3A_46 = arith.addi %mul3A_4, %mul3A_45 : i32
      "tpu.region"() ({
        %run_scoped3A = tpu.sem_alloc : memref<!tpu.dma_semaphore, #tpu.memory_space<semaphore_mem>>
        %dma_start3A_47 = tpu.memref_slice %arg4[%add3A_46] : memref<10240xi32, #tpu.memory_space<hbm>> -> memref<40xi32, #tpu.memory_space<hbm>>
        %dma_start3A_48 = tpu.memref_slice %arg4[%add3A_46] : memref<10240xi32, #tpu.memory_space<hbm>> -> memref<40xi32, #tpu.memory_space<hbm>>
        tpu.enqueue_dma source(%dma_start3A_48 : memref<40xi32, #tpu.memory_space<hbm>>) target(%arg12 : memref<40xi32, #tpu.memory_space<vmem>>) target_semaphore(%run_scoped3A : memref<!tpu.dma_semaphore, #tpu.memory_space<semaphore_mem>>)
        %dma_wait3A_49 = tpu.memref_slice %arg4[%add3A_46] : memref<10240xi32, #tpu.memory_space<hbm>> -> memref<40xi32, #tpu.memory_space<hbm>>
        %dma_wait3A_50 = tpu.memref_slice %arg4[%add3A_46] : memref<10240xi32, #tpu.memory_space<hbm>> -> memref<40xi32, #tpu.memory_space<hbm>>
        tpu.wait_dma2 semaphore(%run_scoped3A : memref<!tpu.dma_semaphore, #tpu.memory_space<semaphore_mem>>) src(%dma_wait3A_50 : memref<40xi32, #tpu.memory_space<hbm>>) dst(%arg12 : memref<40xi32, #tpu.memory_space<vmem>>)
        tpu.yield
      }) : () -> ()
      "tpu.region"() ({
        %run_scoped3A = tpu.sem_alloc : memref<!tpu.dma_semaphore, #tpu.memory_space<semaphore_mem>>
        %dma_start3A_47 = arith.constant 0 : i32
        %dma_start3A_48 = arith.constant 0 : i32
        %dma_start3A_49 = tpu.memref_slice %arg7[%dma_start3A_47, %dma_start3A_48] : memref<10240x128xf32, #tpu.memory_space<vmem_shared>> -> memref<10240x128xf32, #tpu.memory_space<vmem_shared>>
        tpu.enqueue_indirect_dma source(%arg8 : memref<40x128xf32, #tpu.memory_space<vmem>>) target(%dma_start3A_49 : memref<10240x128xf32, #tpu.memory_space<vmem_shared>>) offsets(%arg12 : memref<40xi32, #tpu.memory_space<vmem>>) semaphore(%run_scoped3A : memref<!tpu.dma_semaphore, #tpu.memory_space<semaphore_mem>>)
        %dma_wait3A_50 = arith.constant 0 : i32
        %dma_wait3A_51 = arith.constant 0 : i32
        %dma_wait3A_52 = tpu.memref_slice %arg7[%dma_wait3A_50, %dma_wait3A_51] : memref<10240x128xf32, #tpu.memory_space<vmem_shared>> -> memref<10240x128xf32, #tpu.memory_space<vmem_shared>>
        tpu.wait_indirect_dma semaphore(%run_scoped3A : memref<!tpu.dma_semaphore, #tpu.memory_space<semaphore_mem>>) src(%arg8 : memref<40x128xf32, #tpu.memory_space<vmem>>) dst(%dma_wait3A_52 : memref<10240x128xf32, #tpu.memory_space<vmem_shared>>)
        tpu.yield
      }) : () -> ()
    }
    %scan3A_8 = arith.constant 16 : i32
    %barrier3A = arith.constant 0 : index
    tpu.barrier barrier_id(%barrier3A)
    %add3A_9 = arith.constant 0 : i32
    %add3A_10 = arith.addi %mul3A_2, %add3A_9 : i32
    %dma_start3A = tpu.memref_slice %arg3[%add3A_10] : memref<330240xi32, #tpu.memory_space<hbm>> -> memref<40xi32, #tpu.memory_space<hbm>>
    %dma_start3A_11 = tpu.memref_slice %arg3[%add3A_10] : memref<330240xi32, #tpu.memory_space<hbm>> -> memref<40xi32, #tpu.memory_space<hbm>>
    tpu.enqueue_dma source(%dma_start3A_11 : memref<40xi32, #tpu.memory_space<hbm>>) target(%arg10 : memref<40xi32, #tpu.memory_space<vmem>>) target_semaphore(%arg13 : memref<!tpu.dma_semaphore, #tpu.memory_space<semaphore_mem>>)
    %dma_start3A_12 = arith.constant 0 : i32
    %dma_start3A_13 = tpu.memref_slice %arg2[%add3A_10, %dma_start3A_12] : memref<330240x128xf32, #tpu.memory_space<hbm>> -> memref<40x128xf32, #tpu.memory_space<hbm>>
    %dma_start3A_14 = arith.constant 0 : i32
    %dma_start3A_15 = tpu.memref_slice %arg2[%add3A_10, %dma_start3A_14] : memref<330240x128xf32, #tpu.memory_space<hbm>> -> memref<40x128xf32, #tpu.memory_space<hbm>>
    tpu.enqueue_dma source(%dma_start3A_15 : memref<40x128xf32, #tpu.memory_space<hbm>>) target(%arg8 : memref<40x128xf32, #tpu.memory_space<vmem>>) target_semaphore(%arg14 : memref<!tpu.dma_semaphore, #tpu.memory_space<semaphore_mem>>)
    %scan3A_16 = arith.constant 0 : i32
    %scan3A_17 = arith.constant 129 : i32
    %scan3A_18 = arith.addi %scan3A_16, %scan3A_17 : i32
    %scan3A_19 = arith.constant 1 : i32
    scf.for %scan3A_39 = %scan3A_16 to %scan3A_18 step %scan3A_19  : i32 {
      %mul3A_40 = arith.constant 1 : i32
      %mul3A_41 = arith.muli %scan3A_39, %mul3A_40 : i32
      %add3A_42 = arith.constant 0 : i32
      %add3A_43 = arith.addi %add3A_42, %mul3A_41 : i32
      %dma_wait3A_44 = arith.constant 0 : i32
      %dma_wait3A_45 = tpu.memref_slice %arg3[%dma_wait3A_44] : memref<330240xi32, #tpu.memory_space<hbm>> -> memref<40xi32, #tpu.memory_space<hbm>>
      %dma_wait3A_46 = arith.constant 0 : i32
      %dma_wait3A_47 = tpu.memref_slice %arg3[%dma_wait3A_46] : memref<330240xi32, #tpu.memory_space<hbm>> -> memref<40xi32, #tpu.memory_space<hbm>>
      tpu.wait_dma2 semaphore(%arg13 : memref<!tpu.dma_semaphore, #tpu.memory_space<semaphore_mem>>) src(%dma_wait3A_47 : memref<40xi32, #tpu.memory_space<hbm>>) dst(%arg10 : memref<40xi32, #tpu.memory_space<vmem>>)
      %dma_wait3A_48 = arith.constant 0 : i32
      %dma_wait3A_49 = arith.constant 0 : i32
      %dma_wait3A_50 = tpu.memref_slice %arg2[%dma_wait3A_48, %dma_wait3A_49] : memref<330240x128xf32, #tpu.memory_space<hbm>> -> memref<40x128xf32, #tpu.memory_space<hbm>>
      %dma_wait3A_51 = arith.constant 0 : i32
      %dma_wait3A_52 = arith.constant 0 : i32
      %dma_wait3A_53 = tpu.memref_slice %arg2[%dma_wait3A_51, %dma_wait3A_52] : memref<330240x128xf32, #tpu.memory_space<hbm>> -> memref<40x128xf32, #tpu.memory_space<hbm>>
      tpu.wait_dma2 semaphore(%arg14 : memref<!tpu.dma_semaphore, #tpu.memory_space<semaphore_mem>>) src(%dma_wait3A_53 : memref<40x128xf32, #tpu.memory_space<hbm>>) dst(%arg8 : memref<40x128xf32, #tpu.memory_space<vmem>>)
      %dma_start3A_54 = arith.constant 0 : i32
      %dma_start3A_55 = arith.constant 0 : i32
      %dma_start3A_56 = tpu.memref_slice %arg7[%dma_start3A_54, %dma_start3A_55] : memref<10240x128xf32, #tpu.memory_space<vmem_shared>> -> memref<10240x128xf32, #tpu.memory_space<vmem_shared>>
      tpu.enqueue_indirect_dma source(%arg8 : memref<40x128xf32, #tpu.memory_space<vmem>>) target(%dma_start3A_56 : memref<10240x128xf32, #tpu.memory_space<vmem_shared>>) offsets(%arg10 : memref<40xi32, #tpu.memory_space<vmem>>) semaphore(%arg17 : memref<!tpu.dma_semaphore, #tpu.memory_space<semaphore_mem>>) {add = true}
      %gt3A = arith.constant 0 : i32
      %gt3A_57 = arith.cmpi sgt, %add3A_43, %gt3A : i32
      %convert_element_type3A = arith.extui %gt3A_57 : i1 to i32
      %cond3A = arith.constant 0 : i32
      %cond3A_58 = arith.cmpi ne, %convert_element_type3A, %cond3A : i32
      scf.if %cond3A_58 {
        %dma_wait3A_89 = arith.constant 0 : i32
        %dma_wait3A_90 = arith.constant 0 : i32
        %dma_wait3A_91 = tpu.memref_slice %arg7[%dma_wait3A_89, %dma_wait3A_90] : memref<10240x128xf32, #tpu.memory_space<vmem_shared>> -> memref<40x128xf32, #tpu.memory_space<vmem_shared>>
        %dma_wait3A_92 = arith.constant 0 : i32
        %dma_wait3A_93 = arith.constant 0 : i32
        %dma_wait3A_94 = tpu.memref_slice %arg7[%dma_wait3A_92, %dma_wait3A_93] : memref<10240x128xf32, #tpu.memory_space<vmem_shared>> -> memref<40x128xf32, #tpu.memory_space<vmem_shared>>
        tpu.wait_dma2 semaphore(%arg18 : memref<!tpu.dma_semaphore, #tpu.memory_space<semaphore_mem>>) src(%arg9 : memref<40x128xf32, #tpu.memory_space<vmem>>) dst(%dma_wait3A_94 : memref<40x128xf32, #tpu.memory_space<vmem_shared>>)
      } else {
      }
      %mul3A_59 = arith.constant 2 : i32
      %mul3A_60 = arith.muli %mul3A_59, %add3A_43 : i32
      %add3A_61 = arith.constant 1 : i32
      %add3A_62 = arith.addi %mul3A_60, %add3A_61 : i32
      %mul3A_63 = arith.constant 40 : i32
      %mul3A_64 = arith.muli %add3A_62, %mul3A_63 : i32
      %add3A_65 = arith.addi %mul3A_2, %mul3A_64 : i32
      %dma_start3A_66 = tpu.memref_slice %arg3[%add3A_65] : memref<330240xi32, #tpu.memory_space<hbm>> -> memref<40xi32, #tpu.memory_space<hbm>>
      %dma_start3A_67 = tpu.memref_slice %arg3[%add3A_65] : memref<330240xi32, #tpu.memory_space<hbm>> -> memref<40xi32, #tpu.memory_space<hbm>>
      tpu.enqueue_dma source(%dma_start3A_67 : memref<40xi32, #tpu.memory_space<hbm>>) target(%arg11 : memref<40xi32, #tpu.memory_space<vmem>>) target_semaphore(%arg15 : memref<!tpu.dma_semaphore, #tpu.memory_space<semaphore_mem>>)
      %dma_start3A_68 = arith.constant 0 : i32
      %dma_start3A_69 = tpu.memref_slice %arg2[%add3A_65, %dma_start3A_68] : memref<330240x128xf32, #tpu.memory_space<hbm>> -> memref<40x128xf32, #tpu.memory_space<hbm>>
      %dma_start3A_70 = arith.constant 0 : i32
      %dma_start3A_71 = tpu.memref_slice %arg2[%add3A_65, %dma_start3A_70] : memref<330240x128xf32, #tpu.memory_space<hbm>> -> memref<40x128xf32, #tpu.memory_space<hbm>>
      tpu.enqueue_dma source(%dma_start3A_71 : memref<40x128xf32, #tpu.memory_space<hbm>>) target(%arg9 : memref<40x128xf32, #tpu.memory_space<vmem>>) target_semaphore(%arg16 : memref<!tpu.dma_semaphore, #tpu.memory_space<semaphore_mem>>)
      %dma_wait3A_72 = arith.constant 0 : i32
      %dma_wait3A_73 = tpu.memref_slice %arg3[%dma_wait3A_72] : memref<330240xi32, #tpu.memory_space<hbm>> -> memref<40xi32, #tpu.memory_space<hbm>>
      %dma_wait3A_74 = arith.constant 0 : i32
      %dma_wait3A_75 = tpu.memref_slice %arg3[%dma_wait3A_74] : memref<330240xi32, #tpu.memory_space<hbm>> -> memref<40xi32, #tpu.memory_space<hbm>>
      tpu.wait_dma2 semaphore(%arg15 : memref<!tpu.dma_semaphore, #tpu.memory_space<semaphore_mem>>) src(%dma_wait3A_75 : memref<40xi32, #tpu.memory_space<hbm>>) dst(%arg11 : memref<40xi32, #tpu.memory_space<vmem>>)
      %dma_wait3A_76 = arith.constant 0 : i32
      %dma_wait3A_77 = arith.constant 0 : i32
      %dma_wait3A_78 = tpu.memref_slice %arg2[%dma_wait3A_76, %dma_wait3A_77] : memref<330240x128xf32, #tpu.memory_space<hbm>> -> memref<40x128xf32, #tpu.memory_space<hbm>>
      %dma_wait3A_79 = arith.constant 0 : i32
      %dma_wait3A_80 = arith.constant 0 : i32
      %dma_wait3A_81 = tpu.memref_slice %arg2[%dma_wait3A_79, %dma_wait3A_80] : memref<330240x128xf32, #tpu.memory_space<hbm>> -> memref<40x128xf32, #tpu.memory_space<hbm>>
      tpu.wait_dma2 semaphore(%arg16 : memref<!tpu.dma_semaphore, #tpu.memory_space<semaphore_mem>>) src(%dma_wait3A_81 : memref<40x128xf32, #tpu.memory_space<hbm>>) dst(%arg9 : memref<40x128xf32, #tpu.memory_space<vmem>>)
      %dma_start3A_82 = arith.constant 0 : i32
      %dma_start3A_83 = arith.constant 0 : i32
      %dma_start3A_84 = tpu.memref_slice %arg7[%dma_start3A_82, %dma_start3A_83] : memref<10240x128xf32, #tpu.memory_space<vmem_shared>> -> memref<10240x128xf32, #tpu.memory_space<vmem_shared>>
      tpu.enqueue_indirect_dma source(%arg9 : memref<40x128xf32, #tpu.memory_space<vmem>>) target(%dma_start3A_84 : memref<10240x128xf32, #tpu.memory_space<vmem_shared>>) offsets(%arg11 : memref<40xi32, #tpu.memory_space<vmem>>) semaphore(%arg18 : memref<!tpu.dma_semaphore, #tpu.memory_space<semaphore_mem>>) {add = true}
      %lt3A = arith.constant 128 : i32
      %lt3A_85 = arith.cmpi slt, %add3A_43, %lt3A : i32
      %convert_element_type3A_86 = arith.extui %lt3A_85 : i1 to i32
      %cond3A_87 = arith.constant 0 : i32
      %cond3A_88 = arith.cmpi ne, %convert_element_type3A_86, %cond3A_87 : i32
      scf.if %cond3A_88 {
        %dma_wait3A_89 = arith.constant 0 : i32
        %dma_wait3A_90 = arith.constant 0 : i32
        %dma_wait3A_91 = tpu.memref_slice %arg7[%dma_wait3A_89, %dma_wait3A_90] : memref<10240x128xf32, #tpu.memory_space<vmem_shared>> -> memref<40x128xf32, #tpu.memory_space<vmem_shared>>
        %dma_wait3A_92 = arith.constant 0 : i32
        %dma_wait3A_93 = arith.constant 0 : i32
        %dma_wait3A_94 = tpu.memref_slice %arg7[%dma_wait3A_92, %dma_wait3A_93] : memref<10240x128xf32, #tpu.memory_space<vmem_shared>> -> memref<40x128xf32, #tpu.memory_space<vmem_shared>>
        tpu.wait_dma2 semaphore(%arg17 : memref<!tpu.dma_semaphore, #tpu.memory_space<semaphore_mem>>) src(%arg8 : memref<40x128xf32, #tpu.memory_space<vmem>>) dst(%dma_wait3A_94 : memref<40x128xf32, #tpu.memory_space<vmem_shared>>)
        %mul3A_95 = arith.constant 2 : i32
        %mul3A_96 = arith.muli %mul3A_95, %add3A_43 : i32
        %add3A_97 = arith.constant 2 : i32
        %add3A_98 = arith.addi %mul3A_96, %add3A_97 : i32
        %mul3A_99 = arith.constant 40 : i32
        %mul3A_100 = arith.muli %add3A_98, %mul3A_99 : i32
        %add3A_101 = arith.addi %mul3A_2, %mul3A_100 : i32
        %dma_start3A_102 = tpu.memref_slice %arg3[%add3A_101] : memref<330240xi32, #tpu.memory_space<hbm>> -> memref<40xi32, #tpu.memory_space<hbm>>
        %dma_start3A_103 = tpu.memref_slice %arg3[%add3A_101] : memref<330240xi32, #tpu.memory_space<hbm>> -> memref<40xi32, #tpu.memory_space<hbm>>
        tpu.enqueue_dma source(%dma_start3A_103 : memref<40xi32, #tpu.memory_space<hbm>>) target(%arg10 : memref<40xi32, #tpu.memory_space<vmem>>) target_semaphore(%arg13 : memref<!tpu.dma_semaphore, #tpu.memory_space<semaphore_mem>>)
        %dma_start3A_104 = arith.constant 0 : i32
        %dma_start3A_105 = tpu.memref_slice %arg2[%add3A_101, %dma_start3A_104] : memref<330240x128xf32, #tpu.memory_space<hbm>> -> memref<40x128xf32, #tpu.memory_space<hbm>>
        %dma_start3A_106 = arith.constant 0 : i32
        %dma_start3A_107 = tpu.memref_slice %arg2[%add3A_101, %dma_start3A_106] : memref<330240x128xf32, #tpu.memory_space<hbm>> -> memref<40x128xf32, #tpu.memory_space<hbm>>
        tpu.enqueue_dma source(%dma_start3A_107 : memref<40x128xf32, #tpu.memory_space<hbm>>) target(%arg8 : memref<40x128xf32, #tpu.memory_space<vmem>>) target_semaphore(%arg14 : memref<!tpu.dma_semaphore, #tpu.memory_space<semaphore_mem>>)
      } else {
      }
    }
    %scan3A_20 = arith.constant 129 : i32
    %dma_wait3A = arith.constant 0 : i32
    %dma_wait3A_21 = arith.constant 0 : i32
    %dma_wait3A_22 = tpu.memref_slice %arg7[%dma_wait3A, %dma_wait3A_21] : memref<10240x128xf32, #tpu.memory_space<vmem_shared>> -> memref<40x128xf32, #tpu.memory_space<vmem_shared>>
    %dma_wait3A_23 = arith.constant 0 : i32
    %dma_wait3A_24 = arith.constant 0 : i32
    %dma_wait3A_25 = tpu.memref_slice %arg7[%dma_wait3A_23, %dma_wait3A_24] : memref<10240x128xf32, #tpu.memory_space<vmem_shared>> -> memref<40x128xf32, #tpu.memory_space<vmem_shared>>
    tpu.wait_dma2 semaphore(%arg17 : memref<!tpu.dma_semaphore, #tpu.memory_space<semaphore_mem>>) src(%arg8 : memref<40x128xf32, #tpu.memory_space<vmem>>) dst(%dma_wait3A_25 : memref<40x128xf32, #tpu.memory_space<vmem_shared>>)
    %dma_wait3A_26 = arith.constant 0 : i32
    %dma_wait3A_27 = arith.constant 0 : i32
    %dma_wait3A_28 = tpu.memref_slice %arg7[%dma_wait3A_26, %dma_wait3A_27] : memref<10240x128xf32, #tpu.memory_space<vmem_shared>> -> memref<40x128xf32, #tpu.memory_space<vmem_shared>>
    %dma_wait3A_29 = arith.constant 0 : i32
    %dma_wait3A_30 = arith.constant 0 : i32
    %dma_wait3A_31 = tpu.memref_slice %arg7[%dma_wait3A_29, %dma_wait3A_30] : memref<10240x128xf32, #tpu.memory_space<vmem_shared>> -> memref<40x128xf32, #tpu.memory_space<vmem_shared>>
    tpu.wait_dma2 semaphore(%arg18 : memref<!tpu.dma_semaphore, #tpu.memory_space<semaphore_mem>>) src(%arg9 : memref<40x128xf32, #tpu.memory_space<vmem>>) dst(%dma_wait3A_31 : memref<40x128xf32, #tpu.memory_space<vmem_shared>>)
    %barrier3A_32 = arith.constant 0 : index
    tpu.barrier barrier_id(%barrier3A_32)
    %scan3A_33 = arith.constant 0 : i32
    %scan3A_34 = arith.constant 16 : i32
    %scan3A_35 = arith.addi %scan3A_33, %scan3A_34 : i32
    %scan3A_36 = arith.constant 1 : i32
    scf.for %scan3A_39 = %scan3A_33 to %scan3A_35 step %scan3A_36  : i32 {
      %mul3A_40 = arith.constant 1 : i32
      %mul3A_41 = arith.muli %scan3A_39, %mul3A_40 : i32
      %add3A_42 = arith.constant 0 : i32
      %add3A_43 = arith.addi %add3A_42, %mul3A_41 : i32
      %mul3A_44 = arith.constant 40 : i32
      %mul3A_45 = arith.muli %add3A_43, %mul3A_44 : i32
      %add3A_46 = arith.addi %mul3A_4, %mul3A_45 : i32
      "tpu.region"() ({
        %run_scoped3A = tpu.sem_alloc : memref<!tpu.dma_semaphore, #tpu.memory_space<semaphore_mem>>
        %dma_start3A_47 = tpu.memref_slice %arg4[%add3A_46] : memref<10240xi32, #tpu.memory_space<hbm>> -> memref<40xi32, #tpu.memory_space<hbm>>
        %dma_start3A_48 = tpu.memref_slice %arg4[%add3A_46] : memref<10240xi32, #tpu.memory_space<hbm>> -> memref<40xi32, #tpu.memory_space<hbm>>
        tpu.enqueue_dma source(%dma_start3A_48 : memref<40xi32, #tpu.memory_space<hbm>>) target(%arg12 : memref<40xi32, #tpu.memory_space<vmem>>) target_semaphore(%run_scoped3A : memref<!tpu.dma_semaphore, #tpu.memory_space<semaphore_mem>>)
        %dma_wait3A_49 = tpu.memref_slice %arg4[%add3A_46] : memref<10240xi32, #tpu.memory_space<hbm>> -> memref<40xi32, #tpu.memory_space<hbm>>
        %dma_wait3A_50 = tpu.memref_slice %arg4[%add3A_46] : memref<10240xi32, #tpu.memory_space<hbm>> -> memref<40xi32, #tpu.memory_space<hbm>>
        tpu.wait_dma2 semaphore(%run_scoped3A : memref<!tpu.dma_semaphore, #tpu.memory_space<semaphore_mem>>) src(%dma_wait3A_50 : memref<40xi32, #tpu.memory_space<hbm>>) dst(%arg12 : memref<40xi32, #tpu.memory_space<vmem>>)
        tpu.yield
      }) : () -> ()
      "tpu.region"() ({
        %run_scoped3A = tpu.sem_alloc : memref<!tpu.dma_semaphore, #tpu.memory_space<semaphore_mem>>
        %dma_start3A_47 = arith.constant 0 : i32
        %dma_start3A_48 = arith.constant 0 : i32
        %dma_start3A_49 = tpu.memref_slice %arg7[%dma_start3A_47, %dma_start3A_48] : memref<10240x128xf32, #tpu.memory_space<vmem_shared>> -> memref<10240x128xf32, #tpu.memory_space<vmem_shared>>
        tpu.enqueue_indirect_dma source(%dma_start3A_49 : memref<10240x128xf32, #tpu.memory_space<vmem_shared>>) target(%arg8 : memref<40x128xf32, #tpu.memory_space<vmem>>) offsets(%arg12 : memref<40xi32, #tpu.memory_space<vmem>>) semaphore(%run_scoped3A : memref<!tpu.dma_semaphore, #tpu.memory_space<semaphore_mem>>)
        %dma_wait3A_50 = arith.constant 0 : i32
        %dma_wait3A_51 = arith.constant 0 : i32
        %dma_wait3A_52 = tpu.memref_slice %arg7[%dma_wait3A_50, %dma_wait3A_51] : memref<10240x128xf32, #tpu.memory_space<vmem_shared>> -> memref<10240x128xf32, #tpu.memory_space<vmem_shared>>
        tpu.wait_indirect_dma semaphore(%run_scoped3A : memref<!tpu.dma_semaphore, #tpu.memory_space<semaphore_mem>>) src(%dma_wait3A_52 : memref<10240x128xf32, #tpu.memory_space<vmem_shared>>) dst(%arg8 : memref<40x128xf32, #tpu.memory_space<vmem>>)
        tpu.yield
      }) : () -> ()
      "tpu.region"() ({
        %run_scoped3A = tpu.sem_alloc : memref<!tpu.dma_semaphore, #tpu.memory_space<semaphore_mem>>
        %dma_start3A_47 = arith.constant 0 : i32
        %dma_start3A_48 = tpu.memref_slice %arg6[%arg0, %add3A_46, %dma_start3A_47] : memref<2x10240x128xf32, #tpu.memory_space<hbm>> -> memref<1x40x128xf32, #tpu.memory_space<hbm>>
        %dma_start3A_49 = tpu.memref_squeeze %dma_start3A_48 : memref<1x40x128xf32, #tpu.memory_space<hbm>> -> memref<40x128xf32, #tpu.memory_space<hbm>>
        %dma_start3A_50 = arith.constant 0 : i32
        %dma_start3A_51 = tpu.memref_slice %arg6[%arg0, %add3A_46, %dma_start3A_50] : memref<2x10240x128xf32, #tpu.memory_space<hbm>> -> memref<1x40x128xf32, #tpu.memory_space<hbm>>
        %dma_start3A_52 = tpu.memref_squeeze %dma_start3A_51 : memref<1x40x128xf32, #tpu.memory_space<hbm>> -> memref<40x128xf32, #tpu.memory_space<hbm>>
        tpu.enqueue_dma source(%arg8 : memref<40x128xf32, #tpu.memory_space<vmem>>) target(%dma_start3A_52 : memref<40x128xf32, #tpu.memory_space<hbm>>) target_semaphore(%run_scoped3A : memref<!tpu.dma_semaphore, #tpu.memory_space<semaphore_mem>>)
        %dma_wait3A_53 = arith.constant 0 : i32
        %dma_wait3A_54 = tpu.memref_slice %arg6[%arg0, %add3A_46, %dma_wait3A_53] : memref<2x10240x128xf32, #tpu.memory_space<hbm>> -> memref<1x40x128xf32, #tpu.memory_space<hbm>>
        %dma_wait3A_55 = tpu.memref_squeeze %dma_wait3A_54 : memref<1x40x128xf32, #tpu.memory_space<hbm>> -> memref<40x128xf32, #tpu.memory_space<hbm>>
        %dma_wait3A_56 = arith.constant 0 : i32
        %dma_wait3A_57 = tpu.memref_slice %arg6[%arg0, %add3A_46, %dma_wait3A_56] : memref<2x10240x128xf32, #tpu.memory_space<hbm>> -> memref<1x40x128xf32, #tpu.memory_space<hbm>>
        %dma_wait3A_58 = tpu.memref_squeeze %dma_wait3A_57 : memref<1x40x128xf32, #tpu.memory_space<hbm>> -> memref<40x128xf32, #tpu.memory_space<hbm>>
        tpu.wait_dma2 semaphore(%run_scoped3A : memref<!tpu.dma_semaphore, #tpu.memory_space<semaphore_mem>>) src(%arg8 : memref<40x128xf32, #tpu.memory_space<vmem>>) dst(%dma_wait3A_58 : memref<40x128xf32, #tpu.memory_space<hbm>>)
        tpu.yield
      }) : () -> ()
    }
    %scan3A_37 = arith.constant 16 : i32
    %barrier3A_38 = arith.constant 0 : index
    tpu.barrier barrier_id(%barrier3A_38)
    return
  }
}

#map = affine_map<(d0, d1) -> (0, 0)>
#map1 = affine_map<(d0, d1) -> (0)>
module attributes {stable_mosaic.version = 14 : i64} {
  func.func @k(%arg0: i32, %arg1: i32, %arg2: memref<10000x512xf32, #tpu.memory_space<hbm>>, %arg3: memref<10000x512xf32, #tpu.memory_space<hbm>>, %arg4: memref<330240xi32, #tpu.memory_space<hbm>>, %arg5: memref<330240xi32, #tpu.memory_space<hbm>>, %arg6: memref<330240x512xf32, #tpu.memory_space<hbm>>, %arg7: memref<330240x512xf32, #tpu.memory_space<hbm>>, %arg8: memref<40xi32, #tpu.memory_space<vmem>>, %arg9: memref<40xi32, #tpu.memory_space<vmem>>, %arg10: memref<40xi32, #tpu.memory_space<vmem>>, %arg11: memref<40xi32, #tpu.memory_space<vmem>>, %arg12: memref<40x512xf32, #tpu.memory_space<vmem>>, %arg13: memref<40x512xf32, #tpu.memory_space<vmem>>, %arg14: memref<40x512xf32, #tpu.memory_space<vmem>>, %arg15: memref<40x512xf32, #tpu.memory_space<vmem>>, %arg16: memref<!tpu.dma_semaphore, #tpu.memory_space<semaphore_mem>>, %arg17: memref<!tpu.dma_semaphore, #tpu.memory_space<semaphore_mem>>, %arg18: memref<!tpu.dma_semaphore, #tpu.memory_space<semaphore_mem>>, %arg19: memref<!tpu.dma_semaphore, #tpu.memory_space<semaphore_mem>>, %arg20: memref<!tpu.dma_semaphore, #tpu.memory_space<semaphore_mem>>, %arg21: memref<!tpu.dma_semaphore, #tpu.memory_space<semaphore_mem>>, %arg22: memref<!tpu.dma_semaphore, #tpu.memory_space<semaphore_mem>>, %arg23: memref<!tpu.dma_semaphore, #tpu.memory_space<semaphore_mem>>) attributes {dimension_semantics = [#tpu.dimension_semantics<core_parallel>, #tpu.dimension_semantics<subcore_parallel>], iteration_bounds = array<i64: 2, 16>, scalar_prefetch = 0 : i64, scratch_operands = 16 : i64, tpu.core_type = #tpu.core_type<sc_vector_subcore>, window_params = [{transform_indices = #map}, {transform_indices = #map}, {transform_indices = #map1}, {transform_indices = #map1}, {transform_indices = #map}, {transform_indices = #map}]} {
    %mul3A = arith.constant 2 : i32
    %mul3A_0 = arith.muli %arg1, %mul3A : i32
    %add3A = arith.addi %mul3A_0, %arg0 : i32
    %mul3A_1 = arith.constant 10320 : i32
    %mul3A_2 = arith.muli %add3A, %mul3A_1 : i32
    "tpu.region"() ({
      %run_scoped3A = tpu.sem_alloc : memref<!tpu.dma_semaphore, #tpu.memory_space<semaphore_mem>>
      %dma_start3A_35 = tpu.memref_slice %arg4[%mul3A_2] : memref<330240xi32, #tpu.memory_space<hbm>> -> memref<40xi32, #tpu.memory_space<hbm>>
      %dma_start3A_36 = tpu.memref_slice %arg4[%mul3A_2] : memref<330240xi32, #tpu.memory_space<hbm>> -> memref<40xi32, #tpu.memory_space<hbm>>
      tpu.enqueue_dma source(%dma_start3A_36 : memref<40xi32, #tpu.memory_space<hbm>>) target(%arg8 : memref<40xi32, #tpu.memory_space<vmem>>) target_semaphore(%run_scoped3A : memref<!tpu.dma_semaphore, #tpu.memory_space<semaphore_mem>>)
      %dma_wait3A_37 = tpu.memref_slice %arg4[%mul3A_2] : memref<330240xi32, #tpu.memory_space<hbm>> -> memref<40xi32, #tpu.memory_space<hbm>>
      %dma_wait3A_38 = tpu.memref_slice %arg4[%mul3A_2] : memref<330240xi32, #tpu.memory_space<hbm>> -> memref<40xi32, #tpu.memory_space<hbm>>
      tpu.wait_dma2 semaphore(%run_scoped3A : memref<!tpu.dma_semaphore, #tpu.memory_space<semaphore_mem>>) src(%dma_wait3A_38 : memref<40xi32, #tpu.memory_space<hbm>>) dst(%arg8 : memref<40xi32, #tpu.memory_space<vmem>>)
      tpu.yield
    }) : () -> ()
    "tpu.region"() ({
      %run_scoped3A = tpu.sem_alloc : memref<!tpu.dma_semaphore, #tpu.memory_space<semaphore_mem>>
      %dma_start3A_35 = tpu.memref_slice %arg5[%mul3A_2] : memref<330240xi32, #tpu.memory_space<hbm>> -> memref<40xi32, #tpu.memory_space<hbm>>
      %dma_start3A_36 = tpu.memref_slice %arg5[%mul3A_2] : memref<330240xi32, #tpu.memory_space<hbm>> -> memref<40xi32, #tpu.memory_space<hbm>>
      tpu.enqueue_dma source(%dma_start3A_36 : memref<40xi32, #tpu.memory_space<hbm>>) target(%arg9 : memref<40xi32, #tpu.memory_space<vmem>>) target_semaphore(%run_scoped3A : memref<!tpu.dma_semaphore, #tpu.memory_space<semaphore_mem>>)
      %dma_wait3A_37 = tpu.memref_slice %arg5[%mul3A_2] : memref<330240xi32, #tpu.memory_space<hbm>> -> memref<40xi32, #tpu.memory_space<hbm>>
      %dma_wait3A_38 = tpu.memref_slice %arg5[%mul3A_2] : memref<330240xi32, #tpu.memory_space<hbm>> -> memref<40xi32, #tpu.memory_space<hbm>>
      tpu.wait_dma2 semaphore(%run_scoped3A : memref<!tpu.dma_semaphore, #tpu.memory_space<semaphore_mem>>) src(%dma_wait3A_38 : memref<40xi32, #tpu.memory_space<hbm>>) dst(%arg9 : memref<40xi32, #tpu.memory_space<vmem>>)
      tpu.yield
    }) : () -> ()
    %dma_start3A = arith.constant 0 : i32
    %dma_start3A_3 = arith.constant 0 : i32
    %dma_start3A_4 = tpu.memref_slice %arg2[%dma_start3A, %dma_start3A_3] : memref<10000x512xf32, #tpu.memory_space<hbm>> -> memref<10000x512xf32, #tpu.memory_space<hbm>>
    tpu.enqueue_indirect_dma source(%dma_start3A_4 : memref<10000x512xf32, #tpu.memory_space<hbm>>) target(%arg12 : memref<40x512xf32, #tpu.memory_space<vmem>>) offsets(%arg8 : memref<40xi32, #tpu.memory_space<vmem>>) semaphore(%arg16 : memref<!tpu.dma_semaphore, #tpu.memory_space<semaphore_mem>>)
    %dma_start3A_5 = arith.constant 0 : i32
    %dma_start3A_6 = arith.constant 0 : i32
    %dma_start3A_7 = tpu.memref_slice %arg3[%dma_start3A_5, %dma_start3A_6] : memref<10000x512xf32, #tpu.memory_space<hbm>> -> memref<10000x512xf32, #tpu.memory_space<hbm>>
    tpu.enqueue_indirect_dma source(%dma_start3A_7 : memref<10000x512xf32, #tpu.memory_space<hbm>>) target(%arg13 : memref<40x512xf32, #tpu.memory_space<vmem>>) offsets(%arg9 : memref<40xi32, #tpu.memory_space<vmem>>) semaphore(%arg17 : memref<!tpu.dma_semaphore, #tpu.memory_space<semaphore_mem>>)
    %scan3A = arith.constant 0 : i32
    %scan3A_8 = arith.constant 129 : i32
    %scan3A_9 = arith.addi %scan3A, %scan3A_8 : i32
    %scan3A_10 = arith.constant 1 : i32
    scf.for %scan3A_35 = %scan3A to %scan3A_9 step %scan3A_10  : i32 {
      %mul3A_36 = arith.constant 1 : i32
      %mul3A_37 = arith.muli %scan3A_35, %mul3A_36 : i32
      %add3A_38 = arith.constant 0 : i32
      %add3A_39 = arith.addi %add3A_38, %mul3A_37 : i32
      %mul3A_40 = arith.constant 2 : i32
      %mul3A_41 = arith.muli %mul3A_40, %add3A_39 : i32
      %mul3A_42 = arith.constant 40 : i32
      %mul3A_43 = arith.muli %mul3A_41, %mul3A_42 : i32
      %add3A_44 = arith.addi %mul3A_2, %mul3A_43 : i32
      %add3A_45 = arith.constant 40 : i32
      %add3A_46 = arith.addi %add3A_44, %add3A_45 : i32
      %add3A_47 = arith.constant 80 : i32
      %add3A_48 = arith.addi %add3A_44, %add3A_47 : i32
      %dma_wait3A_49 = arith.constant 0 : i32
      %dma_wait3A_50 = arith.constant 0 : i32
      %dma_wait3A_51 = tpu.memref_slice %arg2[%dma_wait3A_49, %dma_wait3A_50] : memref<10000x512xf32, #tpu.memory_space<hbm>> -> memref<40x512xf32, #tpu.memory_space<hbm>>
      %dma_wait3A_52 = arith.constant 0 : i32
      %dma_wait3A_53 = arith.constant 0 : i32
      %dma_wait3A_54 = tpu.memref_slice %arg2[%dma_wait3A_52, %dma_wait3A_53] : memref<10000x512xf32, #tpu.memory_space<hbm>> -> memref<40x512xf32, #tpu.memory_space<hbm>>
      tpu.wait_dma2 semaphore(%arg16 : memref<!tpu.dma_semaphore, #tpu.memory_space<semaphore_mem>>) src(%dma_wait3A_54 : memref<40x512xf32, #tpu.memory_space<hbm>>) dst(%arg12 : memref<40x512xf32, #tpu.memory_space<vmem>>)
      %dma_wait3A_55 = arith.constant 0 : i32
      %dma_wait3A_56 = arith.constant 0 : i32
      %dma_wait3A_57 = tpu.memref_slice %arg3[%dma_wait3A_55, %dma_wait3A_56] : memref<10000x512xf32, #tpu.memory_space<hbm>> -> memref<40x512xf32, #tpu.memory_space<hbm>>
      %dma_wait3A_58 = arith.constant 0 : i32
      %dma_wait3A_59 = arith.constant 0 : i32
      %dma_wait3A_60 = tpu.memref_slice %arg3[%dma_wait3A_58, %dma_wait3A_59] : memref<10000x512xf32, #tpu.memory_space<hbm>> -> memref<40x512xf32, #tpu.memory_space<hbm>>
      tpu.wait_dma2 semaphore(%arg17 : memref<!tpu.dma_semaphore, #tpu.memory_space<semaphore_mem>>) src(%dma_wait3A_60 : memref<40x512xf32, #tpu.memory_space<hbm>>) dst(%arg13 : memref<40x512xf32, #tpu.memory_space<vmem>>)
      %dma_start3A_61 = arith.constant 0 : i32
      %dma_start3A_62 = tpu.memref_slice %arg6[%add3A_44, %dma_start3A_61] : memref<330240x512xf32, #tpu.memory_space<hbm>> -> memref<40x512xf32, #tpu.memory_space<hbm>>
      %dma_start3A_63 = arith.constant 0 : i32
      %dma_start3A_64 = tpu.memref_slice %arg6[%add3A_44, %dma_start3A_63] : memref<330240x512xf32, #tpu.memory_space<hbm>> -> memref<40x512xf32, #tpu.memory_space<hbm>>
      tpu.enqueue_dma source(%arg12 : memref<40x512xf32, #tpu.memory_space<vmem>>) target(%dma_start3A_64 : memref<40x512xf32, #tpu.memory_space<hbm>>) target_semaphore(%arg20 : memref<!tpu.dma_semaphore, #tpu.memory_space<semaphore_mem>>)
      %dma_start3A_65 = arith.constant 0 : i32
      %dma_start3A_66 = tpu.memref_slice %arg7[%add3A_44, %dma_start3A_65] : memref<330240x512xf32, #tpu.memory_space<hbm>> -> memref<40x512xf32, #tpu.memory_space<hbm>>
      %dma_start3A_67 = arith.constant 0 : i32
      %dma_start3A_68 = tpu.memref_slice %arg7[%add3A_44, %dma_start3A_67] : memref<330240x512xf32, #tpu.memory_space<hbm>> -> memref<40x512xf32, #tpu.memory_space<hbm>>
      tpu.enqueue_dma source(%arg13 : memref<40x512xf32, #tpu.memory_space<vmem>>) target(%dma_start3A_68 : memref<40x512xf32, #tpu.memory_space<hbm>>) target_semaphore(%arg21 : memref<!tpu.dma_semaphore, #tpu.memory_space<semaphore_mem>>)
      "tpu.region"() ({
        %run_scoped3A = tpu.sem_alloc : memref<!tpu.dma_semaphore, #tpu.memory_space<semaphore_mem>>
        %dma_start3A_101 = tpu.memref_slice %arg4[%add3A_46] : memref<330240xi32, #tpu.memory_space<hbm>> -> memref<40xi32, #tpu.memory_space<hbm>>
        %dma_start3A_102 = tpu.memref_slice %arg4[%add3A_46] : memref<330240xi32, #tpu.memory_space<hbm>> -> memref<40xi32, #tpu.memory_space<hbm>>
        tpu.enqueue_dma source(%dma_start3A_102 : memref<40xi32, #tpu.memory_space<hbm>>) target(%arg10 : memref<40xi32, #tpu.memory_space<vmem>>) target_semaphore(%run_scoped3A : memref<!tpu.dma_semaphore, #tpu.memory_space<semaphore_mem>>)
        %dma_wait3A_103 = tpu.memref_slice %arg4[%add3A_46] : memref<330240xi32, #tpu.memory_space<hbm>> -> memref<40xi32, #tpu.memory_space<hbm>>
        %dma_wait3A_104 = tpu.memref_slice %arg4[%add3A_46] : memref<330240xi32, #tpu.memory_space<hbm>> -> memref<40xi32, #tpu.memory_space<hbm>>
        tpu.wait_dma2 semaphore(%run_scoped3A : memref<!tpu.dma_semaphore, #tpu.memory_space<semaphore_mem>>) src(%dma_wait3A_104 : memref<40xi32, #tpu.memory_space<hbm>>) dst(%arg10 : memref<40xi32, #tpu.memory_space<vmem>>)
        tpu.yield
      }) : () -> ()
      "tpu.region"() ({
        %run_scoped3A = tpu.sem_alloc : memref<!tpu.dma_semaphore, #tpu.memory_space<semaphore_mem>>
        %dma_start3A_101 = tpu.memref_slice %arg5[%add3A_46] : memref<330240xi32, #tpu.memory_space<hbm>> -> memref<40xi32, #tpu.memory_space<hbm>>
        %dma_start3A_102 = tpu.memref_slice %arg5[%add3A_46] : memref<330240xi32, #tpu.memory_space<hbm>> -> memref<40xi32, #tpu.memory_space<hbm>>
        tpu.enqueue_dma source(%dma_start3A_102 : memref<40xi32, #tpu.memory_space<hbm>>) target(%arg11 : memref<40xi32, #tpu.memory_space<vmem>>) target_semaphore(%run_scoped3A : memref<!tpu.dma_semaphore, #tpu.memory_space<semaphore_mem>>)
        %dma_wait3A_103 = tpu.memref_slice %arg5[%add3A_46] : memref<330240xi32, #tpu.memory_space<hbm>> -> memref<40xi32, #tpu.memory_space<hbm>>
        %dma_wait3A_104 = tpu.memref_slice %arg5[%add3A_46] : memref<330240xi32, #tpu.memory_space<hbm>> -> memref<40xi32, #tpu.memory_space<hbm>>
        tpu.wait_dma2 semaphore(%run_scoped3A : memref<!tpu.dma_semaphore, #tpu.memory_space<semaphore_mem>>) src(%dma_wait3A_104 : memref<40xi32, #tpu.memory_space<hbm>>) dst(%arg11 : memref<40xi32, #tpu.memory_space<vmem>>)
        tpu.yield
      }) : () -> ()
      %gt3A = arith.constant 0 : i32
      %gt3A_69 = arith.cmpi sgt, %add3A_39, %gt3A : i32
      %convert_element_type3A = arith.extui %gt3A_69 : i1 to i32
      %cond3A = arith.constant 0 : i32
      %cond3A_70 = arith.cmpi ne, %convert_element_type3A, %cond3A : i32
      scf.if %cond3A_70 {
        %dma_wait3A_101 = arith.constant 0 : i32
        %dma_wait3A_102 = arith.constant 0 : i32
        %dma_wait3A_103 = tpu.memref_slice %arg6[%dma_wait3A_101, %dma_wait3A_102] : memref<330240x512xf32, #tpu.memory_space<hbm>> -> memref<40x512xf32, #tpu.memory_space<hbm>>
        %dma_wait3A_104 = arith.constant 0 : i32
        %dma_wait3A_105 = arith.constant 0 : i32
        %dma_wait3A_106 = tpu.memref_slice %arg6[%dma_wait3A_104, %dma_wait3A_105] : memref<330240x512xf32, #tpu.memory_space<hbm>> -> memref<40x512xf32, #tpu.memory_space<hbm>>
        tpu.wait_dma2 semaphore(%arg22 : memref<!tpu.dma_semaphore, #tpu.memory_space<semaphore_mem>>) src(%arg14 : memref<40x512xf32, #tpu.memory_space<vmem>>) dst(%dma_wait3A_106 : memref<40x512xf32, #tpu.memory_space<hbm>>)
        %dma_wait3A_107 = arith.constant 0 : i32
        %dma_wait3A_108 = arith.constant 0 : i32
        %dma_wait3A_109 = tpu.memref_slice %arg7[%dma_wait3A_107, %dma_wait3A_108] : memref<330240x512xf32, #tpu.memory_space<hbm>> -> memref<40x512xf32, #tpu.memory_space<hbm>>
        %dma_wait3A_110 = arith.constant 0 : i32
        %dma_wait3A_111 = arith.constant 0 : i32
        %dma_wait3A_112 = tpu.memref_slice %arg7[%dma_wait3A_110, %dma_wait3A_111] : memref<330240x512xf32, #tpu.memory_space<hbm>> -> memref<40x512xf32, #tpu.memory_space<hbm>>
        tpu.wait_dma2 semaphore(%arg23 : memref<!tpu.dma_semaphore, #tpu.memory_space<semaphore_mem>>) src(%arg15 : memref<40x512xf32, #tpu.memory_space<vmem>>) dst(%dma_wait3A_112 : memref<40x512xf32, #tpu.memory_space<hbm>>)
      } else {
      }
      %dma_start3A_71 = arith.constant 0 : i32
      %dma_start3A_72 = arith.constant 0 : i32
      %dma_start3A_73 = tpu.memref_slice %arg2[%dma_start3A_71, %dma_start3A_72] : memref<10000x512xf32, #tpu.memory_space<hbm>> -> memref<10000x512xf32, #tpu.memory_space<hbm>>
      tpu.enqueue_indirect_dma source(%dma_start3A_73 : memref<10000x512xf32, #tpu.memory_space<hbm>>) target(%arg14 : memref<40x512xf32, #tpu.memory_space<vmem>>) offsets(%arg10 : memref<40xi32, #tpu.memory_space<vmem>>) semaphore(%arg18 : memref<!tpu.dma_semaphore, #tpu.memory_space<semaphore_mem>>)
      %dma_start3A_74 = arith.constant 0 : i32
      %dma_start3A_75 = arith.constant 0 : i32
      %dma_start3A_76 = tpu.memref_slice %arg3[%dma_start3A_74, %dma_start3A_75] : memref<10000x512xf32, #tpu.memory_space<hbm>> -> memref<10000x512xf32, #tpu.memory_space<hbm>>
      tpu.enqueue_indirect_dma source(%dma_start3A_76 : memref<10000x512xf32, #tpu.memory_space<hbm>>) target(%arg15 : memref<40x512xf32, #tpu.memory_space<vmem>>) offsets(%arg11 : memref<40xi32, #tpu.memory_space<vmem>>) semaphore(%arg19 : memref<!tpu.dma_semaphore, #tpu.memory_space<semaphore_mem>>)
      %dma_wait3A_77 = arith.constant 0 : i32
      %dma_wait3A_78 = arith.constant 0 : i32
      %dma_wait3A_79 = tpu.memref_slice %arg2[%dma_wait3A_77, %dma_wait3A_78] : memref<10000x512xf32, #tpu.memory_space<hbm>> -> memref<40x512xf32, #tpu.memory_space<hbm>>
      %dma_wait3A_80 = arith.constant 0 : i32
      %dma_wait3A_81 = arith.constant 0 : i32
      %dma_wait3A_82 = tpu.memref_slice %arg2[%dma_wait3A_80, %dma_wait3A_81] : memref<10000x512xf32, #tpu.memory_space<hbm>> -> memref<40x512xf32, #tpu.memory_space<hbm>>
      tpu.wait_dma2 semaphore(%arg18 : memref<!tpu.dma_semaphore, #tpu.memory_space<semaphore_mem>>) src(%dma_wait3A_82 : memref<40x512xf32, #tpu.memory_space<hbm>>) dst(%arg14 : memref<40x512xf32, #tpu.memory_space<vmem>>)
      %dma_wait3A_83 = arith.constant 0 : i32
      %dma_wait3A_84 = arith.constant 0 : i32
      %dma_wait3A_85 = tpu.memref_slice %arg3[%dma_wait3A_83, %dma_wait3A_84] : memref<10000x512xf32, #tpu.memory_space<hbm>> -> memref<40x512xf32, #tpu.memory_space<hbm>>
      %dma_wait3A_86 = arith.constant 0 : i32
      %dma_wait3A_87 = arith.constant 0 : i32
      %dma_wait3A_88 = tpu.memref_slice %arg3[%dma_wait3A_86, %dma_wait3A_87] : memref<10000x512xf32, #tpu.memory_space<hbm>> -> memref<40x512xf32, #tpu.memory_space<hbm>>
      tpu.wait_dma2 semaphore(%arg19 : memref<!tpu.dma_semaphore, #tpu.memory_space<semaphore_mem>>) src(%dma_wait3A_88 : memref<40x512xf32, #tpu.memory_space<hbm>>) dst(%arg15 : memref<40x512xf32, #tpu.memory_space<vmem>>)
      %dma_start3A_89 = arith.constant 0 : i32
      %dma_start3A_90 = tpu.memref_slice %arg6[%add3A_46, %dma_start3A_89] : memref<330240x512xf32, #tpu.memory_space<hbm>> -> memref<40x512xf32, #tpu.memory_space<hbm>>
      %dma_start3A_91 = arith.constant 0 : i32
      %dma_start3A_92 = tpu.memref_slice %arg6[%add3A_46, %dma_start3A_91] : memref<330240x512xf32, #tpu.memory_space<hbm>> -> memref<40x512xf32, #tpu.memory_space<hbm>>
      tpu.enqueue_dma source(%arg14 : memref<40x512xf32, #tpu.memory_space<vmem>>) target(%dma_start3A_92 : memref<40x512xf32, #tpu.memory_space<hbm>>) target_semaphore(%arg22 : memref<!tpu.dma_semaphore, #tpu.memory_space<semaphore_mem>>)
      %dma_start3A_93 = arith.constant 0 : i32
      %dma_start3A_94 = tpu.memref_slice %arg7[%add3A_46, %dma_start3A_93] : memref<330240x512xf32, #tpu.memory_space<hbm>> -> memref<40x512xf32, #tpu.memory_space<hbm>>
      %dma_start3A_95 = arith.constant 0 : i32
      %dma_start3A_96 = tpu.memref_slice %arg7[%add3A_46, %dma_start3A_95] : memref<330240x512xf32, #tpu.memory_space<hbm>> -> memref<40x512xf32, #tpu.memory_space<hbm>>
      tpu.enqueue_dma source(%arg15 : memref<40x512xf32, #tpu.memory_space<vmem>>) target(%dma_start3A_96 : memref<40x512xf32, #tpu.memory_space<hbm>>) target_semaphore(%arg23 : memref<!tpu.dma_semaphore, #tpu.memory_space<semaphore_mem>>)
      %lt3A = arith.constant 128 : i32
      %lt3A_97 = arith.cmpi slt, %add3A_39, %lt3A : i32
      %convert_element_type3A_98 = arith.extui %lt3A_97 : i1 to i32
      %cond3A_99 = arith.constant 0 : i32
      %cond3A_100 = arith.cmpi ne, %convert_element_type3A_98, %cond3A_99 : i32
      scf.if %cond3A_100 {
        "tpu.region"() ({
          %run_scoped3A = tpu.sem_alloc : memref<!tpu.dma_semaphore, #tpu.memory_space<semaphore_mem>>
          %dma_start3A_119 = tpu.memref_slice %arg4[%add3A_48] : memref<330240xi32, #tpu.memory_space<hbm>> -> memref<40xi32, #tpu.memory_space<hbm>>
          %dma_start3A_120 = tpu.memref_slice %arg4[%add3A_48] : memref<330240xi32, #tpu.memory_space<hbm>> -> memref<40xi32, #tpu.memory_space<hbm>>
          tpu.enqueue_dma source(%dma_start3A_120 : memref<40xi32, #tpu.memory_space<hbm>>) target(%arg8 : memref<40xi32, #tpu.memory_space<vmem>>) target_semaphore(%run_scoped3A : memref<!tpu.dma_semaphore, #tpu.memory_space<semaphore_mem>>)
          %dma_wait3A_121 = tpu.memref_slice %arg4[%add3A_48] : memref<330240xi32, #tpu.memory_space<hbm>> -> memref<40xi32, #tpu.memory_space<hbm>>
          %dma_wait3A_122 = tpu.memref_slice %arg4[%add3A_48] : memref<330240xi32, #tpu.memory_space<hbm>> -> memref<40xi32, #tpu.memory_space<hbm>>
          tpu.wait_dma2 semaphore(%run_scoped3A : memref<!tpu.dma_semaphore, #tpu.memory_space<semaphore_mem>>) src(%dma_wait3A_122 : memref<40xi32, #tpu.memory_space<hbm>>) dst(%arg8 : memref<40xi32, #tpu.memory_space<vmem>>)
          tpu.yield
        }) : () -> ()
        "tpu.region"() ({
          %run_scoped3A = tpu.sem_alloc : memref<!tpu.dma_semaphore, #tpu.memory_space<semaphore_mem>>
          %dma_start3A_119 = tpu.memref_slice %arg5[%add3A_48] : memref<330240xi32, #tpu.memory_space<hbm>> -> memref<40xi32, #tpu.memory_space<hbm>>
          %dma_start3A_120 = tpu.memref_slice %arg5[%add3A_48] : memref<330240xi32, #tpu.memory_space<hbm>> -> memref<40xi32, #tpu.memory_space<hbm>>
          tpu.enqueue_dma source(%dma_start3A_120 : memref<40xi32, #tpu.memory_space<hbm>>) target(%arg9 : memref<40xi32, #tpu.memory_space<vmem>>) target_semaphore(%run_scoped3A : memref<!tpu.dma_semaphore, #tpu.memory_space<semaphore_mem>>)
          %dma_wait3A_121 = tpu.memref_slice %arg5[%add3A_48] : memref<330240xi32, #tpu.memory_space<hbm>> -> memref<40xi32, #tpu.memory_space<hbm>>
          %dma_wait3A_122 = tpu.memref_slice %arg5[%add3A_48] : memref<330240xi32, #tpu.memory_space<hbm>> -> memref<40xi32, #tpu.memory_space<hbm>>
          tpu.wait_dma2 semaphore(%run_scoped3A : memref<!tpu.dma_semaphore, #tpu.memory_space<semaphore_mem>>) src(%dma_wait3A_122 : memref<40xi32, #tpu.memory_space<hbm>>) dst(%arg9 : memref<40xi32, #tpu.memory_space<vmem>>)
          tpu.yield
        }) : () -> ()
        %dma_wait3A_101 = arith.constant 0 : i32
        %dma_wait3A_102 = arith.constant 0 : i32
        %dma_wait3A_103 = tpu.memref_slice %arg6[%dma_wait3A_101, %dma_wait3A_102] : memref<330240x512xf32, #tpu.memory_space<hbm>> -> memref<40x512xf32, #tpu.memory_space<hbm>>
        %dma_wait3A_104 = arith.constant 0 : i32
        %dma_wait3A_105 = arith.constant 0 : i32
        %dma_wait3A_106 = tpu.memref_slice %arg6[%dma_wait3A_104, %dma_wait3A_105] : memref<330240x512xf32, #tpu.memory_space<hbm>> -> memref<40x512xf32, #tpu.memory_space<hbm>>
        tpu.wait_dma2 semaphore(%arg20 : memref<!tpu.dma_semaphore, #tpu.memory_space<semaphore_mem>>) src(%arg12 : memref<40x512xf32, #tpu.memory_space<vmem>>) dst(%dma_wait3A_106 : memref<40x512xf32, #tpu.memory_space<hbm>>)
        %dma_wait3A_107 = arith.constant 0 : i32
        %dma_wait3A_108 = arith.constant 0 : i32
        %dma_wait3A_109 = tpu.memref_slice %arg7[%dma_wait3A_107, %dma_wait3A_108] : memref<330240x512xf32, #tpu.memory_space<hbm>> -> memref<40x512xf32, #tpu.memory_space<hbm>>
        %dma_wait3A_110 = arith.constant 0 : i32
        %dma_wait3A_111 = arith.constant 0 : i32
        %dma_wait3A_112 = tpu.memref_slice %arg7[%dma_wait3A_110, %dma_wait3A_111] : memref<330240x512xf32, #tpu.memory_space<hbm>> -> memref<40x512xf32, #tpu.memory_space<hbm>>
        tpu.wait_dma2 semaphore(%arg21 : memref<!tpu.dma_semaphore, #tpu.memory_space<semaphore_mem>>) src(%arg13 : memref<40x512xf32, #tpu.memory_space<vmem>>) dst(%dma_wait3A_112 : memref<40x512xf32, #tpu.memory_space<hbm>>)
        %dma_start3A_113 = arith.constant 0 : i32
        %dma_start3A_114 = arith.constant 0 : i32
        %dma_start3A_115 = tpu.memref_slice %arg2[%dma_start3A_113, %dma_start3A_114] : memref<10000x512xf32, #tpu.memory_space<hbm>> -> memref<10000x512xf32, #tpu.memory_space<hbm>>
        tpu.enqueue_indirect_dma source(%dma_start3A_115 : memref<10000x512xf32, #tpu.memory_space<hbm>>) target(%arg12 : memref<40x512xf32, #tpu.memory_space<vmem>>) offsets(%arg8 : memref<40xi32, #tpu.memory_space<vmem>>) semaphore(%arg16 : memref<!tpu.dma_semaphore, #tpu.memory_space<semaphore_mem>>)
        %dma_start3A_116 = arith.constant 0 : i32
        %dma_start3A_117 = arith.constant 0 : i32
        %dma_start3A_118 = tpu.memref_slice %arg3[%dma_start3A_116, %dma_start3A_117] : memref<10000x512xf32, #tpu.memory_space<hbm>> -> memref<10000x512xf32, #tpu.memory_space<hbm>>
        tpu.enqueue_indirect_dma source(%dma_start3A_118 : memref<10000x512xf32, #tpu.memory_space<hbm>>) target(%arg13 : memref<40x512xf32, #tpu.memory_space<vmem>>) offsets(%arg9 : memref<40xi32, #tpu.memory_space<vmem>>) semaphore(%arg17 : memref<!tpu.dma_semaphore, #tpu.memory_space<semaphore_mem>>)
      } else {
      }
    }
    %scan3A_11 = arith.constant 129 : i32
    %dma_wait3A = arith.constant 0 : i32
    %dma_wait3A_12 = arith.constant 0 : i32
    %dma_wait3A_13 = tpu.memref_slice %arg6[%dma_wait3A, %dma_wait3A_12] : memref<330240x512xf32, #tpu.memory_space<hbm>> -> memref<40x512xf32, #tpu.memory_space<hbm>>
    %dma_wait3A_14 = arith.constant 0 : i32
    %dma_wait3A_15 = arith.constant 0 : i32
    %dma_wait3A_16 = tpu.memref_slice %arg6[%dma_wait3A_14, %dma_wait3A_15] : memref<330240x512xf32, #tpu.memory_space<hbm>> -> memref<40x512xf32, #tpu.memory_space<hbm>>
    tpu.wait_dma2 semaphore(%arg20 : memref<!tpu.dma_semaphore, #tpu.memory_space<semaphore_mem>>) src(%arg12 : memref<40x512xf32, #tpu.memory_space<vmem>>) dst(%dma_wait3A_16 : memref<40x512xf32, #tpu.memory_space<hbm>>)
    %dma_wait3A_17 = arith.constant 0 : i32
    %dma_wait3A_18 = arith.constant 0 : i32
    %dma_wait3A_19 = tpu.memref_slice %arg7[%dma_wait3A_17, %dma_wait3A_18] : memref<330240x512xf32, #tpu.memory_space<hbm>> -> memref<40x512xf32, #tpu.memory_space<hbm>>
    %dma_wait3A_20 = arith.constant 0 : i32
    %dma_wait3A_21 = arith.constant 0 : i32
    %dma_wait3A_22 = tpu.memref_slice %arg7[%dma_wait3A_20, %dma_wait3A_21] : memref<330240x512xf32, #tpu.memory_space<hbm>> -> memref<40x512xf32, #tpu.memory_space<hbm>>
    tpu.wait_dma2 semaphore(%arg21 : memref<!tpu.dma_semaphore, #tpu.memory_space<semaphore_mem>>) src(%arg13 : memref<40x512xf32, #tpu.memory_space<vmem>>) dst(%dma_wait3A_22 : memref<40x512xf32, #tpu.memory_space<hbm>>)
    %dma_wait3A_23 = arith.constant 0 : i32
    %dma_wait3A_24 = arith.constant 0 : i32
    %dma_wait3A_25 = tpu.memref_slice %arg6[%dma_wait3A_23, %dma_wait3A_24] : memref<330240x512xf32, #tpu.memory_space<hbm>> -> memref<40x512xf32, #tpu.memory_space<hbm>>
    %dma_wait3A_26 = arith.constant 0 : i32
    %dma_wait3A_27 = arith.constant 0 : i32
    %dma_wait3A_28 = tpu.memref_slice %arg6[%dma_wait3A_26, %dma_wait3A_27] : memref<330240x512xf32, #tpu.memory_space<hbm>> -> memref<40x512xf32, #tpu.memory_space<hbm>>
    tpu.wait_dma2 semaphore(%arg22 : memref<!tpu.dma_semaphore, #tpu.memory_space<semaphore_mem>>) src(%arg14 : memref<40x512xf32, #tpu.memory_space<vmem>>) dst(%dma_wait3A_28 : memref<40x512xf32, #tpu.memory_space<hbm>>)
    %dma_wait3A_29 = arith.constant 0 : i32
    %dma_wait3A_30 = arith.constant 0 : i32
    %dma_wait3A_31 = tpu.memref_slice %arg7[%dma_wait3A_29, %dma_wait3A_30] : memref<330240x512xf32, #tpu.memory_space<hbm>> -> memref<40x512xf32, #tpu.memory_space<hbm>>
    %dma_wait3A_32 = arith.constant 0 : i32
    %dma_wait3A_33 = arith.constant 0 : i32
    %dma_wait3A_34 = tpu.memref_slice %arg7[%dma_wait3A_32, %dma_wait3A_33] : memref<330240x512xf32, #tpu.memory_space<hbm>> -> memref<40x512xf32, #tpu.memory_space<hbm>>
    tpu.wait_dma2 semaphore(%arg23 : memref<!tpu.dma_semaphore, #tpu.memory_space<semaphore_mem>>) src(%arg15 : memref<40x512xf32, #tpu.memory_space<vmem>>) dst(%dma_wait3A_34 : memref<40x512xf32, #tpu.memory_space<hbm>>)
    return
  }
}

#map = affine_map<(d0, d1) -> (0, 0)>
#map1 = affine_map<(d0, d1) -> (0)>
#map2 = affine_map<(d0, d1) -> (0, 0, 0)>
module attributes {stable_mosaic.version = 14 : i64} {
  func.func @k(%arg0: i32, %arg1: i32, %arg2: memref<330240x640xf32, #tpu.memory_space<hbm>>, %arg3: memref<330240xi32, #tpu.memory_space<hbm>>, %arg4: memref<10240xi32, #tpu.memory_space<hbm>>, %arg5: memref<40x128xf32, #tpu.memory_space<hbm>>, %arg6: memref<2x10240x640xf32, #tpu.memory_space<hbm>>, %arg7: memref<10240x128xf32, #tpu.memory_space<vmem_shared>>, %arg8: memref<40x128xf32, #tpu.memory_space<vmem>>, %arg9: memref<40x128xf32, #tpu.memory_space<vmem>>, %arg10: memref<40xi32, #tpu.memory_space<vmem>>, %arg11: memref<40xi32, #tpu.memory_space<vmem>>, %arg12: memref<40xi32, #tpu.memory_space<vmem>>, %arg13: memref<!tpu.dma_semaphore, #tpu.memory_space<semaphore_mem>>, %arg14: memref<!tpu.dma_semaphore, #tpu.memory_space<semaphore_mem>>, %arg15: memref<!tpu.dma_semaphore, #tpu.memory_space<semaphore_mem>>, %arg16: memref<!tpu.dma_semaphore, #tpu.memory_space<semaphore_mem>>, %arg17: memref<!tpu.dma_semaphore, #tpu.memory_space<semaphore_mem>>, %arg18: memref<!tpu.dma_semaphore, #tpu.memory_space<semaphore_mem>>) attributes {dimension_semantics = [#tpu.dimension_semantics<core_parallel>, #tpu.dimension_semantics<subcore_parallel>], iteration_bounds = array<i64: 2, 16>, scalar_prefetch = 0 : i64, scratch_operands = 12 : i64, tpu.core_type = #tpu.core_type<sc_vector_subcore>, window_params = [{transform_indices = #map}, {transform_indices = #map1}, {transform_indices = #map1}, {transform_indices = #map}, {transform_indices = #map2}]} {
    %mul3A = arith.constant 2 : i32
    %mul3A_0 = arith.muli %arg1, %mul3A : i32
    %add3A = arith.addi %mul3A_0, %arg0 : i32
    %mul3A_1 = arith.constant 10320 : i32
    %mul3A_2 = arith.muli %add3A, %mul3A_1 : i32
    %mul3A_3 = arith.constant 640 : i32
    %mul3A_4 = arith.muli %arg1, %mul3A_3 : i32
    "tpu.region"() ({
      %run_scoped3A = tpu.sem_alloc : memref<!tpu.dma_semaphore, #tpu.memory_space<semaphore_mem>>
      tpu.enqueue_dma source(%arg5 : memref<40x128xf32, #tpu.memory_space<hbm>>) target(%arg8 : memref<40x128xf32, #tpu.memory_space<vmem>>) target_semaphore(%run_scoped3A : memref<!tpu.dma_semaphore, #tpu.memory_space<semaphore_mem>>)
      tpu.wait_dma2 semaphore(%run_scoped3A : memref<!tpu.dma_semaphore, #tpu.memory_space<semaphore_mem>>) src(%arg5 : memref<40x128xf32, #tpu.memory_space<hbm>>) dst(%arg8 : memref<40x128xf32, #tpu.memory_space<vmem>>)
      tpu.yield
    }) : () -> ()
    %scan3A = arith.constant 0 : i32
    %scan3A_5 = arith.constant 16 : i32
    %scan3A_6 = arith.addi %scan3A, %scan3A_5 : i32
    %scan3A_7 = arith.constant 1 : i32
    scf.for %scan3A_191 = %scan3A to %scan3A_6 step %scan3A_7  : i32 {
      %mul3A_192 = arith.constant 1 : i32
      %mul3A_193 = arith.muli %scan3A_191, %mul3A_192 : i32
      %add3A_194 = arith.constant 0 : i32
      %add3A_195 = arith.addi %add3A_194, %mul3A_193 : i32
      %mul3A_196 = arith.constant 40 : i32
      %mul3A_197 = arith.muli %add3A_195, %mul3A_196 : i32
      %add3A_198 = arith.addi %mul3A_4, %mul3A_197 : i32
      "tpu.region"() ({
        %run_scoped3A = tpu.sem_alloc : memref<!tpu.dma_semaphore, #tpu.memory_space<semaphore_mem>>
        %dma_start3A_199 = tpu.memref_slice %arg4[%add3A_198] : memref<10240xi32, #tpu.memory_space<hbm>> -> memref<40xi32, #tpu.memory_space<hbm>>
        %dma_start3A_200 = tpu.memref_slice %arg4[%add3A_198] : memref<10240xi32, #tpu.memory_space<hbm>> -> memref<40xi32, #tpu.memory_space<hbm>>
        tpu.enqueue_dma source(%dma_start3A_200 : memref<40xi32, #tpu.memory_space<hbm>>) target(%arg12 : memref<40xi32, #tpu.memory_space<vmem>>) target_semaphore(%run_scoped3A : memref<!tpu.dma_semaphore, #tpu.memory_space<semaphore_mem>>)
        %dma_wait3A_201 = tpu.memref_slice %arg4[%add3A_198] : memref<10240xi32, #tpu.memory_space<hbm>> -> memref<40xi32, #tpu.memory_space<hbm>>
        %dma_wait3A_202 = tpu.memref_slice %arg4[%add3A_198] : memref<10240xi32, #tpu.memory_space<hbm>> -> memref<40xi32, #tpu.memory_space<hbm>>
        tpu.wait_dma2 semaphore(%run_scoped3A : memref<!tpu.dma_semaphore, #tpu.memory_space<semaphore_mem>>) src(%dma_wait3A_202 : memref<40xi32, #tpu.memory_space<hbm>>) dst(%arg12 : memref<40xi32, #tpu.memory_space<vmem>>)
        tpu.yield
      }) : () -> ()
      "tpu.region"() ({
        %run_scoped3A = tpu.sem_alloc : memref<!tpu.dma_semaphore, #tpu.memory_space<semaphore_mem>>
        %dma_start3A_199 = arith.constant 0 : i32
        %dma_start3A_200 = arith.constant 0 : i32
        %dma_start3A_201 = tpu.memref_slice %arg7[%dma_start3A_199, %dma_start3A_200] : memref<10240x128xf32, #tpu.memory_space<vmem_shared>> -> memref<10240x128xf32, #tpu.memory_space<vmem_shared>>
        tpu.enqueue_indirect_dma source(%arg8 : memref<40x128xf32, #tpu.memory_space<vmem>>) target(%dma_start3A_201 : memref<10240x128xf32, #tpu.memory_space<vmem_shared>>) offsets(%arg12 : memref<40xi32, #tpu.memory_space<vmem>>) semaphore(%run_scoped3A : memref<!tpu.dma_semaphore, #tpu.memory_space<semaphore_mem>>)
        %dma_wait3A_202 = arith.constant 0 : i32
        %dma_wait3A_203 = arith.constant 0 : i32
        %dma_wait3A_204 = tpu.memref_slice %arg7[%dma_wait3A_202, %dma_wait3A_203] : memref<10240x128xf32, #tpu.memory_space<vmem_shared>> -> memref<10240x128xf32, #tpu.memory_space<vmem_shared>>
        tpu.wait_indirect_dma semaphore(%run_scoped3A : memref<!tpu.dma_semaphore, #tpu.memory_space<semaphore_mem>>) src(%arg8 : memref<40x128xf32, #tpu.memory_space<vmem>>) dst(%dma_wait3A_204 : memref<10240x128xf32, #tpu.memory_space<vmem_shared>>)
        tpu.yield
      }) : () -> ()
    }
    %scan3A_8 = arith.constant 16 : i32
    %barrier3A = arith.constant 0 : index
    tpu.barrier barrier_id(%barrier3A)
    %add3A_9 = arith.constant 0 : i32
    %add3A_10 = arith.addi %mul3A_2, %add3A_9 : i32
    %dma_start3A = tpu.memref_slice %arg3[%add3A_10] : memref<330240xi32, #tpu.memory_space<hbm>> -> memref<40xi32, #tpu.memory_space<hbm>>
    %dma_start3A_11 = tpu.memref_slice %arg3[%add3A_10] : memref<330240xi32, #tpu.memory_space<hbm>> -> memref<40xi32, #tpu.memory_space<hbm>>
    tpu.enqueue_dma source(%dma_start3A_11 : memref<40xi32, #tpu.memory_space<hbm>>) target(%arg10 : memref<40xi32, #tpu.memory_space<vmem>>) target_semaphore(%arg13 : memref<!tpu.dma_semaphore, #tpu.memory_space<semaphore_mem>>)
    %dma_start3A_12 = arith.constant 0 : i32
    %dma_start3A_13 = tpu.memref_slice %arg2[%add3A_10, %dma_start3A_12] : memref<330240x640xf32, #tpu.memory_space<hbm>> -> memref<40x128xf32, #tpu.memory_space<hbm>>
    %dma_start3A_14 = arith.constant 0 : i32
    %dma_start3A_15 = tpu.memref_slice %arg2[%add3A_10, %dma_start3A_14] : memref<330240x640xf32, #tpu.memory_space<hbm>> -> memref<40x128xf32, #tpu.memory_space<hbm>>
    tpu.enqueue_dma source(%dma_start3A_15 : memref<40x128xf32, #tpu.memory_space<hbm>>) target(%arg8 : memref<40x128xf32, #tpu.memory_space<vmem>>) target_semaphore(%arg14 : memref<!tpu.dma_semaphore, #tpu.memory_space<semaphore_mem>>)
    %scan3A_16 = arith.constant 0 : i32
    %scan3A_17 = arith.constant 129 : i32
    %scan3A_18 = arith.addi %scan3A_16, %scan3A_17 : i32
    %scan3A_19 = arith.constant 1 : i32
    scf.for %scan3A_191 = %scan3A_16 to %scan3A_18 step %scan3A_19  : i32 {
      %mul3A_192 = arith.constant 1 : i32
      %mul3A_193 = arith.muli %scan3A_191, %mul3A_192 : i32
      %add3A_194 = arith.constant 0 : i32
      %add3A_195 = arith.addi %add3A_194, %mul3A_193 : i32
      %dma_wait3A_196 = arith.constant 0 : i32
      %dma_wait3A_197 = tpu.memref_slice %arg3[%dma_wait3A_196] : memref<330240xi32, #tpu.memory_space<hbm>> -> memref<40xi32, #tpu.memory_space<hbm>>
      %dma_wait3A_198 = arith.constant 0 : i32
      %dma_wait3A_199 = tpu.memref_slice %arg3[%dma_wait3A_198] : memref<330240xi32, #tpu.memory_space<hbm>> -> memref<40xi32, #tpu.memory_space<hbm>>
      tpu.wait_dma2 semaphore(%arg13 : memref<!tpu.dma_semaphore, #tpu.memory_space<semaphore_mem>>) src(%dma_wait3A_199 : memref<40xi32, #tpu.memory_space<hbm>>) dst(%arg10 : memref<40xi32, #tpu.memory_space<vmem>>)
      %dma_wait3A_200 = arith.constant 0 : i32
      %dma_wait3A_201 = arith.constant 0 : i32
      %dma_wait3A_202 = tpu.memref_slice %arg2[%dma_wait3A_200, %dma_wait3A_201] : memref<330240x640xf32, #tpu.memory_space<hbm>> -> memref<40x128xf32, #tpu.memory_space<hbm>>
      %dma_wait3A_203 = arith.constant 0 : i32
      %dma_wait3A_204 = arith.constant 0 : i32
      %dma_wait3A_205 = tpu.memref_slice %arg2[%dma_wait3A_203, %dma_wait3A_204] : memref<330240x640xf32, #tpu.memory_space<hbm>> -> memref<40x128xf32, #tpu.memory_space<hbm>>
      tpu.wait_dma2 semaphore(%arg14 : memref<!tpu.dma_semaphore, #tpu.memory_space<semaphore_mem>>) src(%dma_wait3A_205 : memref<40x128xf32, #tpu.memory_space<hbm>>) dst(%arg8 : memref<40x128xf32, #tpu.memory_space<vmem>>)
      %dma_start3A_206 = arith.constant 0 : i32
      %dma_start3A_207 = arith.constant 0 : i32
      %dma_start3A_208 = tpu.memref_slice %arg7[%dma_start3A_206, %dma_start3A_207] : memref<10240x128xf32, #tpu.memory_space<vmem_shared>> -> memref<10240x128xf32, #tpu.memory_space<vmem_shared>>
      tpu.enqueue_indirect_dma source(%arg8 : memref<40x128xf32, #tpu.memory_space<vmem>>) target(%dma_start3A_208 : memref<10240x128xf32, #tpu.memory_space<vmem_shared>>) offsets(%arg10 : memref<40xi32, #tpu.memory_space<vmem>>) semaphore(%arg17 : memref<!tpu.dma_semaphore, #tpu.memory_space<semaphore_mem>>) {add = true}
      %gt3A = arith.constant 0 : i32
      %gt3A_209 = arith.cmpi sgt, %add3A_195, %gt3A : i32
      %convert_element_type3A = arith.extui %gt3A_209 : i1 to i32
      %cond3A = arith.constant 0 : i32
      %cond3A_210 = arith.cmpi ne, %convert_element_type3A, %cond3A : i32
      scf.if %cond3A_210 {
        %dma_wait3A_241 = arith.constant 0 : i32
        %dma_wait3A_242 = arith.constant 0 : i32
        %dma_wait3A_243 = tpu.memref_slice %arg7[%dma_wait3A_241, %dma_wait3A_242] : memref<10240x128xf32, #tpu.memory_space<vmem_shared>> -> memref<40x128xf32, #tpu.memory_space<vmem_shared>>
        %dma_wait3A_244 = arith.constant 0 : i32
        %dma_wait3A_245 = arith.constant 0 : i32
        %dma_wait3A_246 = tpu.memref_slice %arg7[%dma_wait3A_244, %dma_wait3A_245] : memref<10240x128xf32, #tpu.memory_space<vmem_shared>> -> memref<40x128xf32, #tpu.memory_space<vmem_shared>>
        tpu.wait_dma2 semaphore(%arg18 : memref<!tpu.dma_semaphore, #tpu.memory_space<semaphore_mem>>) src(%arg9 : memref<40x128xf32, #tpu.memory_space<vmem>>) dst(%dma_wait3A_246 : memref<40x128xf32, #tpu.memory_space<vmem_shared>>)
      } else {
      }
      %mul3A_211 = arith.constant 2 : i32
      %mul3A_212 = arith.muli %mul3A_211, %add3A_195 : i32
      %add3A_213 = arith.constant 1 : i32
      %add3A_214 = arith.addi %mul3A_212, %add3A_213 : i32
      %mul3A_215 = arith.constant 40 : i32
      %mul3A_216 = arith.muli %add3A_214, %mul3A_215 : i32
      %add3A_217 = arith.addi %mul3A_2, %mul3A_216 : i32
      %dma_start3A_218 = tpu.memref_slice %arg3[%add3A_217] : memref<330240xi32, #tpu.memory_space<hbm>> -> memref<40xi32, #tpu.memory_space<hbm>>
      %dma_start3A_219 = tpu.memref_slice %arg3[%add3A_217] : memref<330240xi32, #tpu.memory_space<hbm>> -> memref<40xi32, #tpu.memory_space<hbm>>
      tpu.enqueue_dma source(%dma_start3A_219 : memref<40xi32, #tpu.memory_space<hbm>>) target(%arg11 : memref<40xi32, #tpu.memory_space<vmem>>) target_semaphore(%arg15 : memref<!tpu.dma_semaphore, #tpu.memory_space<semaphore_mem>>)
      %dma_start3A_220 = arith.constant 0 : i32
      %dma_start3A_221 = tpu.memref_slice %arg2[%add3A_217, %dma_start3A_220] : memref<330240x640xf32, #tpu.memory_space<hbm>> -> memref<40x128xf32, #tpu.memory_space<hbm>>
      %dma_start3A_222 = arith.constant 0 : i32
      %dma_start3A_223 = tpu.memref_slice %arg2[%add3A_217, %dma_start3A_222] : memref<330240x640xf32, #tpu.memory_space<hbm>> -> memref<40x128xf32, #tpu.memory_space<hbm>>
      tpu.enqueue_dma source(%dma_start3A_223 : memref<40x128xf32, #tpu.memory_space<hbm>>) target(%arg9 : memref<40x128xf32, #tpu.memory_space<vmem>>) target_semaphore(%arg16 : memref<!tpu.dma_semaphore, #tpu.memory_space<semaphore_mem>>)
      %dma_wait3A_224 = arith.constant 0 : i32
      %dma_wait3A_225 = tpu.memref_slice %arg3[%dma_wait3A_224] : memref<330240xi32, #tpu.memory_space<hbm>> -> memref<40xi32, #tpu.memory_space<hbm>>
      %dma_wait3A_226 = arith.constant 0 : i32
      %dma_wait3A_227 = tpu.memref_slice %arg3[%dma_wait3A_226] : memref<330240xi32, #tpu.memory_space<hbm>> -> memref<40xi32, #tpu.memory_space<hbm>>
      tpu.wait_dma2 semaphore(%arg15 : memref<!tpu.dma_semaphore, #tpu.memory_space<semaphore_mem>>) src(%dma_wait3A_227 : memref<40xi32, #tpu.memory_space<hbm>>) dst(%arg11 : memref<40xi32, #tpu.memory_space<vmem>>)
      %dma_wait3A_228 = arith.constant 0 : i32
      %dma_wait3A_229 = arith.constant 0 : i32
      %dma_wait3A_230 = tpu.memref_slice %arg2[%dma_wait3A_228, %dma_wait3A_229] : memref<330240x640xf32, #tpu.memory_space<hbm>> -> memref<40x128xf32, #tpu.memory_space<hbm>>
      %dma_wait3A_231 = arith.constant 0 : i32
      %dma_wait3A_232 = arith.constant 0 : i32
      %dma_wait3A_233 = tpu.memref_slice %arg2[%dma_wait3A_231, %dma_wait3A_232] : memref<330240x640xf32, #tpu.memory_space<hbm>> -> memref<40x128xf32, #tpu.memory_space<hbm>>
      tpu.wait_dma2 semaphore(%arg16 : memref<!tpu.dma_semaphore, #tpu.memory_space<semaphore_mem>>) src(%dma_wait3A_233 : memref<40x128xf32, #tpu.memory_space<hbm>>) dst(%arg9 : memref<40x128xf32, #tpu.memory_space<vmem>>)
      %dma_start3A_234 = arith.constant 0 : i32
      %dma_start3A_235 = arith.constant 0 : i32
      %dma_start3A_236 = tpu.memref_slice %arg7[%dma_start3A_234, %dma_start3A_235] : memref<10240x128xf32, #tpu.memory_space<vmem_shared>> -> memref<10240x128xf32, #tpu.memory_space<vmem_shared>>
      tpu.enqueue_indirect_dma source(%arg9 : memref<40x128xf32, #tpu.memory_space<vmem>>) target(%dma_start3A_236 : memref<10240x128xf32, #tpu.memory_space<vmem_shared>>) offsets(%arg11 : memref<40xi32, #tpu.memory_space<vmem>>) semaphore(%arg18 : memref<!tpu.dma_semaphore, #tpu.memory_space<semaphore_mem>>) {add = true}
      %lt3A = arith.constant 128 : i32
      %lt3A_237 = arith.cmpi slt, %add3A_195, %lt3A : i32
      %convert_element_type3A_238 = arith.extui %lt3A_237 : i1 to i32
      %cond3A_239 = arith.constant 0 : i32
      %cond3A_240 = arith.cmpi ne, %convert_element_type3A_238, %cond3A_239 : i32
      scf.if %cond3A_240 {
        %dma_wait3A_241 = arith.constant 0 : i32
        %dma_wait3A_242 = arith.constant 0 : i32
        %dma_wait3A_243 = tpu.memref_slice %arg7[%dma_wait3A_241, %dma_wait3A_242] : memref<10240x128xf32, #tpu.memory_space<vmem_shared>> -> memref<40x128xf32, #tpu.memory_space<vmem_shared>>
        %dma_wait3A_244 = arith.constant 0 : i32
        %dma_wait3A_245 = arith.constant 0 : i32
        %dma_wait3A_246 = tpu.memref_slice %arg7[%dma_wait3A_244, %dma_wait3A_245] : memref<10240x128xf32, #tpu.memory_space<vmem_shared>> -> memref<40x128xf32, #tpu.memory_space<vmem_shared>>
        tpu.wait_dma2 semaphore(%arg17 : memref<!tpu.dma_semaphore, #tpu.memory_space<semaphore_mem>>) src(%arg8 : memref<40x128xf32, #tpu.memory_space<vmem>>) dst(%dma_wait3A_246 : memref<40x128xf32, #tpu.memory_space<vmem_shared>>)
        %mul3A_247 = arith.constant 2 : i32
        %mul3A_248 = arith.muli %mul3A_247, %add3A_195 : i32
        %add3A_249 = arith.constant 2 : i32
        %add3A_250 = arith.addi %mul3A_248, %add3A_249 : i32
        %mul3A_251 = arith.constant 40 : i32
        %mul3A_252 = arith.muli %add3A_250, %mul3A_251 : i32
        %add3A_253 = arith.addi %mul3A_2, %mul3A_252 : i32
        %dma_start3A_254 = tpu.memref_slice %arg3[%add3A_253] : memref<330240xi32, #tpu.memory_space<hbm>> -> memref<40xi32, #tpu.memory_space<hbm>>
        %dma_start3A_255 = tpu.memref_slice %arg3[%add3A_253] : memref<330240xi32, #tpu.memory_space<hbm>> -> memref<40xi32, #tpu.memory_space<hbm>>
        tpu.enqueue_dma source(%dma_start3A_255 : memref<40xi32, #tpu.memory_space<hbm>>) target(%arg10 : memref<40xi32, #tpu.memory_space<vmem>>) target_semaphore(%arg13 : memref<!tpu.dma_semaphore, #tpu.memory_space<semaphore_mem>>)
        %dma_start3A_256 = arith.constant 0 : i32
        %dma_start3A_257 = tpu.memref_slice %arg2[%add3A_253, %dma_start3A_256] : memref<330240x640xf32, #tpu.memory_space<hbm>> -> memref<40x128xf32, #tpu.memory_space<hbm>>
        %dma_start3A_258 = arith.constant 0 : i32
        %dma_start3A_259 = tpu.memref_slice %arg2[%add3A_253, %dma_start3A_258] : memref<330240x640xf32, #tpu.memory_space<hbm>> -> memref<40x128xf32, #tpu.memory_space<hbm>>
        tpu.enqueue_dma source(%dma_start3A_259 : memref<40x128xf32, #tpu.memory_space<hbm>>) target(%arg8 : memref<40x128xf32, #tpu.memory_space<vmem>>) target_semaphore(%arg14 : memref<!tpu.dma_semaphore, #tpu.memory_space<semaphore_mem>>)
      } else {
      }
    }
    %scan3A_20 = arith.constant 129 : i32
    %dma_wait3A = arith.constant 0 : i32
    %dma_wait3A_21 = arith.constant 0 : i32
    %dma_wait3A_22 = tpu.memref_slice %arg7[%dma_wait3A, %dma_wait3A_21] : memref<10240x128xf32, #tpu.memory_space<vmem_shared>> -> memref<40x128xf32, #tpu.memory_space<vmem_shared>>
    %dma_wait3A_23 = arith.constant 0 : i32
    %dma_wait3A_24 = arith.constant 0 : i32
    %dma_wait3A_25 = tpu.memref_slice %arg7[%dma_wait3A_23, %dma_wait3A_24] : memref<10240x128xf32, #tpu.memory_space<vmem_shared>> -> memref<40x128xf32, #tpu.memory_space<vmem_shared>>
    tpu.wait_dma2 semaphore(%arg17 : memref<!tpu.dma_semaphore, #tpu.memory_space<semaphore_mem>>) src(%arg8 : memref<40x128xf32, #tpu.memory_space<vmem>>) dst(%dma_wait3A_25 : memref<40x128xf32, #tpu.memory_space<vmem_shared>>)
    %dma_wait3A_26 = arith.constant 0 : i32
    %dma_wait3A_27 = arith.constant 0 : i32
    %dma_wait3A_28 = tpu.memref_slice %arg7[%dma_wait3A_26, %dma_wait3A_27] : memref<10240x128xf32, #tpu.memory_space<vmem_shared>> -> memref<40x128xf32, #tpu.memory_space<vmem_shared>>
    %dma_wait3A_29 = arith.constant 0 : i32
    %dma_wait3A_30 = arith.constant 0 : i32
    %dma_wait3A_31 = tpu.memref_slice %arg7[%dma_wait3A_29, %dma_wait3A_30] : memref<10240x128xf32, #tpu.memory_space<vmem_shared>> -> memref<40x128xf32, #tpu.memory_space<vmem_shared>>
    tpu.wait_dma2 semaphore(%arg18 : memref<!tpu.dma_semaphore, #tpu.memory_space<semaphore_mem>>) src(%arg9 : memref<40x128xf32, #tpu.memory_space<vmem>>) dst(%dma_wait3A_31 : memref<40x128xf32, #tpu.memory_space<vmem_shared>>)
    %barrier3A_32 = arith.constant 0 : index
    tpu.barrier barrier_id(%barrier3A_32)
    %scan3A_33 = arith.constant 0 : i32
    %scan3A_34 = arith.constant 16 : i32
    %scan3A_35 = arith.addi %scan3A_33, %scan3A_34 : i32
    %scan3A_36 = arith.constant 1 : i32
    scf.for %scan3A_191 = %scan3A_33 to %scan3A_35 step %scan3A_36  : i32 {
      %mul3A_192 = arith.constant 1 : i32
      %mul3A_193 = arith.muli %scan3A_191, %mul3A_192 : i32
      %add3A_194 = arith.constant 0 : i32
      %add3A_195 = arith.addi %add3A_194, %mul3A_193 : i32
      %mul3A_196 = arith.constant 40 : i32
      %mul3A_197 = arith.muli %add3A_195, %mul3A_196 : i32
      %add3A_198 = arith.addi %mul3A_4, %mul3A_197 : i32
      "tpu.region"() ({
        %run_scoped3A = tpu.sem_alloc : memref<!tpu.dma_semaphore, #tpu.memory_space<semaphore_mem>>
        %dma_start3A_199 = tpu.memref_slice %arg4[%add3A_198] : memref<10240xi32, #tpu.memory_space<hbm>> -> memref<40xi32, #tpu.memory_space<hbm>>
        %dma_start3A_200 = tpu.memref_slice %arg4[%add3A_198] : memref<10240xi32, #tpu.memory_space<hbm>> -> memref<40xi32, #tpu.memory_space<hbm>>
        tpu.enqueue_dma source(%dma_start3A_200 : memref<40xi32, #tpu.memory_space<hbm>>) target(%arg12 : memref<40xi32, #tpu.memory_space<vmem>>) target_semaphore(%run_scoped3A : memref<!tpu.dma_semaphore, #tpu.memory_space<semaphore_mem>>)
        %dma_wait3A_201 = tpu.memref_slice %arg4[%add3A_198] : memref<10240xi32, #tpu.memory_space<hbm>> -> memref<40xi32, #tpu.memory_space<hbm>>
        %dma_wait3A_202 = tpu.memref_slice %arg4[%add3A_198] : memref<10240xi32, #tpu.memory_space<hbm>> -> memref<40xi32, #tpu.memory_space<hbm>>
        tpu.wait_dma2 semaphore(%run_scoped3A : memref<!tpu.dma_semaphore, #tpu.memory_space<semaphore_mem>>) src(%dma_wait3A_202 : memref<40xi32, #tpu.memory_space<hbm>>) dst(%arg12 : memref<40xi32, #tpu.memory_space<vmem>>)
        tpu.yield
      }) : () -> ()
      "tpu.region"() ({
        %run_scoped3A = tpu.sem_alloc : memref<!tpu.dma_semaphore, #tpu.memory_space<semaphore_mem>>
        %dma_start3A_199 = arith.constant 0 : i32
        %dma_start3A_200 = arith.constant 0 : i32
        %dma_start3A_201 = tpu.memref_slice %arg7[%dma_start3A_199, %dma_start3A_200] : memref<10240x128xf32, #tpu.memory_space<vmem_shared>> -> memref<10240x128xf32, #tpu.memory_space<vmem_shared>>
        tpu.enqueue_indirect_dma source(%dma_start3A_201 : memref<10240x128xf32, #tpu.memory_space<vmem_shared>>) target(%arg8 : memref<40x128xf32, #tpu.memory_space<vmem>>) offsets(%arg12 : memref<40xi32, #tpu.memory_space<vmem>>) semaphore(%run_scoped3A : memref<!tpu.dma_semaphore, #tpu.memory_space<semaphore_mem>>)
        %dma_wait3A_202 = arith.constant 0 : i32
        %dma_wait3A_203 = arith.constant 0 : i32
        %dma_wait3A_204 = tpu.memref_slice %arg7[%dma_wait3A_202, %dma_wait3A_203] : memref<10240x128xf32, #tpu.memory_space<vmem_shared>> -> memref<10240x128xf32, #tpu.memory_space<vmem_shared>>
        tpu.wait_indirect_dma semaphore(%run_scoped3A : memref<!tpu.dma_semaphore, #tpu.memory_space<semaphore_mem>>) src(%dma_wait3A_204 : memref<10240x128xf32, #tpu.memory_space<vmem_shared>>) dst(%arg8 : memref<40x128xf32, #tpu.memory_space<vmem>>)
        tpu.yield
      }) : () -> ()
      "tpu.region"() ({
        %run_scoped3A = tpu.sem_alloc : memref<!tpu.dma_semaphore, #tpu.memory_space<semaphore_mem>>
        %dma_start3A_199 = arith.constant 0 : i32
        %dma_start3A_200 = tpu.memref_slice %arg6[%arg0, %add3A_198, %dma_start3A_199] : memref<2x10240x640xf32, #tpu.memory_space<hbm>> -> memref<1x40x128xf32, #tpu.memory_space<hbm>>
        %dma_start3A_201 = tpu.memref_squeeze %dma_start3A_200 : memref<1x40x128xf32, #tpu.memory_space<hbm>> -> memref<40x128xf32, #tpu.memory_space<hbm>>
        %dma_start3A_202 = arith.constant 0 : i32
        %dma_start3A_203 = tpu.memref_slice %arg6[%arg0, %add3A_198, %dma_start3A_202] : memref<2x10240x640xf32, #tpu.memory_space<hbm>> -> memref<1x40x128xf32, #tpu.memory_space<hbm>>
        %dma_start3A_204 = tpu.memref_squeeze %dma_start3A_203 : memref<1x40x128xf32, #tpu.memory_space<hbm>> -> memref<40x128xf32, #tpu.memory_space<hbm>>
        tpu.enqueue_dma source(%arg8 : memref<40x128xf32, #tpu.memory_space<vmem>>) target(%dma_start3A_204 : memref<40x128xf32, #tpu.memory_space<hbm>>) target_semaphore(%run_scoped3A : memref<!tpu.dma_semaphore, #tpu.memory_space<semaphore_mem>>)
        %dma_wait3A_205 = arith.constant 0 : i32
        %dma_wait3A_206 = tpu.memref_slice %arg6[%arg0, %add3A_198, %dma_wait3A_205] : memref<2x10240x640xf32, #tpu.memory_space<hbm>> -> memref<1x40x128xf32, #tpu.memory_space<hbm>>
        %dma_wait3A_207 = tpu.memref_squeeze %dma_wait3A_206 : memref<1x40x128xf32, #tpu.memory_space<hbm>> -> memref<40x128xf32, #tpu.memory_space<hbm>>
        %dma_wait3A_208 = arith.constant 0 : i32
        %dma_wait3A_209 = tpu.memref_slice %arg6[%arg0, %add3A_198, %dma_wait3A_208] : memref<2x10240x640xf32, #tpu.memory_space<hbm>> -> memref<1x40x128xf32, #tpu.memory_space<hbm>>
        %dma_wait3A_210 = tpu.memref_squeeze %dma_wait3A_209 : memref<1x40x128xf32, #tpu.memory_space<hbm>> -> memref<40x128xf32, #tpu.memory_space<hbm>>
        tpu.wait_dma2 semaphore(%run_scoped3A : memref<!tpu.dma_semaphore, #tpu.memory_space<semaphore_mem>>) src(%arg8 : memref<40x128xf32, #tpu.memory_space<vmem>>) dst(%dma_wait3A_210 : memref<40x128xf32, #tpu.memory_space<hbm>>)
        tpu.yield
      }) : () -> ()
    }
    %scan3A_37 = arith.constant 16 : i32
    %barrier3A_38 = arith.constant 0 : index
    tpu.barrier barrier_id(%barrier3A_38)
    "tpu.region"() ({
      %run_scoped3A = tpu.sem_alloc : memref<!tpu.dma_semaphore, #tpu.memory_space<semaphore_mem>>
      tpu.enqueue_dma source(%arg5 : memref<40x128xf32, #tpu.memory_space<hbm>>) target(%arg8 : memref<40x128xf32, #tpu.memory_space<vmem>>) target_semaphore(%run_scoped3A : memref<!tpu.dma_semaphore, #tpu.memory_space<semaphore_mem>>)
      tpu.wait_dma2 semaphore(%run_scoped3A : memref<!tpu.dma_semaphore, #tpu.memory_space<semaphore_mem>>) src(%arg5 : memref<40x128xf32, #tpu.memory_space<hbm>>) dst(%arg8 : memref<40x128xf32, #tpu.memory_space<vmem>>)
      tpu.yield
    }) : () -> ()
    %scan3A_39 = arith.constant 0 : i32
    %scan3A_40 = arith.constant 16 : i32
    %scan3A_41 = arith.addi %scan3A_39, %scan3A_40 : i32
    %scan3A_42 = arith.constant 1 : i32
    scf.for %scan3A_191 = %scan3A_39 to %scan3A_41 step %scan3A_42  : i32 {
      %mul3A_192 = arith.constant 1 : i32
      %mul3A_193 = arith.muli %scan3A_191, %mul3A_192 : i32
      %add3A_194 = arith.constant 0 : i32
      %add3A_195 = arith.addi %add3A_194, %mul3A_193 : i32
      %mul3A_196 = arith.constant 40 : i32
      %mul3A_197 = arith.muli %add3A_195, %mul3A_196 : i32
      %add3A_198 = arith.addi %mul3A_4, %mul3A_197 : i32
      "tpu.region"() ({
        %run_scoped3A = tpu.sem_alloc : memref<!tpu.dma_semaphore, #tpu.memory_space<semaphore_mem>>
        %dma_start3A_199 = tpu.memref_slice %arg4[%add3A_198] : memref<10240xi32, #tpu.memory_space<hbm>> -> memref<40xi32, #tpu.memory_space<hbm>>
        %dma_start3A_200 = tpu.memref_slice %arg4[%add3A_198] : memref<10240xi32, #tpu.memory_space<hbm>> -> memref<40xi32, #tpu.memory_space<hbm>>
        tpu.enqueue_dma source(%dma_start3A_200 : memref<40xi32, #tpu.memory_space<hbm>>) target(%arg12 : memref<40xi32, #tpu.memory_space<vmem>>) target_semaphore(%run_scoped3A : memref<!tpu.dma_semaphore, #tpu.memory_space<semaphore_mem>>)
        %dma_wait3A_201 = tpu.memref_slice %arg4[%add3A_198] : memref<10240xi32, #tpu.memory_space<hbm>> -> memref<40xi32, #tpu.memory_space<hbm>>
        %dma_wait3A_202 = tpu.memref_slice %arg4[%add3A_198] : memref<10240xi32, #tpu.memory_space<hbm>> -> memref<40xi32, #tpu.memory_space<hbm>>
        tpu.wait_dma2 semaphore(%run_scoped3A : memref<!tpu.dma_semaphore, #tpu.memory_space<semaphore_mem>>) src(%dma_wait3A_202 : memref<40xi32, #tpu.memory_space<hbm>>) dst(%arg12 : memref<40xi32, #tpu.memory_space<vmem>>)
        tpu.yield
      }) : () -> ()
      "tpu.region"() ({
        %run_scoped3A = tpu.sem_alloc : memref<!tpu.dma_semaphore, #tpu.memory_space<semaphore_mem>>
        %dma_start3A_199 = arith.constant 0 : i32
        %dma_start3A_200 = arith.constant 0 : i32
        %dma_start3A_201 = tpu.memref_slice %arg7[%dma_start3A_199, %dma_start3A_200] : memref<10240x128xf32, #tpu.memory_space<vmem_shared>> -> memref<10240x128xf32, #tpu.memory_space<vmem_shared>>
        tpu.enqueue_indirect_dma source(%arg8 : memref<40x128xf32, #tpu.memory_space<vmem>>) target(%dma_start3A_201 : memref<10240x128xf32, #tpu.memory_space<vmem_shared>>) offsets(%arg12 : memref<40xi32, #tpu.memory_space<vmem>>) semaphore(%run_scoped3A : memref<!tpu.dma_semaphore, #tpu.memory_space<semaphore_mem>>)
        %dma_wait3A_202 = arith.constant 0 : i32
        %dma_wait3A_203 = arith.constant 0 : i32
        %dma_wait3A_204 = tpu.memref_slice %arg7[%dma_wait3A_202, %dma_wait3A_203] : memref<10240x128xf32, #tpu.memory_space<vmem_shared>> -> memref<10240x128xf32, #tpu.memory_space<vmem_shared>>
        tpu.wait_indirect_dma semaphore(%run_scoped3A : memref<!tpu.dma_semaphore, #tpu.memory_space<semaphore_mem>>) src(%arg8 : memref<40x128xf32, #tpu.memory_space<vmem>>) dst(%dma_wait3A_204 : memref<10240x128xf32, #tpu.memory_space<vmem_shared>>)
        tpu.yield
      }) : () -> ()
    }
    %scan3A_43 = arith.constant 16 : i32
    %barrier3A_44 = arith.constant 0 : index
    tpu.barrier barrier_id(%barrier3A_44)
    %add3A_45 = arith.constant 0 : i32
    %add3A_46 = arith.addi %mul3A_2, %add3A_45 : i32
    %dma_start3A_47 = tpu.memref_slice %arg3[%add3A_46] : memref<330240xi32, #tpu.memory_space<hbm>> -> memref<40xi32, #tpu.memory_space<hbm>>
    %dma_start3A_48 = tpu.memref_slice %arg3[%add3A_46] : memref<330240xi32, #tpu.memory_space<hbm>> -> memref<40xi32, #tpu.memory_space<hbm>>
    tpu.enqueue_dma source(%dma_start3A_48 : memref<40xi32, #tpu.memory_space<hbm>>) target(%arg10 : memref<40xi32, #tpu.memory_space<vmem>>) target_semaphore(%arg13 : memref<!tpu.dma_semaphore, #tpu.memory_space<semaphore_mem>>)
    %dma_start3A_49 = arith.constant 128 : i32
    %dma_start3A_50 = tpu.memref_slice %arg2[%add3A_46, %dma_start3A_49] : memref<330240x640xf32, #tpu.memory_space<hbm>> -> memref<40x128xf32, #tpu.memory_space<hbm>>
    %dma_start3A_51 = arith.constant 128 : i32
    %dma_start3A_52 = tpu.memref_slice %arg2[%add3A_46, %dma_start3A_51] : memref<330240x640xf32, #tpu.memory_space<hbm>> -> memref<40x128xf32, #tpu.memory_space<hbm>>
    tpu.enqueue_dma source(%dma_start3A_52 : memref<40x128xf32, #tpu.memory_space<hbm>>) target(%arg8 : memref<40x128xf32, #tpu.memory_space<vmem>>) target_semaphore(%arg14 : memref<!tpu.dma_semaphore, #tpu.memory_space<semaphore_mem>>)
    %scan3A_53 = arith.constant 0 : i32
    %scan3A_54 = arith.constant 129 : i32
    %scan3A_55 = arith.addi %scan3A_53, %scan3A_54 : i32
    %scan3A_56 = arith.constant 1 : i32
    scf.for %scan3A_191 = %scan3A_53 to %scan3A_55 step %scan3A_56  : i32 {
      %mul3A_192 = arith.constant 1 : i32
      %mul3A_193 = arith.muli %scan3A_191, %mul3A_192 : i32
      %add3A_194 = arith.constant 0 : i32
      %add3A_195 = arith.addi %add3A_194, %mul3A_193 : i32
      %dma_wait3A_196 = arith.constant 0 : i32
      %dma_wait3A_197 = tpu.memref_slice %arg3[%dma_wait3A_196] : memref<330240xi32, #tpu.memory_space<hbm>> -> memref<40xi32, #tpu.memory_space<hbm>>
      %dma_wait3A_198 = arith.constant 0 : i32
      %dma_wait3A_199 = tpu.memref_slice %arg3[%dma_wait3A_198] : memref<330240xi32, #tpu.memory_space<hbm>> -> memref<40xi32, #tpu.memory_space<hbm>>
      tpu.wait_dma2 semaphore(%arg13 : memref<!tpu.dma_semaphore, #tpu.memory_space<semaphore_mem>>) src(%dma_wait3A_199 : memref<40xi32, #tpu.memory_space<hbm>>) dst(%arg10 : memref<40xi32, #tpu.memory_space<vmem>>)
      %dma_wait3A_200 = arith.constant 0 : i32
      %dma_wait3A_201 = arith.constant 0 : i32
      %dma_wait3A_202 = tpu.memref_slice %arg2[%dma_wait3A_200, %dma_wait3A_201] : memref<330240x640xf32, #tpu.memory_space<hbm>> -> memref<40x128xf32, #tpu.memory_space<hbm>>
      %dma_wait3A_203 = arith.constant 0 : i32
      %dma_wait3A_204 = arith.constant 0 : i32
      %dma_wait3A_205 = tpu.memref_slice %arg2[%dma_wait3A_203, %dma_wait3A_204] : memref<330240x640xf32, #tpu.memory_space<hbm>> -> memref<40x128xf32, #tpu.memory_space<hbm>>
      tpu.wait_dma2 semaphore(%arg14 : memref<!tpu.dma_semaphore, #tpu.memory_space<semaphore_mem>>) src(%dma_wait3A_205 : memref<40x128xf32, #tpu.memory_space<hbm>>) dst(%arg8 : memref<40x128xf32, #tpu.memory_space<vmem>>)
      %dma_start3A_206 = arith.constant 0 : i32
      %dma_start3A_207 = arith.constant 0 : i32
      %dma_start3A_208 = tpu.memref_slice %arg7[%dma_start3A_206, %dma_start3A_207] : memref<10240x128xf32, #tpu.memory_space<vmem_shared>> -> memref<10240x128xf32, #tpu.memory_space<vmem_shared>>
      tpu.enqueue_indirect_dma source(%arg8 : memref<40x128xf32, #tpu.memory_space<vmem>>) target(%dma_start3A_208 : memref<10240x128xf32, #tpu.memory_space<vmem_shared>>) offsets(%arg10 : memref<40xi32, #tpu.memory_space<vmem>>) semaphore(%arg17 : memref<!tpu.dma_semaphore, #tpu.memory_space<semaphore_mem>>) {add = true}
      %gt3A = arith.constant 0 : i32
      %gt3A_209 = arith.cmpi sgt, %add3A_195, %gt3A : i32
      %convert_element_type3A = arith.extui %gt3A_209 : i1 to i32
      %cond3A = arith.constant 0 : i32
      %cond3A_210 = arith.cmpi ne, %convert_element_type3A, %cond3A : i32
      scf.if %cond3A_210 {
        %dma_wait3A_241 = arith.constant 0 : i32
        %dma_wait3A_242 = arith.constant 0 : i32
        %dma_wait3A_243 = tpu.memref_slice %arg7[%dma_wait3A_241, %dma_wait3A_242] : memref<10240x128xf32, #tpu.memory_space<vmem_shared>> -> memref<40x128xf32, #tpu.memory_space<vmem_shared>>
        %dma_wait3A_244 = arith.constant 0 : i32
        %dma_wait3A_245 = arith.constant 0 : i32
        %dma_wait3A_246 = tpu.memref_slice %arg7[%dma_wait3A_244, %dma_wait3A_245] : memref<10240x128xf32, #tpu.memory_space<vmem_shared>> -> memref<40x128xf32, #tpu.memory_space<vmem_shared>>
        tpu.wait_dma2 semaphore(%arg18 : memref<!tpu.dma_semaphore, #tpu.memory_space<semaphore_mem>>) src(%arg9 : memref<40x128xf32, #tpu.memory_space<vmem>>) dst(%dma_wait3A_246 : memref<40x128xf32, #tpu.memory_space<vmem_shared>>)
      } else {
      }
      %mul3A_211 = arith.constant 2 : i32
      %mul3A_212 = arith.muli %mul3A_211, %add3A_195 : i32
      %add3A_213 = arith.constant 1 : i32
      %add3A_214 = arith.addi %mul3A_212, %add3A_213 : i32
      %mul3A_215 = arith.constant 40 : i32
      %mul3A_216 = arith.muli %add3A_214, %mul3A_215 : i32
      %add3A_217 = arith.addi %mul3A_2, %mul3A_216 : i32
      %dma_start3A_218 = tpu.memref_slice %arg3[%add3A_217] : memref<330240xi32, #tpu.memory_space<hbm>> -> memref<40xi32, #tpu.memory_space<hbm>>
      %dma_start3A_219 = tpu.memref_slice %arg3[%add3A_217] : memref<330240xi32, #tpu.memory_space<hbm>> -> memref<40xi32, #tpu.memory_space<hbm>>
      tpu.enqueue_dma source(%dma_start3A_219 : memref<40xi32, #tpu.memory_space<hbm>>) target(%arg11 : memref<40xi32, #tpu.memory_space<vmem>>) target_semaphore(%arg15 : memref<!tpu.dma_semaphore, #tpu.memory_space<semaphore_mem>>)
      %dma_start3A_220 = arith.constant 128 : i32
      %dma_start3A_221 = tpu.memref_slice %arg2[%add3A_217, %dma_start3A_220] : memref<330240x640xf32, #tpu.memory_space<hbm>> -> memref<40x128xf32, #tpu.memory_space<hbm>>
      %dma_start3A_222 = arith.constant 128 : i32
      %dma_start3A_223 = tpu.memref_slice %arg2[%add3A_217, %dma_start3A_222] : memref<330240x640xf32, #tpu.memory_space<hbm>> -> memref<40x128xf32, #tpu.memory_space<hbm>>
      tpu.enqueue_dma source(%dma_start3A_223 : memref<40x128xf32, #tpu.memory_space<hbm>>) target(%arg9 : memref<40x128xf32, #tpu.memory_space<vmem>>) target_semaphore(%arg16 : memref<!tpu.dma_semaphore, #tpu.memory_space<semaphore_mem>>)
      %dma_wait3A_224 = arith.constant 0 : i32
      %dma_wait3A_225 = tpu.memref_slice %arg3[%dma_wait3A_224] : memref<330240xi32, #tpu.memory_space<hbm>> -> memref<40xi32, #tpu.memory_space<hbm>>
      %dma_wait3A_226 = arith.constant 0 : i32
      %dma_wait3A_227 = tpu.memref_slice %arg3[%dma_wait3A_226] : memref<330240xi32, #tpu.memory_space<hbm>> -> memref<40xi32, #tpu.memory_space<hbm>>
      tpu.wait_dma2 semaphore(%arg15 : memref<!tpu.dma_semaphore, #tpu.memory_space<semaphore_mem>>) src(%dma_wait3A_227 : memref<40xi32, #tpu.memory_space<hbm>>) dst(%arg11 : memref<40xi32, #tpu.memory_space<vmem>>)
      %dma_wait3A_228 = arith.constant 0 : i32
      %dma_wait3A_229 = arith.constant 0 : i32
      %dma_wait3A_230 = tpu.memref_slice %arg2[%dma_wait3A_228, %dma_wait3A_229] : memref<330240x640xf32, #tpu.memory_space<hbm>> -> memref<40x128xf32, #tpu.memory_space<hbm>>
      %dma_wait3A_231 = arith.constant 0 : i32
      %dma_wait3A_232 = arith.constant 0 : i32
      %dma_wait3A_233 = tpu.memref_slice %arg2[%dma_wait3A_231, %dma_wait3A_232] : memref<330240x640xf32, #tpu.memory_space<hbm>> -> memref<40x128xf32, #tpu.memory_space<hbm>>
      tpu.wait_dma2 semaphore(%arg16 : memref<!tpu.dma_semaphore, #tpu.memory_space<semaphore_mem>>) src(%dma_wait3A_233 : memref<40x128xf32, #tpu.memory_space<hbm>>) dst(%arg9 : memref<40x128xf32, #tpu.memory_space<vmem>>)
      %dma_start3A_234 = arith.constant 0 : i32
      %dma_start3A_235 = arith.constant 0 : i32
      %dma_start3A_236 = tpu.memref_slice %arg7[%dma_start3A_234, %dma_start3A_235] : memref<10240x128xf32, #tpu.memory_space<vmem_shared>> -> memref<10240x128xf32, #tpu.memory_space<vmem_shared>>
      tpu.enqueue_indirect_dma source(%arg9 : memref<40x128xf32, #tpu.memory_space<vmem>>) target(%dma_start3A_236 : memref<10240x128xf32, #tpu.memory_space<vmem_shared>>) offsets(%arg11 : memref<40xi32, #tpu.memory_space<vmem>>) semaphore(%arg18 : memref<!tpu.dma_semaphore, #tpu.memory_space<semaphore_mem>>) {add = true}
      %lt3A = arith.constant 128 : i32
      %lt3A_237 = arith.cmpi slt, %add3A_195, %lt3A : i32
      %convert_element_type3A_238 = arith.extui %lt3A_237 : i1 to i32
      %cond3A_239 = arith.constant 0 : i32
      %cond3A_240 = arith.cmpi ne, %convert_element_type3A_238, %cond3A_239 : i32
      scf.if %cond3A_240 {
        %dma_wait3A_241 = arith.constant 0 : i32
        %dma_wait3A_242 = arith.constant 0 : i32
        %dma_wait3A_243 = tpu.memref_slice %arg7[%dma_wait3A_241, %dma_wait3A_242] : memref<10240x128xf32, #tpu.memory_space<vmem_shared>> -> memref<40x128xf32, #tpu.memory_space<vmem_shared>>
        %dma_wait3A_244 = arith.constant 0 : i32
        %dma_wait3A_245 = arith.constant 0 : i32
        %dma_wait3A_246 = tpu.memref_slice %arg7[%dma_wait3A_244, %dma_wait3A_245] : memref<10240x128xf32, #tpu.memory_space<vmem_shared>> -> memref<40x128xf32, #tpu.memory_space<vmem_shared>>
        tpu.wait_dma2 semaphore(%arg17 : memref<!tpu.dma_semaphore, #tpu.memory_space<semaphore_mem>>) src(%arg8 : memref<40x128xf32, #tpu.memory_space<vmem>>) dst(%dma_wait3A_246 : memref<40x128xf32, #tpu.memory_space<vmem_shared>>)
        %mul3A_247 = arith.constant 2 : i32
        %mul3A_248 = arith.muli %mul3A_247, %add3A_195 : i32
        %add3A_249 = arith.constant 2 : i32
        %add3A_250 = arith.addi %mul3A_248, %add3A_249 : i32
        %mul3A_251 = arith.constant 40 : i32
        %mul3A_252 = arith.muli %add3A_250, %mul3A_251 : i32
        %add3A_253 = arith.addi %mul3A_2, %mul3A_252 : i32
        %dma_start3A_254 = tpu.memref_slice %arg3[%add3A_253] : memref<330240xi32, #tpu.memory_space<hbm>> -> memref<40xi32, #tpu.memory_space<hbm>>
        %dma_start3A_255 = tpu.memref_slice %arg3[%add3A_253] : memref<330240xi32, #tpu.memory_space<hbm>> -> memref<40xi32, #tpu.memory_space<hbm>>
        tpu.enqueue_dma source(%dma_start3A_255 : memref<40xi32, #tpu.memory_space<hbm>>) target(%arg10 : memref<40xi32, #tpu.memory_space<vmem>>) target_semaphore(%arg13 : memref<!tpu.dma_semaphore, #tpu.memory_space<semaphore_mem>>)
        %dma_start3A_256 = arith.constant 128 : i32
        %dma_start3A_257 = tpu.memref_slice %arg2[%add3A_253, %dma_start3A_256] : memref<330240x640xf32, #tpu.memory_space<hbm>> -> memref<40x128xf32, #tpu.memory_space<hbm>>
        %dma_start3A_258 = arith.constant 128 : i32
        %dma_start3A_259 = tpu.memref_slice %arg2[%add3A_253, %dma_start3A_258] : memref<330240x640xf32, #tpu.memory_space<hbm>> -> memref<40x128xf32, #tpu.memory_space<hbm>>
        tpu.enqueue_dma source(%dma_start3A_259 : memref<40x128xf32, #tpu.memory_space<hbm>>) target(%arg8 : memref<40x128xf32, #tpu.memory_space<vmem>>) target_semaphore(%arg14 : memref<!tpu.dma_semaphore, #tpu.memory_space<semaphore_mem>>)
      } else {
      }
    }
    %scan3A_57 = arith.constant 129 : i32
    %dma_wait3A_58 = arith.constant 0 : i32
    %dma_wait3A_59 = arith.constant 0 : i32
    %dma_wait3A_60 = tpu.memref_slice %arg7[%dma_wait3A_58, %dma_wait3A_59] : memref<10240x128xf32, #tpu.memory_space<vmem_shared>> -> memref<40x128xf32, #tpu.memory_space<vmem_shared>>
    %dma_wait3A_61 = arith.constant 0 : i32
    %dma_wait3A_62 = arith.constant 0 : i32
    %dma_wait3A_63 = tpu.memref_slice %arg7[%dma_wait3A_61, %dma_wait3A_62] : memref<10240x128xf32, #tpu.memory_space<vmem_shared>> -> memref<40x128xf32, #tpu.memory_space<vmem_shared>>
    tpu.wait_dma2 semaphore(%arg17 : memref<!tpu.dma_semaphore, #tpu.memory_space<semaphore_mem>>) src(%arg8 : memref<40x128xf32, #tpu.memory_space<vmem>>) dst(%dma_wait3A_63 : memref<40x128xf32, #tpu.memory_space<vmem_shared>>)
    %dma_wait3A_64 = arith.constant 0 : i32
    %dma_wait3A_65 = arith.constant 0 : i32
    %dma_wait3A_66 = tpu.memref_slice %arg7[%dma_wait3A_64, %dma_wait3A_65] : memref<10240x128xf32, #tpu.memory_space<vmem_shared>> -> memref<40x128xf32, #tpu.memory_space<vmem_shared>>
    %dma_wait3A_67 = arith.constant 0 : i32
    %dma_wait3A_68 = arith.constant 0 : i32
    %dma_wait3A_69 = tpu.memref_slice %arg7[%dma_wait3A_67, %dma_wait3A_68] : memref<10240x128xf32, #tpu.memory_space<vmem_shared>> -> memref<40x128xf32, #tpu.memory_space<vmem_shared>>
    tpu.wait_dma2 semaphore(%arg18 : memref<!tpu.dma_semaphore, #tpu.memory_space<semaphore_mem>>) src(%arg9 : memref<40x128xf32, #tpu.memory_space<vmem>>) dst(%dma_wait3A_69 : memref<40x128xf32, #tpu.memory_space<vmem_shared>>)
    %barrier3A_70 = arith.constant 0 : index
    tpu.barrier barrier_id(%barrier3A_70)
    %scan3A_71 = arith.constant 0 : i32
    %scan3A_72 = arith.constant 16 : i32
    %scan3A_73 = arith.addi %scan3A_71, %scan3A_72 : i32
    %scan3A_74 = arith.constant 1 : i32
    scf.for %scan3A_191 = %scan3A_71 to %scan3A_73 step %scan3A_74  : i32 {
      %mul3A_192 = arith.constant 1 : i32
      %mul3A_193 = arith.muli %scan3A_191, %mul3A_192 : i32
      %add3A_194 = arith.constant 0 : i32
      %add3A_195 = arith.addi %add3A_194, %mul3A_193 : i32
      %mul3A_196 = arith.constant 40 : i32
      %mul3A_197 = arith.muli %add3A_195, %mul3A_196 : i32
      %add3A_198 = arith.addi %mul3A_4, %mul3A_197 : i32
      "tpu.region"() ({
        %run_scoped3A = tpu.sem_alloc : memref<!tpu.dma_semaphore, #tpu.memory_space<semaphore_mem>>
        %dma_start3A_199 = tpu.memref_slice %arg4[%add3A_198] : memref<10240xi32, #tpu.memory_space<hbm>> -> memref<40xi32, #tpu.memory_space<hbm>>
        %dma_start3A_200 = tpu.memref_slice %arg4[%add3A_198] : memref<10240xi32, #tpu.memory_space<hbm>> -> memref<40xi32, #tpu.memory_space<hbm>>
        tpu.enqueue_dma source(%dma_start3A_200 : memref<40xi32, #tpu.memory_space<hbm>>) target(%arg12 : memref<40xi32, #tpu.memory_space<vmem>>) target_semaphore(%run_scoped3A : memref<!tpu.dma_semaphore, #tpu.memory_space<semaphore_mem>>)
        %dma_wait3A_201 = tpu.memref_slice %arg4[%add3A_198] : memref<10240xi32, #tpu.memory_space<hbm>> -> memref<40xi32, #tpu.memory_space<hbm>>
        %dma_wait3A_202 = tpu.memref_slice %arg4[%add3A_198] : memref<10240xi32, #tpu.memory_space<hbm>> -> memref<40xi32, #tpu.memory_space<hbm>>
        tpu.wait_dma2 semaphore(%run_scoped3A : memref<!tpu.dma_semaphore, #tpu.memory_space<semaphore_mem>>) src(%dma_wait3A_202 : memref<40xi32, #tpu.memory_space<hbm>>) dst(%arg12 : memref<40xi32, #tpu.memory_space<vmem>>)
        tpu.yield
      }) : () -> ()
      "tpu.region"() ({
        %run_scoped3A = tpu.sem_alloc : memref<!tpu.dma_semaphore, #tpu.memory_space<semaphore_mem>>
        %dma_start3A_199 = arith.constant 0 : i32
        %dma_start3A_200 = arith.constant 0 : i32
        %dma_start3A_201 = tpu.memref_slice %arg7[%dma_start3A_199, %dma_start3A_200] : memref<10240x128xf32, #tpu.memory_space<vmem_shared>> -> memref<10240x128xf32, #tpu.memory_space<vmem_shared>>
        tpu.enqueue_indirect_dma source(%dma_start3A_201 : memref<10240x128xf32, #tpu.memory_space<vmem_shared>>) target(%arg8 : memref<40x128xf32, #tpu.memory_space<vmem>>) offsets(%arg12 : memref<40xi32, #tpu.memory_space<vmem>>) semaphore(%run_scoped3A : memref<!tpu.dma_semaphore, #tpu.memory_space<semaphore_mem>>)
        %dma_wait3A_202 = arith.constant 0 : i32
        %dma_wait3A_203 = arith.constant 0 : i32
        %dma_wait3A_204 = tpu.memref_slice %arg7[%dma_wait3A_202, %dma_wait3A_203] : memref<10240x128xf32, #tpu.memory_space<vmem_shared>> -> memref<10240x128xf32, #tpu.memory_space<vmem_shared>>
        tpu.wait_indirect_dma semaphore(%run_scoped3A : memref<!tpu.dma_semaphore, #tpu.memory_space<semaphore_mem>>) src(%dma_wait3A_204 : memref<10240x128xf32, #tpu.memory_space<vmem_shared>>) dst(%arg8 : memref<40x128xf32, #tpu.memory_space<vmem>>)
        tpu.yield
      }) : () -> ()
      "tpu.region"() ({
        %run_scoped3A = tpu.sem_alloc : memref<!tpu.dma_semaphore, #tpu.memory_space<semaphore_mem>>
        %dma_start3A_199 = arith.constant 128 : i32
        %dma_start3A_200 = tpu.memref_slice %arg6[%arg0, %add3A_198, %dma_start3A_199] : memref<2x10240x640xf32, #tpu.memory_space<hbm>> -> memref<1x40x128xf32, #tpu.memory_space<hbm>>
        %dma_start3A_201 = tpu.memref_squeeze %dma_start3A_200 : memref<1x40x128xf32, #tpu.memory_space<hbm>> -> memref<40x128xf32, #tpu.memory_space<hbm>>
        %dma_start3A_202 = arith.constant 128 : i32
        %dma_start3A_203 = tpu.memref_slice %arg6[%arg0, %add3A_198, %dma_start3A_202] : memref<2x10240x640xf32, #tpu.memory_space<hbm>> -> memref<1x40x128xf32, #tpu.memory_space<hbm>>
        %dma_start3A_204 = tpu.memref_squeeze %dma_start3A_203 : memref<1x40x128xf32, #tpu.memory_space<hbm>> -> memref<40x128xf32, #tpu.memory_space<hbm>>
        tpu.enqueue_dma source(%arg8 : memref<40x128xf32, #tpu.memory_space<vmem>>) target(%dma_start3A_204 : memref<40x128xf32, #tpu.memory_space<hbm>>) target_semaphore(%run_scoped3A : memref<!tpu.dma_semaphore, #tpu.memory_space<semaphore_mem>>)
        %dma_wait3A_205 = arith.constant 128 : i32
        %dma_wait3A_206 = tpu.memref_slice %arg6[%arg0, %add3A_198, %dma_wait3A_205] : memref<2x10240x640xf32, #tpu.memory_space<hbm>> -> memref<1x40x128xf32, #tpu.memory_space<hbm>>
        %dma_wait3A_207 = tpu.memref_squeeze %dma_wait3A_206 : memref<1x40x128xf32, #tpu.memory_space<hbm>> -> memref<40x128xf32, #tpu.memory_space<hbm>>
        %dma_wait3A_208 = arith.constant 128 : i32
        %dma_wait3A_209 = tpu.memref_slice %arg6[%arg0, %add3A_198, %dma_wait3A_208] : memref<2x10240x640xf32, #tpu.memory_space<hbm>> -> memref<1x40x128xf32, #tpu.memory_space<hbm>>
        %dma_wait3A_210 = tpu.memref_squeeze %dma_wait3A_209 : memref<1x40x128xf32, #tpu.memory_space<hbm>> -> memref<40x128xf32, #tpu.memory_space<hbm>>
        tpu.wait_dma2 semaphore(%run_scoped3A : memref<!tpu.dma_semaphore, #tpu.memory_space<semaphore_mem>>) src(%arg8 : memref<40x128xf32, #tpu.memory_space<vmem>>) dst(%dma_wait3A_210 : memref<40x128xf32, #tpu.memory_space<hbm>>)
        tpu.yield
      }) : () -> ()
    }
    %scan3A_75 = arith.constant 16 : i32
    %barrier3A_76 = arith.constant 0 : index
    tpu.barrier barrier_id(%barrier3A_76)
    "tpu.region"() ({
      %run_scoped3A = tpu.sem_alloc : memref<!tpu.dma_semaphore, #tpu.memory_space<semaphore_mem>>
      tpu.enqueue_dma source(%arg5 : memref<40x128xf32, #tpu.memory_space<hbm>>) target(%arg8 : memref<40x128xf32, #tpu.memory_space<vmem>>) target_semaphore(%run_scoped3A : memref<!tpu.dma_semaphore, #tpu.memory_space<semaphore_mem>>)
      tpu.wait_dma2 semaphore(%run_scoped3A : memref<!tpu.dma_semaphore, #tpu.memory_space<semaphore_mem>>) src(%arg5 : memref<40x128xf32, #tpu.memory_space<hbm>>) dst(%arg8 : memref<40x128xf32, #tpu.memory_space<vmem>>)
      tpu.yield
    }) : () -> ()
    %scan3A_77 = arith.constant 0 : i32
    %scan3A_78 = arith.constant 16 : i32
    %scan3A_79 = arith.addi %scan3A_77, %scan3A_78 : i32
    %scan3A_80 = arith.constant 1 : i32
    scf.for %scan3A_191 = %scan3A_77 to %scan3A_79 step %scan3A_80  : i32 {
      %mul3A_192 = arith.constant 1 : i32
      %mul3A_193 = arith.muli %scan3A_191, %mul3A_192 : i32
      %add3A_194 = arith.constant 0 : i32
      %add3A_195 = arith.addi %add3A_194, %mul3A_193 : i32
      %mul3A_196 = arith.constant 40 : i32
      %mul3A_197 = arith.muli %add3A_195, %mul3A_196 : i32
      %add3A_198 = arith.addi %mul3A_4, %mul3A_197 : i32
      "tpu.region"() ({
        %run_scoped3A = tpu.sem_alloc : memref<!tpu.dma_semaphore, #tpu.memory_space<semaphore_mem>>
        %dma_start3A_199 = tpu.memref_slice %arg4[%add3A_198] : memref<10240xi32, #tpu.memory_space<hbm>> -> memref<40xi32, #tpu.memory_space<hbm>>
        %dma_start3A_200 = tpu.memref_slice %arg4[%add3A_198] : memref<10240xi32, #tpu.memory_space<hbm>> -> memref<40xi32, #tpu.memory_space<hbm>>
        tpu.enqueue_dma source(%dma_start3A_200 : memref<40xi32, #tpu.memory_space<hbm>>) target(%arg12 : memref<40xi32, #tpu.memory_space<vmem>>) target_semaphore(%run_scoped3A : memref<!tpu.dma_semaphore, #tpu.memory_space<semaphore_mem>>)
        %dma_wait3A_201 = tpu.memref_slice %arg4[%add3A_198] : memref<10240xi32, #tpu.memory_space<hbm>> -> memref<40xi32, #tpu.memory_space<hbm>>
        %dma_wait3A_202 = tpu.memref_slice %arg4[%add3A_198] : memref<10240xi32, #tpu.memory_space<hbm>> -> memref<40xi32, #tpu.memory_space<hbm>>
        tpu.wait_dma2 semaphore(%run_scoped3A : memref<!tpu.dma_semaphore, #tpu.memory_space<semaphore_mem>>) src(%dma_wait3A_202 : memref<40xi32, #tpu.memory_space<hbm>>) dst(%arg12 : memref<40xi32, #tpu.memory_space<vmem>>)
        tpu.yield
      }) : () -> ()
      "tpu.region"() ({
        %run_scoped3A = tpu.sem_alloc : memref<!tpu.dma_semaphore, #tpu.memory_space<semaphore_mem>>
        %dma_start3A_199 = arith.constant 0 : i32
        %dma_start3A_200 = arith.constant 0 : i32
        %dma_start3A_201 = tpu.memref_slice %arg7[%dma_start3A_199, %dma_start3A_200] : memref<10240x128xf32, #tpu.memory_space<vmem_shared>> -> memref<10240x128xf32, #tpu.memory_space<vmem_shared>>
        tpu.enqueue_indirect_dma source(%arg8 : memref<40x128xf32, #tpu.memory_space<vmem>>) target(%dma_start3A_201 : memref<10240x128xf32, #tpu.memory_space<vmem_shared>>) offsets(%arg12 : memref<40xi32, #tpu.memory_space<vmem>>) semaphore(%run_scoped3A : memref<!tpu.dma_semaphore, #tpu.memory_space<semaphore_mem>>)
        %dma_wait3A_202 = arith.constant 0 : i32
        %dma_wait3A_203 = arith.constant 0 : i32
        %dma_wait3A_204 = tpu.memref_slice %arg7[%dma_wait3A_202, %dma_wait3A_203] : memref<10240x128xf32, #tpu.memory_space<vmem_shared>> -> memref<10240x128xf32, #tpu.memory_space<vmem_shared>>
        tpu.wait_indirect_dma semaphore(%run_scoped3A : memref<!tpu.dma_semaphore, #tpu.memory_space<semaphore_mem>>) src(%arg8 : memref<40x128xf32, #tpu.memory_space<vmem>>) dst(%dma_wait3A_204 : memref<10240x128xf32, #tpu.memory_space<vmem_shared>>)
        tpu.yield
      }) : () -> ()
    }
    %scan3A_81 = arith.constant 16 : i32
    %barrier3A_82 = arith.constant 0 : index
    tpu.barrier barrier_id(%barrier3A_82)
    %add3A_83 = arith.constant 0 : i32
    %add3A_84 = arith.addi %mul3A_2, %add3A_83 : i32
    %dma_start3A_85 = tpu.memref_slice %arg3[%add3A_84] : memref<330240xi32, #tpu.memory_space<hbm>> -> memref<40xi32, #tpu.memory_space<hbm>>
    %dma_start3A_86 = tpu.memref_slice %arg3[%add3A_84] : memref<330240xi32, #tpu.memory_space<hbm>> -> memref<40xi32, #tpu.memory_space<hbm>>
    tpu.enqueue_dma source(%dma_start3A_86 : memref<40xi32, #tpu.memory_space<hbm>>) target(%arg10 : memref<40xi32, #tpu.memory_space<vmem>>) target_semaphore(%arg13 : memref<!tpu.dma_semaphore, #tpu.memory_space<semaphore_mem>>)
    %dma_start3A_87 = arith.constant 256 : i32
    %dma_start3A_88 = tpu.memref_slice %arg2[%add3A_84, %dma_start3A_87] : memref<330240x640xf32, #tpu.memory_space<hbm>> -> memref<40x128xf32, #tpu.memory_space<hbm>>
    %dma_start3A_89 = arith.constant 256 : i32
    %dma_start3A_90 = tpu.memref_slice %arg2[%add3A_84, %dma_start3A_89] : memref<330240x640xf32, #tpu.memory_space<hbm>> -> memref<40x128xf32, #tpu.memory_space<hbm>>
    tpu.enqueue_dma source(%dma_start3A_90 : memref<40x128xf32, #tpu.memory_space<hbm>>) target(%arg8 : memref<40x128xf32, #tpu.memory_space<vmem>>) target_semaphore(%arg14 : memref<!tpu.dma_semaphore, #tpu.memory_space<semaphore_mem>>)
    %scan3A_91 = arith.constant 0 : i32
    %scan3A_92 = arith.constant 129 : i32
    %scan3A_93 = arith.addi %scan3A_91, %scan3A_92 : i32
    %scan3A_94 = arith.constant 1 : i32
    scf.for %scan3A_191 = %scan3A_91 to %scan3A_93 step %scan3A_94  : i32 {
      %mul3A_192 = arith.constant 1 : i32
      %mul3A_193 = arith.muli %scan3A_191, %mul3A_192 : i32
      %add3A_194 = arith.constant 0 : i32
      %add3A_195 = arith.addi %add3A_194, %mul3A_193 : i32
      %dma_wait3A_196 = arith.constant 0 : i32
      %dma_wait3A_197 = tpu.memref_slice %arg3[%dma_wait3A_196] : memref<330240xi32, #tpu.memory_space<hbm>> -> memref<40xi32, #tpu.memory_space<hbm>>
      %dma_wait3A_198 = arith.constant 0 : i32
      %dma_wait3A_199 = tpu.memref_slice %arg3[%dma_wait3A_198] : memref<330240xi32, #tpu.memory_space<hbm>> -> memref<40xi32, #tpu.memory_space<hbm>>
      tpu.wait_dma2 semaphore(%arg13 : memref<!tpu.dma_semaphore, #tpu.memory_space<semaphore_mem>>) src(%dma_wait3A_199 : memref<40xi32, #tpu.memory_space<hbm>>) dst(%arg10 : memref<40xi32, #tpu.memory_space<vmem>>)
      %dma_wait3A_200 = arith.constant 0 : i32
      %dma_wait3A_201 = arith.constant 0 : i32
      %dma_wait3A_202 = tpu.memref_slice %arg2[%dma_wait3A_200, %dma_wait3A_201] : memref<330240x640xf32, #tpu.memory_space<hbm>> -> memref<40x128xf32, #tpu.memory_space<hbm>>
      %dma_wait3A_203 = arith.constant 0 : i32
      %dma_wait3A_204 = arith.constant 0 : i32
      %dma_wait3A_205 = tpu.memref_slice %arg2[%dma_wait3A_203, %dma_wait3A_204] : memref<330240x640xf32, #tpu.memory_space<hbm>> -> memref<40x128xf32, #tpu.memory_space<hbm>>
      tpu.wait_dma2 semaphore(%arg14 : memref<!tpu.dma_semaphore, #tpu.memory_space<semaphore_mem>>) src(%dma_wait3A_205 : memref<40x128xf32, #tpu.memory_space<hbm>>) dst(%arg8 : memref<40x128xf32, #tpu.memory_space<vmem>>)
      %dma_start3A_206 = arith.constant 0 : i32
      %dma_start3A_207 = arith.constant 0 : i32
      %dma_start3A_208 = tpu.memref_slice %arg7[%dma_start3A_206, %dma_start3A_207] : memref<10240x128xf32, #tpu.memory_space<vmem_shared>> -> memref<10240x128xf32, #tpu.memory_space<vmem_shared>>
      tpu.enqueue_indirect_dma source(%arg8 : memref<40x128xf32, #tpu.memory_space<vmem>>) target(%dma_start3A_208 : memref<10240x128xf32, #tpu.memory_space<vmem_shared>>) offsets(%arg10 : memref<40xi32, #tpu.memory_space<vmem>>) semaphore(%arg17 : memref<!tpu.dma_semaphore, #tpu.memory_space<semaphore_mem>>) {add = true}
      %gt3A = arith.constant 0 : i32
      %gt3A_209 = arith.cmpi sgt, %add3A_195, %gt3A : i32
      %convert_element_type3A = arith.extui %gt3A_209 : i1 to i32
      %cond3A = arith.constant 0 : i32
      %cond3A_210 = arith.cmpi ne, %convert_element_type3A, %cond3A : i32
      scf.if %cond3A_210 {
        %dma_wait3A_241 = arith.constant 0 : i32
        %dma_wait3A_242 = arith.constant 0 : i32
        %dma_wait3A_243 = tpu.memref_slice %arg7[%dma_wait3A_241, %dma_wait3A_242] : memref<10240x128xf32, #tpu.memory_space<vmem_shared>> -> memref<40x128xf32, #tpu.memory_space<vmem_shared>>
        %dma_wait3A_244 = arith.constant 0 : i32
        %dma_wait3A_245 = arith.constant 0 : i32
        %dma_wait3A_246 = tpu.memref_slice %arg7[%dma_wait3A_244, %dma_wait3A_245] : memref<10240x128xf32, #tpu.memory_space<vmem_shared>> -> memref<40x128xf32, #tpu.memory_space<vmem_shared>>
        tpu.wait_dma2 semaphore(%arg18 : memref<!tpu.dma_semaphore, #tpu.memory_space<semaphore_mem>>) src(%arg9 : memref<40x128xf32, #tpu.memory_space<vmem>>) dst(%dma_wait3A_246 : memref<40x128xf32, #tpu.memory_space<vmem_shared>>)
      } else {
      }
      %mul3A_211 = arith.constant 2 : i32
      %mul3A_212 = arith.muli %mul3A_211, %add3A_195 : i32
      %add3A_213 = arith.constant 1 : i32
      %add3A_214 = arith.addi %mul3A_212, %add3A_213 : i32
      %mul3A_215 = arith.constant 40 : i32
      %mul3A_216 = arith.muli %add3A_214, %mul3A_215 : i32
      %add3A_217 = arith.addi %mul3A_2, %mul3A_216 : i32
      %dma_start3A_218 = tpu.memref_slice %arg3[%add3A_217] : memref<330240xi32, #tpu.memory_space<hbm>> -> memref<40xi32, #tpu.memory_space<hbm>>
      %dma_start3A_219 = tpu.memref_slice %arg3[%add3A_217] : memref<330240xi32, #tpu.memory_space<hbm>> -> memref<40xi32, #tpu.memory_space<hbm>>
      tpu.enqueue_dma source(%dma_start3A_219 : memref<40xi32, #tpu.memory_space<hbm>>) target(%arg11 : memref<40xi32, #tpu.memory_space<vmem>>) target_semaphore(%arg15 : memref<!tpu.dma_semaphore, #tpu.memory_space<semaphore_mem>>)
      %dma_start3A_220 = arith.constant 256 : i32
      %dma_start3A_221 = tpu.memref_slice %arg2[%add3A_217, %dma_start3A_220] : memref<330240x640xf32, #tpu.memory_space<hbm>> -> memref<40x128xf32, #tpu.memory_space<hbm>>
      %dma_start3A_222 = arith.constant 256 : i32
      %dma_start3A_223 = tpu.memref_slice %arg2[%add3A_217, %dma_start3A_222] : memref<330240x640xf32, #tpu.memory_space<hbm>> -> memref<40x128xf32, #tpu.memory_space<hbm>>
      tpu.enqueue_dma source(%dma_start3A_223 : memref<40x128xf32, #tpu.memory_space<hbm>>) target(%arg9 : memref<40x128xf32, #tpu.memory_space<vmem>>) target_semaphore(%arg16 : memref<!tpu.dma_semaphore, #tpu.memory_space<semaphore_mem>>)
      %dma_wait3A_224 = arith.constant 0 : i32
      %dma_wait3A_225 = tpu.memref_slice %arg3[%dma_wait3A_224] : memref<330240xi32, #tpu.memory_space<hbm>> -> memref<40xi32, #tpu.memory_space<hbm>>
      %dma_wait3A_226 = arith.constant 0 : i32
      %dma_wait3A_227 = tpu.memref_slice %arg3[%dma_wait3A_226] : memref<330240xi32, #tpu.memory_space<hbm>> -> memref<40xi32, #tpu.memory_space<hbm>>
      tpu.wait_dma2 semaphore(%arg15 : memref<!tpu.dma_semaphore, #tpu.memory_space<semaphore_mem>>) src(%dma_wait3A_227 : memref<40xi32, #tpu.memory_space<hbm>>) dst(%arg11 : memref<40xi32, #tpu.memory_space<vmem>>)
      %dma_wait3A_228 = arith.constant 0 : i32
      %dma_wait3A_229 = arith.constant 0 : i32
      %dma_wait3A_230 = tpu.memref_slice %arg2[%dma_wait3A_228, %dma_wait3A_229] : memref<330240x640xf32, #tpu.memory_space<hbm>> -> memref<40x128xf32, #tpu.memory_space<hbm>>
      %dma_wait3A_231 = arith.constant 0 : i32
      %dma_wait3A_232 = arith.constant 0 : i32
      %dma_wait3A_233 = tpu.memref_slice %arg2[%dma_wait3A_231, %dma_wait3A_232] : memref<330240x640xf32, #tpu.memory_space<hbm>> -> memref<40x128xf32, #tpu.memory_space<hbm>>
      tpu.wait_dma2 semaphore(%arg16 : memref<!tpu.dma_semaphore, #tpu.memory_space<semaphore_mem>>) src(%dma_wait3A_233 : memref<40x128xf32, #tpu.memory_space<hbm>>) dst(%arg9 : memref<40x128xf32, #tpu.memory_space<vmem>>)
      %dma_start3A_234 = arith.constant 0 : i32
      %dma_start3A_235 = arith.constant 0 : i32
      %dma_start3A_236 = tpu.memref_slice %arg7[%dma_start3A_234, %dma_start3A_235] : memref<10240x128xf32, #tpu.memory_space<vmem_shared>> -> memref<10240x128xf32, #tpu.memory_space<vmem_shared>>
      tpu.enqueue_indirect_dma source(%arg9 : memref<40x128xf32, #tpu.memory_space<vmem>>) target(%dma_start3A_236 : memref<10240x128xf32, #tpu.memory_space<vmem_shared>>) offsets(%arg11 : memref<40xi32, #tpu.memory_space<vmem>>) semaphore(%arg18 : memref<!tpu.dma_semaphore, #tpu.memory_space<semaphore_mem>>) {add = true}
      %lt3A = arith.constant 128 : i32
      %lt3A_237 = arith.cmpi slt, %add3A_195, %lt3A : i32
      %convert_element_type3A_238 = arith.extui %lt3A_237 : i1 to i32
      %cond3A_239 = arith.constant 0 : i32
      %cond3A_240 = arith.cmpi ne, %convert_element_type3A_238, %cond3A_239 : i32
      scf.if %cond3A_240 {
        %dma_wait3A_241 = arith.constant 0 : i32
        %dma_wait3A_242 = arith.constant 0 : i32
        %dma_wait3A_243 = tpu.memref_slice %arg7[%dma_wait3A_241, %dma_wait3A_242] : memref<10240x128xf32, #tpu.memory_space<vmem_shared>> -> memref<40x128xf32, #tpu.memory_space<vmem_shared>>
        %dma_wait3A_244 = arith.constant 0 : i32
        %dma_wait3A_245 = arith.constant 0 : i32
        %dma_wait3A_246 = tpu.memref_slice %arg7[%dma_wait3A_244, %dma_wait3A_245] : memref<10240x128xf32, #tpu.memory_space<vmem_shared>> -> memref<40x128xf32, #tpu.memory_space<vmem_shared>>
        tpu.wait_dma2 semaphore(%arg17 : memref<!tpu.dma_semaphore, #tpu.memory_space<semaphore_mem>>) src(%arg8 : memref<40x128xf32, #tpu.memory_space<vmem>>) dst(%dma_wait3A_246 : memref<40x128xf32, #tpu.memory_space<vmem_shared>>)
        %mul3A_247 = arith.constant 2 : i32
        %mul3A_248 = arith.muli %mul3A_247, %add3A_195 : i32
        %add3A_249 = arith.constant 2 : i32
        %add3A_250 = arith.addi %mul3A_248, %add3A_249 : i32
        %mul3A_251 = arith.constant 40 : i32
        %mul3A_252 = arith.muli %add3A_250, %mul3A_251 : i32
        %add3A_253 = arith.addi %mul3A_2, %mul3A_252 : i32
        %dma_start3A_254 = tpu.memref_slice %arg3[%add3A_253] : memref<330240xi32, #tpu.memory_space<hbm>> -> memref<40xi32, #tpu.memory_space<hbm>>
        %dma_start3A_255 = tpu.memref_slice %arg3[%add3A_253] : memref<330240xi32, #tpu.memory_space<hbm>> -> memref<40xi32, #tpu.memory_space<hbm>>
        tpu.enqueue_dma source(%dma_start3A_255 : memref<40xi32, #tpu.memory_space<hbm>>) target(%arg10 : memref<40xi32, #tpu.memory_space<vmem>>) target_semaphore(%arg13 : memref<!tpu.dma_semaphore, #tpu.memory_space<semaphore_mem>>)
        %dma_start3A_256 = arith.constant 256 : i32
        %dma_start3A_257 = tpu.memref_slice %arg2[%add3A_253, %dma_start3A_256] : memref<330240x640xf32, #tpu.memory_space<hbm>> -> memref<40x128xf32, #tpu.memory_space<hbm>>
        %dma_start3A_258 = arith.constant 256 : i32
        %dma_start3A_259 = tpu.memref_slice %arg2[%add3A_253, %dma_start3A_258] : memref<330240x640xf32, #tpu.memory_space<hbm>> -> memref<40x128xf32, #tpu.memory_space<hbm>>
        tpu.enqueue_dma source(%dma_start3A_259 : memref<40x128xf32, #tpu.memory_space<hbm>>) target(%arg8 : memref<40x128xf32, #tpu.memory_space<vmem>>) target_semaphore(%arg14 : memref<!tpu.dma_semaphore, #tpu.memory_space<semaphore_mem>>)
      } else {
      }
    }
    %scan3A_95 = arith.constant 129 : i32
    %dma_wait3A_96 = arith.constant 0 : i32
    %dma_wait3A_97 = arith.constant 0 : i32
    %dma_wait3A_98 = tpu.memref_slice %arg7[%dma_wait3A_96, %dma_wait3A_97] : memref<10240x128xf32, #tpu.memory_space<vmem_shared>> -> memref<40x128xf32, #tpu.memory_space<vmem_shared>>
    %dma_wait3A_99 = arith.constant 0 : i32
    %dma_wait3A_100 = arith.constant 0 : i32
    %dma_wait3A_101 = tpu.memref_slice %arg7[%dma_wait3A_99, %dma_wait3A_100] : memref<10240x128xf32, #tpu.memory_space<vmem_shared>> -> memref<40x128xf32, #tpu.memory_space<vmem_shared>>
    tpu.wait_dma2 semaphore(%arg17 : memref<!tpu.dma_semaphore, #tpu.memory_space<semaphore_mem>>) src(%arg8 : memref<40x128xf32, #tpu.memory_space<vmem>>) dst(%dma_wait3A_101 : memref<40x128xf32, #tpu.memory_space<vmem_shared>>)
    %dma_wait3A_102 = arith.constant 0 : i32
    %dma_wait3A_103 = arith.constant 0 : i32
    %dma_wait3A_104 = tpu.memref_slice %arg7[%dma_wait3A_102, %dma_wait3A_103] : memref<10240x128xf32, #tpu.memory_space<vmem_shared>> -> memref<40x128xf32, #tpu.memory_space<vmem_shared>>
    %dma_wait3A_105 = arith.constant 0 : i32
    %dma_wait3A_106 = arith.constant 0 : i32
    %dma_wait3A_107 = tpu.memref_slice %arg7[%dma_wait3A_105, %dma_wait3A_106] : memref<10240x128xf32, #tpu.memory_space<vmem_shared>> -> memref<40x128xf32, #tpu.memory_space<vmem_shared>>
    tpu.wait_dma2 semaphore(%arg18 : memref<!tpu.dma_semaphore, #tpu.memory_space<semaphore_mem>>) src(%arg9 : memref<40x128xf32, #tpu.memory_space<vmem>>) dst(%dma_wait3A_107 : memref<40x128xf32, #tpu.memory_space<vmem_shared>>)
    %barrier3A_108 = arith.constant 0 : index
    tpu.barrier barrier_id(%barrier3A_108)
    %scan3A_109 = arith.constant 0 : i32
    %scan3A_110 = arith.constant 16 : i32
    %scan3A_111 = arith.addi %scan3A_109, %scan3A_110 : i32
    %scan3A_112 = arith.constant 1 : i32
    scf.for %scan3A_191 = %scan3A_109 to %scan3A_111 step %scan3A_112  : i32 {
      %mul3A_192 = arith.constant 1 : i32
      %mul3A_193 = arith.muli %scan3A_191, %mul3A_192 : i32
      %add3A_194 = arith.constant 0 : i32
      %add3A_195 = arith.addi %add3A_194, %mul3A_193 : i32
      %mul3A_196 = arith.constant 40 : i32
      %mul3A_197 = arith.muli %add3A_195, %mul3A_196 : i32
      %add3A_198 = arith.addi %mul3A_4, %mul3A_197 : i32
      "tpu.region"() ({
        %run_scoped3A = tpu.sem_alloc : memref<!tpu.dma_semaphore, #tpu.memory_space<semaphore_mem>>
        %dma_start3A_199 = tpu.memref_slice %arg4[%add3A_198] : memref<10240xi32, #tpu.memory_space<hbm>> -> memref<40xi32, #tpu.memory_space<hbm>>
        %dma_start3A_200 = tpu.memref_slice %arg4[%add3A_198] : memref<10240xi32, #tpu.memory_space<hbm>> -> memref<40xi32, #tpu.memory_space<hbm>>
        tpu.enqueue_dma source(%dma_start3A_200 : memref<40xi32, #tpu.memory_space<hbm>>) target(%arg12 : memref<40xi32, #tpu.memory_space<vmem>>) target_semaphore(%run_scoped3A : memref<!tpu.dma_semaphore, #tpu.memory_space<semaphore_mem>>)
        %dma_wait3A_201 = tpu.memref_slice %arg4[%add3A_198] : memref<10240xi32, #tpu.memory_space<hbm>> -> memref<40xi32, #tpu.memory_space<hbm>>
        %dma_wait3A_202 = tpu.memref_slice %arg4[%add3A_198] : memref<10240xi32, #tpu.memory_space<hbm>> -> memref<40xi32, #tpu.memory_space<hbm>>
        tpu.wait_dma2 semaphore(%run_scoped3A : memref<!tpu.dma_semaphore, #tpu.memory_space<semaphore_mem>>) src(%dma_wait3A_202 : memref<40xi32, #tpu.memory_space<hbm>>) dst(%arg12 : memref<40xi32, #tpu.memory_space<vmem>>)
        tpu.yield
      }) : () -> ()
      "tpu.region"() ({
        %run_scoped3A = tpu.sem_alloc : memref<!tpu.dma_semaphore, #tpu.memory_space<semaphore_mem>>
        %dma_start3A_199 = arith.constant 0 : i32
        %dma_start3A_200 = arith.constant 0 : i32
        %dma_start3A_201 = tpu.memref_slice %arg7[%dma_start3A_199, %dma_start3A_200] : memref<10240x128xf32, #tpu.memory_space<vmem_shared>> -> memref<10240x128xf32, #tpu.memory_space<vmem_shared>>
        tpu.enqueue_indirect_dma source(%dma_start3A_201 : memref<10240x128xf32, #tpu.memory_space<vmem_shared>>) target(%arg8 : memref<40x128xf32, #tpu.memory_space<vmem>>) offsets(%arg12 : memref<40xi32, #tpu.memory_space<vmem>>) semaphore(%run_scoped3A : memref<!tpu.dma_semaphore, #tpu.memory_space<semaphore_mem>>)
        %dma_wait3A_202 = arith.constant 0 : i32
        %dma_wait3A_203 = arith.constant 0 : i32
        %dma_wait3A_204 = tpu.memref_slice %arg7[%dma_wait3A_202, %dma_wait3A_203] : memref<10240x128xf32, #tpu.memory_space<vmem_shared>> -> memref<10240x128xf32, #tpu.memory_space<vmem_shared>>
        tpu.wait_indirect_dma semaphore(%run_scoped3A : memref<!tpu.dma_semaphore, #tpu.memory_space<semaphore_mem>>) src(%dma_wait3A_204 : memref<10240x128xf32, #tpu.memory_space<vmem_shared>>) dst(%arg8 : memref<40x128xf32, #tpu.memory_space<vmem>>)
        tpu.yield
      }) : () -> ()
      "tpu.region"() ({
        %run_scoped3A = tpu.sem_alloc : memref<!tpu.dma_semaphore, #tpu.memory_space<semaphore_mem>>
        %dma_start3A_199 = arith.constant 256 : i32
        %dma_start3A_200 = tpu.memref_slice %arg6[%arg0, %add3A_198, %dma_start3A_199] : memref<2x10240x640xf32, #tpu.memory_space<hbm>> -> memref<1x40x128xf32, #tpu.memory_space<hbm>>
        %dma_start3A_201 = tpu.memref_squeeze %dma_start3A_200 : memref<1x40x128xf32, #tpu.memory_space<hbm>> -> memref<40x128xf32, #tpu.memory_space<hbm>>
        %dma_start3A_202 = arith.constant 256 : i32
        %dma_start3A_203 = tpu.memref_slice %arg6[%arg0, %add3A_198, %dma_start3A_202] : memref<2x10240x640xf32, #tpu.memory_space<hbm>> -> memref<1x40x128xf32, #tpu.memory_space<hbm>>
        %dma_start3A_204 = tpu.memref_squeeze %dma_start3A_203 : memref<1x40x128xf32, #tpu.memory_space<hbm>> -> memref<40x128xf32, #tpu.memory_space<hbm>>
        tpu.enqueue_dma source(%arg8 : memref<40x128xf32, #tpu.memory_space<vmem>>) target(%dma_start3A_204 : memref<40x128xf32, #tpu.memory_space<hbm>>) target_semaphore(%run_scoped3A : memref<!tpu.dma_semaphore, #tpu.memory_space<semaphore_mem>>)
        %dma_wait3A_205 = arith.constant 256 : i32
        %dma_wait3A_206 = tpu.memref_slice %arg6[%arg0, %add3A_198, %dma_wait3A_205] : memref<2x10240x640xf32, #tpu.memory_space<hbm>> -> memref<1x40x128xf32, #tpu.memory_space<hbm>>
        %dma_wait3A_207 = tpu.memref_squeeze %dma_wait3A_206 : memref<1x40x128xf32, #tpu.memory_space<hbm>> -> memref<40x128xf32, #tpu.memory_space<hbm>>
        %dma_wait3A_208 = arith.constant 256 : i32
        %dma_wait3A_209 = tpu.memref_slice %arg6[%arg0, %add3A_198, %dma_wait3A_208] : memref<2x10240x640xf32, #tpu.memory_space<hbm>> -> memref<1x40x128xf32, #tpu.memory_space<hbm>>
        %dma_wait3A_210 = tpu.memref_squeeze %dma_wait3A_209 : memref<1x40x128xf32, #tpu.memory_space<hbm>> -> memref<40x128xf32, #tpu.memory_space<hbm>>
        tpu.wait_dma2 semaphore(%run_scoped3A : memref<!tpu.dma_semaphore, #tpu.memory_space<semaphore_mem>>) src(%arg8 : memref<40x128xf32, #tpu.memory_space<vmem>>) dst(%dma_wait3A_210 : memref<40x128xf32, #tpu.memory_space<hbm>>)
        tpu.yield
      }) : () -> ()
    }
    %scan3A_113 = arith.constant 16 : i32
    %barrier3A_114 = arith.constant 0 : index
    tpu.barrier barrier_id(%barrier3A_114)
    "tpu.region"() ({
      %run_scoped3A = tpu.sem_alloc : memref<!tpu.dma_semaphore, #tpu.memory_space<semaphore_mem>>
      tpu.enqueue_dma source(%arg5 : memref<40x128xf32, #tpu.memory_space<hbm>>) target(%arg8 : memref<40x128xf32, #tpu.memory_space<vmem>>) target_semaphore(%run_scoped3A : memref<!tpu.dma_semaphore, #tpu.memory_space<semaphore_mem>>)
      tpu.wait_dma2 semaphore(%run_scoped3A : memref<!tpu.dma_semaphore, #tpu.memory_space<semaphore_mem>>) src(%arg5 : memref<40x128xf32, #tpu.memory_space<hbm>>) dst(%arg8 : memref<40x128xf32, #tpu.memory_space<vmem>>)
      tpu.yield
    }) : () -> ()
    %scan3A_115 = arith.constant 0 : i32
    %scan3A_116 = arith.constant 16 : i32
    %scan3A_117 = arith.addi %scan3A_115, %scan3A_116 : i32
    %scan3A_118 = arith.constant 1 : i32
    scf.for %scan3A_191 = %scan3A_115 to %scan3A_117 step %scan3A_118  : i32 {
      %mul3A_192 = arith.constant 1 : i32
      %mul3A_193 = arith.muli %scan3A_191, %mul3A_192 : i32
      %add3A_194 = arith.constant 0 : i32
      %add3A_195 = arith.addi %add3A_194, %mul3A_193 : i32
      %mul3A_196 = arith.constant 40 : i32
      %mul3A_197 = arith.muli %add3A_195, %mul3A_196 : i32
      %add3A_198 = arith.addi %mul3A_4, %mul3A_197 : i32
      "tpu.region"() ({
        %run_scoped3A = tpu.sem_alloc : memref<!tpu.dma_semaphore, #tpu.memory_space<semaphore_mem>>
        %dma_start3A_199 = tpu.memref_slice %arg4[%add3A_198] : memref<10240xi32, #tpu.memory_space<hbm>> -> memref<40xi32, #tpu.memory_space<hbm>>
        %dma_start3A_200 = tpu.memref_slice %arg4[%add3A_198] : memref<10240xi32, #tpu.memory_space<hbm>> -> memref<40xi32, #tpu.memory_space<hbm>>
        tpu.enqueue_dma source(%dma_start3A_200 : memref<40xi32, #tpu.memory_space<hbm>>) target(%arg12 : memref<40xi32, #tpu.memory_space<vmem>>) target_semaphore(%run_scoped3A : memref<!tpu.dma_semaphore, #tpu.memory_space<semaphore_mem>>)
        %dma_wait3A_201 = tpu.memref_slice %arg4[%add3A_198] : memref<10240xi32, #tpu.memory_space<hbm>> -> memref<40xi32, #tpu.memory_space<hbm>>
        %dma_wait3A_202 = tpu.memref_slice %arg4[%add3A_198] : memref<10240xi32, #tpu.memory_space<hbm>> -> memref<40xi32, #tpu.memory_space<hbm>>
        tpu.wait_dma2 semaphore(%run_scoped3A : memref<!tpu.dma_semaphore, #tpu.memory_space<semaphore_mem>>) src(%dma_wait3A_202 : memref<40xi32, #tpu.memory_space<hbm>>) dst(%arg12 : memref<40xi32, #tpu.memory_space<vmem>>)
        tpu.yield
      }) : () -> ()
      "tpu.region"() ({
        %run_scoped3A = tpu.sem_alloc : memref<!tpu.dma_semaphore, #tpu.memory_space<semaphore_mem>>
        %dma_start3A_199 = arith.constant 0 : i32
        %dma_start3A_200 = arith.constant 0 : i32
        %dma_start3A_201 = tpu.memref_slice %arg7[%dma_start3A_199, %dma_start3A_200] : memref<10240x128xf32, #tpu.memory_space<vmem_shared>> -> memref<10240x128xf32, #tpu.memory_space<vmem_shared>>
        tpu.enqueue_indirect_dma source(%arg8 : memref<40x128xf32, #tpu.memory_space<vmem>>) target(%dma_start3A_201 : memref<10240x128xf32, #tpu.memory_space<vmem_shared>>) offsets(%arg12 : memref<40xi32, #tpu.memory_space<vmem>>) semaphore(%run_scoped3A : memref<!tpu.dma_semaphore, #tpu.memory_space<semaphore_mem>>)
        %dma_wait3A_202 = arith.constant 0 : i32
        %dma_wait3A_203 = arith.constant 0 : i32
        %dma_wait3A_204 = tpu.memref_slice %arg7[%dma_wait3A_202, %dma_wait3A_203] : memref<10240x128xf32, #tpu.memory_space<vmem_shared>> -> memref<10240x128xf32, #tpu.memory_space<vmem_shared>>
        tpu.wait_indirect_dma semaphore(%run_scoped3A : memref<!tpu.dma_semaphore, #tpu.memory_space<semaphore_mem>>) src(%arg8 : memref<40x128xf32, #tpu.memory_space<vmem>>) dst(%dma_wait3A_204 : memref<10240x128xf32, #tpu.memory_space<vmem_shared>>)
        tpu.yield
      }) : () -> ()
    }
    %scan3A_119 = arith.constant 16 : i32
    %barrier3A_120 = arith.constant 0 : index
    tpu.barrier barrier_id(%barrier3A_120)
    %add3A_121 = arith.constant 0 : i32
    %add3A_122 = arith.addi %mul3A_2, %add3A_121 : i32
    %dma_start3A_123 = tpu.memref_slice %arg3[%add3A_122] : memref<330240xi32, #tpu.memory_space<hbm>> -> memref<40xi32, #tpu.memory_space<hbm>>
    %dma_start3A_124 = tpu.memref_slice %arg3[%add3A_122] : memref<330240xi32, #tpu.memory_space<hbm>> -> memref<40xi32, #tpu.memory_space<hbm>>
    tpu.enqueue_dma source(%dma_start3A_124 : memref<40xi32, #tpu.memory_space<hbm>>) target(%arg10 : memref<40xi32, #tpu.memory_space<vmem>>) target_semaphore(%arg13 : memref<!tpu.dma_semaphore, #tpu.memory_space<semaphore_mem>>)
    %dma_start3A_125 = arith.constant 384 : i32
    %dma_start3A_126 = tpu.memref_slice %arg2[%add3A_122, %dma_start3A_125] : memref<330240x640xf32, #tpu.memory_space<hbm>> -> memref<40x128xf32, #tpu.memory_space<hbm>>
    %dma_start3A_127 = arith.constant 384 : i32
    %dma_start3A_128 = tpu.memref_slice %arg2[%add3A_122, %dma_start3A_127] : memref<330240x640xf32, #tpu.memory_space<hbm>> -> memref<40x128xf32, #tpu.memory_space<hbm>>
    tpu.enqueue_dma source(%dma_start3A_128 : memref<40x128xf32, #tpu.memory_space<hbm>>) target(%arg8 : memref<40x128xf32, #tpu.memory_space<vmem>>) target_semaphore(%arg14 : memref<!tpu.dma_semaphore, #tpu.memory_space<semaphore_mem>>)
    %scan3A_129 = arith.constant 0 : i32
    %scan3A_130 = arith.constant 129 : i32
    %scan3A_131 = arith.addi %scan3A_129, %scan3A_130 : i32
    %scan3A_132 = arith.constant 1 : i32
    scf.for %scan3A_191 = %scan3A_129 to %scan3A_131 step %scan3A_132  : i32 {
      %mul3A_192 = arith.constant 1 : i32
      %mul3A_193 = arith.muli %scan3A_191, %mul3A_192 : i32
      %add3A_194 = arith.constant 0 : i32
      %add3A_195 = arith.addi %add3A_194, %mul3A_193 : i32
      %dma_wait3A_196 = arith.constant 0 : i32
      %dma_wait3A_197 = tpu.memref_slice %arg3[%dma_wait3A_196] : memref<330240xi32, #tpu.memory_space<hbm>> -> memref<40xi32, #tpu.memory_space<hbm>>
      %dma_wait3A_198 = arith.constant 0 : i32
      %dma_wait3A_199 = tpu.memref_slice %arg3[%dma_wait3A_198] : memref<330240xi32, #tpu.memory_space<hbm>> -> memref<40xi32, #tpu.memory_space<hbm>>
      tpu.wait_dma2 semaphore(%arg13 : memref<!tpu.dma_semaphore, #tpu.memory_space<semaphore_mem>>) src(%dma_wait3A_199 : memref<40xi32, #tpu.memory_space<hbm>>) dst(%arg10 : memref<40xi32, #tpu.memory_space<vmem>>)
      %dma_wait3A_200 = arith.constant 0 : i32
      %dma_wait3A_201 = arith.constant 0 : i32
      %dma_wait3A_202 = tpu.memref_slice %arg2[%dma_wait3A_200, %dma_wait3A_201] : memref<330240x640xf32, #tpu.memory_space<hbm>> -> memref<40x128xf32, #tpu.memory_space<hbm>>
      %dma_wait3A_203 = arith.constant 0 : i32
      %dma_wait3A_204 = arith.constant 0 : i32
      %dma_wait3A_205 = tpu.memref_slice %arg2[%dma_wait3A_203, %dma_wait3A_204] : memref<330240x640xf32, #tpu.memory_space<hbm>> -> memref<40x128xf32, #tpu.memory_space<hbm>>
      tpu.wait_dma2 semaphore(%arg14 : memref<!tpu.dma_semaphore, #tpu.memory_space<semaphore_mem>>) src(%dma_wait3A_205 : memref<40x128xf32, #tpu.memory_space<hbm>>) dst(%arg8 : memref<40x128xf32, #tpu.memory_space<vmem>>)
      %dma_start3A_206 = arith.constant 0 : i32
      %dma_start3A_207 = arith.constant 0 : i32
      %dma_start3A_208 = tpu.memref_slice %arg7[%dma_start3A_206, %dma_start3A_207] : memref<10240x128xf32, #tpu.memory_space<vmem_shared>> -> memref<10240x128xf32, #tpu.memory_space<vmem_shared>>
      tpu.enqueue_indirect_dma source(%arg8 : memref<40x128xf32, #tpu.memory_space<vmem>>) target(%dma_start3A_208 : memref<10240x128xf32, #tpu.memory_space<vmem_shared>>) offsets(%arg10 : memref<40xi32, #tpu.memory_space<vmem>>) semaphore(%arg17 : memref<!tpu.dma_semaphore, #tpu.memory_space<semaphore_mem>>) {add = true}
      %gt3A = arith.constant 0 : i32
      %gt3A_209 = arith.cmpi sgt, %add3A_195, %gt3A : i32
      %convert_element_type3A = arith.extui %gt3A_209 : i1 to i32
      %cond3A = arith.constant 0 : i32
      %cond3A_210 = arith.cmpi ne, %convert_element_type3A, %cond3A : i32
      scf.if %cond3A_210 {
        %dma_wait3A_241 = arith.constant 0 : i32
        %dma_wait3A_242 = arith.constant 0 : i32
        %dma_wait3A_243 = tpu.memref_slice %arg7[%dma_wait3A_241, %dma_wait3A_242] : memref<10240x128xf32, #tpu.memory_space<vmem_shared>> -> memref<40x128xf32, #tpu.memory_space<vmem_shared>>
        %dma_wait3A_244 = arith.constant 0 : i32
        %dma_wait3A_245 = arith.constant 0 : i32
        %dma_wait3A_246 = tpu.memref_slice %arg7[%dma_wait3A_244, %dma_wait3A_245] : memref<10240x128xf32, #tpu.memory_space<vmem_shared>> -> memref<40x128xf32, #tpu.memory_space<vmem_shared>>
        tpu.wait_dma2 semaphore(%arg18 : memref<!tpu.dma_semaphore, #tpu.memory_space<semaphore_mem>>) src(%arg9 : memref<40x128xf32, #tpu.memory_space<vmem>>) dst(%dma_wait3A_246 : memref<40x128xf32, #tpu.memory_space<vmem_shared>>)
      } else {
      }
      %mul3A_211 = arith.constant 2 : i32
      %mul3A_212 = arith.muli %mul3A_211, %add3A_195 : i32
      %add3A_213 = arith.constant 1 : i32
      %add3A_214 = arith.addi %mul3A_212, %add3A_213 : i32
      %mul3A_215 = arith.constant 40 : i32
      %mul3A_216 = arith.muli %add3A_214, %mul3A_215 : i32
      %add3A_217 = arith.addi %mul3A_2, %mul3A_216 : i32
      %dma_start3A_218 = tpu.memref_slice %arg3[%add3A_217] : memref<330240xi32, #tpu.memory_space<hbm>> -> memref<40xi32, #tpu.memory_space<hbm>>
      %dma_start3A_219 = tpu.memref_slice %arg3[%add3A_217] : memref<330240xi32, #tpu.memory_space<hbm>> -> memref<40xi32, #tpu.memory_space<hbm>>
      tpu.enqueue_dma source(%dma_start3A_219 : memref<40xi32, #tpu.memory_space<hbm>>) target(%arg11 : memref<40xi32, #tpu.memory_space<vmem>>) target_semaphore(%arg15 : memref<!tpu.dma_semaphore, #tpu.memory_space<semaphore_mem>>)
      %dma_start3A_220 = arith.constant 384 : i32
      %dma_start3A_221 = tpu.memref_slice %arg2[%add3A_217, %dma_start3A_220] : memref<330240x640xf32, #tpu.memory_space<hbm>> -> memref<40x128xf32, #tpu.memory_space<hbm>>
      %dma_start3A_222 = arith.constant 384 : i32
      %dma_start3A_223 = tpu.memref_slice %arg2[%add3A_217, %dma_start3A_222] : memref<330240x640xf32, #tpu.memory_space<hbm>> -> memref<40x128xf32, #tpu.memory_space<hbm>>
      tpu.enqueue_dma source(%dma_start3A_223 : memref<40x128xf32, #tpu.memory_space<hbm>>) target(%arg9 : memref<40x128xf32, #tpu.memory_space<vmem>>) target_semaphore(%arg16 : memref<!tpu.dma_semaphore, #tpu.memory_space<semaphore_mem>>)
      %dma_wait3A_224 = arith.constant 0 : i32
      %dma_wait3A_225 = tpu.memref_slice %arg3[%dma_wait3A_224] : memref<330240xi32, #tpu.memory_space<hbm>> -> memref<40xi32, #tpu.memory_space<hbm>>
      %dma_wait3A_226 = arith.constant 0 : i32
      %dma_wait3A_227 = tpu.memref_slice %arg3[%dma_wait3A_226] : memref<330240xi32, #tpu.memory_space<hbm>> -> memref<40xi32, #tpu.memory_space<hbm>>
      tpu.wait_dma2 semaphore(%arg15 : memref<!tpu.dma_semaphore, #tpu.memory_space<semaphore_mem>>) src(%dma_wait3A_227 : memref<40xi32, #tpu.memory_space<hbm>>) dst(%arg11 : memref<40xi32, #tpu.memory_space<vmem>>)
      %dma_wait3A_228 = arith.constant 0 : i32
      %dma_wait3A_229 = arith.constant 0 : i32
      %dma_wait3A_230 = tpu.memref_slice %arg2[%dma_wait3A_228, %dma_wait3A_229] : memref<330240x640xf32, #tpu.memory_space<hbm>> -> memref<40x128xf32, #tpu.memory_space<hbm>>
      %dma_wait3A_231 = arith.constant 0 : i32
      %dma_wait3A_232 = arith.constant 0 : i32
      %dma_wait3A_233 = tpu.memref_slice %arg2[%dma_wait3A_231, %dma_wait3A_232] : memref<330240x640xf32, #tpu.memory_space<hbm>> -> memref<40x128xf32, #tpu.memory_space<hbm>>
      tpu.wait_dma2 semaphore(%arg16 : memref<!tpu.dma_semaphore, #tpu.memory_space<semaphore_mem>>) src(%dma_wait3A_233 : memref<40x128xf32, #tpu.memory_space<hbm>>) dst(%arg9 : memref<40x128xf32, #tpu.memory_space<vmem>>)
      %dma_start3A_234 = arith.constant 0 : i32
      %dma_start3A_235 = arith.constant 0 : i32
      %dma_start3A_236 = tpu.memref_slice %arg7[%dma_start3A_234, %dma_start3A_235] : memref<10240x128xf32, #tpu.memory_space<vmem_shared>> -> memref<10240x128xf32, #tpu.memory_space<vmem_shared>>
      tpu.enqueue_indirect_dma source(%arg9 : memref<40x128xf32, #tpu.memory_space<vmem>>) target(%dma_start3A_236 : memref<10240x128xf32, #tpu.memory_space<vmem_shared>>) offsets(%arg11 : memref<40xi32, #tpu.memory_space<vmem>>) semaphore(%arg18 : memref<!tpu.dma_semaphore, #tpu.memory_space<semaphore_mem>>) {add = true}
      %lt3A = arith.constant 128 : i32
      %lt3A_237 = arith.cmpi slt, %add3A_195, %lt3A : i32
      %convert_element_type3A_238 = arith.extui %lt3A_237 : i1 to i32
      %cond3A_239 = arith.constant 0 : i32
      %cond3A_240 = arith.cmpi ne, %convert_element_type3A_238, %cond3A_239 : i32
      scf.if %cond3A_240 {
        %dma_wait3A_241 = arith.constant 0 : i32
        %dma_wait3A_242 = arith.constant 0 : i32
        %dma_wait3A_243 = tpu.memref_slice %arg7[%dma_wait3A_241, %dma_wait3A_242] : memref<10240x128xf32, #tpu.memory_space<vmem_shared>> -> memref<40x128xf32, #tpu.memory_space<vmem_shared>>
        %dma_wait3A_244 = arith.constant 0 : i32
        %dma_wait3A_245 = arith.constant 0 : i32
        %dma_wait3A_246 = tpu.memref_slice %arg7[%dma_wait3A_244, %dma_wait3A_245] : memref<10240x128xf32, #tpu.memory_space<vmem_shared>> -> memref<40x128xf32, #tpu.memory_space<vmem_shared>>
        tpu.wait_dma2 semaphore(%arg17 : memref<!tpu.dma_semaphore, #tpu.memory_space<semaphore_mem>>) src(%arg8 : memref<40x128xf32, #tpu.memory_space<vmem>>) dst(%dma_wait3A_246 : memref<40x128xf32, #tpu.memory_space<vmem_shared>>)
        %mul3A_247 = arith.constant 2 : i32
        %mul3A_248 = arith.muli %mul3A_247, %add3A_195 : i32
        %add3A_249 = arith.constant 2 : i32
        %add3A_250 = arith.addi %mul3A_248, %add3A_249 : i32
        %mul3A_251 = arith.constant 40 : i32
        %mul3A_252 = arith.muli %add3A_250, %mul3A_251 : i32
        %add3A_253 = arith.addi %mul3A_2, %mul3A_252 : i32
        %dma_start3A_254 = tpu.memref_slice %arg3[%add3A_253] : memref<330240xi32, #tpu.memory_space<hbm>> -> memref<40xi32, #tpu.memory_space<hbm>>
        %dma_start3A_255 = tpu.memref_slice %arg3[%add3A_253] : memref<330240xi32, #tpu.memory_space<hbm>> -> memref<40xi32, #tpu.memory_space<hbm>>
        tpu.enqueue_dma source(%dma_start3A_255 : memref<40xi32, #tpu.memory_space<hbm>>) target(%arg10 : memref<40xi32, #tpu.memory_space<vmem>>) target_semaphore(%arg13 : memref<!tpu.dma_semaphore, #tpu.memory_space<semaphore_mem>>)
        %dma_start3A_256 = arith.constant 384 : i32
        %dma_start3A_257 = tpu.memref_slice %arg2[%add3A_253, %dma_start3A_256] : memref<330240x640xf32, #tpu.memory_space<hbm>> -> memref<40x128xf32, #tpu.memory_space<hbm>>
        %dma_start3A_258 = arith.constant 384 : i32
        %dma_start3A_259 = tpu.memref_slice %arg2[%add3A_253, %dma_start3A_258] : memref<330240x640xf32, #tpu.memory_space<hbm>> -> memref<40x128xf32, #tpu.memory_space<hbm>>
        tpu.enqueue_dma source(%dma_start3A_259 : memref<40x128xf32, #tpu.memory_space<hbm>>) target(%arg8 : memref<40x128xf32, #tpu.memory_space<vmem>>) target_semaphore(%arg14 : memref<!tpu.dma_semaphore, #tpu.memory_space<semaphore_mem>>)
      } else {
      }
    }
    %scan3A_133 = arith.constant 129 : i32
    %dma_wait3A_134 = arith.constant 0 : i32
    %dma_wait3A_135 = arith.constant 0 : i32
    %dma_wait3A_136 = tpu.memref_slice %arg7[%dma_wait3A_134, %dma_wait3A_135] : memref<10240x128xf32, #tpu.memory_space<vmem_shared>> -> memref<40x128xf32, #tpu.memory_space<vmem_shared>>
    %dma_wait3A_137 = arith.constant 0 : i32
    %dma_wait3A_138 = arith.constant 0 : i32
    %dma_wait3A_139 = tpu.memref_slice %arg7[%dma_wait3A_137, %dma_wait3A_138] : memref<10240x128xf32, #tpu.memory_space<vmem_shared>> -> memref<40x128xf32, #tpu.memory_space<vmem_shared>>
    tpu.wait_dma2 semaphore(%arg17 : memref<!tpu.dma_semaphore, #tpu.memory_space<semaphore_mem>>) src(%arg8 : memref<40x128xf32, #tpu.memory_space<vmem>>) dst(%dma_wait3A_139 : memref<40x128xf32, #tpu.memory_space<vmem_shared>>)
    %dma_wait3A_140 = arith.constant 0 : i32
    %dma_wait3A_141 = arith.constant 0 : i32
    %dma_wait3A_142 = tpu.memref_slice %arg7[%dma_wait3A_140, %dma_wait3A_141] : memref<10240x128xf32, #tpu.memory_space<vmem_shared>> -> memref<40x128xf32, #tpu.memory_space<vmem_shared>>
    %dma_wait3A_143 = arith.constant 0 : i32
    %dma_wait3A_144 = arith.constant 0 : i32
    %dma_wait3A_145 = tpu.memref_slice %arg7[%dma_wait3A_143, %dma_wait3A_144] : memref<10240x128xf32, #tpu.memory_space<vmem_shared>> -> memref<40x128xf32, #tpu.memory_space<vmem_shared>>
    tpu.wait_dma2 semaphore(%arg18 : memref<!tpu.dma_semaphore, #tpu.memory_space<semaphore_mem>>) src(%arg9 : memref<40x128xf32, #tpu.memory_space<vmem>>) dst(%dma_wait3A_145 : memref<40x128xf32, #tpu.memory_space<vmem_shared>>)
    %barrier3A_146 = arith.constant 0 : index
    tpu.barrier barrier_id(%barrier3A_146)
    %scan3A_147 = arith.constant 0 : i32
    %scan3A_148 = arith.constant 16 : i32
    %scan3A_149 = arith.addi %scan3A_147, %scan3A_148 : i32
    %scan3A_150 = arith.constant 1 : i32
    scf.for %scan3A_191 = %scan3A_147 to %scan3A_149 step %scan3A_150  : i32 {
      %mul3A_192 = arith.constant 1 : i32
      %mul3A_193 = arith.muli %scan3A_191, %mul3A_192 : i32
      %add3A_194 = arith.constant 0 : i32
      %add3A_195 = arith.addi %add3A_194, %mul3A_193 : i32
      %mul3A_196 = arith.constant 40 : i32
      %mul3A_197 = arith.muli %add3A_195, %mul3A_196 : i32
      %add3A_198 = arith.addi %mul3A_4, %mul3A_197 : i32
      "tpu.region"() ({
        %run_scoped3A = tpu.sem_alloc : memref<!tpu.dma_semaphore, #tpu.memory_space<semaphore_mem>>
        %dma_start3A_199 = tpu.memref_slice %arg4[%add3A_198] : memref<10240xi32, #tpu.memory_space<hbm>> -> memref<40xi32, #tpu.memory_space<hbm>>
        %dma_start3A_200 = tpu.memref_slice %arg4[%add3A_198] : memref<10240xi32, #tpu.memory_space<hbm>> -> memref<40xi32, #tpu.memory_space<hbm>>
        tpu.enqueue_dma source(%dma_start3A_200 : memref<40xi32, #tpu.memory_space<hbm>>) target(%arg12 : memref<40xi32, #tpu.memory_space<vmem>>) target_semaphore(%run_scoped3A : memref<!tpu.dma_semaphore, #tpu.memory_space<semaphore_mem>>)
        %dma_wait3A_201 = tpu.memref_slice %arg4[%add3A_198] : memref<10240xi32, #tpu.memory_space<hbm>> -> memref<40xi32, #tpu.memory_space<hbm>>
        %dma_wait3A_202 = tpu.memref_slice %arg4[%add3A_198] : memref<10240xi32, #tpu.memory_space<hbm>> -> memref<40xi32, #tpu.memory_space<hbm>>
        tpu.wait_dma2 semaphore(%run_scoped3A : memref<!tpu.dma_semaphore, #tpu.memory_space<semaphore_mem>>) src(%dma_wait3A_202 : memref<40xi32, #tpu.memory_space<hbm>>) dst(%arg12 : memref<40xi32, #tpu.memory_space<vmem>>)
        tpu.yield
      }) : () -> ()
      "tpu.region"() ({
        %run_scoped3A = tpu.sem_alloc : memref<!tpu.dma_semaphore, #tpu.memory_space<semaphore_mem>>
        %dma_start3A_199 = arith.constant 0 : i32
        %dma_start3A_200 = arith.constant 0 : i32
        %dma_start3A_201 = tpu.memref_slice %arg7[%dma_start3A_199, %dma_start3A_200] : memref<10240x128xf32, #tpu.memory_space<vmem_shared>> -> memref<10240x128xf32, #tpu.memory_space<vmem_shared>>
        tpu.enqueue_indirect_dma source(%dma_start3A_201 : memref<10240x128xf32, #tpu.memory_space<vmem_shared>>) target(%arg8 : memref<40x128xf32, #tpu.memory_space<vmem>>) offsets(%arg12 : memref<40xi32, #tpu.memory_space<vmem>>) semaphore(%run_scoped3A : memref<!tpu.dma_semaphore, #tpu.memory_space<semaphore_mem>>)
        %dma_wait3A_202 = arith.constant 0 : i32
        %dma_wait3A_203 = arith.constant 0 : i32
        %dma_wait3A_204 = tpu.memref_slice %arg7[%dma_wait3A_202, %dma_wait3A_203] : memref<10240x128xf32, #tpu.memory_space<vmem_shared>> -> memref<10240x128xf32, #tpu.memory_space<vmem_shared>>
        tpu.wait_indirect_dma semaphore(%run_scoped3A : memref<!tpu.dma_semaphore, #tpu.memory_space<semaphore_mem>>) src(%dma_wait3A_204 : memref<10240x128xf32, #tpu.memory_space<vmem_shared>>) dst(%arg8 : memref<40x128xf32, #tpu.memory_space<vmem>>)
        tpu.yield
      }) : () -> ()
      "tpu.region"() ({
        %run_scoped3A = tpu.sem_alloc : memref<!tpu.dma_semaphore, #tpu.memory_space<semaphore_mem>>
        %dma_start3A_199 = arith.constant 384 : i32
        %dma_start3A_200 = tpu.memref_slice %arg6[%arg0, %add3A_198, %dma_start3A_199] : memref<2x10240x640xf32, #tpu.memory_space<hbm>> -> memref<1x40x128xf32, #tpu.memory_space<hbm>>
        %dma_start3A_201 = tpu.memref_squeeze %dma_start3A_200 : memref<1x40x128xf32, #tpu.memory_space<hbm>> -> memref<40x128xf32, #tpu.memory_space<hbm>>
        %dma_start3A_202 = arith.constant 384 : i32
        %dma_start3A_203 = tpu.memref_slice %arg6[%arg0, %add3A_198, %dma_start3A_202] : memref<2x10240x640xf32, #tpu.memory_space<hbm>> -> memref<1x40x128xf32, #tpu.memory_space<hbm>>
        %dma_start3A_204 = tpu.memref_squeeze %dma_start3A_203 : memref<1x40x128xf32, #tpu.memory_space<hbm>> -> memref<40x128xf32, #tpu.memory_space<hbm>>
        tpu.enqueue_dma source(%arg8 : memref<40x128xf32, #tpu.memory_space<vmem>>) target(%dma_start3A_204 : memref<40x128xf32, #tpu.memory_space<hbm>>) target_semaphore(%run_scoped3A : memref<!tpu.dma_semaphore, #tpu.memory_space<semaphore_mem>>)
        %dma_wait3A_205 = arith.constant 384 : i32
        %dma_wait3A_206 = tpu.memref_slice %arg6[%arg0, %add3A_198, %dma_wait3A_205] : memref<2x10240x640xf32, #tpu.memory_space<hbm>> -> memref<1x40x128xf32, #tpu.memory_space<hbm>>
        %dma_wait3A_207 = tpu.memref_squeeze %dma_wait3A_206 : memref<1x40x128xf32, #tpu.memory_space<hbm>> -> memref<40x128xf32, #tpu.memory_space<hbm>>
        %dma_wait3A_208 = arith.constant 384 : i32
        %dma_wait3A_209 = tpu.memref_slice %arg6[%arg0, %add3A_198, %dma_wait3A_208] : memref<2x10240x640xf32, #tpu.memory_space<hbm>> -> memref<1x40x128xf32, #tpu.memory_space<hbm>>
        %dma_wait3A_210 = tpu.memref_squeeze %dma_wait3A_209 : memref<1x40x128xf32, #tpu.memory_space<hbm>> -> memref<40x128xf32, #tpu.memory_space<hbm>>
        tpu.wait_dma2 semaphore(%run_scoped3A : memref<!tpu.dma_semaphore, #tpu.memory_space<semaphore_mem>>) src(%arg8 : memref<40x128xf32, #tpu.memory_space<vmem>>) dst(%dma_wait3A_210 : memref<40x128xf32, #tpu.memory_space<hbm>>)
        tpu.yield
      }) : () -> ()
    }
    %scan3A_151 = arith.constant 16 : i32
    %barrier3A_152 = arith.constant 0 : index
    tpu.barrier barrier_id(%barrier3A_152)
    "tpu.region"() ({
      %run_scoped3A = tpu.sem_alloc : memref<!tpu.dma_semaphore, #tpu.memory_space<semaphore_mem>>
      tpu.enqueue_dma source(%arg5 : memref<40x128xf32, #tpu.memory_space<hbm>>) target(%arg8 : memref<40x128xf32, #tpu.memory_space<vmem>>) target_semaphore(%run_scoped3A : memref<!tpu.dma_semaphore, #tpu.memory_space<semaphore_mem>>)
      tpu.wait_dma2 semaphore(%run_scoped3A : memref<!tpu.dma_semaphore, #tpu.memory_space<semaphore_mem>>) src(%arg5 : memref<40x128xf32, #tpu.memory_space<hbm>>) dst(%arg8 : memref<40x128xf32, #tpu.memory_space<vmem>>)
      tpu.yield
    }) : () -> ()
    %scan3A_153 = arith.constant 0 : i32
    %scan3A_154 = arith.constant 16 : i32
    %scan3A_155 = arith.addi %scan3A_153, %scan3A_154 : i32
    %scan3A_156 = arith.constant 1 : i32
    scf.for %scan3A_191 = %scan3A_153 to %scan3A_155 step %scan3A_156  : i32 {
      %mul3A_192 = arith.constant 1 : i32
      %mul3A_193 = arith.muli %scan3A_191, %mul3A_192 : i32
      %add3A_194 = arith.constant 0 : i32
      %add3A_195 = arith.addi %add3A_194, %mul3A_193 : i32
      %mul3A_196 = arith.constant 40 : i32
      %mul3A_197 = arith.muli %add3A_195, %mul3A_196 : i32
      %add3A_198 = arith.addi %mul3A_4, %mul3A_197 : i32
      "tpu.region"() ({
        %run_scoped3A = tpu.sem_alloc : memref<!tpu.dma_semaphore, #tpu.memory_space<semaphore_mem>>
        %dma_start3A_199 = tpu.memref_slice %arg4[%add3A_198] : memref<10240xi32, #tpu.memory_space<hbm>> -> memref<40xi32, #tpu.memory_space<hbm>>
        %dma_start3A_200 = tpu.memref_slice %arg4[%add3A_198] : memref<10240xi32, #tpu.memory_space<hbm>> -> memref<40xi32, #tpu.memory_space<hbm>>
        tpu.enqueue_dma source(%dma_start3A_200 : memref<40xi32, #tpu.memory_space<hbm>>) target(%arg12 : memref<40xi32, #tpu.memory_space<vmem>>) target_semaphore(%run_scoped3A : memref<!tpu.dma_semaphore, #tpu.memory_space<semaphore_mem>>)
        %dma_wait3A_201 = tpu.memref_slice %arg4[%add3A_198] : memref<10240xi32, #tpu.memory_space<hbm>> -> memref<40xi32, #tpu.memory_space<hbm>>
        %dma_wait3A_202 = tpu.memref_slice %arg4[%add3A_198] : memref<10240xi32, #tpu.memory_space<hbm>> -> memref<40xi32, #tpu.memory_space<hbm>>
        tpu.wait_dma2 semaphore(%run_scoped3A : memref<!tpu.dma_semaphore, #tpu.memory_space<semaphore_mem>>) src(%dma_wait3A_202 : memref<40xi32, #tpu.memory_space<hbm>>) dst(%arg12 : memref<40xi32, #tpu.memory_space<vmem>>)
        tpu.yield
      }) : () -> ()
      "tpu.region"() ({
        %run_scoped3A = tpu.sem_alloc : memref<!tpu.dma_semaphore, #tpu.memory_space<semaphore_mem>>
        %dma_start3A_199 = arith.constant 0 : i32
        %dma_start3A_200 = arith.constant 0 : i32
        %dma_start3A_201 = tpu.memref_slice %arg7[%dma_start3A_199, %dma_start3A_200] : memref<10240x128xf32, #tpu.memory_space<vmem_shared>> -> memref<10240x128xf32, #tpu.memory_space<vmem_shared>>
        tpu.enqueue_indirect_dma source(%arg8 : memref<40x128xf32, #tpu.memory_space<vmem>>) target(%dma_start3A_201 : memref<10240x128xf32, #tpu.memory_space<vmem_shared>>) offsets(%arg12 : memref<40xi32, #tpu.memory_space<vmem>>) semaphore(%run_scoped3A : memref<!tpu.dma_semaphore, #tpu.memory_space<semaphore_mem>>)
        %dma_wait3A_202 = arith.constant 0 : i32
        %dma_wait3A_203 = arith.constant 0 : i32
        %dma_wait3A_204 = tpu.memref_slice %arg7[%dma_wait3A_202, %dma_wait3A_203] : memref<10240x128xf32, #tpu.memory_space<vmem_shared>> -> memref<10240x128xf32, #tpu.memory_space<vmem_shared>>
        tpu.wait_indirect_dma semaphore(%run_scoped3A : memref<!tpu.dma_semaphore, #tpu.memory_space<semaphore_mem>>) src(%arg8 : memref<40x128xf32, #tpu.memory_space<vmem>>) dst(%dma_wait3A_204 : memref<10240x128xf32, #tpu.memory_space<vmem_shared>>)
        tpu.yield
      }) : () -> ()
    }
    %scan3A_157 = arith.constant 16 : i32
    %barrier3A_158 = arith.constant 0 : index
    tpu.barrier barrier_id(%barrier3A_158)
    %add3A_159 = arith.constant 0 : i32
    %add3A_160 = arith.addi %mul3A_2, %add3A_159 : i32
    %dma_start3A_161 = tpu.memref_slice %arg3[%add3A_160] : memref<330240xi32, #tpu.memory_space<hbm>> -> memref<40xi32, #tpu.memory_space<hbm>>
    %dma_start3A_162 = tpu.memref_slice %arg3[%add3A_160] : memref<330240xi32, #tpu.memory_space<hbm>> -> memref<40xi32, #tpu.memory_space<hbm>>
    tpu.enqueue_dma source(%dma_start3A_162 : memref<40xi32, #tpu.memory_space<hbm>>) target(%arg10 : memref<40xi32, #tpu.memory_space<vmem>>) target_semaphore(%arg13 : memref<!tpu.dma_semaphore, #tpu.memory_space<semaphore_mem>>)
    %dma_start3A_163 = arith.constant 512 : i32
    %dma_start3A_164 = tpu.memref_slice %arg2[%add3A_160, %dma_start3A_163] : memref<330240x640xf32, #tpu.memory_space<hbm>> -> memref<40x128xf32, #tpu.memory_space<hbm>>
    %dma_start3A_165 = arith.constant 512 : i32
    %dma_start3A_166 = tpu.memref_slice %arg2[%add3A_160, %dma_start3A_165] : memref<330240x640xf32, #tpu.memory_space<hbm>> -> memref<40x128xf32, #tpu.memory_space<hbm>>
    tpu.enqueue_dma source(%dma_start3A_166 : memref<40x128xf32, #tpu.memory_space<hbm>>) target(%arg8 : memref<40x128xf32, #tpu.memory_space<vmem>>) target_semaphore(%arg14 : memref<!tpu.dma_semaphore, #tpu.memory_space<semaphore_mem>>)
    %scan3A_167 = arith.constant 0 : i32
    %scan3A_168 = arith.constant 129 : i32
    %scan3A_169 = arith.addi %scan3A_167, %scan3A_168 : i32
    %scan3A_170 = arith.constant 1 : i32
    scf.for %scan3A_191 = %scan3A_167 to %scan3A_169 step %scan3A_170  : i32 {
      %mul3A_192 = arith.constant 1 : i32
      %mul3A_193 = arith.muli %scan3A_191, %mul3A_192 : i32
      %add3A_194 = arith.constant 0 : i32
      %add3A_195 = arith.addi %add3A_194, %mul3A_193 : i32
      %dma_wait3A_196 = arith.constant 0 : i32
      %dma_wait3A_197 = tpu.memref_slice %arg3[%dma_wait3A_196] : memref<330240xi32, #tpu.memory_space<hbm>> -> memref<40xi32, #tpu.memory_space<hbm>>
      %dma_wait3A_198 = arith.constant 0 : i32
      %dma_wait3A_199 = tpu.memref_slice %arg3[%dma_wait3A_198] : memref<330240xi32, #tpu.memory_space<hbm>> -> memref<40xi32, #tpu.memory_space<hbm>>
      tpu.wait_dma2 semaphore(%arg13 : memref<!tpu.dma_semaphore, #tpu.memory_space<semaphore_mem>>) src(%dma_wait3A_199 : memref<40xi32, #tpu.memory_space<hbm>>) dst(%arg10 : memref<40xi32, #tpu.memory_space<vmem>>)
      %dma_wait3A_200 = arith.constant 0 : i32
      %dma_wait3A_201 = arith.constant 0 : i32
      %dma_wait3A_202 = tpu.memref_slice %arg2[%dma_wait3A_200, %dma_wait3A_201] : memref<330240x640xf32, #tpu.memory_space<hbm>> -> memref<40x128xf32, #tpu.memory_space<hbm>>
      %dma_wait3A_203 = arith.constant 0 : i32
      %dma_wait3A_204 = arith.constant 0 : i32
      %dma_wait3A_205 = tpu.memref_slice %arg2[%dma_wait3A_203, %dma_wait3A_204] : memref<330240x640xf32, #tpu.memory_space<hbm>> -> memref<40x128xf32, #tpu.memory_space<hbm>>
      tpu.wait_dma2 semaphore(%arg14 : memref<!tpu.dma_semaphore, #tpu.memory_space<semaphore_mem>>) src(%dma_wait3A_205 : memref<40x128xf32, #tpu.memory_space<hbm>>) dst(%arg8 : memref<40x128xf32, #tpu.memory_space<vmem>>)
      %dma_start3A_206 = arith.constant 0 : i32
      %dma_start3A_207 = arith.constant 0 : i32
      %dma_start3A_208 = tpu.memref_slice %arg7[%dma_start3A_206, %dma_start3A_207] : memref<10240x128xf32, #tpu.memory_space<vmem_shared>> -> memref<10240x128xf32, #tpu.memory_space<vmem_shared>>
      tpu.enqueue_indirect_dma source(%arg8 : memref<40x128xf32, #tpu.memory_space<vmem>>) target(%dma_start3A_208 : memref<10240x128xf32, #tpu.memory_space<vmem_shared>>) offsets(%arg10 : memref<40xi32, #tpu.memory_space<vmem>>) semaphore(%arg17 : memref<!tpu.dma_semaphore, #tpu.memory_space<semaphore_mem>>) {add = true}
      %gt3A = arith.constant 0 : i32
      %gt3A_209 = arith.cmpi sgt, %add3A_195, %gt3A : i32
      %convert_element_type3A = arith.extui %gt3A_209 : i1 to i32
      %cond3A = arith.constant 0 : i32
      %cond3A_210 = arith.cmpi ne, %convert_element_type3A, %cond3A : i32
      scf.if %cond3A_210 {
        %dma_wait3A_241 = arith.constant 0 : i32
        %dma_wait3A_242 = arith.constant 0 : i32
        %dma_wait3A_243 = tpu.memref_slice %arg7[%dma_wait3A_241, %dma_wait3A_242] : memref<10240x128xf32, #tpu.memory_space<vmem_shared>> -> memref<40x128xf32, #tpu.memory_space<vmem_shared>>
        %dma_wait3A_244 = arith.constant 0 : i32
        %dma_wait3A_245 = arith.constant 0 : i32
        %dma_wait3A_246 = tpu.memref_slice %arg7[%dma_wait3A_244, %dma_wait3A_245] : memref<10240x128xf32, #tpu.memory_space<vmem_shared>> -> memref<40x128xf32, #tpu.memory_space<vmem_shared>>
        tpu.wait_dma2 semaphore(%arg18 : memref<!tpu.dma_semaphore, #tpu.memory_space<semaphore_mem>>) src(%arg9 : memref<40x128xf32, #tpu.memory_space<vmem>>) dst(%dma_wait3A_246 : memref<40x128xf32, #tpu.memory_space<vmem_shared>>)
      } else {
      }
      %mul3A_211 = arith.constant 2 : i32
      %mul3A_212 = arith.muli %mul3A_211, %add3A_195 : i32
      %add3A_213 = arith.constant 1 : i32
      %add3A_214 = arith.addi %mul3A_212, %add3A_213 : i32
      %mul3A_215 = arith.constant 40 : i32
      %mul3A_216 = arith.muli %add3A_214, %mul3A_215 : i32
      %add3A_217 = arith.addi %mul3A_2, %mul3A_216 : i32
      %dma_start3A_218 = tpu.memref_slice %arg3[%add3A_217] : memref<330240xi32, #tpu.memory_space<hbm>> -> memref<40xi32, #tpu.memory_space<hbm>>
      %dma_start3A_219 = tpu.memref_slice %arg3[%add3A_217] : memref<330240xi32, #tpu.memory_space<hbm>> -> memref<40xi32, #tpu.memory_space<hbm>>
      tpu.enqueue_dma source(%dma_start3A_219 : memref<40xi32, #tpu.memory_space<hbm>>) target(%arg11 : memref<40xi32, #tpu.memory_space<vmem>>) target_semaphore(%arg15 : memref<!tpu.dma_semaphore, #tpu.memory_space<semaphore_mem>>)
      %dma_start3A_220 = arith.constant 512 : i32
      %dma_start3A_221 = tpu.memref_slice %arg2[%add3A_217, %dma_start3A_220] : memref<330240x640xf32, #tpu.memory_space<hbm>> -> memref<40x128xf32, #tpu.memory_space<hbm>>
      %dma_start3A_222 = arith.constant 512 : i32
      %dma_start3A_223 = tpu.memref_slice %arg2[%add3A_217, %dma_start3A_222] : memref<330240x640xf32, #tpu.memory_space<hbm>> -> memref<40x128xf32, #tpu.memory_space<hbm>>
      tpu.enqueue_dma source(%dma_start3A_223 : memref<40x128xf32, #tpu.memory_space<hbm>>) target(%arg9 : memref<40x128xf32, #tpu.memory_space<vmem>>) target_semaphore(%arg16 : memref<!tpu.dma_semaphore, #tpu.memory_space<semaphore_mem>>)
      %dma_wait3A_224 = arith.constant 0 : i32
      %dma_wait3A_225 = tpu.memref_slice %arg3[%dma_wait3A_224] : memref<330240xi32, #tpu.memory_space<hbm>> -> memref<40xi32, #tpu.memory_space<hbm>>
      %dma_wait3A_226 = arith.constant 0 : i32
      %dma_wait3A_227 = tpu.memref_slice %arg3[%dma_wait3A_226] : memref<330240xi32, #tpu.memory_space<hbm>> -> memref<40xi32, #tpu.memory_space<hbm>>
      tpu.wait_dma2 semaphore(%arg15 : memref<!tpu.dma_semaphore, #tpu.memory_space<semaphore_mem>>) src(%dma_wait3A_227 : memref<40xi32, #tpu.memory_space<hbm>>) dst(%arg11 : memref<40xi32, #tpu.memory_space<vmem>>)
      %dma_wait3A_228 = arith.constant 0 : i32
      %dma_wait3A_229 = arith.constant 0 : i32
      %dma_wait3A_230 = tpu.memref_slice %arg2[%dma_wait3A_228, %dma_wait3A_229] : memref<330240x640xf32, #tpu.memory_space<hbm>> -> memref<40x128xf32, #tpu.memory_space<hbm>>
      %dma_wait3A_231 = arith.constant 0 : i32
      %dma_wait3A_232 = arith.constant 0 : i32
      %dma_wait3A_233 = tpu.memref_slice %arg2[%dma_wait3A_231, %dma_wait3A_232] : memref<330240x640xf32, #tpu.memory_space<hbm>> -> memref<40x128xf32, #tpu.memory_space<hbm>>
      tpu.wait_dma2 semaphore(%arg16 : memref<!tpu.dma_semaphore, #tpu.memory_space<semaphore_mem>>) src(%dma_wait3A_233 : memref<40x128xf32, #tpu.memory_space<hbm>>) dst(%arg9 : memref<40x128xf32, #tpu.memory_space<vmem>>)
      %dma_start3A_234 = arith.constant 0 : i32
      %dma_start3A_235 = arith.constant 0 : i32
      %dma_start3A_236 = tpu.memref_slice %arg7[%dma_start3A_234, %dma_start3A_235] : memref<10240x128xf32, #tpu.memory_space<vmem_shared>> -> memref<10240x128xf32, #tpu.memory_space<vmem_shared>>
      tpu.enqueue_indirect_dma source(%arg9 : memref<40x128xf32, #tpu.memory_space<vmem>>) target(%dma_start3A_236 : memref<10240x128xf32, #tpu.memory_space<vmem_shared>>) offsets(%arg11 : memref<40xi32, #tpu.memory_space<vmem>>) semaphore(%arg18 : memref<!tpu.dma_semaphore, #tpu.memory_space<semaphore_mem>>) {add = true}
      %lt3A = arith.constant 128 : i32
      %lt3A_237 = arith.cmpi slt, %add3A_195, %lt3A : i32
      %convert_element_type3A_238 = arith.extui %lt3A_237 : i1 to i32
      %cond3A_239 = arith.constant 0 : i32
      %cond3A_240 = arith.cmpi ne, %convert_element_type3A_238, %cond3A_239 : i32
      scf.if %cond3A_240 {
        %dma_wait3A_241 = arith.constant 0 : i32
        %dma_wait3A_242 = arith.constant 0 : i32
        %dma_wait3A_243 = tpu.memref_slice %arg7[%dma_wait3A_241, %dma_wait3A_242] : memref<10240x128xf32, #tpu.memory_space<vmem_shared>> -> memref<40x128xf32, #tpu.memory_space<vmem_shared>>
        %dma_wait3A_244 = arith.constant 0 : i32
        %dma_wait3A_245 = arith.constant 0 : i32
        %dma_wait3A_246 = tpu.memref_slice %arg7[%dma_wait3A_244, %dma_wait3A_245] : memref<10240x128xf32, #tpu.memory_space<vmem_shared>> -> memref<40x128xf32, #tpu.memory_space<vmem_shared>>
        tpu.wait_dma2 semaphore(%arg17 : memref<!tpu.dma_semaphore, #tpu.memory_space<semaphore_mem>>) src(%arg8 : memref<40x128xf32, #tpu.memory_space<vmem>>) dst(%dma_wait3A_246 : memref<40x128xf32, #tpu.memory_space<vmem_shared>>)
        %mul3A_247 = arith.constant 2 : i32
        %mul3A_248 = arith.muli %mul3A_247, %add3A_195 : i32
        %add3A_249 = arith.constant 2 : i32
        %add3A_250 = arith.addi %mul3A_248, %add3A_249 : i32
        %mul3A_251 = arith.constant 40 : i32
        %mul3A_252 = arith.muli %add3A_250, %mul3A_251 : i32
        %add3A_253 = arith.addi %mul3A_2, %mul3A_252 : i32
        %dma_start3A_254 = tpu.memref_slice %arg3[%add3A_253] : memref<330240xi32, #tpu.memory_space<hbm>> -> memref<40xi32, #tpu.memory_space<hbm>>
        %dma_start3A_255 = tpu.memref_slice %arg3[%add3A_253] : memref<330240xi32, #tpu.memory_space<hbm>> -> memref<40xi32, #tpu.memory_space<hbm>>
        tpu.enqueue_dma source(%dma_start3A_255 : memref<40xi32, #tpu.memory_space<hbm>>) target(%arg10 : memref<40xi32, #tpu.memory_space<vmem>>) target_semaphore(%arg13 : memref<!tpu.dma_semaphore, #tpu.memory_space<semaphore_mem>>)
        %dma_start3A_256 = arith.constant 512 : i32
        %dma_start3A_257 = tpu.memref_slice %arg2[%add3A_253, %dma_start3A_256] : memref<330240x640xf32, #tpu.memory_space<hbm>> -> memref<40x128xf32, #tpu.memory_space<hbm>>
        %dma_start3A_258 = arith.constant 512 : i32
        %dma_start3A_259 = tpu.memref_slice %arg2[%add3A_253, %dma_start3A_258] : memref<330240x640xf32, #tpu.memory_space<hbm>> -> memref<40x128xf32, #tpu.memory_space<hbm>>
        tpu.enqueue_dma source(%dma_start3A_259 : memref<40x128xf32, #tpu.memory_space<hbm>>) target(%arg8 : memref<40x128xf32, #tpu.memory_space<vmem>>) target_semaphore(%arg14 : memref<!tpu.dma_semaphore, #tpu.memory_space<semaphore_mem>>)
      } else {
      }
    }
    %scan3A_171 = arith.constant 129 : i32
    %dma_wait3A_172 = arith.constant 0 : i32
    %dma_wait3A_173 = arith.constant 0 : i32
    %dma_wait3A_174 = tpu.memref_slice %arg7[%dma_wait3A_172, %dma_wait3A_173] : memref<10240x128xf32, #tpu.memory_space<vmem_shared>> -> memref<40x128xf32, #tpu.memory_space<vmem_shared>>
    %dma_wait3A_175 = arith.constant 0 : i32
    %dma_wait3A_176 = arith.constant 0 : i32
    %dma_wait3A_177 = tpu.memref_slice %arg7[%dma_wait3A_175, %dma_wait3A_176] : memref<10240x128xf32, #tpu.memory_space<vmem_shared>> -> memref<40x128xf32, #tpu.memory_space<vmem_shared>>
    tpu.wait_dma2 semaphore(%arg17 : memref<!tpu.dma_semaphore, #tpu.memory_space<semaphore_mem>>) src(%arg8 : memref<40x128xf32, #tpu.memory_space<vmem>>) dst(%dma_wait3A_177 : memref<40x128xf32, #tpu.memory_space<vmem_shared>>)
    %dma_wait3A_178 = arith.constant 0 : i32
    %dma_wait3A_179 = arith.constant 0 : i32
    %dma_wait3A_180 = tpu.memref_slice %arg7[%dma_wait3A_178, %dma_wait3A_179] : memref<10240x128xf32, #tpu.memory_space<vmem_shared>> -> memref<40x128xf32, #tpu.memory_space<vmem_shared>>
    %dma_wait3A_181 = arith.constant 0 : i32
    %dma_wait3A_182 = arith.constant 0 : i32
    %dma_wait3A_183 = tpu.memref_slice %arg7[%dma_wait3A_181, %dma_wait3A_182] : memref<10240x128xf32, #tpu.memory_space<vmem_shared>> -> memref<40x128xf32, #tpu.memory_space<vmem_shared>>
    tpu.wait_dma2 semaphore(%arg18 : memref<!tpu.dma_semaphore, #tpu.memory_space<semaphore_mem>>) src(%arg9 : memref<40x128xf32, #tpu.memory_space<vmem>>) dst(%dma_wait3A_183 : memref<40x128xf32, #tpu.memory_space<vmem_shared>>)
    %barrier3A_184 = arith.constant 0 : index
    tpu.barrier barrier_id(%barrier3A_184)
    %scan3A_185 = arith.constant 0 : i32
    %scan3A_186 = arith.constant 16 : i32
    %scan3A_187 = arith.addi %scan3A_185, %scan3A_186 : i32
    %scan3A_188 = arith.constant 1 : i32
    scf.for %scan3A_191 = %scan3A_185 to %scan3A_187 step %scan3A_188  : i32 {
      %mul3A_192 = arith.constant 1 : i32
      %mul3A_193 = arith.muli %scan3A_191, %mul3A_192 : i32
      %add3A_194 = arith.constant 0 : i32
      %add3A_195 = arith.addi %add3A_194, %mul3A_193 : i32
      %mul3A_196 = arith.constant 40 : i32
      %mul3A_197 = arith.muli %add3A_195, %mul3A_196 : i32
      %add3A_198 = arith.addi %mul3A_4, %mul3A_197 : i32
      "tpu.region"() ({
        %run_scoped3A = tpu.sem_alloc : memref<!tpu.dma_semaphore, #tpu.memory_space<semaphore_mem>>
        %dma_start3A_199 = tpu.memref_slice %arg4[%add3A_198] : memref<10240xi32, #tpu.memory_space<hbm>> -> memref<40xi32, #tpu.memory_space<hbm>>
        %dma_start3A_200 = tpu.memref_slice %arg4[%add3A_198] : memref<10240xi32, #tpu.memory_space<hbm>> -> memref<40xi32, #tpu.memory_space<hbm>>
        tpu.enqueue_dma source(%dma_start3A_200 : memref<40xi32, #tpu.memory_space<hbm>>) target(%arg12 : memref<40xi32, #tpu.memory_space<vmem>>) target_semaphore(%run_scoped3A : memref<!tpu.dma_semaphore, #tpu.memory_space<semaphore_mem>>)
        %dma_wait3A_201 = tpu.memref_slice %arg4[%add3A_198] : memref<10240xi32, #tpu.memory_space<hbm>> -> memref<40xi32, #tpu.memory_space<hbm>>
        %dma_wait3A_202 = tpu.memref_slice %arg4[%add3A_198] : memref<10240xi32, #tpu.memory_space<hbm>> -> memref<40xi32, #tpu.memory_space<hbm>>
        tpu.wait_dma2 semaphore(%run_scoped3A : memref<!tpu.dma_semaphore, #tpu.memory_space<semaphore_mem>>) src(%dma_wait3A_202 : memref<40xi32, #tpu.memory_space<hbm>>) dst(%arg12 : memref<40xi32, #tpu.memory_space<vmem>>)
        tpu.yield
      }) : () -> ()
      "tpu.region"() ({
        %run_scoped3A = tpu.sem_alloc : memref<!tpu.dma_semaphore, #tpu.memory_space<semaphore_mem>>
        %dma_start3A_199 = arith.constant 0 : i32
        %dma_start3A_200 = arith.constant 0 : i32
        %dma_start3A_201 = tpu.memref_slice %arg7[%dma_start3A_199, %dma_start3A_200] : memref<10240x128xf32, #tpu.memory_space<vmem_shared>> -> memref<10240x128xf32, #tpu.memory_space<vmem_shared>>
        tpu.enqueue_indirect_dma source(%dma_start3A_201 : memref<10240x128xf32, #tpu.memory_space<vmem_shared>>) target(%arg8 : memref<40x128xf32, #tpu.memory_space<vmem>>) offsets(%arg12 : memref<40xi32, #tpu.memory_space<vmem>>) semaphore(%run_scoped3A : memref<!tpu.dma_semaphore, #tpu.memory_space<semaphore_mem>>)
        %dma_wait3A_202 = arith.constant 0 : i32
        %dma_wait3A_203 = arith.constant 0 : i32
        %dma_wait3A_204 = tpu.memref_slice %arg7[%dma_wait3A_202, %dma_wait3A_203] : memref<10240x128xf32, #tpu.memory_space<vmem_shared>> -> memref<10240x128xf32, #tpu.memory_space<vmem_shared>>
        tpu.wait_indirect_dma semaphore(%run_scoped3A : memref<!tpu.dma_semaphore, #tpu.memory_space<semaphore_mem>>) src(%dma_wait3A_204 : memref<10240x128xf32, #tpu.memory_space<vmem_shared>>) dst(%arg8 : memref<40x128xf32, #tpu.memory_space<vmem>>)
        tpu.yield
      }) : () -> ()
      "tpu.region"() ({
        %run_scoped3A = tpu.sem_alloc : memref<!tpu.dma_semaphore, #tpu.memory_space<semaphore_mem>>
        %dma_start3A_199 = arith.constant 512 : i32
        %dma_start3A_200 = tpu.memref_slice %arg6[%arg0, %add3A_198, %dma_start3A_199] : memref<2x10240x640xf32, #tpu.memory_space<hbm>> -> memref<1x40x128xf32, #tpu.memory_space<hbm>>
        %dma_start3A_201 = tpu.memref_squeeze %dma_start3A_200 : memref<1x40x128xf32, #tpu.memory_space<hbm>> -> memref<40x128xf32, #tpu.memory_space<hbm>>
        %dma_start3A_202 = arith.constant 512 : i32
        %dma_start3A_203 = tpu.memref_slice %arg6[%arg0, %add3A_198, %dma_start3A_202] : memref<2x10240x640xf32, #tpu.memory_space<hbm>> -> memref<1x40x128xf32, #tpu.memory_space<hbm>>
        %dma_start3A_204 = tpu.memref_squeeze %dma_start3A_203 : memref<1x40x128xf32, #tpu.memory_space<hbm>> -> memref<40x128xf32, #tpu.memory_space<hbm>>
        tpu.enqueue_dma source(%arg8 : memref<40x128xf32, #tpu.memory_space<vmem>>) target(%dma_start3A_204 : memref<40x128xf32, #tpu.memory_space<hbm>>) target_semaphore(%run_scoped3A : memref<!tpu.dma_semaphore, #tpu.memory_space<semaphore_mem>>)
        %dma_wait3A_205 = arith.constant 512 : i32
        %dma_wait3A_206 = tpu.memref_slice %arg6[%arg0, %add3A_198, %dma_wait3A_205] : memref<2x10240x640xf32, #tpu.memory_space<hbm>> -> memref<1x40x128xf32, #tpu.memory_space<hbm>>
        %dma_wait3A_207 = tpu.memref_squeeze %dma_wait3A_206 : memref<1x40x128xf32, #tpu.memory_space<hbm>> -> memref<40x128xf32, #tpu.memory_space<hbm>>
        %dma_wait3A_208 = arith.constant 512 : i32
        %dma_wait3A_209 = tpu.memref_slice %arg6[%arg0, %add3A_198, %dma_wait3A_208] : memref<2x10240x640xf32, #tpu.memory_space<hbm>> -> memref<1x40x128xf32, #tpu.memory_space<hbm>>
        %dma_wait3A_210 = tpu.memref_squeeze %dma_wait3A_209 : memref<1x40x128xf32, #tpu.memory_space<hbm>> -> memref<40x128xf32, #tpu.memory_space<hbm>>
        tpu.wait_dma2 semaphore(%run_scoped3A : memref<!tpu.dma_semaphore, #tpu.memory_space<semaphore_mem>>) src(%arg8 : memref<40x128xf32, #tpu.memory_space<vmem>>) dst(%dma_wait3A_210 : memref<40x128xf32, #tpu.memory_space<hbm>>)
        tpu.yield
      }) : () -> ()
    }
    %scan3A_189 = arith.constant 16 : i32
    %barrier3A_190 = arith.constant 0 : index
    tpu.barrier barrier_id(%barrier3A_190)
    return
  }
}

#map = affine_map<(d0, d1) -> (0, 0)>
#map1 = affine_map<(d0, d1) -> (0)>
module attributes {stable_mosaic.version = 14 : i64} {
  func.func @k(%arg0: i32, %arg1: i32, %arg2: memref<10240x128xf32, #tpu.memory_space<hbm>>, %arg3: memref<10240x128xf32, #tpu.memory_space<hbm>>, %arg4: memref<330240xi32, #tpu.memory_space<hbm>>, %arg5: memref<330240xi32, #tpu.memory_space<hbm>>, %arg6: memref<330240x128xf32, #tpu.memory_space<hbm>>, %arg7: memref<330240x128xf32, #tpu.memory_space<hbm>>, %arg8: memref<40xi32, #tpu.memory_space<vmem>>, %arg9: memref<40xi32, #tpu.memory_space<vmem>>, %arg10: memref<40xi32, #tpu.memory_space<vmem>>, %arg11: memref<40xi32, #tpu.memory_space<vmem>>, %arg12: memref<40x128xf32, #tpu.memory_space<vmem>>, %arg13: memref<40x128xf32, #tpu.memory_space<vmem>>, %arg14: memref<40x128xf32, #tpu.memory_space<vmem>>, %arg15: memref<40x128xf32, #tpu.memory_space<vmem>>, %arg16: memref<!tpu.dma_semaphore, #tpu.memory_space<semaphore_mem>>, %arg17: memref<!tpu.dma_semaphore, #tpu.memory_space<semaphore_mem>>, %arg18: memref<!tpu.dma_semaphore, #tpu.memory_space<semaphore_mem>>, %arg19: memref<!tpu.dma_semaphore, #tpu.memory_space<semaphore_mem>>, %arg20: memref<!tpu.dma_semaphore, #tpu.memory_space<semaphore_mem>>, %arg21: memref<!tpu.dma_semaphore, #tpu.memory_space<semaphore_mem>>, %arg22: memref<!tpu.dma_semaphore, #tpu.memory_space<semaphore_mem>>, %arg23: memref<!tpu.dma_semaphore, #tpu.memory_space<semaphore_mem>>) attributes {dimension_semantics = [#tpu.dimension_semantics<core_parallel>, #tpu.dimension_semantics<subcore_parallel>], iteration_bounds = array<i64: 2, 16>, scalar_prefetch = 0 : i64, scratch_operands = 16 : i64, tpu.core_type = #tpu.core_type<sc_vector_subcore>, window_params = [{transform_indices = #map}, {transform_indices = #map}, {transform_indices = #map1}, {transform_indices = #map1}, {transform_indices = #map}, {transform_indices = #map}]} {
    %mul3A = arith.constant 2 : i32
    %mul3A_0 = arith.muli %arg1, %mul3A : i32
    %add3A = arith.addi %mul3A_0, %arg0 : i32
    %mul3A_1 = arith.constant 10320 : i32
    %mul3A_2 = arith.muli %add3A, %mul3A_1 : i32
    "tpu.region"() ({
      %run_scoped3A = tpu.sem_alloc : memref<!tpu.dma_semaphore, #tpu.memory_space<semaphore_mem>>
      %dma_start3A_35 = tpu.memref_slice %arg4[%mul3A_2] : memref<330240xi32, #tpu.memory_space<hbm>> -> memref<40xi32, #tpu.memory_space<hbm>>
      %dma_start3A_36 = tpu.memref_slice %arg4[%mul3A_2] : memref<330240xi32, #tpu.memory_space<hbm>> -> memref<40xi32, #tpu.memory_space<hbm>>
      tpu.enqueue_dma source(%dma_start3A_36 : memref<40xi32, #tpu.memory_space<hbm>>) target(%arg8 : memref<40xi32, #tpu.memory_space<vmem>>) target_semaphore(%run_scoped3A : memref<!tpu.dma_semaphore, #tpu.memory_space<semaphore_mem>>)
      %dma_wait3A_37 = tpu.memref_slice %arg4[%mul3A_2] : memref<330240xi32, #tpu.memory_space<hbm>> -> memref<40xi32, #tpu.memory_space<hbm>>
      %dma_wait3A_38 = tpu.memref_slice %arg4[%mul3A_2] : memref<330240xi32, #tpu.memory_space<hbm>> -> memref<40xi32, #tpu.memory_space<hbm>>
      tpu.wait_dma2 semaphore(%run_scoped3A : memref<!tpu.dma_semaphore, #tpu.memory_space<semaphore_mem>>) src(%dma_wait3A_38 : memref<40xi32, #tpu.memory_space<hbm>>) dst(%arg8 : memref<40xi32, #tpu.memory_space<vmem>>)
      tpu.yield
    }) : () -> ()
    "tpu.region"() ({
      %run_scoped3A = tpu.sem_alloc : memref<!tpu.dma_semaphore, #tpu.memory_space<semaphore_mem>>
      %dma_start3A_35 = tpu.memref_slice %arg5[%mul3A_2] : memref<330240xi32, #tpu.memory_space<hbm>> -> memref<40xi32, #tpu.memory_space<hbm>>
      %dma_start3A_36 = tpu.memref_slice %arg5[%mul3A_2] : memref<330240xi32, #tpu.memory_space<hbm>> -> memref<40xi32, #tpu.memory_space<hbm>>
      tpu.enqueue_dma source(%dma_start3A_36 : memref<40xi32, #tpu.memory_space<hbm>>) target(%arg9 : memref<40xi32, #tpu.memory_space<vmem>>) target_semaphore(%run_scoped3A : memref<!tpu.dma_semaphore, #tpu.memory_space<semaphore_mem>>)
      %dma_wait3A_37 = tpu.memref_slice %arg5[%mul3A_2] : memref<330240xi32, #tpu.memory_space<hbm>> -> memref<40xi32, #tpu.memory_space<hbm>>
      %dma_wait3A_38 = tpu.memref_slice %arg5[%mul3A_2] : memref<330240xi32, #tpu.memory_space<hbm>> -> memref<40xi32, #tpu.memory_space<hbm>>
      tpu.wait_dma2 semaphore(%run_scoped3A : memref<!tpu.dma_semaphore, #tpu.memory_space<semaphore_mem>>) src(%dma_wait3A_38 : memref<40xi32, #tpu.memory_space<hbm>>) dst(%arg9 : memref<40xi32, #tpu.memory_space<vmem>>)
      tpu.yield
    }) : () -> ()
    %dma_start3A = arith.constant 0 : i32
    %dma_start3A_3 = arith.constant 0 : i32
    %dma_start3A_4 = tpu.memref_slice %arg2[%dma_start3A, %dma_start3A_3] : memref<10240x128xf32, #tpu.memory_space<hbm>> -> memref<10240x128xf32, #tpu.memory_space<hbm>>
    tpu.enqueue_indirect_dma source(%dma_start3A_4 : memref<10240x128xf32, #tpu.memory_space<hbm>>) target(%arg12 : memref<40x128xf32, #tpu.memory_space<vmem>>) offsets(%arg8 : memref<40xi32, #tpu.memory_space<vmem>>) semaphore(%arg16 : memref<!tpu.dma_semaphore, #tpu.memory_space<semaphore_mem>>)
    %dma_start3A_5 = arith.constant 0 : i32
    %dma_start3A_6 = arith.constant 0 : i32
    %dma_start3A_7 = tpu.memref_slice %arg3[%dma_start3A_5, %dma_start3A_6] : memref<10240x128xf32, #tpu.memory_space<hbm>> -> memref<10240x128xf32, #tpu.memory_space<hbm>>
    tpu.enqueue_indirect_dma source(%dma_start3A_7 : memref<10240x128xf32, #tpu.memory_space<hbm>>) target(%arg13 : memref<40x128xf32, #tpu.memory_space<vmem>>) offsets(%arg9 : memref<40xi32, #tpu.memory_space<vmem>>) semaphore(%arg17 : memref<!tpu.dma_semaphore, #tpu.memory_space<semaphore_mem>>)
    %scan3A = arith.constant 0 : i32
    %scan3A_8 = arith.constant 129 : i32
    %scan3A_9 = arith.addi %scan3A, %scan3A_8 : i32
    %scan3A_10 = arith.constant 1 : i32
    scf.for %scan3A_35 = %scan3A to %scan3A_9 step %scan3A_10  : i32 {
      %mul3A_36 = arith.constant 1 : i32
      %mul3A_37 = arith.muli %scan3A_35, %mul3A_36 : i32
      %add3A_38 = arith.constant 0 : i32
      %add3A_39 = arith.addi %add3A_38, %mul3A_37 : i32
      %mul3A_40 = arith.constant 2 : i32
      %mul3A_41 = arith.muli %mul3A_40, %add3A_39 : i32
      %mul3A_42 = arith.constant 40 : i32
      %mul3A_43 = arith.muli %mul3A_41, %mul3A_42 : i32
      %add3A_44 = arith.addi %mul3A_2, %mul3A_43 : i32
      %add3A_45 = arith.constant 40 : i32
      %add3A_46 = arith.addi %add3A_44, %add3A_45 : i32
      %add3A_47 = arith.constant 80 : i32
      %add3A_48 = arith.addi %add3A_44, %add3A_47 : i32
      %dma_wait3A_49 = arith.constant 0 : i32
      %dma_wait3A_50 = arith.constant 0 : i32
      %dma_wait3A_51 = tpu.memref_slice %arg2[%dma_wait3A_49, %dma_wait3A_50] : memref<10240x128xf32, #tpu.memory_space<hbm>> -> memref<40x128xf32, #tpu.memory_space<hbm>>
      %dma_wait3A_52 = arith.constant 0 : i32
      %dma_wait3A_53 = arith.constant 0 : i32
      %dma_wait3A_54 = tpu.memref_slice %arg2[%dma_wait3A_52, %dma_wait3A_53] : memref<10240x128xf32, #tpu.memory_space<hbm>> -> memref<40x128xf32, #tpu.memory_space<hbm>>
      tpu.wait_dma2 semaphore(%arg16 : memref<!tpu.dma_semaphore, #tpu.memory_space<semaphore_mem>>) src(%dma_wait3A_54 : memref<40x128xf32, #tpu.memory_space<hbm>>) dst(%arg12 : memref<40x128xf32, #tpu.memory_space<vmem>>)
      %dma_wait3A_55 = arith.constant 0 : i32
      %dma_wait3A_56 = arith.constant 0 : i32
      %dma_wait3A_57 = tpu.memref_slice %arg3[%dma_wait3A_55, %dma_wait3A_56] : memref<10240x128xf32, #tpu.memory_space<hbm>> -> memref<40x128xf32, #tpu.memory_space<hbm>>
      %dma_wait3A_58 = arith.constant 0 : i32
      %dma_wait3A_59 = arith.constant 0 : i32
      %dma_wait3A_60 = tpu.memref_slice %arg3[%dma_wait3A_58, %dma_wait3A_59] : memref<10240x128xf32, #tpu.memory_space<hbm>> -> memref<40x128xf32, #tpu.memory_space<hbm>>
      tpu.wait_dma2 semaphore(%arg17 : memref<!tpu.dma_semaphore, #tpu.memory_space<semaphore_mem>>) src(%dma_wait3A_60 : memref<40x128xf32, #tpu.memory_space<hbm>>) dst(%arg13 : memref<40x128xf32, #tpu.memory_space<vmem>>)
      %dma_start3A_61 = arith.constant 0 : i32
      %dma_start3A_62 = tpu.memref_slice %arg6[%add3A_44, %dma_start3A_61] : memref<330240x128xf32, #tpu.memory_space<hbm>> -> memref<40x128xf32, #tpu.memory_space<hbm>>
      %dma_start3A_63 = arith.constant 0 : i32
      %dma_start3A_64 = tpu.memref_slice %arg6[%add3A_44, %dma_start3A_63] : memref<330240x128xf32, #tpu.memory_space<hbm>> -> memref<40x128xf32, #tpu.memory_space<hbm>>
      tpu.enqueue_dma source(%arg12 : memref<40x128xf32, #tpu.memory_space<vmem>>) target(%dma_start3A_64 : memref<40x128xf32, #tpu.memory_space<hbm>>) target_semaphore(%arg20 : memref<!tpu.dma_semaphore, #tpu.memory_space<semaphore_mem>>)
      %dma_start3A_65 = arith.constant 0 : i32
      %dma_start3A_66 = tpu.memref_slice %arg7[%add3A_44, %dma_start3A_65] : memref<330240x128xf32, #tpu.memory_space<hbm>> -> memref<40x128xf32, #tpu.memory_space<hbm>>
      %dma_start3A_67 = arith.constant 0 : i32
      %dma_start3A_68 = tpu.memref_slice %arg7[%add3A_44, %dma_start3A_67] : memref<330240x128xf32, #tpu.memory_space<hbm>> -> memref<40x128xf32, #tpu.memory_space<hbm>>
      tpu.enqueue_dma source(%arg13 : memref<40x128xf32, #tpu.memory_space<vmem>>) target(%dma_start3A_68 : memref<40x128xf32, #tpu.memory_space<hbm>>) target_semaphore(%arg21 : memref<!tpu.dma_semaphore, #tpu.memory_space<semaphore_mem>>)
      "tpu.region"() ({
        %run_scoped3A = tpu.sem_alloc : memref<!tpu.dma_semaphore, #tpu.memory_space<semaphore_mem>>
        %dma_start3A_101 = tpu.memref_slice %arg4[%add3A_46] : memref<330240xi32, #tpu.memory_space<hbm>> -> memref<40xi32, #tpu.memory_space<hbm>>
        %dma_start3A_102 = tpu.memref_slice %arg4[%add3A_46] : memref<330240xi32, #tpu.memory_space<hbm>> -> memref<40xi32, #tpu.memory_space<hbm>>
        tpu.enqueue_dma source(%dma_start3A_102 : memref<40xi32, #tpu.memory_space<hbm>>) target(%arg10 : memref<40xi32, #tpu.memory_space<vmem>>) target_semaphore(%run_scoped3A : memref<!tpu.dma_semaphore, #tpu.memory_space<semaphore_mem>>)
        %dma_wait3A_103 = tpu.memref_slice %arg4[%add3A_46] : memref<330240xi32, #tpu.memory_space<hbm>> -> memref<40xi32, #tpu.memory_space<hbm>>
        %dma_wait3A_104 = tpu.memref_slice %arg4[%add3A_46] : memref<330240xi32, #tpu.memory_space<hbm>> -> memref<40xi32, #tpu.memory_space<hbm>>
        tpu.wait_dma2 semaphore(%run_scoped3A : memref<!tpu.dma_semaphore, #tpu.memory_space<semaphore_mem>>) src(%dma_wait3A_104 : memref<40xi32, #tpu.memory_space<hbm>>) dst(%arg10 : memref<40xi32, #tpu.memory_space<vmem>>)
        tpu.yield
      }) : () -> ()
      "tpu.region"() ({
        %run_scoped3A = tpu.sem_alloc : memref<!tpu.dma_semaphore, #tpu.memory_space<semaphore_mem>>
        %dma_start3A_101 = tpu.memref_slice %arg5[%add3A_46] : memref<330240xi32, #tpu.memory_space<hbm>> -> memref<40xi32, #tpu.memory_space<hbm>>
        %dma_start3A_102 = tpu.memref_slice %arg5[%add3A_46] : memref<330240xi32, #tpu.memory_space<hbm>> -> memref<40xi32, #tpu.memory_space<hbm>>
        tpu.enqueue_dma source(%dma_start3A_102 : memref<40xi32, #tpu.memory_space<hbm>>) target(%arg11 : memref<40xi32, #tpu.memory_space<vmem>>) target_semaphore(%run_scoped3A : memref<!tpu.dma_semaphore, #tpu.memory_space<semaphore_mem>>)
        %dma_wait3A_103 = tpu.memref_slice %arg5[%add3A_46] : memref<330240xi32, #tpu.memory_space<hbm>> -> memref<40xi32, #tpu.memory_space<hbm>>
        %dma_wait3A_104 = tpu.memref_slice %arg5[%add3A_46] : memref<330240xi32, #tpu.memory_space<hbm>> -> memref<40xi32, #tpu.memory_space<hbm>>
        tpu.wait_dma2 semaphore(%run_scoped3A : memref<!tpu.dma_semaphore, #tpu.memory_space<semaphore_mem>>) src(%dma_wait3A_104 : memref<40xi32, #tpu.memory_space<hbm>>) dst(%arg11 : memref<40xi32, #tpu.memory_space<vmem>>)
        tpu.yield
      }) : () -> ()
      %gt3A = arith.constant 0 : i32
      %gt3A_69 = arith.cmpi sgt, %add3A_39, %gt3A : i32
      %convert_element_type3A = arith.extui %gt3A_69 : i1 to i32
      %cond3A = arith.constant 0 : i32
      %cond3A_70 = arith.cmpi ne, %convert_element_type3A, %cond3A : i32
      scf.if %cond3A_70 {
        %dma_wait3A_101 = arith.constant 0 : i32
        %dma_wait3A_102 = arith.constant 0 : i32
        %dma_wait3A_103 = tpu.memref_slice %arg6[%dma_wait3A_101, %dma_wait3A_102] : memref<330240x128xf32, #tpu.memory_space<hbm>> -> memref<40x128xf32, #tpu.memory_space<hbm>>
        %dma_wait3A_104 = arith.constant 0 : i32
        %dma_wait3A_105 = arith.constant 0 : i32
        %dma_wait3A_106 = tpu.memref_slice %arg6[%dma_wait3A_104, %dma_wait3A_105] : memref<330240x128xf32, #tpu.memory_space<hbm>> -> memref<40x128xf32, #tpu.memory_space<hbm>>
        tpu.wait_dma2 semaphore(%arg22 : memref<!tpu.dma_semaphore, #tpu.memory_space<semaphore_mem>>) src(%arg14 : memref<40x128xf32, #tpu.memory_space<vmem>>) dst(%dma_wait3A_106 : memref<40x128xf32, #tpu.memory_space<hbm>>)
        %dma_wait3A_107 = arith.constant 0 : i32
        %dma_wait3A_108 = arith.constant 0 : i32
        %dma_wait3A_109 = tpu.memref_slice %arg7[%dma_wait3A_107, %dma_wait3A_108] : memref<330240x128xf32, #tpu.memory_space<hbm>> -> memref<40x128xf32, #tpu.memory_space<hbm>>
        %dma_wait3A_110 = arith.constant 0 : i32
        %dma_wait3A_111 = arith.constant 0 : i32
        %dma_wait3A_112 = tpu.memref_slice %arg7[%dma_wait3A_110, %dma_wait3A_111] : memref<330240x128xf32, #tpu.memory_space<hbm>> -> memref<40x128xf32, #tpu.memory_space<hbm>>
        tpu.wait_dma2 semaphore(%arg23 : memref<!tpu.dma_semaphore, #tpu.memory_space<semaphore_mem>>) src(%arg15 : memref<40x128xf32, #tpu.memory_space<vmem>>) dst(%dma_wait3A_112 : memref<40x128xf32, #tpu.memory_space<hbm>>)
      } else {
      }
      %dma_start3A_71 = arith.constant 0 : i32
      %dma_start3A_72 = arith.constant 0 : i32
      %dma_start3A_73 = tpu.memref_slice %arg2[%dma_start3A_71, %dma_start3A_72] : memref<10240x128xf32, #tpu.memory_space<hbm>> -> memref<10240x128xf32, #tpu.memory_space<hbm>>
      tpu.enqueue_indirect_dma source(%dma_start3A_73 : memref<10240x128xf32, #tpu.memory_space<hbm>>) target(%arg14 : memref<40x128xf32, #tpu.memory_space<vmem>>) offsets(%arg10 : memref<40xi32, #tpu.memory_space<vmem>>) semaphore(%arg18 : memref<!tpu.dma_semaphore, #tpu.memory_space<semaphore_mem>>)
      %dma_start3A_74 = arith.constant 0 : i32
      %dma_start3A_75 = arith.constant 0 : i32
      %dma_start3A_76 = tpu.memref_slice %arg3[%dma_start3A_74, %dma_start3A_75] : memref<10240x128xf32, #tpu.memory_space<hbm>> -> memref<10240x128xf32, #tpu.memory_space<hbm>>
      tpu.enqueue_indirect_dma source(%dma_start3A_76 : memref<10240x128xf32, #tpu.memory_space<hbm>>) target(%arg15 : memref<40x128xf32, #tpu.memory_space<vmem>>) offsets(%arg11 : memref<40xi32, #tpu.memory_space<vmem>>) semaphore(%arg19 : memref<!tpu.dma_semaphore, #tpu.memory_space<semaphore_mem>>)
      %dma_wait3A_77 = arith.constant 0 : i32
      %dma_wait3A_78 = arith.constant 0 : i32
      %dma_wait3A_79 = tpu.memref_slice %arg2[%dma_wait3A_77, %dma_wait3A_78] : memref<10240x128xf32, #tpu.memory_space<hbm>> -> memref<40x128xf32, #tpu.memory_space<hbm>>
      %dma_wait3A_80 = arith.constant 0 : i32
      %dma_wait3A_81 = arith.constant 0 : i32
      %dma_wait3A_82 = tpu.memref_slice %arg2[%dma_wait3A_80, %dma_wait3A_81] : memref<10240x128xf32, #tpu.memory_space<hbm>> -> memref<40x128xf32, #tpu.memory_space<hbm>>
      tpu.wait_dma2 semaphore(%arg18 : memref<!tpu.dma_semaphore, #tpu.memory_space<semaphore_mem>>) src(%dma_wait3A_82 : memref<40x128xf32, #tpu.memory_space<hbm>>) dst(%arg14 : memref<40x128xf32, #tpu.memory_space<vmem>>)
      %dma_wait3A_83 = arith.constant 0 : i32
      %dma_wait3A_84 = arith.constant 0 : i32
      %dma_wait3A_85 = tpu.memref_slice %arg3[%dma_wait3A_83, %dma_wait3A_84] : memref<10240x128xf32, #tpu.memory_space<hbm>> -> memref<40x128xf32, #tpu.memory_space<hbm>>
      %dma_wait3A_86 = arith.constant 0 : i32
      %dma_wait3A_87 = arith.constant 0 : i32
      %dma_wait3A_88 = tpu.memref_slice %arg3[%dma_wait3A_86, %dma_wait3A_87] : memref<10240x128xf32, #tpu.memory_space<hbm>> -> memref<40x128xf32, #tpu.memory_space<hbm>>
      tpu.wait_dma2 semaphore(%arg19 : memref<!tpu.dma_semaphore, #tpu.memory_space<semaphore_mem>>) src(%dma_wait3A_88 : memref<40x128xf32, #tpu.memory_space<hbm>>) dst(%arg15 : memref<40x128xf32, #tpu.memory_space<vmem>>)
      %dma_start3A_89 = arith.constant 0 : i32
      %dma_start3A_90 = tpu.memref_slice %arg6[%add3A_46, %dma_start3A_89] : memref<330240x128xf32, #tpu.memory_space<hbm>> -> memref<40x128xf32, #tpu.memory_space<hbm>>
      %dma_start3A_91 = arith.constant 0 : i32
      %dma_start3A_92 = tpu.memref_slice %arg6[%add3A_46, %dma_start3A_91] : memref<330240x128xf32, #tpu.memory_space<hbm>> -> memref<40x128xf32, #tpu.memory_space<hbm>>
      tpu.enqueue_dma source(%arg14 : memref<40x128xf32, #tpu.memory_space<vmem>>) target(%dma_start3A_92 : memref<40x128xf32, #tpu.memory_space<hbm>>) target_semaphore(%arg22 : memref<!tpu.dma_semaphore, #tpu.memory_space<semaphore_mem>>)
      %dma_start3A_93 = arith.constant 0 : i32
      %dma_start3A_94 = tpu.memref_slice %arg7[%add3A_46, %dma_start3A_93] : memref<330240x128xf32, #tpu.memory_space<hbm>> -> memref<40x128xf32, #tpu.memory_space<hbm>>
      %dma_start3A_95 = arith.constant 0 : i32
      %dma_start3A_96 = tpu.memref_slice %arg7[%add3A_46, %dma_start3A_95] : memref<330240x128xf32, #tpu.memory_space<hbm>> -> memref<40x128xf32, #tpu.memory_space<hbm>>
      tpu.enqueue_dma source(%arg15 : memref<40x128xf32, #tpu.memory_space<vmem>>) target(%dma_start3A_96 : memref<40x128xf32, #tpu.memory_space<hbm>>) target_semaphore(%arg23 : memref<!tpu.dma_semaphore, #tpu.memory_space<semaphore_mem>>)
      %lt3A = arith.constant 128 : i32
      %lt3A_97 = arith.cmpi slt, %add3A_39, %lt3A : i32
      %convert_element_type3A_98 = arith.extui %lt3A_97 : i1 to i32
      %cond3A_99 = arith.constant 0 : i32
      %cond3A_100 = arith.cmpi ne, %convert_element_type3A_98, %cond3A_99 : i32
      scf.if %cond3A_100 {
        "tpu.region"() ({
          %run_scoped3A = tpu.sem_alloc : memref<!tpu.dma_semaphore, #tpu.memory_space<semaphore_mem>>
          %dma_start3A_119 = tpu.memref_slice %arg4[%add3A_48] : memref<330240xi32, #tpu.memory_space<hbm>> -> memref<40xi32, #tpu.memory_space<hbm>>
          %dma_start3A_120 = tpu.memref_slice %arg4[%add3A_48] : memref<330240xi32, #tpu.memory_space<hbm>> -> memref<40xi32, #tpu.memory_space<hbm>>
          tpu.enqueue_dma source(%dma_start3A_120 : memref<40xi32, #tpu.memory_space<hbm>>) target(%arg8 : memref<40xi32, #tpu.memory_space<vmem>>) target_semaphore(%run_scoped3A : memref<!tpu.dma_semaphore, #tpu.memory_space<semaphore_mem>>)
          %dma_wait3A_121 = tpu.memref_slice %arg4[%add3A_48] : memref<330240xi32, #tpu.memory_space<hbm>> -> memref<40xi32, #tpu.memory_space<hbm>>
          %dma_wait3A_122 = tpu.memref_slice %arg4[%add3A_48] : memref<330240xi32, #tpu.memory_space<hbm>> -> memref<40xi32, #tpu.memory_space<hbm>>
          tpu.wait_dma2 semaphore(%run_scoped3A : memref<!tpu.dma_semaphore, #tpu.memory_space<semaphore_mem>>) src(%dma_wait3A_122 : memref<40xi32, #tpu.memory_space<hbm>>) dst(%arg8 : memref<40xi32, #tpu.memory_space<vmem>>)
          tpu.yield
        }) : () -> ()
        "tpu.region"() ({
          %run_scoped3A = tpu.sem_alloc : memref<!tpu.dma_semaphore, #tpu.memory_space<semaphore_mem>>
          %dma_start3A_119 = tpu.memref_slice %arg5[%add3A_48] : memref<330240xi32, #tpu.memory_space<hbm>> -> memref<40xi32, #tpu.memory_space<hbm>>
          %dma_start3A_120 = tpu.memref_slice %arg5[%add3A_48] : memref<330240xi32, #tpu.memory_space<hbm>> -> memref<40xi32, #tpu.memory_space<hbm>>
          tpu.enqueue_dma source(%dma_start3A_120 : memref<40xi32, #tpu.memory_space<hbm>>) target(%arg9 : memref<40xi32, #tpu.memory_space<vmem>>) target_semaphore(%run_scoped3A : memref<!tpu.dma_semaphore, #tpu.memory_space<semaphore_mem>>)
          %dma_wait3A_121 = tpu.memref_slice %arg5[%add3A_48] : memref<330240xi32, #tpu.memory_space<hbm>> -> memref<40xi32, #tpu.memory_space<hbm>>
          %dma_wait3A_122 = tpu.memref_slice %arg5[%add3A_48] : memref<330240xi32, #tpu.memory_space<hbm>> -> memref<40xi32, #tpu.memory_space<hbm>>
          tpu.wait_dma2 semaphore(%run_scoped3A : memref<!tpu.dma_semaphore, #tpu.memory_space<semaphore_mem>>) src(%dma_wait3A_122 : memref<40xi32, #tpu.memory_space<hbm>>) dst(%arg9 : memref<40xi32, #tpu.memory_space<vmem>>)
          tpu.yield
        }) : () -> ()
        %dma_wait3A_101 = arith.constant 0 : i32
        %dma_wait3A_102 = arith.constant 0 : i32
        %dma_wait3A_103 = tpu.memref_slice %arg6[%dma_wait3A_101, %dma_wait3A_102] : memref<330240x128xf32, #tpu.memory_space<hbm>> -> memref<40x128xf32, #tpu.memory_space<hbm>>
        %dma_wait3A_104 = arith.constant 0 : i32
        %dma_wait3A_105 = arith.constant 0 : i32
        %dma_wait3A_106 = tpu.memref_slice %arg6[%dma_wait3A_104, %dma_wait3A_105] : memref<330240x128xf32, #tpu.memory_space<hbm>> -> memref<40x128xf32, #tpu.memory_space<hbm>>
        tpu.wait_dma2 semaphore(%arg20 : memref<!tpu.dma_semaphore, #tpu.memory_space<semaphore_mem>>) src(%arg12 : memref<40x128xf32, #tpu.memory_space<vmem>>) dst(%dma_wait3A_106 : memref<40x128xf32, #tpu.memory_space<hbm>>)
        %dma_wait3A_107 = arith.constant 0 : i32
        %dma_wait3A_108 = arith.constant 0 : i32
        %dma_wait3A_109 = tpu.memref_slice %arg7[%dma_wait3A_107, %dma_wait3A_108] : memref<330240x128xf32, #tpu.memory_space<hbm>> -> memref<40x128xf32, #tpu.memory_space<hbm>>
        %dma_wait3A_110 = arith.constant 0 : i32
        %dma_wait3A_111 = arith.constant 0 : i32
        %dma_wait3A_112 = tpu.memref_slice %arg7[%dma_wait3A_110, %dma_wait3A_111] : memref<330240x128xf32, #tpu.memory_space<hbm>> -> memref<40x128xf32, #tpu.memory_space<hbm>>
        tpu.wait_dma2 semaphore(%arg21 : memref<!tpu.dma_semaphore, #tpu.memory_space<semaphore_mem>>) src(%arg13 : memref<40x128xf32, #tpu.memory_space<vmem>>) dst(%dma_wait3A_112 : memref<40x128xf32, #tpu.memory_space<hbm>>)
        %dma_start3A_113 = arith.constant 0 : i32
        %dma_start3A_114 = arith.constant 0 : i32
        %dma_start3A_115 = tpu.memref_slice %arg2[%dma_start3A_113, %dma_start3A_114] : memref<10240x128xf32, #tpu.memory_space<hbm>> -> memref<10240x128xf32, #tpu.memory_space<hbm>>
        tpu.enqueue_indirect_dma source(%dma_start3A_115 : memref<10240x128xf32, #tpu.memory_space<hbm>>) target(%arg12 : memref<40x128xf32, #tpu.memory_space<vmem>>) offsets(%arg8 : memref<40xi32, #tpu.memory_space<vmem>>) semaphore(%arg16 : memref<!tpu.dma_semaphore, #tpu.memory_space<semaphore_mem>>)
        %dma_start3A_116 = arith.constant 0 : i32
        %dma_start3A_117 = arith.constant 0 : i32
        %dma_start3A_118 = tpu.memref_slice %arg3[%dma_start3A_116, %dma_start3A_117] : memref<10240x128xf32, #tpu.memory_space<hbm>> -> memref<10240x128xf32, #tpu.memory_space<hbm>>
        tpu.enqueue_indirect_dma source(%dma_start3A_118 : memref<10240x128xf32, #tpu.memory_space<hbm>>) target(%arg13 : memref<40x128xf32, #tpu.memory_space<vmem>>) offsets(%arg9 : memref<40xi32, #tpu.memory_space<vmem>>) semaphore(%arg17 : memref<!tpu.dma_semaphore, #tpu.memory_space<semaphore_mem>>)
      } else {
      }
    }
    %scan3A_11 = arith.constant 129 : i32
    %dma_wait3A = arith.constant 0 : i32
    %dma_wait3A_12 = arith.constant 0 : i32
    %dma_wait3A_13 = tpu.memref_slice %arg6[%dma_wait3A, %dma_wait3A_12] : memref<330240x128xf32, #tpu.memory_space<hbm>> -> memref<40x128xf32, #tpu.memory_space<hbm>>
    %dma_wait3A_14 = arith.constant 0 : i32
    %dma_wait3A_15 = arith.constant 0 : i32
    %dma_wait3A_16 = tpu.memref_slice %arg6[%dma_wait3A_14, %dma_wait3A_15] : memref<330240x128xf32, #tpu.memory_space<hbm>> -> memref<40x128xf32, #tpu.memory_space<hbm>>
    tpu.wait_dma2 semaphore(%arg20 : memref<!tpu.dma_semaphore, #tpu.memory_space<semaphore_mem>>) src(%arg12 : memref<40x128xf32, #tpu.memory_space<vmem>>) dst(%dma_wait3A_16 : memref<40x128xf32, #tpu.memory_space<hbm>>)
    %dma_wait3A_17 = arith.constant 0 : i32
    %dma_wait3A_18 = arith.constant 0 : i32
    %dma_wait3A_19 = tpu.memref_slice %arg7[%dma_wait3A_17, %dma_wait3A_18] : memref<330240x128xf32, #tpu.memory_space<hbm>> -> memref<40x128xf32, #tpu.memory_space<hbm>>
    %dma_wait3A_20 = arith.constant 0 : i32
    %dma_wait3A_21 = arith.constant 0 : i32
    %dma_wait3A_22 = tpu.memref_slice %arg7[%dma_wait3A_20, %dma_wait3A_21] : memref<330240x128xf32, #tpu.memory_space<hbm>> -> memref<40x128xf32, #tpu.memory_space<hbm>>
    tpu.wait_dma2 semaphore(%arg21 : memref<!tpu.dma_semaphore, #tpu.memory_space<semaphore_mem>>) src(%arg13 : memref<40x128xf32, #tpu.memory_space<vmem>>) dst(%dma_wait3A_22 : memref<40x128xf32, #tpu.memory_space<hbm>>)
    %dma_wait3A_23 = arith.constant 0 : i32
    %dma_wait3A_24 = arith.constant 0 : i32
    %dma_wait3A_25 = tpu.memref_slice %arg6[%dma_wait3A_23, %dma_wait3A_24] : memref<330240x128xf32, #tpu.memory_space<hbm>> -> memref<40x128xf32, #tpu.memory_space<hbm>>
    %dma_wait3A_26 = arith.constant 0 : i32
    %dma_wait3A_27 = arith.constant 0 : i32
    %dma_wait3A_28 = tpu.memref_slice %arg6[%dma_wait3A_26, %dma_wait3A_27] : memref<330240x128xf32, #tpu.memory_space<hbm>> -> memref<40x128xf32, #tpu.memory_space<hbm>>
    tpu.wait_dma2 semaphore(%arg22 : memref<!tpu.dma_semaphore, #tpu.memory_space<semaphore_mem>>) src(%arg14 : memref<40x128xf32, #tpu.memory_space<vmem>>) dst(%dma_wait3A_28 : memref<40x128xf32, #tpu.memory_space<hbm>>)
    %dma_wait3A_29 = arith.constant 0 : i32
    %dma_wait3A_30 = arith.constant 0 : i32
    %dma_wait3A_31 = tpu.memref_slice %arg7[%dma_wait3A_29, %dma_wait3A_30] : memref<330240x128xf32, #tpu.memory_space<hbm>> -> memref<40x128xf32, #tpu.memory_space<hbm>>
    %dma_wait3A_32 = arith.constant 0 : i32
    %dma_wait3A_33 = arith.constant 0 : i32
    %dma_wait3A_34 = tpu.memref_slice %arg7[%dma_wait3A_32, %dma_wait3A_33] : memref<330240x128xf32, #tpu.memory_space<hbm>> -> memref<40x128xf32, #tpu.memory_space<hbm>>
    tpu.wait_dma2 semaphore(%arg23 : memref<!tpu.dma_semaphore, #tpu.memory_space<semaphore_mem>>) src(%arg15 : memref<40x128xf32, #tpu.memory_space<vmem>>) dst(%dma_wait3A_34 : memref<40x128xf32, #tpu.memory_space<hbm>>)
    return
  }
}

module attributes {stable_mosaic.version = 14 : i64} {
  func.func @_proj_body(%arg0: i32, %arg1: memref<1000x128xf32, #tpu.memory_space<vmem>>, %arg2: memref<128x512xf32, #tpu.memory_space<vmem>>, %arg3: memref<1x512xf32, #tpu.memory_space<vmem>>, %arg4: memref<128x512xf32, #tpu.memory_space<vmem>>, %arg5: memref<1x512xf32, #tpu.memory_space<vmem>>, %arg6: memref<512x8xf32, #tpu.memory_space<vmem>>, %arg7: memref<1000x512xf32, #tpu.memory_space<vmem>>, %arg8: memref<1000x512xf32, #tpu.memory_space<vmem>>, %arg9: memref<1000x8xf32, #tpu.memory_space<vmem>>) attributes {dimension_semantics = [#tpu.dimension_semantics<arbitrary>], iteration_bounds = array<i64: 10>, scalar_prefetch = 0 : i64, scratch_operands = 0 : i64, tpu.core_type = #tpu.core_type<tc>, window_params = [{transform_indices = @transform_0, window_bounds = array<i64: 1000, 128>}, {pipeline_mode = #tpu.pipeline_mode<synchronous>, transform_indices = @transform_1, window_bounds = array<i64: 128, 512>}, {pipeline_mode = #tpu.pipeline_mode<synchronous>, transform_indices = @transform_2, window_bounds = array<i64: 1, 512>}, {pipeline_mode = #tpu.pipeline_mode<synchronous>, transform_indices = @transform_3, window_bounds = array<i64: 128, 512>}, {pipeline_mode = #tpu.pipeline_mode<synchronous>, transform_indices = @transform_4, window_bounds = array<i64: 1, 512>}, {pipeline_mode = #tpu.pipeline_mode<synchronous>, transform_indices = @transform_5, window_bounds = array<i64: 512, 8>}, {transform_indices = @transform_6, window_bounds = array<i64: 1000, 512>}, {transform_indices = @transform_7, window_bounds = array<i64: 1000, 512>}, {transform_indices = @transform_8, window_bounds = array<i64: 1000, 8>}]} {
    %get3A = arith.constant 0 : index
    %get3A_0 = arith.constant 0 : index
    %get3A_1 = vector.load %arg1[%get3A, %get3A_0] : memref<1000x128xf32, #tpu.memory_space<vmem>>, vector<1000x128xf32>
    %get3A_2 = arith.constant 0 : index
    %get3A_3 = arith.constant 0 : index
    %get3A_4 = vector.load %arg2[%get3A_2, %get3A_3] : memref<128x512xf32, #tpu.memory_space<vmem>>, vector<128x512xf32>
    %dot_general3A = arith.constant dense<0.000000e+00> : vector<1000x512xf32>
    %dot_general3A_5 = tpu.matmul %get3A_1, %get3A_4, %dot_general3A {dimension_numbers = #tpu.dot_dimension_numbers<[1], [0], [0], [1], [0, 0, 1, 1], [], []>, precision = #tpu.contract_precision<fp32>, transpose_lhs_hint = false} : vector<1000x128xf32>, vector<128x512xf32>, vector<1000x512xf32> -> vector<1000x512xf32>
    %get3A_6 = arith.constant 0 : index
    %get3A_7 = arith.constant 0 : index
    %get3A_8 = vector.load %arg3[%get3A_6, %get3A_7] : memref<1x512xf32, #tpu.memory_space<vmem>>, vector<1x512xf32>
    %add3A = vector.broadcast %get3A_8 : vector<1x512xf32> to vector<1000x512xf32>
    %add3A_9 = arith.addf %dot_general3A_5, %add3A : vector<1000x512xf32>
    %get3A_10 = arith.constant 0 : index
    %get3A_11 = arith.constant 0 : index
    %get3A_12 = vector.load %arg4[%get3A_10, %get3A_11] : memref<128x512xf32, #tpu.memory_space<vmem>>, vector<128x512xf32>
    %dot_general3A_13 = arith.constant dense<0.000000e+00> : vector<1000x512xf32>
    %dot_general3A_14 = tpu.matmul %get3A_1, %get3A_12, %dot_general3A_13 {dimension_numbers = #tpu.dot_dimension_numbers<[1], [0], [0], [1], [0, 0, 1, 1], [], []>, precision = #tpu.contract_precision<fp32>, transpose_lhs_hint = false} : vector<1000x128xf32>, vector<128x512xf32>, vector<1000x512xf32> -> vector<1000x512xf32>
    %get3A_15 = arith.constant 0 : index
    %get3A_16 = arith.constant 0 : index
    %get3A_17 = vector.load %arg5[%get3A_15, %get3A_16] : memref<1x512xf32, #tpu.memory_space<vmem>>, vector<1x512xf32>
    %add3A_18 = vector.broadcast %get3A_17 : vector<1x512xf32> to vector<1000x512xf32>
    %add3A_19 = arith.addf %dot_general3A_14, %add3A_18 : vector<1000x512xf32>
    %swap3A = arith.constant 0 : index
    %swap3A_20 = arith.constant 0 : index
    %swap3A_21 = vector.load %arg7[%swap3A, %swap3A_20] : memref<1000x512xf32, #tpu.memory_space<vmem>>, vector<1000x512xf32>
    tpu.vector_store %arg7[%swap3A, %swap3A_20], %add3A_9 {strides = array<i32>} : memref<1000x512xf32, #tpu.memory_space<vmem>>, vector<1000x512xf32>,
    %swap3A_22 = arith.constant 0 : index
    %swap3A_23 = arith.constant 0 : index
    %swap3A_24 = vector.load %arg8[%swap3A_22, %swap3A_23] : memref<1000x512xf32, #tpu.memory_space<vmem>>, vector<1000x512xf32>
    tpu.vector_store %arg8[%swap3A_22, %swap3A_23], %add3A_19 {strides = array<i32>} : memref<1000x512xf32, #tpu.memory_space<vmem>>, vector<1000x512xf32>,
    %abs3A = math.absf %add3A_9 : vector<1000x512xf32>
    %get3A_25 = arith.constant 0 : index
    %get3A_26 = arith.constant 0 : index
    %get3A_27 = vector.load %arg6[%get3A_25, %get3A_26] : memref<512x8xf32, #tpu.memory_space<vmem>>, vector<512x8xf32>
    %dot_general3A_28 = arith.constant dense<0.000000e+00> : vector<1000x8xf32>
    %dot_general3A_29 = tpu.matmul %abs3A, %get3A_27, %dot_general3A_28 {dimension_numbers = #tpu.dot_dimension_numbers<[1], [0], [0], [1], [0, 0, 1, 1], [], []>, precision = #tpu.contract_precision<fp32>, transpose_lhs_hint = false} : vector<1000x512xf32>, vector<512x8xf32>, vector<1000x8xf32> -> vector<1000x8xf32>
    %swap3A_30 = arith.constant 0 : index
    %swap3A_31 = arith.constant 0 : index
    %swap3A_32 = vector.load %arg9[%swap3A_30, %swap3A_31] : memref<1000x8xf32, #tpu.memory_space<vmem>>, vector<1000x8xf32>
    tpu.vector_store %arg9[%swap3A_30, %swap3A_31], %dot_general3A_29 {strides = array<i32>} : memref<1000x8xf32, #tpu.memory_space<vmem>>, vector<1000x8xf32>,
    return
  }
  func.func @transform_0(%arg0: i32) -> (i32, i32) {
    %c0_i32 = arith.constant 0 : i32
    %c0_i32_0 = arith.constant 0 : i32
    return %arg0, %c0_i32 : i32, i32
  }
  func.func @transform_1(%arg0: i32) -> (i32, i32) {
    %c0_i32 = arith.constant 0 : i32
    %c0_i32_0 = arith.constant 0 : i32
    %c0_i32_1 = arith.constant 0 : i32
    return %c0_i32, %c0_i32_0 : i32, i32
  }
  func.func @transform_2(%arg0: i32) -> (i32, i32) {
    %c0_i32 = arith.constant 0 : i32
    %c0_i32_0 = arith.constant 0 : i32
    %c0_i32_1 = arith.constant 0 : i32
    return %c0_i32, %c0_i32_0 : i32, i32
  }
  func.func @transform_3(%arg0: i32) -> (i32, i32) {
    %c0_i32 = arith.constant 0 : i32
    %c0_i32_0 = arith.constant 0 : i32
    %c0_i32_1 = arith.constant 0 : i32
    return %c0_i32, %c0_i32_0 : i32, i32
  }
  func.func @transform_4(%arg0: i32) -> (i32, i32) {
    %c0_i32 = arith.constant 0 : i32
    %c0_i32_0 = arith.constant 0 : i32
    %c0_i32_1 = arith.constant 0 : i32
    return %c0_i32, %c0_i32_0 : i32, i32
  }
  func.func @transform_5(%arg0: i32) -> (i32, i32) {
    %c0_i32 = arith.constant 0 : i32
    %c0_i32_0 = arith.constant 0 : i32
    %c0_i32_1 = arith.constant 0 : i32
    return %c0_i32, %c0_i32_0 : i32, i32
  }
  func.func @transform_6(%arg0: i32) -> (i32, i32) {
    %c0_i32 = arith.constant 0 : i32
    %c0_i32_0 = arith.constant 0 : i32
    return %arg0, %c0_i32 : i32, i32
  }
  func.func @transform_7(%arg0: i32) -> (i32, i32) {
    %c0_i32 = arith.constant 0 : i32
    %c0_i32_0 = arith.constant 0 : i32
    return %arg0, %c0_i32 : i32, i32
  }
  func.func @transform_8(%arg0: i32) -> (i32, i32) {
    %c0_i32 = arith.constant 0 : i32
    %c0_i32_0 = arith.constant 0 : i32
    return %arg0, %c0_i32 : i32, i32
  }
}

module attributes {stable_mosaic.version = 14 : i64} {
  func.func @_colmax_body(%arg0: memref<10000x8xf32, #tpu.memory_space<vmem>>, %arg1: memref<1x8xf32, #tpu.memory_space<vmem>>) attributes {dimension_semantics = [], scalar_prefetch = 0 : i64, scratch_operands = 0 : i64, tpu.core_type = #tpu.core_type<tc>} {
    %get3A = arith.constant 0 : index
    %get3A_0 = arith.constant 0 : index
    %get3A_1 = vector.load %arg0[%get3A, %get3A_0] : memref<10000x8xf32, #tpu.memory_space<vmem>>, vector<10000x8xf32>
    %reduce_max3A = arith.constant dense<0xFF800000> : vector<8xf32>
    %reduce_max3A_2 = vector.multi_reduction <maximumf>, %get3A_1, %reduce_max3A [0] : vector<10000x8xf32> to vector<8xf32>
    %broadcast_in_dim3A = vector.shape_cast %reduce_max3A_2 : vector<8xf32> to vector<1x8xf32>
    %swap3A = arith.constant 0 : index
    %swap3A_3 = arith.constant 0 : index
    %swap3A_4 = vector.load %arg1[%swap3A, %swap3A_3] : memref<1x8xf32, #tpu.memory_space<vmem>>, vector<1x8xf32>
    tpu.vector_store %arg1[%swap3A, %swap3A_3], %broadcast_in_dim3A {strides = array<i32>} : memref<1x8xf32, #tpu.memory_space<vmem>>, vector<1x8xf32>,
    return
  }
}

module attributes {stable_mosaic.version = 14 : i64} {
  func.func @_edge_body(%arg0: i32, %arg1: memref<960x512xf32, #tpu.memory_space<vmem>>, %arg2: memref<960x512xf32, #tpu.memory_space<vmem>>, %arg3: memref<1x8xf32, #tpu.memory_space<vmem>>, %arg4: memref<512x8xf32, #tpu.memory_space<vmem>>, %arg5: memref<512x8xf32, #tpu.memory_space<vmem>>, %arg6: memref<8x512xf32, #tpu.memory_space<vmem>>, %arg7: memref<512x8xf32, #tpu.memory_space<vmem>>, %arg8: memref<960x640xf32, #tpu.memory_space<vmem>>) attributes {dimension_semantics = [#tpu.dimension_semantics<arbitrary>], iteration_bounds = array<i64: 344>, scalar_prefetch = 0 : i64, scratch_operands = 0 : i64, tpu.core_type = #tpu.core_type<tc>, window_params = [{transform_indices = @transform_0, window_bounds = array<i64: 960, 512>}, {transform_indices = @transform_1, window_bounds = array<i64: 960, 512>}, {pipeline_mode = #tpu.pipeline_mode<synchronous>, transform_indices = @transform_2, window_bounds = array<i64: 1, 8>}, {pipeline_mode = #tpu.pipeline_mode<synchronous>, transform_indices = @transform_3, window_bounds = array<i64: 512, 8>}, {pipeline_mode = #tpu.pipeline_mode<synchronous>, transform_indices = @transform_4, window_bounds = array<i64: 512, 8>}, {pipeline_mode = #tpu.pipeline_mode<synchronous>, transform_indices = @transform_5, window_bounds = array<i64: 8, 512>}, {pipeline_mode = #tpu.pipeline_mode<synchronous>, transform_indices = @transform_6, window_bounds = array<i64: 512, 8>}, {transform_indices = @transform_7, window_bounds = array<i64: 960, 640>}]} {
    %get3A = arith.constant 0 : index
    %get3A_0 = arith.constant 0 : index
    %get3A_1 = vector.load %arg1[%get3A, %get3A_0] : memref<960x512xf32, #tpu.memory_space<vmem>>, vector<960x512xf32>
    %get3A_2 = arith.constant 0 : index
    %get3A_3 = arith.constant 0 : index
    %get3A_4 = vector.load %arg2[%get3A_2, %get3A_3] : memref<960x512xf32, #tpu.memory_space<vmem>>, vector<960x512xf32>
    %add3A = arith.addf %get3A_1, %get3A_4 : vector<960x512xf32>
    %mul3A = arith.constant 2.000000e-01 : f32
    %mul3A_5 = vector.broadcast %mul3A : f32 to vector<960x512xf32>
    %mul3A_6 = arith.mulf %mul3A_5, %add3A : vector<960x512xf32>
    %max3A = arith.maximumf %add3A, %mul3A_6 : vector<960x512xf32>
    %get3A_7 = arith.constant 0 : index
    %get3A_8 = arith.constant 0 : index
    %get3A_9 = vector.load %arg4[%get3A_7, %get3A_8] : memref<512x8xf32, #tpu.memory_space<vmem>>, vector<512x8xf32>
    %dot_general3A = arith.constant dense<0.000000e+00> : vector<960x8xf32>
    %dot_general3A_10 = tpu.matmul %max3A, %get3A_9, %dot_general3A {dimension_numbers = #tpu.dot_dimension_numbers<[1], [0], [0], [1], [0, 0, 1, 1], [], []>, precision = #tpu.contract_precision<fp32>, transpose_lhs_hint = false} : vector<960x512xf32>, vector<512x8xf32>, vector<960x8xf32> -> vector<960x8xf32>
    %abs3A = math.absf %get3A_4 : vector<960x512xf32>
    %get3A_11 = arith.constant 0 : index
    %get3A_12 = arith.constant 0 : index
    %get3A_13 = vector.load %arg5[%get3A_11, %get3A_12] : memref<512x8xf32, #tpu.memory_space<vmem>>, vector<512x8xf32>
    %dot_general3A_14 = arith.constant dense<0.000000e+00> : vector<960x8xf32>
    %dot_general3A_15 = tpu.matmul %abs3A, %get3A_13, %dot_general3A_14 {dimension_numbers = #tpu.dot_dimension_numbers<[1], [0], [0], [1], [0, 0, 1, 1], [], []>, precision = #tpu.contract_precision<fp32>, transpose_lhs_hint = false} : vector<960x512xf32>, vector<512x8xf32>, vector<960x8xf32> -> vector<960x8xf32>
    %get3A_16 = arith.constant 0 : index
    %get3A_17 = arith.constant 0 : index
    %get3A_18 = vector.load %arg3[%get3A_16, %get3A_17] : memref<1x8xf32, #tpu.memory_space<vmem>>, vector<1x8xf32>
    %add3A_19 = vector.broadcast %get3A_18 : vector<1x8xf32> to vector<960x8xf32>
    %add3A_20 = arith.addf %dot_general3A_15, %add3A_19 : vector<960x8xf32>
    %sub3A = arith.subf %dot_general3A_10, %add3A_20 : vector<960x8xf32>
    %exp3A = math.exp %sub3A : vector<960x8xf32>
    %mul3A_21 = arith.constant 960 : i32
    %mul3A_22 = arith.muli %arg0, %mul3A_21 : i32
    %iota3A = tpu.iota {dimensions = array<i32: 0>} : vector<960x1xi32>
    %add3A_23 = vector.broadcast %mul3A_22 : i32 to vector<960x1xi32>
    %add3A_24 = arith.addi %add3A_23, %iota3A : vector<960x1xi32>
    %lt3A = arith.constant 330000 : i32
    %lt3A_25 = vector.broadcast %lt3A : i32 to vector<960x1xi32>
    %lt3A_26 = arith.cmpi slt, %add3A_24, %lt3A_25 : vector<960x1xi32>
    %jit3A = arith.constant 0.000000e+00 : f32
    %broadcast_in_dim3A = vector.shape_cast %lt3A_26 : vector<960x1xi1> to vector<960x1xi1>
    %broadcast_in_dim3A_27 = vector.broadcast %broadcast_in_dim3A : vector<960x1xi1> to vector<960x8xi1>
    %broadcast_in_dim3A_28 = vector.broadcast %jit3A : f32 to vector<960x8xf32>
    %select_n3A = arith.select %broadcast_in_dim3A_27, %exp3A, %broadcast_in_dim3A_28 : vector<960x8xi1>, vector<960x8xf32>
    %get3A_29 = arith.constant 0 : index
    %get3A_30 = arith.constant 0 : index
    %get3A_31 = vector.load %arg6[%get3A_29, %get3A_30] : memref<8x512xf32, #tpu.memory_space<vmem>>, vector<8x512xf32>
    %dot_general3A_32 = arith.constant dense<0.000000e+00> : vector<960x512xf32>
    %dot_general3A_33 = tpu.matmul %select_n3A, %get3A_31, %dot_general3A_32 {dimension_numbers = #tpu.dot_dimension_numbers<[1], [0], [0], [1], [0, 0, 1, 1], [], []>, precision = #tpu.contract_precision<fp32>, transpose_lhs_hint = false} : vector<960x8xf32>, vector<8x512xf32>, vector<960x512xf32> -> vector<960x512xf32>
    %mul3A_34 = arith.mulf %get3A_1, %dot_general3A_33 : vector<960x512xf32>
    %broadcast_in_dim3A_35 = arith.constant 0.000000e+00 : f32
    %broadcast_in_dim3A_36 = vector.broadcast %broadcast_in_dim3A_35 : f32 to vector<960x120xf32>
    %concatenate3A = tpu.concatenate %mul3A_34, %select_n3A, %broadcast_in_dim3A_36 in 1 : vector<960x512xf32>, vector<960x8xf32>, vector<960x120xf32> -> vector<960x640xf32>
    %swap3A = arith.constant 0 : index
    %swap3A_37 = arith.constant 0 : index
    %swap3A_38 = vector.load %arg8[%swap3A, %swap3A_37] : memref<960x640xf32, #tpu.memory_space<vmem>>, vector<960x640xf32>
    tpu.vector_store %arg8[%swap3A, %swap3A_37], %concatenate3A {strides = array<i32>} : memref<960x640xf32, #tpu.memory_space<vmem>>, vector<960x640xf32>,
    return
  }
  func.func @transform_0(%arg0: i32) -> (i32, i32) {
    %c0_i32 = arith.constant 0 : i32
    %c0_i32_0 = arith.constant 0 : i32
    return %arg0, %c0_i32 : i32, i32
  }
  func.func @transform_1(%arg0: i32) -> (i32, i32) {
    %c0_i32 = arith.constant 0 : i32
    %c0_i32_0 = arith.constant 0 : i32
    return %arg0, %c0_i32 : i32, i32
  }
  func.func @transform_2(%arg0: i32) -> (i32, i32) {
    %c0_i32 = arith.constant 0 : i32
    %c0_i32_0 = arith.constant 0 : i32
    %c0_i32_1 = arith.constant 0 : i32
    return %c0_i32, %c0_i32_0 : i32, i32
  }
  func.func @transform_3(%arg0: i32) -> (i32, i32) {
    %c0_i32 = arith.constant 0 : i32
    %c0_i32_0 = arith.constant 0 : i32
    %c0_i32_1 = arith.constant 0 : i32
    return %c0_i32, %c0_i32_0 : i32, i32
  }
  func.func @transform_4(%arg0: i32) -> (i32, i32) {
    %c0_i32 = arith.constant 0 : i32
    %c0_i32_0 = arith.constant 0 : i32
    %c0_i32_1 = arith.constant 0 : i32
    return %c0_i32, %c0_i32_0 : i32, i32
  }
  func.func @transform_5(%arg0: i32) -> (i32, i32) {
    %c0_i32 = arith.constant 0 : i32
    %c0_i32_0 = arith.constant 0 : i32
    %c0_i32_1 = arith.constant 0 : i32
    return %c0_i32, %c0_i32_0 : i32, i32
  }
  func.func @transform_6(%arg0: i32) -> (i32, i32) {
    %c0_i32 = arith.constant 0 : i32
    %c0_i32_0 = arith.constant 0 : i32
    %c0_i32_1 = arith.constant 0 : i32
    return %c0_i32, %c0_i32_0 : i32, i32
  }
  func.func @transform_7(%arg0: i32) -> (i32, i32) {
    %c0_i32 = arith.constant 0 : i32
    %c0_i32_0 = arith.constant 0 : i32
    return %arg0, %c0_i32 : i32, i32
  }
}

module attributes {stable_mosaic.version = 14 : i64} {
  func.func @_mid_body(%arg0: i32, %arg1: memref<2x1024x640xf32, #tpu.memory_space<vmem>>, %arg2: memref<1x512xf32, #tpu.memory_space<vmem>>, %arg3: memref<8x512xf32, #tpu.memory_space<vmem>>, %arg4: memref<512x64xf32, #tpu.memory_space<vmem>>, %arg5: memref<1x64xf32, #tpu.memory_space<vmem>>, %arg6: memref<512x64xf32, #tpu.memory_space<vmem>>, %arg7: memref<1x64xf32, #tpu.memory_space<vmem>>, %arg8: memref<64x1xf32, #tpu.memory_space<vmem>>, %arg9: memref<1024x128xf32, #tpu.memory_space<vmem>>, %arg10: memref<1024x128xf32, #tpu.memory_space<vmem>>, %arg11: memref<1024x1xf32, #tpu.memory_space<vmem>>) attributes {dimension_semantics = [#tpu.dimension_semantics<arbitrary>], iteration_bounds = array<i64: 10>, scalar_prefetch = 0 : i64, scratch_operands = 0 : i64, tpu.core_type = #tpu.core_type<tc>, window_params = [{transform_indices = @transform_0, window_bounds = array<i64: 2, 1024, 640>}, {pipeline_mode = #tpu.pipeline_mode<synchronous>, transform_indices = @transform_1, window_bounds = array<i64: 1, 512>}, {pipeline_mode = #tpu.pipeline_mode<synchronous>, transform_indices = @transform_2, window_bounds = array<i64: 8, 512>}, {pipeline_mode = #tpu.pipeline_mode<synchronous>, transform_indices = @transform_3, window_bounds = array<i64: 512, 64>}, {pipeline_mode = #tpu.pipeline_mode<synchronous>, transform_indices = @transform_4, window_bounds = array<i64: 1, 64>}, {pipeline_mode = #tpu.pipeline_mode<synchronous>, transform_indices = @transform_5, window_bounds = array<i64: 512, 64>}, {pipeline_mode = #tpu.pipeline_mode<synchronous>, transform_indices = @transform_6, window_bounds = array<i64: 1, 64>}, {pipeline_mode = #tpu.pipeline_mode<synchronous>, transform_indices = @transform_7, window_bounds = array<i64: 64, 1>}, {transform_indices = @transform_8, window_bounds = array<i64: 1024, 128>}, {transform_indices = @transform_9, window_bounds = array<i64: 1024, 128>}, {transform_indices = @transform_10, window_bounds = array<i64: 1024, 1>}]} {
    %get3A = arith.constant 0 : index
    %get3A_0 = arith.constant 0 : index
    %get3A_1 = arith.constant 0 : index
    %get3A_2 = vector.load %arg1[%get3A, %get3A_0, %get3A_1] : memref<2x1024x640xf32, #tpu.memory_space<vmem>>, vector<1x1024x512xf32>
    %get3A_3 = vector.shape_cast %get3A_2 : vector<1x1024x512xf32> to vector<1024x512xf32>
    %get3A_4 = arith.constant 1 : index
    %get3A_5 = arith.constant 0 : index
    %get3A_6 = arith.constant 0 : index
    %get3A_7 = vector.load %arg1[%get3A_4, %get3A_5, %get3A_6] : memref<2x1024x640xf32, #tpu.memory_space<vmem>>, vector<1x1024x512xf32>
    %get3A_8 = vector.shape_cast %get3A_7 : vector<1x1024x512xf32> to vector<1024x512xf32>
    %add3A = arith.addf %get3A_3, %get3A_8 : vector<1024x512xf32>
    %get3A_9 = arith.constant 0 : index
    %get3A_10 = arith.constant 0 : index
    %get3A_11 = arith.constant 512 : index
    %get3A_12 = vector.load %arg1[%get3A_9, %get3A_10, %get3A_11] : memref<2x1024x640xf32, #tpu.memory_space<vmem>>, vector<1x1024x8xf32>
    %get3A_13 = vector.shape_cast %get3A_12 : vector<1x1024x8xf32> to vector<1024x8xf32>
    %get3A_14 = arith.constant 1 : index
    %get3A_15 = arith.constant 0 : index
    %get3A_16 = arith.constant 512 : index
    %get3A_17 = vector.load %arg1[%get3A_14, %get3A_15, %get3A_16] : memref<2x1024x640xf32, #tpu.memory_space<vmem>>, vector<1x1024x8xf32>
    %get3A_18 = vector.shape_cast %get3A_17 : vector<1x1024x8xf32> to vector<1024x8xf32>
    %add3A_19 = arith.addf %get3A_13, %get3A_18 : vector<1024x8xf32>
    %get3A_20 = arith.constant 0 : index
    %get3A_21 = arith.constant 0 : index
    %get3A_22 = vector.load %arg3[%get3A_20, %get3A_21] : memref<8x512xf32, #tpu.memory_space<vmem>>, vector<8x512xf32>
    %dot_general3A = arith.constant dense<0.000000e+00> : vector<1024x512xf32>
    %dot_general3A_23 = tpu.matmul %add3A_19, %get3A_22, %dot_general3A {dimension_numbers = #tpu.dot_dimension_numbers<[1], [0], [0], [1], [0, 0, 1, 1], [], []>, precision = #tpu.contract_precision<fp32>, transpose_lhs_hint = false} : vector<1024x8xf32>, vector<8x512xf32>, vector<1024x512xf32> -> vector<1024x512xf32>
    %add3A_24 = arith.constant 1.000000e-16 : f32
    %add3A_25 = vector.broadcast %add3A_24 : f32 to vector<1024x512xf32>
    %add3A_26 = arith.addf %dot_general3A_23, %add3A_25 : vector<1024x512xf32>
    %div3A = arith.divf %add3A, %add3A_26 : vector<1024x512xf32>
    %get3A_27 = arith.constant 0 : index
    %get3A_28 = arith.constant 0 : index
    %get3A_29 = vector.load %arg2[%get3A_27, %get3A_28] : memref<1x512xf32, #tpu.memory_space<vmem>>, vector<1x512xf32>
    %add3A_30 = vector.broadcast %get3A_29 : vector<1x512xf32> to vector<1024x512xf32>
    %add3A_31 = arith.addf %div3A, %add3A_30 : vector<1024x512xf32>
    %gt3A = arith.constant 0.000000e+00 : f32
    %gt3A_32 = vector.broadcast %gt3A : f32 to vector<1024x512xf32>
    %gt3A_33 = arith.cmpf ogt, %add3A_31, %gt3A_32 : vector<1024x512xf32>
    %min3A = arith.constant 0.000000e+00 : f32
    %min3A_34 = vector.broadcast %min3A : f32 to vector<1024x512xf32>
    %min3A_35 = arith.minimumf %add3A_31, %min3A_34 : vector<1024x512xf32>
    %exp3A = math.exp %min3A_35 : vector<1024x512xf32>
    %sub3A = arith.constant 1.000000e+00 : f32
    %sub3A_36 = vector.broadcast %sub3A : f32 to vector<1024x512xf32>
    %sub3A_37 = arith.subf %exp3A, %sub3A_36 : vector<1024x512xf32>
    %select_n3A = arith.select %gt3A_33, %add3A_31, %sub3A_37 : vector<1024x512xi1>, vector<1024x512xf32>
    %get3A_38 = arith.constant 0 : index
    %get3A_39 = arith.constant 0 : index
    %get3A_40 = vector.load %arg4[%get3A_38, %get3A_39] : memref<512x64xf32, #tpu.memory_space<vmem>>, vector<512x64xf32>
    %dot_general3A_41 = arith.constant dense<0.000000e+00> : vector<1024x64xf32>
    %dot_general3A_42 = tpu.matmul %select_n3A, %get3A_40, %dot_general3A_41 {dimension_numbers = #tpu.dot_dimension_numbers<[1], [0], [0], [1], [0, 0, 1, 1], [], []>, precision = #tpu.contract_precision<fp32>, transpose_lhs_hint = false} : vector<1024x512xf32>, vector<512x64xf32>, vector<1024x64xf32> -> vector<1024x64xf32>
    %get3A_43 = arith.constant 0 : index
    %get3A_44 = arith.constant 0 : index
    %get3A_45 = vector.load %arg5[%get3A_43, %get3A_44] : memref<1x64xf32, #tpu.memory_space<vmem>>, vector<1x64xf32>
    %add3A_46 = vector.broadcast %get3A_45 : vector<1x64xf32> to vector<1024x64xf32>
    %add3A_47 = arith.addf %dot_general3A_42, %add3A_46 : vector<1024x64xf32>
    %get3A_48 = arith.constant 0 : index
    %get3A_49 = arith.constant 0 : index
    %get3A_50 = vector.load %arg6[%get3A_48, %get3A_49] : memref<512x64xf32, #tpu.memory_space<vmem>>, vector<512x64xf32>
    %dot_general3A_51 = arith.constant dense<0.000000e+00> : vector<1024x64xf32>
    %dot_general3A_52 = tpu.matmul %select_n3A, %get3A_50, %dot_general3A_51 {dimension_numbers = #tpu.dot_dimension_numbers<[1], [0], [0], [1], [0, 0, 1, 1], [], []>, precision = #tpu.contract_precision<fp32>, transpose_lhs_hint = false} : vector<1024x512xf32>, vector<512x64xf32>, vector<1024x64xf32> -> vector<1024x64xf32>
    %get3A_53 = arith.constant 0 : index
    %get3A_54 = arith.constant 0 : index
    %get3A_55 = vector.load %arg7[%get3A_53, %get3A_54] : memref<1x64xf32, #tpu.memory_space<vmem>>, vector<1x64xf32>
    %add3A_56 = vector.broadcast %get3A_55 : vector<1x64xf32> to vector<1024x64xf32>
    %add3A_57 = arith.addf %dot_general3A_52, %add3A_56 : vector<1024x64xf32>
    %broadcast_in_dim3A = arith.constant 0.000000e+00 : f32
    %broadcast_in_dim3A_58 = vector.broadcast %broadcast_in_dim3A : f32 to vector<1024x64xf32>
    %concatenate3A = tpu.concatenate %add3A_47, %broadcast_in_dim3A_58 in 1 : vector<1024x64xf32>, vector<1024x64xf32> -> vector<1024x128xf32>
    %swap3A = arith.constant 0 : index
    %swap3A_59 = arith.constant 0 : index
    %swap3A_60 = vector.load %arg9[%swap3A, %swap3A_59] : memref<1024x128xf32, #tpu.memory_space<vmem>>, vector<1024x128xf32>
    tpu.vector_store %arg9[%swap3A, %swap3A_59], %concatenate3A {strides = array<i32>} : memref<1024x128xf32, #tpu.memory_space<vmem>>, vector<1024x128xf32>,
    %concatenate3A_61 = tpu.concatenate %add3A_57, %broadcast_in_dim3A_58 in 1 : vector<1024x64xf32>, vector<1024x64xf32> -> vector<1024x128xf32>
    %swap3A_62 = arith.constant 0 : index
    %swap3A_63 = arith.constant 0 : index
    %swap3A_64 = vector.load %arg10[%swap3A_62, %swap3A_63] : memref<1024x128xf32, #tpu.memory_space<vmem>>, vector<1024x128xf32>
    tpu.vector_store %arg10[%swap3A_62, %swap3A_63], %concatenate3A_61 {strides = array<i32>} : memref<1024x128xf32, #tpu.memory_space<vmem>>, vector<1024x128xf32>,
    %abs3A = math.absf %add3A_47 : vector<1024x64xf32>
    %get3A_65 = arith.constant 0 : index
    %get3A_66 = arith.constant 0 : index
    %get3A_67 = vector.load %arg8[%get3A_65, %get3A_66] : memref<64x1xf32, #tpu.memory_space<vmem>>, vector<64x1xf32>
    %dot_general3A_68 = arith.constant dense<0.000000e+00> : vector<1024x1xf32>
    %dot_general3A_69 = tpu.matmul %abs3A, %get3A_67, %dot_general3A_68 {dimension_numbers = #tpu.dot_dimension_numbers<[1], [0], [0], [1], [0, 0, 1, 1], [], []>, precision = #tpu.contract_precision<fp32>, transpose_lhs_hint = false} : vector<1024x64xf32>, vector<64x1xf32>, vector<1024x1xf32> -> vector<1024x1xf32>
    %swap3A_70 = arith.constant 0 : index
    %swap3A_71 = arith.constant 0 : index
    %swap3A_72 = vector.load %arg11[%swap3A_70, %swap3A_71] : memref<1024x1xf32, #tpu.memory_space<vmem>>, vector<1024x1xf32>
    tpu.vector_store %arg11[%swap3A_70, %swap3A_71], %dot_general3A_69 {strides = array<i32>} : memref<1024x1xf32, #tpu.memory_space<vmem>>, vector<1024x1xf32>,
    return
  }
  func.func @transform_0(%arg0: i32) -> (i32, i32, i32) {
    %c0_i32 = arith.constant 0 : i32
    %c0_i32_0 = arith.constant 0 : i32
    %c0_i32_1 = arith.constant 0 : i32
    return %c0_i32, %arg0, %c0_i32_0 : i32, i32, i32
  }
  func.func @transform_1(%arg0: i32) -> (i32, i32) {
    %c0_i32 = arith.constant 0 : i32
    %c0_i32_0 = arith.constant 0 : i32
    %c0_i32_1 = arith.constant 0 : i32
    return %c0_i32, %c0_i32_0 : i32, i32
  }
  func.func @transform_2(%arg0: i32) -> (i32, i32) {
    %c0_i32 = arith.constant 0 : i32
    %c0_i32_0 = arith.constant 0 : i32
    %c0_i32_1 = arith.constant 0 : i32
    return %c0_i32, %c0_i32_0 : i32, i32
  }
  func.func @transform_3(%arg0: i32) -> (i32, i32) {
    %c0_i32 = arith.constant 0 : i32
    %c0_i32_0 = arith.constant 0 : i32
    %c0_i32_1 = arith.constant 0 : i32
    return %c0_i32, %c0_i32_0 : i32, i32
  }
  func.func @transform_4(%arg0: i32) -> (i32, i32) {
    %c0_i32 = arith.constant 0 : i32
    %c0_i32_0 = arith.constant 0 : i32
    %c0_i32_1 = arith.constant 0 : i32
    return %c0_i32, %c0_i32_0 : i32, i32
  }
  func.func @transform_5(%arg0: i32) -> (i32, i32) {
    %c0_i32 = arith.constant 0 : i32
    %c0_i32_0 = arith.constant 0 : i32
    %c0_i32_1 = arith.constant 0 : i32
    return %c0_i32, %c0_i32_0 : i32, i32
  }
  func.func @transform_6(%arg0: i32) -> (i32, i32) {
    %c0_i32 = arith.constant 0 : i32
    %c0_i32_0 = arith.constant 0 : i32
    %c0_i32_1 = arith.constant 0 : i32
    return %c0_i32, %c0_i32_0 : i32, i32
  }
  func.func @transform_7(%arg0: i32) -> (i32, i32) {
    %c0_i32 = arith.constant 0 : i32
    %c0_i32_0 = arith.constant 0 : i32
    %c0_i32_1 = arith.constant 0 : i32
    return %c0_i32, %c0_i32_0 : i32, i32
  }
  func.func @transform_8(%arg0: i32) -> (i32, i32) {
    %c0_i32 = arith.constant 0 : i32
    %c0_i32_0 = arith.constant 0 : i32
    return %arg0, %c0_i32 : i32, i32
  }
  func.func @transform_9(%arg0: i32) -> (i32, i32) {
    %c0_i32 = arith.constant 0 : i32
    %c0_i32_0 = arith.constant 0 : i32
    return %arg0, %c0_i32 : i32, i32
  }
  func.func @transform_10(%arg0: i32) -> (i32, i32) {
    %c0_i32 = arith.constant 0 : i32
    %c0_i32_0 = arith.constant 0 : i32
    return %arg0, %c0_i32 : i32, i32
  }
}

module attributes {stable_mosaic.version = 14 : i64} {
  func.func @_colmax_body(%arg0: memref<10240x1xf32, #tpu.memory_space<vmem>>, %arg1: memref<1x1xf32, #tpu.memory_space<vmem>>) attributes {dimension_semantics = [], scalar_prefetch = 0 : i64, scratch_operands = 0 : i64, tpu.core_type = #tpu.core_type<tc>} {
    %get3A = arith.constant 0 : index
    %get3A_0 = arith.constant 0 : index
    %get3A_1 = vector.load %arg0[%get3A, %get3A_0] : memref<10240x1xf32, #tpu.memory_space<vmem>>, vector<10240x1xf32>
    %reduce_max3A = arith.constant dense<0xFF800000> : vector<1xf32>
    %reduce_max3A_2 = vector.multi_reduction <maximumf>, %get3A_1, %reduce_max3A [0] : vector<10240x1xf32> to vector<1xf32>
    %broadcast_in_dim3A = vector.shape_cast %reduce_max3A_2 : vector<1xf32> to vector<1x1xf32>
    %swap3A = arith.constant 0 : index
    %swap3A_3 = arith.constant 0 : index
    %swap3A_4 = vector.load %arg1[%swap3A, %swap3A_3] : memref<1x1xf32, #tpu.memory_space<vmem>>, vector<1x1xf32>
    tpu.vector_store %arg1[%swap3A, %swap3A_3], %broadcast_in_dim3A {strides = array<i32>} : memref<1x1xf32, #tpu.memory_space<vmem>>, vector<1x1xf32>,
    return
  }
}

module attributes {stable_mosaic.version = 14 : i64} {
  func.func @_edge_body(%arg0: i32, %arg1: memref<960x128xf32, #tpu.memory_space<vmem>>, %arg2: memref<960x128xf32, #tpu.memory_space<vmem>>, %arg3: memref<1x1xf32, #tpu.memory_space<vmem>>, %arg4: memref<128x1xf32, #tpu.memory_space<vmem>>, %arg5: memref<128x1xf32, #tpu.memory_space<vmem>>, %arg6: memref<1x64xf32, #tpu.memory_space<vmem>>, %arg7: memref<64x1xf32, #tpu.memory_space<vmem>>, %arg8: memref<960x128xf32, #tpu.memory_space<vmem>>) attributes {dimension_semantics = [#tpu.dimension_semantics<arbitrary>], iteration_bounds = array<i64: 344>, scalar_prefetch = 0 : i64, scratch_operands = 0 : i64, tpu.core_type = #tpu.core_type<tc>, window_params = [{transform_indices = @transform_0, window_bounds = array<i64: 960, 128>}, {transform_indices = @transform_1, window_bounds = array<i64: 960, 128>}, {pipeline_mode = #tpu.pipeline_mode<synchronous>, transform_indices = @transform_2, window_bounds = array<i64: 1, 1>}, {pipeline_mode = #tpu.pipeline_mode<synchronous>, transform_indices = @transform_3, window_bounds = array<i64: 128, 1>}, {pipeline_mode = #tpu.pipeline_mode<synchronous>, transform_indices = @transform_4, window_bounds = array<i64: 128, 1>}, {pipeline_mode = #tpu.pipeline_mode<synchronous>, transform_indices = @transform_5, window_bounds = array<i64: 1, 64>}, {pipeline_mode = #tpu.pipeline_mode<synchronous>, transform_indices = @transform_6, window_bounds = array<i64: 64, 1>}, {transform_indices = @transform_7, window_bounds = array<i64: 960, 128>}]} {
    %get3A = arith.constant 0 : index
    %get3A_0 = arith.constant 0 : index
    %get3A_1 = vector.load %arg1[%get3A, %get3A_0] : memref<960x128xf32, #tpu.memory_space<vmem>>, vector<960x128xf32>
    %get3A_2 = arith.constant 0 : index
    %get3A_3 = arith.constant 0 : index
    %get3A_4 = vector.load %arg2[%get3A_2, %get3A_3] : memref<960x128xf32, #tpu.memory_space<vmem>>, vector<960x128xf32>
    %add3A = arith.addf %get3A_1, %get3A_4 : vector<960x128xf32>
    %mul3A = arith.constant 2.000000e-01 : f32
    %mul3A_5 = vector.broadcast %mul3A : f32 to vector<960x128xf32>
    %mul3A_6 = arith.mulf %mul3A_5, %add3A : vector<960x128xf32>
    %max3A = arith.maximumf %add3A, %mul3A_6 : vector<960x128xf32>
    %get3A_7 = arith.constant 0 : index
    %get3A_8 = arith.constant 0 : index
    %get3A_9 = vector.load %arg4[%get3A_7, %get3A_8] : memref<128x1xf32, #tpu.memory_space<vmem>>, vector<128x1xf32>
    %dot_general3A = arith.constant dense<0.000000e+00> : vector<960x1xf32>
    %dot_general3A_10 = tpu.matmul %max3A, %get3A_9, %dot_general3A {dimension_numbers = #tpu.dot_dimension_numbers<[1], [0], [0], [1], [0, 0, 1, 1], [], []>, precision = #tpu.contract_precision<fp32>, transpose_lhs_hint = false} : vector<960x128xf32>, vector<128x1xf32>, vector<960x1xf32> -> vector<960x1xf32>
    %abs3A = math.absf %get3A_4 : vector<960x128xf32>
    %get3A_11 = arith.constant 0 : index
    %get3A_12 = arith.constant 0 : index
    %get3A_13 = vector.load %arg5[%get3A_11, %get3A_12] : memref<128x1xf32, #tpu.memory_space<vmem>>, vector<128x1xf32>
    %dot_general3A_14 = arith.constant dense<0.000000e+00> : vector<960x1xf32>
    %dot_general3A_15 = tpu.matmul %abs3A, %get3A_13, %dot_general3A_14 {dimension_numbers = #tpu.dot_dimension_numbers<[1], [0], [0], [1], [0, 0, 1, 1], [], []>, precision = #tpu.contract_precision<fp32>, transpose_lhs_hint = false} : vector<960x128xf32>, vector<128x1xf32>, vector<960x1xf32> -> vector<960x1xf32>
    %get3A_16 = arith.constant 0 : index
    %get3A_17 = arith.constant 0 : index
    %get3A_18 = vector.load %arg3[%get3A_16, %get3A_17] : memref<1x1xf32, #tpu.memory_space<vmem>>, vector<1x1xf32>
    %add3A_19 = vector.broadcast %get3A_18 : vector<1x1xf32> to vector<960x1xf32>
    %add3A_20 = arith.addf %dot_general3A_15, %add3A_19 : vector<960x1xf32>
    %sub3A = arith.subf %dot_general3A_10, %add3A_20 : vector<960x1xf32>
    %exp3A = math.exp %sub3A : vector<960x1xf32>
    %mul3A_21 = arith.constant 960 : i32
    %mul3A_22 = arith.muli %arg0, %mul3A_21 : i32
    %iota3A = tpu.iota {dimensions = array<i32: 0>} : vector<960x1xi32>
    %add3A_23 = vector.broadcast %mul3A_22 : i32 to vector<960x1xi32>
    %add3A_24 = arith.addi %add3A_23, %iota3A : vector<960x1xi32>
    %lt3A = arith.constant 330000 : i32
    %lt3A_25 = vector.broadcast %lt3A : i32 to vector<960x1xi32>
    %lt3A_26 = arith.cmpi slt, %add3A_24, %lt3A_25 : vector<960x1xi32>
    %jit3A = arith.constant 0.000000e+00 : f32
    %broadcast_in_dim3A = vector.broadcast %jit3A : f32 to vector<960x1xf32>
    %select_n3A = arith.select %lt3A_26, %exp3A, %broadcast_in_dim3A : vector<960x1xi1>, vector<960x1xf32>
    %get3A_27 = arith.constant 0 : index
    %get3A_28 = arith.constant 0 : index
    %get3A_29 = vector.load %arg6[%get3A_27, %get3A_28] : memref<1x64xf32, #tpu.memory_space<vmem>>, vector<1x64xf32>
    %dot_general3A_30 = arith.constant dense<0.000000e+00> : vector<960x64xf32>
    %dot_general3A_31 = tpu.matmul %select_n3A, %get3A_29, %dot_general3A_30 {dimension_numbers = #tpu.dot_dimension_numbers<[1], [0], [0], [1], [0, 0, 1, 1], [], []>, precision = #tpu.contract_precision<fp32>, transpose_lhs_hint = false} : vector<960x1xf32>, vector<1x64xf32>, vector<960x64xf32> -> vector<960x64xf32>
    %slice3A = vector.extract_strided_slice %get3A_1 {offsets = [0, 0], sizes = [960, 64], strides = [1, 1]} : vector<960x128xf32> to vector<960x64xf32>
    %mul3A_32 = arith.mulf %slice3A, %dot_general3A_31 : vector<960x64xf32>
    %broadcast_in_dim3A_33 = arith.constant 0.000000e+00 : f32
    %broadcast_in_dim3A_34 = vector.broadcast %broadcast_in_dim3A_33 : f32 to vector<960x63xf32>
    %concatenate3A = tpu.concatenate %mul3A_32, %select_n3A, %broadcast_in_dim3A_34 in 1 : vector<960x64xf32>, vector<960x1xf32>, vector<960x63xf32> -> vector<960x128xf32>
    %swap3A = arith.constant 0 : index
    %swap3A_35 = arith.constant 0 : index
    %swap3A_36 = vector.load %arg8[%swap3A, %swap3A_35] : memref<960x128xf32, #tpu.memory_space<vmem>>, vector<960x128xf32>
    tpu.vector_store %arg8[%swap3A, %swap3A_35], %concatenate3A {strides = array<i32>} : memref<960x128xf32, #tpu.memory_space<vmem>>, vector<960x128xf32>,
    return
  }
  func.func @transform_0(%arg0: i32) -> (i32, i32) {
    %c0_i32 = arith.constant 0 : i32
    %c0_i32_0 = arith.constant 0 : i32
    return %arg0, %c0_i32 : i32, i32
  }
  func.func @transform_1(%arg0: i32) -> (i32, i32) {
    %c0_i32 = arith.constant 0 : i32
    %c0_i32_0 = arith.constant 0 : i32
    return %arg0, %c0_i32 : i32, i32
  }
  func.func @transform_2(%arg0: i32) -> (i32, i32) {
    %c0_i32 = arith.constant 0 : i32
    %c0_i32_0 = arith.constant 0 : i32
    %c0_i32_1 = arith.constant 0 : i32
    return %c0_i32, %c0_i32_0 : i32, i32
  }
  func.func @transform_3(%arg0: i32) -> (i32, i32) {
    %c0_i32 = arith.constant 0 : i32
    %c0_i32_0 = arith.constant 0 : i32
    %c0_i32_1 = arith.constant 0 : i32
    return %c0_i32, %c0_i32_0 : i32, i32
  }
  func.func @transform_4(%arg0: i32) -> (i32, i32) {
    %c0_i32 = arith.constant 0 : i32
    %c0_i32_0 = arith.constant 0 : i32
    %c0_i32_1 = arith.constant 0 : i32
    return %c0_i32, %c0_i32_0 : i32, i32
  }
  func.func @transform_5(%arg0: i32) -> (i32, i32) {
    %c0_i32 = arith.constant 0 : i32
    %c0_i32_0 = arith.constant 0 : i32
    %c0_i32_1 = arith.constant 0 : i32
    return %c0_i32, %c0_i32_0 : i32, i32
  }
  func.func @transform_6(%arg0: i32) -> (i32, i32) {
    %c0_i32 = arith.constant 0 : i32
    %c0_i32_0 = arith.constant 0 : i32
    %c0_i32_1 = arith.constant 0 : i32
    return %c0_i32, %c0_i32_0 : i32, i32
  }
  func.func @transform_7(%arg0: i32) -> (i32, i32) {
    %c0_i32 = arith.constant 0 : i32
    %c0_i32_0 = arith.constant 0 : i32
    return %arg0, %c0_i32 : i32, i32
  }
}

module attributes {stable_mosaic.version = 14 : i64} {
  func.func @_fin_body(%arg0: i32, %arg1: memref<2x1024x128xf32, #tpu.memory_space<vmem>>, %arg2: memref<1x64xf32, #tpu.memory_space<vmem>>, %arg3: memref<64x64xf32, #tpu.memory_space<vmem>>, %arg4: memref<1x64xf32, #tpu.memory_space<vmem>>, %arg5: memref<1024x64xf32, #tpu.memory_space<vmem>>) attributes {dimension_semantics = [#tpu.dimension_semantics<arbitrary>], iteration_bounds = array<i64: 10>, scalar_prefetch = 0 : i64, scratch_operands = 0 : i64, tpu.core_type = #tpu.core_type<tc>, window_params = [{transform_indices = @transform_0, window_bounds = array<i64: 2, 1024, 128>}, {pipeline_mode = #tpu.pipeline_mode<synchronous>, transform_indices = @transform_1, window_bounds = array<i64: 1, 64>}, {pipeline_mode = #tpu.pipeline_mode<synchronous>, transform_indices = @transform_2, window_bounds = array<i64: 64, 64>}, {pipeline_mode = #tpu.pipeline_mode<synchronous>, transform_indices = @transform_3, window_bounds = array<i64: 1, 64>}, {transform_indices = @transform_4, window_bounds = array<i64: 1024, 64>}]} {
    %get3A = arith.constant 0 : index
    %get3A_0 = arith.constant 0 : index
    %get3A_1 = arith.constant 0 : index
    %get3A_2 = vector.load %arg1[%get3A, %get3A_0, %get3A_1] : memref<2x1024x128xf32, #tpu.memory_space<vmem>>, vector<1x1024x64xf32>
    %get3A_3 = vector.shape_cast %get3A_2 : vector<1x1024x64xf32> to vector<1024x64xf32>
    %get3A_4 = arith.constant 1 : index
    %get3A_5 = arith.constant 0 : index
    %get3A_6 = arith.constant 0 : index
    %get3A_7 = vector.load %arg1[%get3A_4, %get3A_5, %get3A_6] : memref<2x1024x128xf32, #tpu.memory_space<vmem>>, vector<1x1024x64xf32>
    %get3A_8 = vector.shape_cast %get3A_7 : vector<1x1024x64xf32> to vector<1024x64xf32>
    %add3A = arith.addf %get3A_3, %get3A_8 : vector<1024x64xf32>
    %get3A_9 = arith.constant 0 : index
    %get3A_10 = arith.constant 0 : index
    %get3A_11 = arith.constant 64 : index
    %get3A_12 = vector.load %arg1[%get3A_9, %get3A_10, %get3A_11] : memref<2x1024x128xf32, #tpu.memory_space<vmem>>, vector<1x1024x1xf32>
    %get3A_13 = vector.shape_cast %get3A_12 : vector<1x1024x1xf32> to vector<1024x1xf32>
    %get3A_14 = arith.constant 1 : index
    %get3A_15 = arith.constant 0 : index
    %get3A_16 = arith.constant 64 : index
    %get3A_17 = vector.load %arg1[%get3A_14, %get3A_15, %get3A_16] : memref<2x1024x128xf32, #tpu.memory_space<vmem>>, vector<1x1024x1xf32>
    %get3A_18 = vector.shape_cast %get3A_17 : vector<1x1024x1xf32> to vector<1024x1xf32>
    %add3A_19 = arith.addf %get3A_13, %get3A_18 : vector<1024x1xf32>
    %add3A_20 = arith.constant 1.000000e-16 : f32
    %add3A_21 = vector.broadcast %add3A_20 : f32 to vector<1024x1xf32>
    %add3A_22 = arith.addf %add3A_19, %add3A_21 : vector<1024x1xf32>
    %div3A = vector.broadcast %add3A_22 : vector<1024x1xf32> to vector<1024x64xf32>
    %div3A_23 = arith.divf %add3A, %div3A : vector<1024x64xf32>
    %get3A_24 = arith.constant 0 : index
    %get3A_25 = arith.constant 0 : index
    %get3A_26 = vector.load %arg2[%get3A_24, %get3A_25] : memref<1x64xf32, #tpu.memory_space<vmem>>, vector<1x64xf32>
    %add3A_27 = vector.broadcast %get3A_26 : vector<1x64xf32> to vector<1024x64xf32>
    %add3A_28 = arith.addf %div3A_23, %add3A_27 : vector<1024x64xf32>
    %gt3A = arith.constant 0.000000e+00 : f32
    %gt3A_29 = vector.broadcast %gt3A : f32 to vector<1024x64xf32>
    %gt3A_30 = arith.cmpf ogt, %add3A_28, %gt3A_29 : vector<1024x64xf32>
    %min3A = arith.constant 0.000000e+00 : f32
    %min3A_31 = vector.broadcast %min3A : f32 to vector<1024x64xf32>
    %min3A_32 = arith.minimumf %add3A_28, %min3A_31 : vector<1024x64xf32>
    %exp3A = math.exp %min3A_32 : vector<1024x64xf32>
    %sub3A = arith.constant 1.000000e+00 : f32
    %sub3A_33 = vector.broadcast %sub3A : f32 to vector<1024x64xf32>
    %sub3A_34 = arith.subf %exp3A, %sub3A_33 : vector<1024x64xf32>
    %select_n3A = arith.select %gt3A_30, %add3A_28, %sub3A_34 : vector<1024x64xi1>, vector<1024x64xf32>
    %get3A_35 = arith.constant 0 : index
    %get3A_36 = arith.constant 0 : index
    %get3A_37 = vector.load %arg3[%get3A_35, %get3A_36] : memref<64x64xf32, #tpu.memory_space<vmem>>, vector<64x64xf32>
    %dot_general3A = arith.constant dense<0.000000e+00> : vector<1024x64xf32>
    %dot_general3A_38 = tpu.matmul %select_n3A, %get3A_37, %dot_general3A {dimension_numbers = #tpu.dot_dimension_numbers<[1], [0], [0], [1], [0, 0, 1, 1], [], []>, precision = #tpu.contract_precision<fp32>, transpose_lhs_hint = false} : vector<1024x64xf32>, vector<64x64xf32>, vector<1024x64xf32> -> vector<1024x64xf32>
    %get3A_39 = arith.constant 0 : index
    %get3A_40 = arith.constant 0 : index
    %get3A_41 = vector.load %arg4[%get3A_39, %get3A_40] : memref<1x64xf32, #tpu.memory_space<vmem>>, vector<1x64xf32>
    %add3A_42 = vector.broadcast %get3A_41 : vector<1x64xf32> to vector<1024x64xf32>
    %add3A_43 = arith.addf %dot_general3A_38, %add3A_42 : vector<1024x64xf32>
    %swap3A = arith.constant 0 : index
    %swap3A_44 = arith.constant 0 : index
    %swap3A_45 = vector.load %arg5[%swap3A, %swap3A_44] : memref<1024x64xf32, #tpu.memory_space<vmem>>, vector<1024x64xf32>
    tpu.vector_store %arg5[%swap3A, %swap3A_44], %add3A_43 {strides = array<i32>} : memref<1024x64xf32, #tpu.memory_space<vmem>>, vector<1024x64xf32>,
    return
  }
  func.func @transform_0(%arg0: i32) -> (i32, i32, i32) {
    %c0_i32 = arith.constant 0 : i32
    %c0_i32_0 = arith.constant 0 : i32
    %c0_i32_1 = arith.constant 0 : i32
    return %c0_i32, %arg0, %c0_i32_0 : i32, i32, i32
  }
  func.func @transform_1(%arg0: i32) -> (i32, i32) {
    %c0_i32 = arith.constant 0 : i32
    %c0_i32_0 = arith.constant 0 : i32
    %c0_i32_1 = arith.constant 0 : i32
    return %c0_i32, %c0_i32_0 : i32, i32
  }
  func.func @transform_2(%arg0: i32) -> (i32, i32) {
    %c0_i32 = arith.constant 0 : i32
    %c0_i32_0 = arith.constant 0 : i32
    %c0_i32_1 = arith.constant 0 : i32
    return %c0_i32, %c0_i32_0 : i32, i32
  }
  func.func @transform_3(%arg0: i32) -> (i32, i32) {
    %c0_i32 = arith.constant 0 : i32
    %c0_i32_0 = arith.constant 0 : i32
    %c0_i32_1 = arith.constant 0 : i32
    return %c0_i32, %c0_i32_0 : i32, i32
  }
  func.func @transform_4(%arg0: i32) -> (i32, i32) {
    %c0_i32 = arith.constant 0 : i32
    %c0_i32_0 = arith.constant 0 : i32
    return %arg0, %c0_i32 : i32, i32
  }
}

</mosaic_0001>

<sc_bundles>
// kernel: kernel.13.cloned.1.call-start
scs
__scs_entry_jumppad:
0x0: {  	(pc) =	sbr.rel $0x88, $3  }
0x1: {  	(tag) =	ssettag $0x0;
	lr =	simm.s32 $0x1  }
0x2: {  	[smem:$0x3F91] =	sst lr;
	_ =	strace $0xD0000000  }
0x3: {  	_ = 	snop  }
0x4: {  	_ = 	snop  }
0x5: {  	_ = 	snop  }
0x6: {  	_ = 	snop  }
0x7: {  	_ = 	snop  }
__scs_overlays_trampoline_lowered:
0x8: {  	[smem:$0x3FA0] =	sst s0  }
0x9: {  	[smem:$0x3FA1] =	sst s1  }
0xa: {  	[smem:$0x3FA2] =	sst s2  }
0xb: {  	[smem:$0x3FA3] =	sst s3  }
0xc: {  	[smem:$0x3FA4] =	sst s4  }
0xd: {  	[smem:$0x3FA5] =	sst s5  }
0xe: {  	[smem:$0x3FA6] =	sst s6  }
0xf: {  	[smem:$0x3FA7] =	sst s7  }
0x10: {  	[smem:$0x3FA8] =	sst s8  }
0x11: {  	[smem:$0x3FA9] =	sst s9;
	s0 =	simm.s32 @!p0 $0x0  }
0x12: {  	s1 =	sld [smem:$0x3F8F];
	s0 =	simm.s32 @p0 $0x1  }
0x13: {  	[smem:$0x3FAA] =	sst s0;
	s0 =	simm.s32 @!p1 $0x0  }
0x14: {  	s2 =	sld [smem:$0x3F8E];
	s0 =	simm.s32 @p1 $0x1  }
0x15: {  	[smem:$0x3FAB] =	sst s0;
	s0 =	simm.s32 @!p2 $0x0  }
0x16: {  	s3 =	sld [smem:$0x3FDB];
	s0 =	simm.s32 @p2 $0x1  }
0x17: {  	s4 =	simm.s32 $0x1BF5;
	[smem:$0x3FAD] =	sst s0  }
0x18: {  	s0 =	sld [smem:$0x3F90];
	_ =	swait.ge [sflag:s4], $0x0  }
0x19: {  	s7 =	sld [smem:$0x3F91]  }
0x1a: {  	s8 =	sadd.s32 $0xFFFFE003, lr  }
0x1b: {  	s9 =	sadd.s32 $0xFFFFFEF7, lr;
	s5 =	simm.s32 $0xFFFFFFFF;
	p2 =	slt.u32 s8, $0xFFFFF086  }
0x1c: {  	p1 =	slt.u32 s9, $0xF7A;
	s5 =	simm.s32 @!p2 $0x0  }
0x1d: {  	s5 =	simm.s32 @p1 $0x1;
	p0 =	seq.s32 s7, s2  }
0x1e: {  	s7 =	smul.u32 @!p0 $0xF7A, s2;
	p2 =	seq.s32 @!p0 s5, $0x0  }
0x1f: {  	s9 =	smul.u32 $0xF7A, s1;
	s8 =	simm.s32 @!p0 $0x1BF5;
	p2 =	por !p2, p0  }
0x20: {  	[sflag:s8] =	ssyncset.s32 @!p0 $0xFFFFF086;
	s6 =	sadd.s32 @!p0 s3, s7;
	s7 =	simm.s32 @!p0 $0x108  }
0x21: {  	s3 =	sadd.s32 s3, s9;
	s6 =	sadd.s32 @!p0 $0x88, s6;
	s7 =	simm.s32 @p2 $0x1082  }
0x22: {  	[simem:s7], [sflag:s8] =	dma.local @!p0 [hbm:s6], $0xF7A  }
0x23: {  	s9 =	sor.u32 $0xD0000000, s2;
	s6 =	simm.s32 $0x108;
	_ =	swait.ge @!p0 [sflag:s8], $0x0  }
0x24: {  	s3 =	sadd.s32 $0x88, s3;
	s6 =	simm.s32 @!p1 $0x1082;
	[sflag:s4] =	ssyncset.s32 $0xFFFFF086  }
0x25: {  	[simem:s6], [sflag:s4] =	dma.local [hbm:s3], $0xF7A  }
0x26: {  	[smem:$0x3F91] =	sst s1;
	(tag) =	ssettag s2;
	_ =	strace s9  }
0x27: {  	s1 =	sld [smem:$0x3FA1]  }
0x28: {  	s2 =	sld [smem:$0x3FA2]  }
0x29: {  	s4 =	sld [smem:$0x3FA4]  }
0x2a: {  	p0 =	seq.s32 s5, $0x0;
	s5 =	sld [smem:$0x3FA5]  }
0x2b: {  	s6 =	sld [smem:$0x3FA6]  }
0x2c: {  	s7 =	sld [smem:$0x3FA7]  }
0x2d: {  	s3 =	simm.s32 $0x108;
	s8 =	sld [smem:$0x3FA8]  }
0x2e: {  	s3 =	simm.s32 @!p0 $0x1082;
	s9 =	sld [smem:$0x3FA9]  }
0x2f: {  	lr =	sadd.s32 s0, s3;
	s0 =	sld [smem:$0x3FA0]  }
0x30: {  	s3 =	sld [smem:$0x3FA3]  }
0x31: {  	[smem:$0x3FAC] =	sst s10  }
0x32: {  	s10 =	sld [smem:$0x3FAA];
	_ =	sdelay $0x3  }
0x33: {  	p0 =	seq.s32 s10, $0x1;
	s10 =	sld [smem:$0x3FAC];
	_ =	sdelay $0x3  }
0x34: {  	[smem:$0x3FAC] =	sst s10  }
0x35: {  	s10 =	sld [smem:$0x3FAB];
	_ =	sdelay $0x3  }
0x36: {  	p1 =	seq.s32 s10, $0x1;
	s10 =	sld [smem:$0x3FAC];
	_ =	sdelay $0x3  }
0x37: {  	[smem:$0x3FAC] =	sst s10  }
0x38: {  	s10 =	sld [smem:$0x3FAD]  }
0x39: {  	_ = 	snop;
	(pc) =	sbr.ind lr, $3  }
0x3a: {  	_ = 	snop  }
0x3b: {  	_ = 	snop  }
0x3c: {  	p2 =	seq.s32 s10, $0x1;
	s10 =	sld [smem:$0x3FAC]  }
0x3d: {  	_ =	shalt  }
0x3e: {  	_ =	shalt  }
0x3f: {  	_ =	shalt  }
0x40: {  	_ =	shalt  }
0x41: {  	_ =	shalt  }
0x42: {  	_ =	shalt  }
0x43: {  	_ =	shalt  }
0x44: {  	_ =	shalt  }
0x45: {  	_ =	shalt  }
0x46: {  	_ =	shalt  }
0x47: {  	_ =	shalt  }
0x48: {  	_ =	shalt  }
0x49: {  	_ =	shalt  }
0x4a: {  	_ =	shalt  }
0x4b: {  	_ =	shalt  }
0x4c: {  	_ =	shalt  }
0x4d: {  	_ =	shalt  }
0x4e: {  	_ =	shalt  }
0x4f: {  	_ =	shalt  }
0x50: {  	_ =	shalt  }
0x51: {  	_ =	shalt  }
0x52: {  	_ =	shalt  }
0x53: {  	_ =	shalt  }
0x54: {  	_ =	shalt  }
0x55: {  	_ =	shalt  }
0x56: {  	_ =	shalt  }
0x57: {  	_ =	shalt  }
0x58: {  	_ =	shalt  }
0x59: {  	_ =	shalt  }
0x5a: {  	_ =	shalt  }
0x5b: {  	_ =	shalt  }
0x5c: {  	_ =	shalt  }
0x5d: {  	_ =	shalt  }
0x5e: {  	_ =	shalt  }
0x5f: {  	_ =	shalt  }
0x60: {  	_ =	shalt  }
0x61: {  	_ =	shalt  }
0x62: {  	_ =	shalt  }
0x63: {  	_ =	shalt  }
0x64: {  	_ =	shalt  }
0x65: {  	_ =	shalt  }
0x66: {  	_ =	shalt  }
0x67: {  	_ =	shalt  }
0x68: {  	_ =	shalt  }
0x69: {  	_ =	shalt  }
0x6a: {  	_ =	shalt  }
0x6b: {  	_ =	shalt  }
0x6c: {  	_ =	shalt  }
0x6d: {  	_ =	shalt  }
0x6e: {  	_ =	shalt  }
0x6f: {  	_ =	shalt  }
0x70: {  	_ =	shalt  }
0x71: {  	_ =	shalt  }
0x72: {  	_ =	shalt  }
0x73: {  	_ =	shalt  }
0x74: {  	_ =	shalt  }
0x75: {  	_ =	shalt  }
0x76: {  	_ =	shalt  }
0x77: {  	_ =	shalt  }
0x78: {  	_ =	shalt  }
0x79: {  	_ =	shalt  }
0x7a: {  	_ =	shalt  }
0x7b: {  	_ =	shalt  }
0x7c: {  	_ =	shalt  }
0x7d: {  	_ =	shalt  }
0x7e: {  	_ =	shalt  }
0x7f: {  	_ =	shalt  }
0x80: {  	_ =	shalt  }
0x81: {  	_ =	shalt  }
0x82: {  	_ =	shalt  }
0x83: {  	_ =	shalt  }
0x84: {  	_ =	shalt  }
0x85: {  	_ =	shalt  }
0x86: {  	_ =	shalt  }
0x87: {  	_ =	shalt  }
.Lfunc_end0:
.L_simem_size_0:
called_computation_lowered:
.L_overlay_start_0:
0x88: {  	s2 =	sld [smem:$0x3FD9]  }
0x89: {  	s3 =	sld [smem:$0x3FFE];
	_ =	sdelay $0x1  }
0x8a: {  	s1 =	srdreg.scid  }
0x8b: {  	s0 =	sand.u32 $0x1, s1  }
0x8c: {  	s17 =	sshll.u32 s0, $0xA;
	s2 =	sadd.s32 s3, s2  }
0x8d: {  	s2 =	sadd.s32 s2, s17  }
0x8e: {  	[smem:$0x3FB8] =	sst s2  }
0x8f: {  	_ = 	snop  }
0x90: {  	s2 =	sld [smem:$0x3FD0];
	(tm) =	ssettm $0x1  }
0x91: {  	s18 =	sld [smem:$0x3FFB];
	_ =	sdelay $0x3  }
0x92: {  	_ =	strace s18  }
0x93: {  	s3 =	sld [smem:$0x3FFC];
	_ =	sdelay $0x3  }
0x94: {  	_ =	strace s3  }
0x95: {  	s3 =	sld [smem:$0x3FFD];
	_ =	sdelay $0x3  }
0x96: {  	_ =	strace s3  }
0x97: {  	_ =	strace $0x8FFFFFFF  }
0x98: {  	s19 =	sld [smem:$0x3FDB];
	_ =	sdelay $0x1  }
0x99: {  	s4 =	simm.s32 $_scs_section_size  }
0x9a: {  	s5 =	simm.s32 $_size__tile_overlayer_lowered;
	s6 =	simm.s32 $_tile_overlayer_lowered  }
0x9b: {  	s22 =	simm.s32 $0x1BFF;
	s21 =	sshll.u32 s6, $0x1;
	s3 =	sadd.s32 s4, s19  }
0x9c: {  	s7 =	simm.s32 $0x0;
	s20 =	sshll.u32 s5, $0x1;
	s5 =	sadd.s32 s21, s3  }
0x9d: {  	[timem:s7], [sflag:s22] =	dma.local [hbm:s5], s20  }
0x9e: {  	_ =	swait.ge [sflag:s22], s20  }
0x9f: {  	s4 =	ssub.s32 $0x0, s20;
	[sflag:s22] =	ssyncset.done $0x0  }
0xa0: {  	[sflag:s22] =	ssyncadd.s32 s4;
	_ =	sdelay $0x1  }
0xa1: {  	s23 =	simm.s32 $0x1B8B  }
0xa2: {  	_ =	swait.ge [sflag:s23], $0x1  }
0xa3: {  	[sflag:s23] =	ssyncset.done $0x0  }
0xa4: {  	s25 =	simm.s32 $0x1B8E;
	s24 =	sld [smem:$0x3FFE];
	[sflag:s23] =	ssyncadd.s32 $0xFFFFFFFF  }
0xa5: {  	s26 =	simm.s32 $execute0_lowered;
	[smem:$0x3FD2] =	sst s25  }
0xa6: {  	s5 =	sshll.u32 s26, $0x1;
	_ =	strace $0x80000046;
	[dreg:$0x1] =	wrdreg $0xFFFFFFFF  }
0xa7: {  	s28 =	simm.s32 $_size_execute0_lowered;
	s3 =	sadd.s32 s3, s5;
	[dreg:$0x0] =	wrdreg $0x0  }
0xa8: {  	s5 =	sshll.u32 s28, $0x1;
	[dreg:$0x2] =	wrdreg s3  }
0xa9: {  	[dreg:$0x3] =	wrdreg s5  }
0xaa: {  	[dreg:$0x4] =	wrdreg $0xC0  }
0xab: {  	_ =	task [dreg:s7], $0x5FFFF  }
0xac: {  	[dreg:$0x1] =	wrdreg $0xFFFFFFFF  }
0xad: {  	[dreg:$0x0] =	wrdreg $0x60  }
0xae: {  	[dreg:$0x2] =	wrdreg s24  }
0xaf: {  	[dreg:$0x3] =	wrdreg s2  }
0xb0: {  	[dreg:$0x4] =	wrdreg $0x9  }
0xb1: {  	_ =	task.clear_ibuf [dreg:s7], $0x5FFFF;
	_ =	strace $0x90000046  }
0xb2: {  	s29 =	simm.s32 $0x9;
	_ =	strace $0x80000048  }
0xb3: {  	_ =	swait.ge [sflag:s29], $0x1  }
0xb4: {  	[sflag:s29] =	ssyncadd.s32 $0xFFFFFFFF  }
0xb5: {  	_ =	strace $0x90000048  }
0xb6: {  	_ =	sfence  }
0xb7: {  	s30 =	sld [smem:$0x0];
	_ =	sdelay $0x2  }
0xb8: {  	s31 =	sshll.u32 s1, $0xD;
	s1 =	sshrl.u32 s1, $0x2  }
0xb9: {  	s3 =	sand.u32 $0x4000, s31;
	s1 =	sadd.s32 s1, s30  }
0xba: {  	s0 =	sor.u32 s3, s0;
	s1 =	sshll.u32 s1, $0x11  }
0xbb: {  	s0 =	sor.u32 s1, s0  }
0xbc: {  	s0 =	sadd.s32 $0x8F2B, s0  }
0xbd: {  	[sflag:s0] =	ssyncadd.remote.s32 $0x1  }
0xbe: {  	_ =	sfence.sel $0xFFFF  }
0xbf: {  	[dreg:$0x0] =	wrdreg $0xFFFFFFFF;
	(pc) =	sbr.abs _section_cstart, $3  }
0xc0: {  	[dreg:$0x1] =	wrdreg $0xFFFFFFFF  }
0xc1: {  	_ =	task.clear_ibuf [dreg:s7], $0x2FFFF;
	_ =	strace $0x9FFFFFFF  }
0xc2: {  	(tm) =	ssettm $0x7FFFFFFF  }
0xc3: {  	_ =	shalt  }
tec
execute0_lowered:
.L_overlay_start_1:
0x0: {  	(tag) =	ssettag $0x1  }
0x1: {  	s0 =	rddreg [dreg:$0x0]  }
0x2: {  	s14 =	rddreg [dreg:$0x1];
	s3 =	simm.s32 $0x0;
	s9 =	stileid.u32  }
0x3: {  	s1 =	srdreg.scid;
	s17 =	simm.s32 $0x9;
	s30 =	simm.s32 $0x5200  }
0x4: {  	s18 =	simm.s32 $0x2;
	s16 =	simm.s32 $0x11A00;
	s28 =	simm.s32 $0x5  }
0x5: {  	s29 =	simm.s32 $0x6;
	[smem:$0x7FF] =	sst s3;
	s1 =	sand.u32 $0x1, s1  }
0x6: {  	s2 =	sshll.u32 s9, $0x1;
	s4 =	sadd.s32 $0xE000, s0;
	s7 =	smul.u32 $0x142800, s9  }
0x7: {  	s5 =	sadd.s32 $0xAA400, s0;
	s6 =	sadd.s32 $0x3E00, s0;
	s10 =	smul.u32 $0x50A0, s9  }
0x8: {  	s9 =	sadd.s32 $0xE100, s0;
	_ =	strace $0x80000047;
	s11 =	smul.u32 $0x2850, s1  }
0x9: {  	s2 =	sor.u32 s1, s2;
	s8 =	ssub.s32 $0x2, s1;
	s1 =	smul.u32 $0xA1400, s1  }
0xa: {  	s2 =	smul.u32 $0x2850, s2;
	s7 =	sadd.s32 s7, s0;
	s19 =	sshrl.u32 s8, $0x1  }
0xb: {  	s8 =	ssub.s32 s8, s19;
	s21 =	sadd.s32 s11, s10;
	s10 =	sadd.s32 $0xAA500, s0  }
0xc: {  	s22 =	sadd.s32 s1, s7;
	s19 =	simm.s32 $0x200;
	s7 =	simm.s32 $0xF200  }
0xd: {  	s2 =	sshrl.u32 s2, $0x3;
	s23 =	sadd.s32 $0x28, s21;
	s12 =	sadd.s32 $0x146800, s22  }
0xe: {  	s24 =	smax.u32 s8, $0x1;
	s13 =	sadd.s32 $0x156E800, s22;
	s25 =	sadd.s32 $0x50, s21  }
0xf: {  	s22 =	simm.s32 $0xA200;
	s21 =	simm.s32 $0x12A00;
	s8 =	simm.s32 $0x0  }
0x10: {  	s20 =	sadd.s32 s14, s2;
	s2 =	sadd.s32 s6, s2;
	[dreg:$0x5] =	wrdreg s24  }
.Ltmp0:
0x11: {  	s1 =	sshrl.u32 s23, $0x3;
	[dreg:$0x6] =	wrdreg s25;
	(pc) =	sbr.rel .LBB2_1-.Ltmp0, $4  }
0x12: {  	s23 =	simm.s32 $0x13200;
	s24 =	simm.s32 $0x13A00;
	[dreg:$0x3] =	wrdreg s20  }
0x13: {  	v2 =	vlaneseq.u32;
	s25 =	simm.s32 $0x3;
	[dreg:$0x4] =	wrdreg s2;
	s26 =	sadd.s32 s1, s6  }
0x14: {  	vm0 =	vmmov $0xffff;
	v1 =	vshrl.u32 v2, $0x3;
	s31 =	sadd.s32 s1, s14;
	s2 =	simm.s32 $0x1;
	[dreg:$0x7] =	wrdreg s26  }
0x15: {  	v0 =	vand.u32 $0x7, v2;
	v2 =	vor.u32 $0x8, v2;
	v1 =	vmul.u32 $0x8, v1;
	s20 =	simm.s32 $0x12200;
	[dreg:$0x8] =	wrdreg s31;
	s26 =	simm.s32 $0x4  }
.LBB2_4:
0x16: {  	_ =	swait.ge [sflag:s28], $0x5000  }
0x17: {  	[sflag:s28] =	ssyncset.done $0x0  }
0x18: {  	[sflag:s28] =	ssyncadd.s32 $0xFFFFB000  }
0x19: {  	_ =	swait.ge [sflag:s29], $0x5000  }
0x1a: {  	[sflag:s29] =	ssyncset.done $0x0  }
0x1b: {  	s0 =	simm.s32 $0x7;
	[sflag:s29] =	ssyncadd.s32 $0xFFFFB000  }
0x1c: {  	_ =	swait.ge [sflag:s0], $0x5000  }
0x1d: {  	[sflag:s0] =	ssyncset.done $0x0  }
0x1e: {  	s1 =	simm.s32 $0x8;
	[sflag:s0] =	ssyncadd.s32 $0xFFFFB000  }
0x1f: {  	_ =	swait.ge [sflag:s1], $0x5000  }
0x20: {  	s8 =	rddreg [dreg:$0x9]  }
0x21: {  	s31 =	rddreg [dreg:$0x5];
	s8 =	sadd.s32 $0x1, s8  }
0x22: {  	p0 =	sne.s32 s8, s31  }
.Ltmp1:
0x23: {  	_ = 	snop;
	(pc) =	sbr.rel @!p0 .LBB2_5-.Ltmp1, $3  }
0x24: {  	_ =	sdelay $0x1  }
0x25: {  	[sflag:s1] =	ssyncset.done $0x0  }
0x26: {  	[sflag:s1] =	ssyncadd.s32 $0xFFFFB000  }
.LBB2_1:
0x27: {  	[dreg:$0x9] =	wrdreg s8  }
0x28: {  	s0 =	rddreg [dreg:$0x3]  }
0x29: {  	[tilespmem:s3], [sflag:$0x9] =	stream.linear.gather [hbm4b:s0+s3], $0x28, $0x38;
	[tilespmem:$0x14200] =	vst v63  }
0x2a: {  	_ =	swait.ge [sflag:s17], $0x28  }
0x2b: {  	[sflag:s17] =	ssyncset.done $0x0  }
0x2c: {  	s1 =	simm.s32 $0x80;
	s8 =	rddreg [dreg:$0x4];
	[sflag:s17] =	ssyncadd.s32 $0xFFFFFFD8  }
0x2d: {  	[tilespmem:s1], [sflag:$0x9] =	stream.linear.gather [hbm4b:s8+s3], $0x28, $0x38;
	[tilespmem:$0x14200] =	vst v63  }
0x2e: {  	_ =	swait.ge [sflag:s17], $0x28  }
0x2f: {  	[sflag:s17] =	ssyncset.done $0x0  }
0x30: {  	[sflag:s17] =	ssyncadd.s32 $0xFFFFFFD8  }
0x31: {  	v3 =	vld [tilespmem:$0x0];
	_ =	sdelay $0x4  }
0x32: {  	v4 =	vshll.u32 v3, $0x2  }
0x33: {  	v3 =	vand.u32 $0x7, v3;
	v4 =	vand.u32 $0xFFFFFFE0, v4  }
0x34: {  	v3 =	vor.u32 v3, v4  }
0x35: {  	v4 =	vperm.xlane v3, v0;
	_ =	sdelay $0x1  }
0x36: {  	v4 =	vadd.s32 v1, v4;
	_ =	sdelay $0x1  }
0x37: {  	v3 =	vperm.xlane v3, v2;
	_ =	sdelay $0x1  }
0x38: {  	v3 =	vadd.s32 v1, v3  }
0x39: {  	[tilespmem:s19], [sflag:$0x1] =	stream.indirect_vreg.gather [hbm4b:s4+s3], $0x80, v4, vm0, $0xb8;
	[tilespmem:$0x14200] =	vst v63  }
0x3a: {  	s11 =	simm.s32 $0xA00  }
0x3b: {  	[tilespmem:s11], [sflag:$0x1] =	stream.indirect_vreg.gather [hbm4b:s9+s3], $0x80, v4, vm0, $0xb8;
	[tilespmem:$0x14200] =	vst v63  }
0x3c: {  	s14 =	simm.s32 $0x1200  }
0x3d: {  	[tilespmem:s14], [sflag:$0x1] =	stream.indirect_vreg.gather [hbm4b:s4+s3], $0x80, v3, vm0, $0xb8;
	[tilespmem:$0x14200] =	vst v63  }
0x3e: {  	s15 =	simm.s32 $0x1A00  }
0x3f: {  	[tilespmem:s15], [sflag:$0x1] =	stream.indirect_vreg.gather [hbm4b:s9+s3], $0x80, v3, vm0, $0xb8;
	[tilespmem:$0x14200] =	vst v63  }
0x40: {  	v3 =	vld [tilespmem:$0x10];
	_ =	sdelay $0x4  }
0x41: {  	v59 =	vshll.u32 v3, $0x2  }
0x42: {  	v3 =	vand.u32 $0x7, v3;
	v4 =	vand.u32 $0xFFFFFFE0, v59  }
0x43: {  	v3 =	vor.u32 v3, v4  }
0x44: {  	v4 =	vperm.xlane v3, v0;
	_ =	sdelay $0x1  }
0x45: {  	v4 =	vadd.s32 v1, v4;
	_ =	sdelay $0x1  }
0x46: {  	v3 =	vperm.xlane v3, v2;
	_ =	sdelay $0x1  }
0x47: {  	s1 =	simm.s32 $0x2200;
	v3 =	vadd.s32 v1, v3  }
0x48: {  	[tilespmem:s1], [sflag:$0x1] =	stream.indirect_vreg.gather [hbm4b:s4+s3], $0x80, v4, vm0, $0xb8;
	[tilespmem:$0x14200] =	vst v63  }
0x49: {  	s8 =	simm.s32 $0x2A00  }
0x4a: {  	[tilespmem:s8], [sflag:$0x1] =	stream.indirect_vreg.gather [hbm4b:s9+s3], $0x80, v4, vm0, $0xb8;
	[tilespmem:$0x14200] =	vst v63  }
0x4b: {  	s11 =	simm.s32 $0x3200  }
0x4c: {  	[tilespmem:s11], [sflag:$0x1] =	stream.indirect_vreg.gather [hbm4b:s4+s3], $0x80, v3, vm0, $0xb8;
	[tilespmem:$0x14200] =	vst v63  }
0x4d: {  	s14 =	simm.s32 $0x3A00  }
0x4e: {  	[tilespmem:s14], [sflag:$0x1] =	stream.indirect_vreg.gather [hbm4b:s9+s3], $0x80, v3, vm0, $0xb8;
	[tilespmem:$0x14200] =	vst v63  }
0x4f: {  	v3 =	vld.msk [tilespmem:$0x20], $0xff;
	_ =	sdelay $0x4  }
0x50: {  	v60 =	vshll.u32 v3, $0x2  }
0x51: {  	v3 =	vand.u32 $0x7, v3;
	v4 =	vand.u32 $0xFFFFFFE0, v60  }
0x52: {  	v3 =	vor.u32 v3, v4  }
0x53: {  	v3 =	vperm.xlane v3, v0;
	_ =	sdelay $0x1  }
0x54: {  	v3 =	vadd.s32 v1, v3;
	_ =	sdelay $0x3  }
0x55: {  	s15 =	simm.s32 $0x4200  }
0x56: {  	[tilespmem:s15], [sflag:$0x1] =	stream.indirect_vreg.gather [hbm4b:s4+s3], $0x80, v3, vm0, $0xb8;
	[tilespmem:$0x14200] =	vst v63  }
0x57: {  	s1 =	simm.s32 $0x4A00  }
0x58: {  	[tilespmem:s1], [sflag:$0x1] =	stream.indirect_vreg.gather [hbm4b:s9+s3], $0x80, v3, vm0, $0xb8;
	[tilespmem:$0x14200] =	vst v63  }
0x59: {  	v3 =	vld [tilespmem:$0x80];
	_ =	sdelay $0x4  }
0x5a: {  	v61 =	vshll.u32 v3, $0x2  }
0x5b: {  	v3 =	vand.u32 $0x7, v3;
	v4 =	vand.u32 $0xFFFFFFE0, v61  }
0x5c: {  	v3 =	vor.u32 v3, v4  }
0x5d: {  	v4 =	vperm.xlane v3, v0;
	_ =	sdelay $0x1  }
0x5e: {  	v4 =	vadd.s32 v1, v4;
	_ =	sdelay $0x1  }
0x5f: {  	v3 =	vperm.xlane v3, v2;
	_ =	sdelay $0x1  }
0x60: {  	v3 =	vadd.s32 v1, v3  }
0x61: {  	[tilespmem:s30], [sflag:$0x2] =	stream.indirect_vreg.gather [hbm4b:s5+s3], $0x80, v4, vm0, $0xb8;
	[tilespmem:$0x14200] =	vst v63  }
0x62: {  	s8 =	simm.s32 $0x5A00  }
0x63: {  	[tilespmem:s8], [sflag:$0x2] =	stream.indirect_vreg.gather [hbm4b:s10+s3], $0x80, v4, vm0, $0xb8;
	[tilespmem:$0x14200] =	vst v63  }
0x64: {  	s11 =	simm.s32 $0x6200  }
0x65: {  	[tilespmem:s11], [sflag:$0x2] =	stream.indirect_vreg.gather [hbm4b:s5+s3], $0x80, v3, vm0, $0xb8;
	[tilespmem:$0x14200] =	vst v63  }
0x66: {  	s14 =	simm.s32 $0x6A00  }
0x67: {  	[tilespmem:s14], [sflag:$0x2] =	stream.indirect_vreg.gather [hbm4b:s10+s3], $0x80, v3, vm0, $0xb8;
	[tilespmem:$0x14200] =	vst v63  }
0x68: {  	v3 =	vld [tilespmem:$0x90];
	_ =	sdelay $0x4  }
0x69: {  	v62 =	vshll.u32 v3, $0x2  }
0x6a: {  	v3 =	vand.u32 $0x7, v3;
	v4 =	vand.u32 $0xFFFFFFE0, v62  }
0x6b: {  	v3 =	vor.u32 v3, v4  }
0x6c: {  	v4 =	vperm.xlane v3, v0;
	_ =	sdelay $0x1  }
0x6d: {  	v4 =	vadd.s32 v1, v4;
	_ =	sdelay $0x1  }
0x6e: {  	v3 =	vperm.xlane v3, v2;
	_ =	sdelay $0x1  }
0x6f: {  	s15 =	simm.s32 $0x7200;
	v3 =	vadd.s32 v1, v3  }
0x70: {  	[tilespmem:s15], [sflag:$0x2] =	stream.indirect_vreg.gather [hbm4b:s5+s3], $0x80, v4, vm0, $0xb8;
	[tilespmem:$0x14200] =	vst v63  }
0x71: {  	s1 =	simm.s32 $0x7A00  }
0x72: {  	[tilespmem:s1], [sflag:$0x2] =	stream.indirect_vreg.gather [hbm4b:s10+s3], $0x80, v4, vm0, $0xb8;
	[tilespmem:$0x14200] =	vst v63  }
0x73: {  	s8 =	simm.s32 $0x8200  }
0x74: {  	[tilespmem:s8], [sflag:$0x2] =	stream.indirect_vreg.gather [hbm4b:s5+s3], $0x80, v3, vm0, $0xb8;
	[tilespmem:$0x14200] =	vst v63  }
0x75: {  	s11 =	simm.s32 $0x8A00  }
0x76: {  	[tilespmem:s11], [sflag:$0x2] =	stream.indirect_vreg.gather [hbm4b:s10+s3], $0x80, v3, vm0, $0xb8;
	[tilespmem:$0x14200] =	vst v63  }
0x77: {  	v3 =	vld.msk [tilespmem:$0xA0], $0xff;
	_ =	sdelay $0x4  }
0x78: {  	v63 =	vshll.u32 v3, $0x2  }
0x79: {  	v3 =	vand.u32 $0x7, v3;
	v4 =	vand.u32 $0xFFFFFFE0, v63  }
0x7a: {  	v3 =	vor.u32 v3, v4  }
0x7b: {  	v3 =	vperm.xlane v3, v0;
	_ =	sdelay $0x1  }
0x7c: {  	v3 =	vadd.s32 v1, v3;
	_ =	sdelay $0x2  }
0x7d: {  	s31 =	rddreg [dreg:$0x8]  }
0x7e: {  	s0 =	rddreg [dreg:$0x7];
	s14 =	simm.s32 $0x9200  }
0x7f: {  	[tilespmem:s14], [sflag:$0x2] =	stream.indirect_vreg.gather [hbm4b:s5+s3], $0x80, v3, vm0, $0xb8;
	[tilespmem:$0x14200] =	vst v63  }
0x80: {  	s15 =	simm.s32 $0x9A00;
	s1 =	rddreg [dreg:$0x6];
	s8 =	simm.s32 $0x0  }
0x81: {  	[tilespmem:s15], [sflag:$0x2] =	stream.indirect_vreg.gather [hbm4b:s10+s3], $0x80, v3, vm0, $0xb8;
	[tilespmem:$0x14200] =	vst v63  }
.LBB2_2:
0x82: {  	_ =	swait.ge [sflag:s2], $0x5000  }
0x83: {  	[sflag:s2] =	ssyncset.done $0x0  }
0x84: {  	[sflag:s2] =	ssyncadd.s32 $0xFFFFB000  }
0x85: {  	_ =	swait.ge [sflag:s18], $0x5000  }
0x86: {  	[sflag:s18] =	ssyncset.done $0x0  }
0x87: {  	s11 =	sadd.s32 s8, s12;
	[sflag:s18] =	ssyncadd.s32 $0xFFFFB000  }
0x88: {  	[hbm4b:s11+s3] =	stream.linear.scatter [tilespmem:s19], [sflag:$0x5], $0x5000, $0x38;
	[tilespmem:$0x14200] =	vst v63  }
0x89: {  	s14 =	sadd.s32 s8, s13  }
0x8a: {  	[hbm4b:s14+s3] =	stream.linear.scatter [tilespmem:s30], [sflag:$0x6], $0x5000, $0x38;
	[tilespmem:$0x14200] =	vst v63  }
0x8b: {  	s15 =	simm.s32 $0x100  }
0x8c: {  	[tilespmem:s15], [sflag:$0x9] =	stream.linear.gather [hbm4b:s31+s3], $0x28, $0x38;
	[tilespmem:$0x14200] =	vst v63  }
0x8d: {  	_ =	swait.ge [sflag:s17], $0x28  }
0x8e: {  	[sflag:s17] =	ssyncset.done $0x0  }
0x8f: {  	s15 =	simm.s32 $0x180;
	[sflag:s17] =	ssyncadd.s32 $0xFFFFFFD8  }
0x90: {  	[tilespmem:s15], [sflag:$0x9] =	stream.linear.gather [hbm4b:s0+s3], $0x28, $0x38;
	[tilespmem:$0x14200] =	vst v63  }
0x91: {  	_ =	swait.ge [sflag:s17], $0x28  }
0x92: {  	p0 =	seq.s32 s8, $0x0;
	[sflag:s17] =	ssyncset.done $0x0  }
0x93: {  	s15 =	simm.s32 @!p0 $0x7;
	[sflag:s17] =	ssyncadd.s32 $0xFFFFFFD8  }
0x94: {  	_ =	swait.ge @!p0 [sflag:s15], $0x5000  }
0x95: {  	[sflag:s15] =	ssyncset.done @!p0 $0x0  }
0x96: {  	[sflag:s15] =	ssyncadd.s32 @!p0 $0xFFFFB000;
	s15 =	simm.s32 @!p0 $0x8  }
0x97: {  	_ =	swait.ge @!p0 [sflag:s15], $0x5000  }
0x98: {  	[sflag:s15] =	ssyncset.done @!p0 $0x0  }
0x99: {  	[sflag:s15] =	ssyncadd.s32 @!p0 $0xFFFFB000  }
0x9a: {  	v3 =	vld [tilespmem:$0x100];
	_ =	sdelay $0x4  }
0x9b: {  	v4 =	vshll.u32 v3, $0x2  }
0x9c: {  	v3 =	vand.u32 $0x7, v3;
	v4 =	vand.u32 $0xFFFFFFE0, v4  }
0x9d: {  	v3 =	vor.u32 v3, v4  }
0x9e: {  	v4 =	vperm.xlane v3, v0;
	_ =	sdelay $0x1  }
0x9f: {  	v4 =	vadd.s32 v1, v4;
	_ =	sdelay $0x1  }
0xa0: {  	v3 =	vperm.xlane v3, v2;
	_ =	sdelay $0x1  }
0xa1: {  	v3 =	vadd.s32 v1, v3  }
0xa2: {  	[tilespmem:s22], [sflag:$0x3] =	stream.indirect_vreg.gather [hbm4b:s4+s3], $0x80, v4, vm0, $0xb8;
	[tilespmem:$0x14200] =	vst v63  }
0xa3: {  	s15 =	simm.s32 $0xAA00  }
0xa4: {  	[tilespmem:s15], [sflag:$0x3] =	stream.indirect_vreg.gather [hbm4b:s9+s3], $0x80, v4, vm0, $0xb8;
	[tilespmem:$0x14200] =	vst v63  }
0xa5: {  	s15 =	simm.s32 $0xB200  }
0xa6: {  	[tilespmem:s15], [sflag:$0x3] =	stream.indirect_vreg.gather [hbm4b:s4+s3], $0x80, v3, vm0, $0xb8;
	[tilespmem:$0x14200] =	vst v63  }
0xa7: {  	s15 =	simm.s32 $0xBA00  }
0xa8: {  	[tilespmem:s15], [sflag:$0x3] =	stream.indirect_vreg.gather [hbm4b:s9+s3], $0x80, v3, vm0, $0xb8;
	[tilespmem:$0x14200] =	vst v63  }
0xa9: {  	v3 =	vld [tilespmem:$0x110];
	_ =	sdelay $0x4  }
0xaa: {  	v59 =	vshll.u32 v3, $0x2  }
0xab: {  	v3 =	vand.u32 $0x7, v3;
	v4 =	vand.u32 $0xFFFFFFE0, v59  }
0xac: {  	v3 =	vor.u32 v3, v4  }
0xad: {  	v4 =	vperm.xlane v3, v0;
	_ =	sdelay $0x1  }
0xae: {  	v4 =	vadd.s32 v1, v4;
	_ =	sdelay $0x1  }
0xaf: {  	v3 =	vperm.xlane v3, v2;
	_ =	sdelay $0x1  }
0xb0: {  	s15 =	simm.s32 $0xC200;
	v3 =	vadd.s32 v1, v3  }
0xb1: {  	[tilespmem:s15], [sflag:$0x3] =	stream.indirect_vreg.gather [hbm4b:s4+s3], $0x80, v4, vm0, $0xb8;
	[tilespmem:$0x14200] =	vst v63  }
0xb2: {  	s15 =	simm.s32 $0xCA00  }
0xb3: {  	[tilespmem:s15], [sflag:$0x3] =	stream.indirect_vreg.gather [hbm4b:s9+s3], $0x80, v4, vm0, $0xb8;
	[tilespmem:$0x14200] =	vst v63  }
0xb4: {  	s15 =	simm.s32 $0xD200  }
0xb5: {  	[tilespmem:s15], [sflag:$0x3] =	stream.indirect_vreg.gather [hbm4b:s4+s3], $0x80, v3, vm0, $0xb8;
	[tilespmem:$0x14200] =	vst v63  }
0xb6: {  	s15 =	simm.s32 $0xDA00  }
0xb7: {  	[tilespmem:s15], [sflag:$0x3] =	stream.indirect_vreg.gather [hbm4b:s9+s3], $0x80, v3, vm0, $0xb8;
	[tilespmem:$0x14200] =	vst v63  }
0xb8: {  	v3 =	vld.msk [tilespmem:$0x120], $0xff;
	_ =	sdelay $0x4  }
0xb9: {  	v60 =	vshll.u32 v3, $0x2  }
0xba: {  	v3 =	vand.u32 $0x7, v3;
	v4 =	vand.u32 $0xFFFFFFE0, v60  }
0xbb: {  	v3 =	vor.u32 v3, v4  }
0xbc: {  	v3 =	vperm.xlane v3, v0;
	_ =	sdelay $0x1  }
0xbd: {  	v3 =	vadd.s32 v1, v3;
	_ =	sdelay $0x3  }
0xbe: {  	s15 =	simm.s32 $0xE200  }
0xbf: {  	[tilespmem:s15], [sflag:$0x3] =	stream.indirect_vreg.gather [hbm4b:s4+s3], $0x80, v3, vm0, $0xb8;
	[tilespmem:$0x14200] =	vst v63  }
0xc0: {  	s15 =	simm.s32 $0xEA00  }
0xc1: {  	[tilespmem:s15], [sflag:$0x3] =	stream.indirect_vreg.gather [hbm4b:s9+s3], $0x80, v3, vm0, $0xb8;
	[tilespmem:$0x14200] =	vst v63  }
0xc2: {  	v3 =	vld [tilespmem:$0x180];
	_ =	sdelay $0x4  }
0xc3: {  	v61 =	vshll.u32 v3, $0x2  }
0xc4: {  	v3 =	vand.u32 $0x7, v3;
	v4 =	vand.u32 $0xFFFFFFE0, v61  }
0xc5: {  	v3 =	vor.u32 v3, v4  }
0xc6: {  	v4 =	vperm.xlane v3, v0;
	_ =	sdelay $0x1  }
0xc7: {  	v4 =	vadd.s32 v1, v4;
	_ =	sdelay $0x1  }
0xc8: {  	v3 =	vperm.xlane v3, v2;
	_ =	sdelay $0x1  }
0xc9: {  	v3 =	vadd.s32 v1, v3  }
0xca: {  	[tilespmem:s7], [sflag:$0x4] =	stream.indirect_vreg.gather [hbm4b:s5+s3], $0x80, v4, vm0, $0xb8;
	[tilespmem:$0x14200] =	vst v63  }
0xcb: {  	s15 =	simm.s32 $0xFA00  }
0xcc: {  	[tilespmem:s15], [sflag:$0x4] =	stream.indirect_vreg.gather [hbm4b:s10+s3], $0x80, v4, vm0, $0xb8;
	[tilespmem:$0x14200] =	vst v63  }
0xcd: {  	s15 =	simm.s32 $0x10200  }
0xce: {  	[tilespmem:s15], [sflag:$0x4] =	stream.indirect_vreg.gather [hbm4b:s5+s3], $0x80, v3, vm0, $0xb8;
	[tilespmem:$0x14200] =	vst v63  }
0xcf: {  	s15 =	simm.s32 $0x10A00  }
0xd0: {  	[tilespmem:s15], [sflag:$0x4] =	stream.indirect_vreg.gather [hbm4b:s10+s3], $0x80, v3, vm0, $0xb8;
	[tilespmem:$0x14200] =	vst v63  }
0xd1: {  	v3 =	vld [tilespmem:$0x190];
	_ =	sdelay $0x4  }
0xd2: {  	v62 =	vshll.u32 v3, $0x2  }
0xd3: {  	v3 =	vand.u32 $0x7, v3;
	v4 =	vand.u32 $0xFFFFFFE0, v62  }
0xd4: {  	v3 =	vor.u32 v3, v4  }
0xd5: {  	v4 =	vperm.xlane v3, v0;
	_ =	sdelay $0x1  }
0xd6: {  	v4 =	vadd.s32 v1, v4;
	_ =	sdelay $0x1  }
0xd7: {  	v3 =	vperm.xlane v3, v2;
	_ =	sdelay $0x1  }
0xd8: {  	s15 =	simm.s32 $0x11200;
	v3 =	vadd.s32 v1, v3  }
0xd9: {  	[tilespmem:s15], [sflag:$0x4] =	stream.indirect_vreg.gather [hbm4b:s5+s3], $0x80, v4, vm0, $0xb8;
	[tilespmem:$0x14200] =	vst v63  }
0xda: {  	_ = 	snop  }
0xdb: {  	[tilespmem:s16], [sflag:$0x4] =	stream.indirect_vreg.gather [hbm4b:s10+s3], $0x80, v4, vm0, $0xb8;
	[tilespmem:$0x14200] =	vst v63  }
0xdc: {  	_ = 	snop  }
0xdd: {  	[tilespmem:s20], [sflag:$0x4] =	stream.indirect_vreg.gather [hbm4b:s5+s3], $0x80, v3, vm0, $0xb8;
	[tilespmem:$0x14200] =	vst v63  }
0xde: {  	_ = 	snop  }
0xdf: {  	[tilespmem:s21], [sflag:$0x4] =	stream.indirect_vreg.gather [hbm4b:s10+s3], $0x80, v3, vm0, $0xb8;
	[tilespmem:$0x14200] =	vst v63  }
0xe0: {  	v3 =	vld.msk [tilespmem:$0x1A0], $0xff;
	_ =	sdelay $0x4  }
0xe1: {  	v63 =	vshll.u32 v3, $0x2  }
0xe2: {  	v3 =	vand.u32 $0x7, v3;
	v4 =	vand.u32 $0xFFFFFFE0, v63  }
0xe3: {  	v3 =	vor.u32 v3, v4  }
0xe4: {  	v3 =	vperm.xlane v3, v0;
	_ =	sdelay $0x1  }
0xe5: {  	v3 =	vadd.s32 v1, v3;
	_ =	sdelay $0x4  }
0xe6: {  	[tilespmem:s23], [sflag:$0x4] =	stream.indirect_vreg.gather [hbm4b:s5+s3], $0x80, v3, vm0, $0xb8;
	[tilespmem:$0x14200] =	vst v63  }
0xe7: {  	_ = 	snop  }
0xe8: {  	[tilespmem:s24], [sflag:$0x4] =	stream.indirect_vreg.gather [hbm4b:s10+s3], $0x80, v3, vm0, $0xb8;
	[tilespmem:$0x14200] =	vst v63  }
0xe9: {  	_ =	swait.ge [sflag:s25], $0x5000  }
0xea: {  	[sflag:s25] =	ssyncset.done $0x0  }
0xeb: {  	[sflag:s25] =	ssyncadd.s32 $0xFFFFB000  }
0xec: {  	p0 =	seq.s32 s8, $0xA0000;
	_ =	swait.ge [sflag:s26], $0x5000  }
.Ltmp2:
0xed: {  	[sflag:s26] =	ssyncset.done $0x0;
	(pc) =	sbr.rel @p0 .LBB2_4-.Ltmp2, $4  }
0xee: {  	s11 =	sadd.s32 $0xA00, s11;
	[sflag:s26] =	ssyncadd.s32 $0xFFFFB000  }
0xef: {  	[hbm4b:s11+s3] =	stream.linear.scatter [tilespmem:s22], [sflag:$0x7], $0x5000, $0x38;
	[tilespmem:$0x14200] =	vst v63  }
0xf0: {  	s15 =	sadd.s32 $0xA00, s14  }
0xf1: {  	[hbm4b:s15+s3] =	stream.linear.scatter [tilespmem:s7], [sflag:$0x8], $0x5000, $0x38;
	[tilespmem:$0x14200] =	vst v63  }
0xf2: {  	s11 =	sshrl.u32 s1, $0x3;
	s14 =	rddreg [dreg:$0x1]  }
0xf3: {  	s14 =	sadd.s32 s14, s11  }
0xf4: {  	[tilespmem:s3], [sflag:$0x9] =	stream.linear.gather [hbm4b:s14+s3], $0x28, $0x38;
	[tilespmem:$0x14200] =	vst v63  }
0xf5: {  	_ =	swait.ge [sflag:s17], $0x28  }
0xf6: {  	[sflag:s17] =	ssyncset.done $0x0  }
0xf7: {  	s15 =	simm.s32 $0x80;
	s11 =	sadd.s32 s6, s11;
	[sflag:s17] =	ssyncadd.s32 $0xFFFFFFD8  }
0xf8: {  	[tilespmem:s15], [sflag:$0x9] =	stream.linear.gather [hbm4b:s11+s3], $0x28, $0x38;
	[tilespmem:$0x14200] =	vst v63  }
0xf9: {  	_ =	swait.ge [sflag:s17], $0x28  }
0xfa: {  	[sflag:s17] =	ssyncset.done $0x0  }
0xfb: {  	[sflag:s17] =	ssyncadd.s32 $0xFFFFFFD8  }
0xfc: {  	_ =	swait.ge [sflag:s28], $0x5000  }
0xfd: {  	[sflag:s28] =	ssyncset.done $0x0  }
0xfe: {  	[sflag:s28] =	ssyncadd.s32 $0xFFFFB000  }
0xff: {  	_ =	swait.ge [sflag:s29], $0x5000  }
0x100: {  	[sflag:s29] =	ssyncset.done $0x0  }
0x101: {  	[sflag:s29] =	ssyncadd.s32 $0xFFFFB000  }
0x102: {  	v3 =	vld [tilespmem:$0x0];
	_ =	sdelay $0x4  }
0x103: {  	v4 =	vshll.u32 v3, $0x2  }
0x104: {  	v3 =	vand.u32 $0x7, v3;
	v4 =	vand.u32 $0xFFFFFFE0, v4  }
0x105: {  	v3 =	vor.u32 v3, v4  }
0x106: {  	v4 =	vperm.xlane v3, v0;
	_ =	sdelay $0x1  }
0x107: {  	v4 =	vadd.s32 v1, v4;
	_ =	sdelay $0x1  }
0x108: {  	v3 =	vperm.xlane v3, v2;
	_ =	sdelay $0x1  }
0x109: {  	v3 =	vadd.s32 v1, v3  }
0x10a: {  	[tilespmem:s19], [sflag:$0x1] =	stream.indirect_vreg.gather [hbm4b:s4+s3], $0x80, v4, vm0, $0xb8;
	[tilespmem:$0x14200] =	vst v63  }
0x10b: {  	s14 =	simm.s32 $0xA00  }
0x10c: {  	[tilespmem:s14], [sflag:$0x1] =	stream.indirect_vreg.gather [hbm4b:s9+s3], $0x80, v4, vm0, $0xb8;
	[tilespmem:$0x14200] =	vst v63  }
0x10d: {  	s15 =	simm.s32 $0x1200  }
0x10e: {  	[tilespmem:s15], [sflag:$0x1] =	stream.indirect_vreg.gather [hbm4b:s4+s3], $0x80, v3, vm0, $0xb8;
	[tilespmem:$0x14200] =	vst v63  }
0x10f: {  	s14 =	simm.s32 $0x1A00  }
0x110: {  	[tilespmem:s14], [sflag:$0x1] =	stream.indirect_vreg.gather [hbm4b:s9+s3], $0x80, v3, vm0, $0xb8;
	[tilespmem:$0x14200] =	vst v63  }
0x111: {  	v3 =	vld [tilespmem:$0x10];
	_ =	sdelay $0x4  }
0x112: {  	v59 =	vshll.u32 v3, $0x2  }
0x113: {  	v3 =	vand.u32 $0x7, v3;
	v4 =	vand.u32 $0xFFFFFFE0, v59  }
0x114: {  	v3 =	vor.u32 v3, v4  }
0x115: {  	v4 =	vperm.xlane v3, v0;
	_ =	sdelay $0x1  }
0x116: {  	v4 =	vadd.s32 v1, v4;
	_ =	sdelay $0x1  }
0x117: {  	v3 =	vperm.xlane v3, v2;
	_ =	sdelay $0x1  }
0x118: {  	s15 =	simm.s32 $0x2200;
	v3 =	vadd.s32 v1, v3  }
0x119: {  	[tilespmem:s15], [sflag:$0x1] =	stream.indirect_vreg.gather [hbm4b:s4+s3], $0x80, v4, vm0, $0xb8;
	[tilespmem:$0x14200] =	vst v63  }
0x11a: {  	s14 =	simm.s32 $0x2A00  }
0x11b: {  	[tilespmem:s14], [sflag:$0x1] =	stream.indirect_vreg.gather [hbm4b:s9+s3], $0x80, v4, vm0, $0xb8;
	[tilespmem:$0x14200] =	vst v63  }
0x11c: {  	s15 =	simm.s32 $0x3200  }
0x11d: {  	[tilespmem:s15], [sflag:$0x1] =	stream.indirect_vreg.gather [hbm4b:s4+s3], $0x80, v3, vm0, $0xb8;
	[tilespmem:$0x14200] =	vst v63  }
0x11e: {  	s14 =	simm.s32 $0x3A00  }
0x11f: {  	[tilespmem:s14], [sflag:$0x1] =	stream.indirect_vreg.gather [hbm4b:s9+s3], $0x80, v3, vm0, $0xb8;
	[tilespmem:$0x14200] =	vst v63  }
0x120: {  	v3 =	vld.msk [tilespmem:$0x20], $0xff;
	_ =	sdelay $0x4  }
0x121: {  	v60 =	vshll.u32 v3, $0x2  }
0x122: {  	v3 =	vand.u32 $0x7, v3;
	v4 =	vand.u32 $0xFFFFFFE0, v60  }
0x123: {  	v3 =	vor.u32 v3, v4  }
0x124: {  	v3 =	vperm.xlane v3, v0;
	_ =	sdelay $0x1  }
0x125: {  	v3 =	vadd.s32 v1, v3;
	_ =	sdelay $0x3  }
0x126: {  	s15 =	simm.s32 $0x4200  }
0x127: {  	[tilespmem:s15], [sflag:$0x1] =	stream.indirect_vreg.gather [hbm4b:s4+s3], $0x80, v3, vm0, $0xb8;
	[tilespmem:$0x14200] =	vst v63  }
0x128: {  	s14 =	simm.s32 $0x4A00  }
0x129: {  	[tilespmem:s14], [sflag:$0x1] =	stream.indirect_vreg.gather [hbm4b:s9+s3], $0x80, v3, vm0, $0xb8;
	[tilespmem:$0x14200] =	vst v63  }
0x12a: {  	v3 =	vld [tilespmem:$0x80];
	_ =	sdelay $0x4  }
0x12b: {  	v61 =	vshll.u32 v3, $0x2  }
0x12c: {  	v3 =	vand.u32 $0x7, v3;
	v4 =	vand.u32 $0xFFFFFFE0, v61  }
0x12d: {  	v3 =	vor.u32 v3, v4  }
0x12e: {  	v4 =	vperm.xlane v3, v0;
	_ =	sdelay $0x1  }
0x12f: {  	v4 =	vadd.s32 v1, v4;
	_ =	sdelay $0x1  }
0x130: {  	v3 =	vperm.xlane v3, v2;
	_ =	sdelay $0x1  }
0x131: {  	v3 =	vadd.s32 v1, v3  }
0x132: {  	[tilespmem:s30], [sflag:$0x2] =	stream.indirect_vreg.gather [hbm4b:s5+s3], $0x80, v4, vm0, $0xb8;
	[tilespmem:$0x14200] =	vst v63  }
0x133: {  	s15 =	simm.s32 $0x5A00  }
0x134: {  	[tilespmem:s15], [sflag:$0x2] =	stream.indirect_vreg.gather [hbm4b:s10+s3], $0x80, v4, vm0, $0xb8;
	[tilespmem:$0x14200] =	vst v63  }
0x135: {  	s14 =	simm.s32 $0x6200  }
0x136: {  	[tilespmem:s14], [sflag:$0x2] =	stream.indirect_vreg.gather [hbm4b:s5+s3], $0x80, v3, vm0, $0xb8;
	[tilespmem:$0x14200] =	vst v63  }
0x137: {  	s15 =	simm.s32 $0x6A00  }
0x138: {  	[tilespmem:s15], [sflag:$0x2] =	stream.indirect_vreg.gather [hbm4b:s10+s3], $0x80, v3, vm0, $0xb8;
	[tilespmem:$0x14200] =	vst v63  }
0x139: {  	v3 =	vld [tilespmem:$0x90];
	_ =	sdelay $0x4  }
0x13a: {  	v62 =	vshll.u32 v3, $0x2  }
0x13b: {  	v3 =	vand.u32 $0x7, v3;
	v4 =	vand.u32 $0xFFFFFFE0, v62  }
0x13c: {  	v3 =	vor.u32 v3, v4  }
0x13d: {  	v4 =	vperm.xlane v3, v0;
	_ =	sdelay $0x1  }
0x13e: {  	v4 =	vadd.s32 v1, v4;
	_ =	sdelay $0x1  }
0x13f: {  	v3 =	vperm.xlane v3, v2;
	_ =	sdelay $0x1  }
0x140: {  	s14 =	simm.s32 $0x7200;
	v3 =	vadd.s32 v1, v3  }
0x141: {  	[tilespmem:s14], [sflag:$0x2] =	stream.indirect_vreg.gather [hbm4b:s5+s3], $0x80, v4, vm0, $0xb8;
	[tilespmem:$0x14200] =	vst v63  }
0x142: {  	s15 =	simm.s32 $0x7A00  }
0x143: {  	[tilespmem:s15], [sflag:$0x2] =	stream.indirect_vreg.gather [hbm4b:s10+s3], $0x80, v4, vm0, $0xb8;
	[tilespmem:$0x14200] =	vst v63  }
0x144: {  	s14 =	simm.s32 $0x8200  }
0x145: {  	[tilespmem:s14], [sflag:$0x2] =	stream.indirect_vreg.gather [hbm4b:s5+s3], $0x80, v3, vm0, $0xb8;
	[tilespmem:$0x14200] =	vst v63  }
0x146: {  	s15 =	simm.s32 $0x8A00  }
0x147: {  	[tilespmem:s15], [sflag:$0x2] =	stream.indirect_vreg.gather [hbm4b:s10+s3], $0x80, v3, vm0, $0xb8;
	[tilespmem:$0x14200] =	vst v63  }
0x148: {  	v3 =	vld.msk [tilespmem:$0xA0], $0xff;
	_ =	sdelay $0x4  }
0x149: {  	v63 =	vshll.u32 v3, $0x2  }
0x14a: {  	v3 =	vand.u32 $0x7, v3;
	v4 =	vand.u32 $0xFFFFFFE0, v63  }
0x14b: {  	v3 =	vor.u32 v3, v4  }
0x14c: {  	v3 =	vperm.xlane v3, v0;
	_ =	sdelay $0x1  }
0x14d: {  	v3 =	vadd.s32 v1, v3;
	_ =	sdelay $0x2  }
.Ltmp3:
0x14e: {  	_ = 	snop;
	(pc) =	sbr.rel .LBB2_2-.Ltmp3, $4  }
0x14f: {  	s8 =	sadd.s32 $0x1400, s8;
	s1 =	sadd.s32 $0x50, s1;
	s14 =	simm.s32 $0x9200  }
0x150: {  	[tilespmem:s14], [sflag:$0x2] =	stream.indirect_vreg.gather [hbm4b:s5+s3], $0x80, v3, vm0, $0xb8;
	[tilespmem:$0x14200] =	vst v63  }
0x151: {  	s0 =	sadd.s32 $0xA, s0;
	s31 =	sadd.s32 $0xA, s31;
	s15 =	simm.s32 $0x9A00  }
0x152: {  	[tilespmem:s15], [sflag:$0x2] =	stream.indirect_vreg.gather [hbm4b:s10+s3], $0x80, v3, vm0, $0xb8;
	[tilespmem:$0x14200] =	vst v63  }
.LBB2_5:
0x153: {  	_ =	sfence.sel $0x180000  }
0x154: {  	[bflag:$0x0] =	sbarrier.arrive $0xFFFF  }
0x155: {  	_ =	strace $0x90000047  }
0x156: {  	s0 =	stileid.u32;
	[bflag:$0x2] =	sbarrier.arrive $0xFFFF  }
0x157: {  	p0 =	sne.s32 s0, $0x0;
	s0 =	rddreg [dreg:$0x2]  }
0x158: {  	s0 =	sadd.s32 @!p0 $0x100000, s0  }
0x159: {  	[sflag:s0] =	ssyncadd.tile.s32 @!p0 $0x1;
	_ =	shalt  }
.Lfunc_end2:
_tile_overlayer_lowered:
.L_overlay_start_2:
0x15a: {  	(tag) =	ssettag $0x2  }
0x15b: {  	s0 =	rddreg [dreg:$0x0];
	s2 =	stileid.u32  }
0x15c: {  	s1 =	rddreg [dreg:$0x1];
	p0 =	sne.s32 s2, $0x0  }
0x15d: {  	s3 =	rddreg [dreg:$0x2];
	[bflag:$0x3] =	sbarrier.arrive $0xFFFF;
	s2 =	simm.s32 @!p0 $0x1C09  }
0x15e: {  	[timem:s3], [sflag:s2] =	dma.local @!p0 [hbm:s0], s1  }
0x15f: {  	s0 =	simm.s32 @!p0 $0x9  }
0x160: {  	_ =	swait.ge @!p0 [sflag:s0], s1  }
0x161: {  	s1 =	ssub.s32 @!p0 $0x0, s1;
	[sflag:s0] =	ssyncset.done @!p0 $0x0  }
0x162: {  	[sflag:s0] =	ssyncadd.s32 @!p0 s1  }
0x163: {  	[bflag:$0x3] =	sbarrier.arrive $0xFFFF  }
0x164: {  	_ =	shalt  }

// kernel: kernel.16.cloned.1.call-start
scs
__scs_entry_jumppad:
0x0: {  	(pc) =	sbr.rel $0x88, $3  }
0x1: {  	(tag) =	ssettag $0x0;
	lr =	simm.s32 $0x1  }
0x2: {  	[smem:$0x3F91] =	sst lr;
	_ =	strace $0xD0000000  }
0x3: {  	_ = 	snop  }
0x4: {  	_ = 	snop  }
0x5: {  	_ = 	snop  }
0x6: {  	_ = 	snop  }
0x7: {  	_ = 	snop  }
__scs_overlays_trampoline_lowered:
0x8: {  	[smem:$0x3FA0] =	sst s0  }
0x9: {  	[smem:$0x3FA1] =	sst s1  }
0xa: {  	[smem:$0x3FA2] =	sst s2  }
0xb: {  	[smem:$0x3FA3] =	sst s3  }
0xc: {  	[smem:$0x3FA4] =	sst s4  }
0xd: {  	[smem:$0x3FA5] =	sst s5  }
0xe: {  	[smem:$0x3FA6] =	sst s6  }
0xf: {  	[smem:$0x3FA7] =	sst s7  }
0x10: {  	[smem:$0x3FA8] =	sst s8  }
0x11: {  	[smem:$0x3FA9] =	sst s9;
	s0 =	simm.s32 @!p0 $0x0  }
0x12: {  	s1 =	sld [smem:$0x3F8F];
	s0 =	simm.s32 @p0 $0x1  }
0x13: {  	[smem:$0x3FAA] =	sst s0;
	s0 =	simm.s32 @!p1 $0x0  }
0x14: {  	s2 =	sld [smem:$0x3F8E];
	s0 =	simm.s32 @p1 $0x1  }
0x15: {  	[smem:$0x3FAB] =	sst s0;
	s0 =	simm.s32 @!p2 $0x0  }
0x16: {  	s3 =	sld [smem:$0x3FDB];
	s0 =	simm.s32 @p2 $0x1  }
0x17: {  	s4 =	simm.s32 $0x1BF5;
	[smem:$0x3FAD] =	sst s0  }
0x18: {  	s0 =	sld [smem:$0x3F90];
	_ =	swait.ge [sflag:s4], $0x0  }
0x19: {  	s7 =	sld [smem:$0x3F91]  }
0x1a: {  	s8 =	sadd.s32 $0xFFFFE003, lr  }
0x1b: {  	s9 =	sadd.s32 $0xFFFFFEF7, lr;
	s5 =	simm.s32 $0xFFFFFFFF;
	p2 =	slt.u32 s8, $0xFFFFF086  }
0x1c: {  	p1 =	slt.u32 s9, $0xF7A;
	s5 =	simm.s32 @!p2 $0x0  }
0x1d: {  	s5 =	simm.s32 @p1 $0x1;
	p0 =	seq.s32 s7, s2  }
0x1e: {  	s7 =	smul.u32 @!p0 $0xF7A, s2;
	p2 =	seq.s32 @!p0 s5, $0x0  }
0x1f: {  	s9 =	smul.u32 $0xF7A, s1;
	s8 =	simm.s32 @!p0 $0x1BF5;
	p2 =	por !p2, p0  }
0x20: {  	[sflag:s8] =	ssyncset.s32 @!p0 $0xFFFFF086;
	s6 =	sadd.s32 @!p0 s3, s7;
	s7 =	simm.s32 @!p0 $0x108  }
0x21: {  	s3 =	sadd.s32 s3, s9;
	s6 =	sadd.s32 @!p0 $0x88, s6;
	s7 =	simm.s32 @p2 $0x1082  }
0x22: {  	[simem:s7], [sflag:s8] =	dma.local @!p0 [hbm:s6], $0xF7A  }
0x23: {  	s9 =	sor.u32 $0xD0000000, s2;
	s6 =	simm.s32 $0x108;
	_ =	swait.ge @!p0 [sflag:s8], $0x0  }
0x24: {  	s3 =	sadd.s32 $0x88, s3;
	s6 =	simm.s32 @!p1 $0x1082;
	[sflag:s4] =	ssyncset.s32 $0xFFFFF086  }
0x25: {  	[simem:s6], [sflag:s4] =	dma.local [hbm:s3], $0xF7A  }
0x26: {  	[smem:$0x3F91] =	sst s1;
	(tag) =	ssettag s2;
	_ =	strace s9  }
0x27: {  	s1 =	sld [smem:$0x3FA1]  }
0x28: {  	s2 =	sld [smem:$0x3FA2]  }
0x29: {  	s4 =	sld [smem:$0x3FA4]  }
0x2a: {  	p0 =	seq.s32 s5, $0x0;
	s5 =	sld [smem:$0x3FA5]  }
0x2b: {  	s6 =	sld [smem:$0x3FA6]  }
0x2c: {  	s7 =	sld [smem:$0x3FA7]  }
0x2d: {  	s3 =	simm.s32 $0x108;
	s8 =	sld [smem:$0x3FA8]  }
0x2e: {  	s3 =	simm.s32 @!p0 $0x1082;
	s9 =	sld [smem:$0x3FA9]  }
0x2f: {  	lr =	sadd.s32 s0, s3;
	s0 =	sld [smem:$0x3FA0]  }
0x30: {  	s3 =	sld [smem:$0x3FA3]  }
0x31: {  	[smem:$0x3FAC] =	sst s10  }
0x32: {  	s10 =	sld [smem:$0x3FAA];
	_ =	sdelay $0x3  }
0x33: {  	p0 =	seq.s32 s10, $0x1;
	s10 =	sld [smem:$0x3FAC];
	_ =	sdelay $0x3  }
0x34: {  	[smem:$0x3FAC] =	sst s10  }
0x35: {  	s10 =	sld [smem:$0x3FAB];
	_ =	sdelay $0x3  }
0x36: {  	p1 =	seq.s32 s10, $0x1;
	s10 =	sld [smem:$0x3FAC];
	_ =	sdelay $0x3  }
0x37: {  	[smem:$0x3FAC] =	sst s10  }
0x38: {  	s10 =	sld [smem:$0x3FAD]  }
0x39: {  	_ = 	snop;
	(pc) =	sbr.ind lr, $3  }
0x3a: {  	_ = 	snop  }
0x3b: {  	_ = 	snop  }
0x3c: {  	p2 =	seq.s32 s10, $0x1;
	s10 =	sld [smem:$0x3FAC]  }
0x3d: {  	_ =	shalt  }
0x3e: {  	_ =	shalt  }
0x3f: {  	_ =	shalt  }
0x40: {  	_ =	shalt  }
0x41: {  	_ =	shalt  }
0x42: {  	_ =	shalt  }
0x43: {  	_ =	shalt  }
0x44: {  	_ =	shalt  }
0x45: {  	_ =	shalt  }
0x46: {  	_ =	shalt  }
0x47: {  	_ =	shalt  }
0x48: {  	_ =	shalt  }
0x49: {  	_ =	shalt  }
0x4a: {  	_ =	shalt  }
0x4b: {  	_ =	shalt  }
0x4c: {  	_ =	shalt  }
0x4d: {  	_ =	shalt  }
0x4e: {  	_ =	shalt  }
0x4f: {  	_ =	shalt  }
0x50: {  	_ =	shalt  }
0x51: {  	_ =	shalt  }
0x52: {  	_ =	shalt  }
0x53: {  	_ =	shalt  }
0x54: {  	_ =	shalt  }
0x55: {  	_ =	shalt  }
0x56: {  	_ =	shalt  }
0x57: {  	_ =	shalt  }
0x58: {  	_ =	shalt  }
0x59: {  	_ =	shalt  }
0x5a: {  	_ =	shalt  }
0x5b: {  	_ =	shalt  }
0x5c: {  	_ =	shalt  }
0x5d: {  	_ =	shalt  }
0x5e: {  	_ =	shalt  }
0x5f: {  	_ =	shalt  }
0x60: {  	_ =	shalt  }
0x61: {  	_ =	shalt  }
0x62: {  	_ =	shalt  }
0x63: {  	_ =	shalt  }
0x64: {  	_ =	shalt  }
0x65: {  	_ =	shalt  }
0x66: {  	_ =	shalt  }
0x67: {  	_ =	shalt  }
0x68: {  	_ =	shalt  }
0x69: {  	_ =	shalt  }
0x6a: {  	_ =	shalt  }
0x6b: {  	_ =	shalt  }
0x6c: {  	_ =	shalt  }
0x6d: {  	_ =	shalt  }
0x6e: {  	_ =	shalt  }
0x6f: {  	_ =	shalt  }
0x70: {  	_ =	shalt  }
0x71: {  	_ =	shalt  }
0x72: {  	_ =	shalt  }
0x73: {  	_ =	shalt  }
0x74: {  	_ =	shalt  }
0x75: {  	_ =	shalt  }
0x76: {  	_ =	shalt  }
0x77: {  	_ =	shalt  }
0x78: {  	_ =	shalt  }
0x79: {  	_ =	shalt  }
0x7a: {  	_ =	shalt  }
0x7b: {  	_ =	shalt  }
0x7c: {  	_ =	shalt  }
0x7d: {  	_ =	shalt  }
0x7e: {  	_ =	shalt  }
0x7f: {  	_ =	shalt  }
0x80: {  	_ =	shalt  }
0x81: {  	_ =	shalt  }
0x82: {  	_ =	shalt  }
0x83: {  	_ =	shalt  }
0x84: {  	_ =	shalt  }
0x85: {  	_ =	shalt  }
0x86: {  	_ =	shalt  }
0x87: {  	_ =	shalt  }
.Lfunc_end0:
.L_simem_size_0:
called_computation.1_lowered:
.L_overlay_start_0:
0x88: {  	s2 =	sld [smem:$0x3FD9]  }
0x89: {  	s3 =	sld [smem:$0x3FFE];
	_ =	sdelay $0x1  }
0x8a: {  	s1 =	srdreg.scid  }
0x8b: {  	s0 =	sand.u32 $0x1, s1  }
0x8c: {  	s16 =	sshll.u32 s0, $0xA;
	s2 =	sadd.s32 s3, s2  }
0x8d: {  	s2 =	sadd.s32 s2, s16  }
0x8e: {  	[smem:$0x3FB8] =	sst s2  }
0x8f: {  	_ = 	snop  }
0x90: {  	(tm) =	ssettm $0x1  }
0x91: {  	s17 =	sld [smem:$0x3FFB];
	_ =	sdelay $0x3  }
0x92: {  	_ =	strace s17  }
0x93: {  	s2 =	sld [smem:$0x3FFC];
	_ =	sdelay $0x3  }
0x94: {  	_ =	strace s2  }
0x95: {  	s2 =	sld [smem:$0x3FFD];
	_ =	sdelay $0x3  }
0x96: {  	_ =	strace s2  }
0x97: {  	_ =	strace $0x8FFFFFFF  }
0x98: {  	s18 =	sld [smem:$0x3FDB];
	_ =	sdelay $0x1  }
0x99: {  	s19 =	simm.s32 $_scs_section_size  }
0x9a: {  	s4 =	simm.s32 $_size__tile_overlayer_lowered;
	s5 =	simm.s32 $_tile_overlayer_lowered  }
0x9b: {  	s22 =	simm.s32 $0x1BFF;
	s21 =	sshll.u32 s5, $0x1;
	s2 =	sadd.s32 s19, s18  }
0x9c: {  	s6 =	simm.s32 $0x0;
	s20 =	sshll.u32 s4, $0x1;
	s4 =	sadd.s32 s21, s2  }
0x9d: {  	[timem:s6], [sflag:s22] =	dma.local [hbm:s4], s20  }
0x9e: {  	_ =	swait.ge [sflag:s22], s20  }
0x9f: {  	s3 =	ssub.s32 $0x0, s20;
	[sflag:s22] =	ssyncset.done $0x0  }
0xa0: {  	[sflag:s22] =	ssyncadd.s32 s3;
	_ =	sdelay $0x1  }
0xa1: {  	s23 =	simm.s32 $0x1B8B  }
0xa2: {  	_ =	swait.ge [sflag:s23], $0x1  }
0xa3: {  	[sflag:s23] =	ssyncset.done $0x0  }
0xa4: {  	s25 =	simm.s32 $0x1B8E;
	s24 =	sld [smem:$0x3FFE];
	[sflag:s23] =	ssyncadd.s32 $0xFFFFFFFF  }
0xa5: {  	s26 =	simm.s32 $execute0_lowered;
	[smem:$0x3FD2] =	sst s25  }
0xa6: {  	s4 =	sshll.u32 s26, $0x1;
	_ =	strace $0x80000049;
	[dreg:$0x1] =	wrdreg $0xFFFFFFFF  }
0xa7: {  	s28 =	simm.s32 $_size_execute0_lowered;
	s2 =	sadd.s32 s2, s4;
	[dreg:$0x0] =	wrdreg $0x0  }
0xa8: {  	s4 =	sshll.u32 s28, $0x1;
	[dreg:$0x2] =	wrdreg s2  }
0xa9: {  	[dreg:$0x3] =	wrdreg s4  }
0xaa: {  	[dreg:$0x4] =	wrdreg $0xC0  }
0xab: {  	_ =	task [dreg:s6], $0x5FFFF  }
0xac: {  	[dreg:$0x1] =	wrdreg $0xFFFFFFFF  }
0xad: {  	[dreg:$0x0] =	wrdreg $0x60  }
0xae: {  	[dreg:$0x2] =	wrdreg s24  }
0xaf: {  	[dreg:$0x3] =	wrdreg $0x0  }
0xb0: {  	[dreg:$0x4] =	wrdreg $0x9  }
0xb1: {  	_ =	task.clear_ibuf [dreg:s6], $0x5FFFF;
	_ =	strace $0x90000049  }
0xb2: {  	s29 =	simm.s32 $0x9;
	_ =	strace $0x8000004B  }
0xb3: {  	_ =	swait.ge [sflag:s29], $0x1  }
0xb4: {  	[sflag:s29] =	ssyncadd.s32 $0xFFFFFFFF  }
0xb5: {  	_ =	strace $0x9000004B  }
0xb6: {  	_ =	sfence  }
0xb7: {  	s30 =	sld [smem:$0x0];
	_ =	sdelay $0x2  }
0xb8: {  	s31 =	sshll.u32 s1, $0xD;
	s1 =	sshrl.u32 s1, $0x2  }
0xb9: {  	s3 =	sand.u32 $0x4000, s31;
	s1 =	sadd.s32 s1, s30  }
0xba: {  	s0 =	sor.u32 s3, s0;
	s1 =	sshll.u32 s1, $0x11  }
0xbb: {  	s0 =	sor.u32 s1, s0  }
0xbc: {  	s0 =	sadd.s32 $0x8F2B, s0  }
0xbd: {  	[sflag:s0] =	ssyncadd.remote.s32 $0x1  }
0xbe: {  	_ =	sfence.sel $0xFFFF  }
0xbf: {  	[dreg:$0x0] =	wrdreg $0xFFFFFFFF;
	(pc) =	sbr.abs _section_cstart, $3  }
0xc0: {  	[dreg:$0x1] =	wrdreg $0xFFFFFFFF  }
0xc1: {  	_ =	task.clear_ibuf [dreg:s6], $0x2FFFF;
	_ =	strace $0x9FFFFFFF  }
0xc2: {  	(tm) =	ssettm $0x7FFFFFFF  }
0xc3: {  	_ =	shalt  }
tec
execute0_lowered:
.L_overlay_start_1:
0x0: {  	(tag) =	ssettag $0x1  }
0x1: {  	s19 =	stileid.u32;
	s0 =	srdreg.scid  }
0x2: {  	s1 =	sand.u32 $0x1, s0;
	s2 =	sshll.u32 s19, $0x1;
	s16 =	smul.u32 $0x50A0, s19  }
0x3: {  	s0 =	rddreg [dreg:$0x0];
	s18 =	smul.u32 $0x64000, s19;
	s3 =	sor.u32 s1, s2  }
0x4: {  	s2 =	rddreg [dreg:$0x1];
	s5 =	sadd.s32 $0x2996A00, s0;
	s6 =	sadd.s32 $0x3E00, s0  }
0x5: {  	s8 =	sadd.s32 $0xEA00, s0;
	s7 =	ssub.s32 $0x2, s1;
	s12 =	smul.u32 $0x640000, s1  }
0x6: {  	s15 =	sadd.s32 $0x2996A80, s0;
	s1 =	smul.u32 $0x2850, s1;
	s11 =	sshrl.u32 s7, $0x1  }
0x7: {  	s4 =	smul.u32 $0x2850, s3;
	s3 =	simm.s32 $0x0;
	s11 =	ssub.s32 s7, s11  }
0x8: {  	s1 =	sadd.s32 s1, s16;
	s12 =	sadd.s32 s18, s12;
	[smem:$0x7FF] =	sst s3  }
0x9: {  	s9 =	sshrl.u32 s4, $0x3;
	s4 =	sadd.s32 $0x28, s4;
	s16 =	sadd.s32 $0xA0, s1  }
0xa: {  	s1 =	sadd.s32 $0x78, s1;
	s10 =	smul.u32 $0x1400, s9;
	s13 =	sshrl.u32 s4, $0x3  }
0xb: {  	s4 =	sadd.s32 s6, s9;
	s9 =	sadd.s32 $0xA, s9;
	s14 =	smul.u32 $0x280, s13  }
0xc: {  	s23 =	sor.u32 $0x400, s12;
	s20 =	sshrl.u32 s16, $0x3;
	s26 =	smul.u32 $0x280, s9  }
0xd: {  	s24 =	sshrl.u32 s12, $0x3;
	s1 =	sshrl.u32 s1, $0x3;
	s16 =	smul.u32 $0x280, s20  }
0xe: {  	s21 =	smul.u32 $0x280, s1;
	s25 =	sshrl.u32 s10, $0x3;
	s10 =	sadd.s32 $0xC800, s10  }
0xf: {  	s22 =	sadd.s32 s5, s25;
	s7 =	sadd.s32 s25, s15;
	s14 =	sadd.s32 s5, s14  }
0x10: {  	s17 =	sadd.s32 s5, s26;
	s10 =	sshrl.u32 s10, $0x3;
	[dreg:$0x4] =	wrdreg s7  }
0x11: {  	s16 =	sadd.s32 s16, s5;
	s25 =	sor.u32 $0x800, s12;
	[dreg:$0x5] =	wrdreg s14  }
0x12: {  	s7 =	sadd.s32 s6, s13;
	s13 =	smul.u32 $0x1400, s13;
	[dreg:$0x6] =	wrdreg s17  }
0x13: {  	s14 =	sadd.s32 s26, s15;
	s10 =	sadd.s32 s5, s10;
	s15 =	sadd.s32 s1, s6  }
0x14: {  	s1 =	sshrl.u32 s23, $0x3;
	s26 =	sshrl.u32 s25, $0x3;
	[dreg:$0x7] =	wrdreg s14  }
0x15: {  	s14 =	sadd.s32 s21, s5;
	s1 =	sadd.s32 s1, s8;
	s13 =	sshrl.u32 s13, $0x3  }
0x16: {  	[dreg:$0xb] =	wrdreg s1;
	s17 =	sadd.s32 s5, s13;
	s5 =	sadd.s32 s24, s8  }
0x17: {  	s1 =	sadd.s32 s26, s8;
	[dreg:$0xa] =	wrdreg s5;
	s5 =	sor.u32 $0xC00, s12  }
0x18: {  	s9 =	sadd.s32 s6, s9;
	[dreg:$0xc] =	wrdreg s1;
	s1 =	sshrl.u32 s5, $0x3  }
0x19: {  	s13 =	sadd.s32 s20, s6;
	s6 =	sor.u32 $0x1000, s12;
	s1 =	sadd.s32 s1, s8  }
0x1a: {  	s12 =	smul.u32 $0x50, s19;
	s19 =	smax.u32 s11, $0x1;
	[dreg:$0xd] =	wrdreg s1  }
0x1b: {  	s23 =	sadd.s32 $0x80, s17;
	_ =	strace $0x8000004A;
	[dreg:$0xe] =	wrdreg s19  }
0x1c: {  	s24 =	sadd.s32 $0x100, s17;
	[dreg:$0xf] =	wrdreg s23  }
0x1d: {  	s25 =	sadd.s32 $0x180, s17;
	[dreg:$0x10] =	wrdreg s24  }
0x1e: {  	s26 =	sadd.s32 $0x200, s17;
	s5 =	sshrl.u32 s6, $0x3;
	[dreg:$0x11] =	wrdreg s25  }
0x1f: {  	s20 =	sadd.s32 s5, s8;
	s5 =	sadd.s32 $0x100, s10;
	[dreg:$0x12] =	wrdreg s26  }
0x20: {  	s6 =	sadd.s32 $0x180, s10;
	[dreg:$0x13] =	wrdreg s5  }
0x21: {  	s8 =	sadd.s32 $0x200, s10;
	[dreg:$0x14] =	wrdreg s6  }
0x22: {  	s10 =	sadd.s32 $0x100, s22;
	[dreg:$0x15] =	wrdreg s8  }
0x23: {  	s11 =	sadd.s32 $0x180, s22;
	[dreg:$0x16] =	wrdreg s10  }
0x24: {  	s28 =	simm.s32 $0x14000;
	[dreg:$0x17] =	wrdreg s11  }
0x25: {  	s18 =	sadd.s32 s12, s0;
	s12 =	sadd.s32 $0x200, s22;
	[dreg:$0x3] =	wrdreg s22  }
0x26: {  	s29 =	simm.s32 $0x7;
	s17 =	sadd.s32 $0x80, s16;
	[dreg:$0x18] =	wrdreg s12  }
0x27: {  	s31 =	sadd.s32 $0xE000, s18;
	s18 =	sadd.s32 $0x80, s14;
	[dreg:$0x19] =	wrdreg s17  }
0x28: {  	s30 =	simm.s32 $0x16900;
	s21 =	sadd.s32 $0xE600, s0;
	[dreg:$0x1a] =	wrdreg s18  }
0x29: {  	s0 =	simm.s32 $0x16800;
	s1 =	simm.s32 $0x28;
	[dreg:$0x8] =	wrdreg s16  }
0x2a: {  	s19 =	sadd.s32 $0x100, s16;
	s22 =	sadd.s32 $0x100, s14;
	[dreg:$0x9] =	wrdreg s14  }
0x2b: {  	s23 =	sadd.s32 $0x180, s16;
	s24 =	sadd.s32 $0x180, s14;
	[dreg:$0x1b] =	wrdreg s19  }
0x2c: {  	s25 =	sadd.s32 $0x200, s16;
	s26 =	sadd.s32 $0x200, s14;
	[dreg:$0x1c] =	wrdreg s22  }
0x2d: {  	s6 =	simm.s32 $0x400;
	s8 =	simm.s32 $0x1400;
	[dreg:$0x1d] =	wrdreg s23  }
0x2e: {  	s10 =	simm.s32 $0x1;
	s11 =	simm.s32 $0x2;
	[dreg:$0x1e] =	wrdreg s24  }
0x2f: {  	s5 =	simm.s32 $0x6;
	s12 =	simm.s32 $0x0;
	[dreg:$0x1f] =	wrdreg s25  }
0x30: {  	[smem:$0x7FD] =	sst s26;
	s22 =	simm.s32 $0x16880;
	s23 =	simm.s32 $0x15400  }
0x31: {  	s24 =	simm.s32 $0x3;
	s25 =	simm.s32 $0x4;
	s26 =	simm.s32 $0x5  }
.LBB2_1:
0x32: {  	[tilespmem:s28], [sflag:$0x7] =	stream.linear.gather [hbm4b:s21+s3], $0x1400, $0x38;
	[tilespmem:$0x16980] =	vst v63  }
0x33: {  	_ =	swait.ge [sflag:s29], $0x1400  }
0x34: {  	[sflag:s29] =	ssyncset.done $0x0  }
0x35: {  	s14 =	sadd.s32 $0x0, s31;
	[sflag:s29] =	ssyncadd.s32 $0xFFFFEC00  }
0x36: {  	[tilespmem:s30], [sflag:$0x7] =	stream.linear.gather [hbm4b:s14+s3], $0x28, $0x38;
	[tilespmem:$0x16980] =	vst v63  }
0x37: {  	_ =	swait.ge [sflag:s29], $0x28  }
0x38: {  	[sflag:s29] =	ssyncset.done $0x0  }
0x39: {  	[sflag:s29] =	ssyncadd.s32 $0xFFFFFFD8  }
0x3a: {  	[spmem:s2] =	stream.indirect.scatter [tilespmem:s28], [sflag:$0x7], $0x80, s30, s1, $0xb8;
	[tilespmem:$0x16980] =	vst v63  }
0x3b: {  	_ =	swait.ge [sflag:s29], $0x1400  }
0x3c: {  	s16 =	simm.s32 $0xA;
	s14 =	simm.s32 $0x5;
	[sflag:s29] =	ssyncset.done $0x0  }
.LBB2_2:
0x3d: {  	s17 =	sadd.s32 s14, s31  }
0x3e: {  	[sflag:s29] =	ssyncadd.s32 $0xFFFFEC00;
	s14 =	smov.u32 s16;
	s18 =	sadd.s32 $0x5, s16  }
0x3f: {  	[tilespmem:s30], [sflag:$0x7] =	stream.linear.gather [hbm4b:s17+s3], $0x28, $0x38;
	[tilespmem:$0x16980] =	vst v63  }
0x40: {  	p0 =	sne.s32 s16, $0x4B;
	_ =	swait.ge [sflag:s29], $0x28  }
.Ltmp0:
0x41: {  	[sflag:s29] =	ssyncset.done $0x0;
	(pc) =	sbr.rel @p0 .LBB2_2-.Ltmp0, $4  }
0x42: {  	[sflag:s29] =	ssyncadd.s32 $0xFFFFFFD8  }
0x43: {  	[spmem:s2] =	stream.indirect.scatter [tilespmem:s28], [sflag:$0x7], $0x80, s30, s1, $0xb8;
	[tilespmem:$0x16980] =	vst v63  }
0x44: {  	_ =	swait.ge [sflag:s29], $0x1400  }
0x45: {  	s16 =	smov.u32 s18;
	[sflag:s29] =	ssyncset.done $0x0  }
0x46: {  	s14 =	sadd.s32 s14, s31;
	[sflag:s29] =	ssyncadd.s32 $0xFFFFEC00  }
0x47: {  	[tilespmem:s30], [sflag:$0x7] =	stream.linear.gather [hbm4b:s14+s3], $0x28, $0x38;
	[tilespmem:$0x16980] =	vst v63  }
0x48: {  	_ =	swait.ge [sflag:s29], $0x28  }
0x49: {  	[sflag:s29] =	ssyncset.done $0x0  }
0x4a: {  	[sflag:s29] =	ssyncadd.s32 $0xFFFFFFD8  }
0x4b: {  	[spmem:s2] =	stream.indirect.scatter [tilespmem:s28], [sflag:$0x7], $0x80, s30, s1, $0xb8;
	[tilespmem:$0x16980] =	vst v63  }
0x4c: {  	_ =	swait.ge [sflag:s29], $0x1400  }
0x4d: {  	[sflag:s29] =	ssyncset.done $0x0  }
0x4e: {  	[sflag:s29] =	ssyncadd.s32 $0xFFFFEC00  }
0x4f: {  	s14 =	simm.s32 $0x0;
	[bflag:$0x0] =	sbarrier.arrive $0xFFFF  }
0x50: {  	[tilespmem:s0], [sflag:$0x1] =	stream.linear.gather [hbm4b:s4+s14], $0x28, $0x38;
	[tilespmem:$0x16980] =	vst v63  }
0x51: {  	s16 =	rddreg [dreg:$0x3]  }
0x52: {  	[tilespmem:s28], [sflag:$0x2] =	stream.strided.gather [hbm4b:s16+s6], $0x1400, s8, s6, $0x38;
	[tilespmem:$0x16980] =	vst v63  }
0x53: {  	_ =	swait.ge [sflag:s10], $0x28  }
0x54: {  	[sflag:s10] =	ssyncset.done $0x0  }
0x55: {  	[sflag:s10] =	ssyncadd.s32 $0xFFFFFFD8  }
0x56: {  	_ =	swait.ge [sflag:s11], $0x1400  }
0x57: {  	[sflag:s11] =	ssyncset.done $0x0  }
0x58: {  	[sflag:s11] =	ssyncadd.s32 $0xFFFFEC00  }
0x59: {  	[spmem:s2] =	stream.indirect.scatter.add.f32 [tilespmem:s28], [sflag:$0x5], $0x80, s0, s1, $0xb8;
	[tilespmem:$0x16980] =	vst v63  }
0x5a: {  	_ = 	snop  }
0x5b: {  	[tilespmem:s22], [sflag:$0x3] =	stream.linear.gather [hbm4b:s7+s14], $0x28, $0x38;
	[tilespmem:$0x16980] =	vst v63  }
0x5c: {  	s18 =	rddreg [dreg:$0x5]  }
0x5d: {  	[tilespmem:s23], [sflag:$0x4] =	stream.strided.gather [hbm4b:s18+s6], $0x1400, s8, s6, $0x38;
	[tilespmem:$0x16980] =	vst v63  }
0x5e: {  	_ =	swait.ge [sflag:s24], $0x28  }
0x5f: {  	[sflag:s24] =	ssyncset.done $0x0  }
0x60: {  	[sflag:s24] =	ssyncadd.s32 $0xFFFFFFD8  }
0x61: {  	_ =	swait.ge [sflag:s25], $0x1400  }
0x62: {  	[sflag:s25] =	ssyncset.done $0x0  }
0x63: {  	[sflag:s25] =	ssyncadd.s32 $0xFFFFEC00  }
0x64: {  	[spmem:s2] =	stream.indirect.scatter.add.f32 [tilespmem:s23], [sflag:$0x6], $0x80, s22, s1, $0xb8;
	[tilespmem:$0x16980] =	vst v63  }
0x65: {  	_ =	swait.ge [sflag:s26], $0x1400  }
0x66: {  	[sflag:s26] =	ssyncset.done $0x0;
	s19 =	rddreg [dreg:$0x6]  }
0x67: {  	s16 =	rddreg [dreg:$0x9];
	[sflag:s26] =	ssyncadd.s32 $0xFFFFEC00  }
0x68: {  	[tilespmem:s0], [sflag:$0x1] =	stream.linear.gather [hbm4b:s9+s14], $0x28, $0x38;
	[tilespmem:$0x16980] =	vst v63  }
0x69: {  	s17 =	rddreg [dreg:$0x8]  }
0x6a: {  	[tilespmem:s28], [sflag:$0x2] =	stream.strided.gather [hbm4b:s19+s6], $0x1400, s8, s6, $0x38;
	[tilespmem:$0x16980] =	vst v63  }
.LBB2_4:
0x6b: {  	_ =	swait.ge [sflag:s10], $0x28  }
0x6c: {  	[sflag:s10] =	ssyncset.done $0x0  }
0x6d: {  	[sflag:s10] =	ssyncadd.s32 $0xFFFFFFD8  }
0x6e: {  	_ =	swait.ge [sflag:s11], $0x1400  }
0x6f: {  	[sflag:s11] =	ssyncset.done $0x0  }
0x70: {  	[sflag:s11] =	ssyncadd.s32 $0xFFFFEC00  }
0x71: {  	[spmem:s2] =	stream.indirect.scatter.add.f32 [tilespmem:s28], [sflag:$0x5], $0x80, s0, s1, $0xb8;
	[tilespmem:$0x16980] =	vst v63  }
0x72: {  	_ =	swait.ge [sflag:s5], $0x1400  }
0x73: {  	[sflag:s5] =	ssyncset.done $0x0  }
0x74: {  	s18 =	sadd.s32 s14, s15;
	[sflag:s5] =	ssyncadd.s32 $0xFFFFEC00  }
0x75: {  	[tilespmem:s22], [sflag:$0x3] =	stream.linear.gather [hbm4b:s18+s3], $0x28, $0x38;
	[tilespmem:$0x16980] =	vst v63  }
0x76: {  	_ = 	snop  }
0x77: {  	[tilespmem:s23], [sflag:$0x4] =	stream.strided.gather [hbm4b:s16+s6], $0x1400, s8, s6, $0x38;
	[tilespmem:$0x16980] =	vst v63  }
0x78: {  	_ =	swait.ge [sflag:s24], $0x28  }
0x79: {  	[sflag:s24] =	ssyncset.done $0x0  }
0x7a: {  	[sflag:s24] =	ssyncadd.s32 $0xFFFFFFD8  }
0x7b: {  	_ =	swait.ge [sflag:s25], $0x1400  }
0x7c: {  	p0 =	seq.s32 s14, $0x4F6;
	[sflag:s25] =	ssyncset.done $0x0  }
.Ltmp1:
0x7d: {  	[sflag:s25] =	ssyncadd.s32 $0xFFFFEC00;
	(pc) =	sbr.rel @p0 .LBB2_6-.Ltmp1, $4  }
0x7e: {  	[spmem:s2] =	stream.indirect.scatter.add.f32 [tilespmem:s23], [sflag:$0x6], $0x80, s22, s1, $0xb8;
	[tilespmem:$0x16980] =	vst v63  }
0x7f: {  	_ =	swait.ge [sflag:s26], $0x1400  }
0x80: {  	[sflag:s26] =	ssyncset.done $0x0  }
0x81: {  	[sflag:s26] =	ssyncadd.s32 $0xFFFFEC00  }
.Ltmp2:
0x82: {  	s18 =	sadd.s32 s14, s13;
	(pc) =	sbr.rel .LBB2_4-.Ltmp2, $4  }
0x83: {  	[tilespmem:s0], [sflag:$0x1] =	stream.linear.gather [hbm4b:s18+s3], $0x28, $0x38;
	[tilespmem:$0x16980] =	vst v63  }
0x84: {  	_ = 	snop  }
0x85: {  	[tilespmem:s28], [sflag:$0x2] =	stream.strided.gather [hbm4b:s17+s6], $0x1400, s8, s6, $0x38;
	[tilespmem:$0x16980] =	vst v63  }
0x86: {  	s14 =	sadd.s32 $0xA, s14;
	s16 =	sadd.s32 $0x1900, s16;
	s17 =	sadd.s32 $0x1900, s17  }
.LBB2_6:
0x87: {  	_ =	swait.ge [sflag:s5], $0x1400  }
0x88: {  	[sflag:s5] =	ssyncset.done $0x0  }
0x89: {  	[sflag:s5] =	ssyncadd.s32 $0xFFFFEC00  }
0x8a: {  	s14 =	sadd.s32 $0x0, s31;
	[bflag:$0x0] =	sbarrier.arrive $0xFFFF  }
0x8b: {  	[tilespmem:s30], [sflag:$0x7] =	stream.linear.gather [hbm4b:s14+s3], $0x28, $0x38;
	[tilespmem:$0x16980] =	vst v63  }
0x8c: {  	_ =	swait.ge [sflag:s29], $0x28  }
0x8d: {  	[sflag:s29] =	ssyncset.done $0x0  }
0x8e: {  	[sflag:s29] =	ssyncadd.s32 $0xFFFFFFD8  }
0x8f: {  	[tilespmem:s28], [sflag:$0x7] =	stream.indirect.gather [spmem:s2], $0x80, s30, s1, $0xb8;
	[tilespmem:$0x16980] =	vst v63  }
0x90: {  	_ =	swait.ge [sflag:s29], $0x1400  }
0x91: {  	[sflag:s29] =	ssyncset.done $0x0  }
0x92: {  	s19 =	rddreg [dreg:$0xa];
	[sflag:s29] =	ssyncadd.s32 $0xFFFFEC00  }
0x93: {  	[hbm4b:s19+s6] =	stream.strided.scatter [tilespmem:s28], [sflag:$0x7], $0x1400, s8, s6, $0x38;
	[tilespmem:$0x16980] =	vst v63  }
0x94: {  	s16 =	simm.s32 $0x5;
	_ =	swait.ge [sflag:s29], $0x1400  }
0x95: {  	s17 =	simm.s32 $0xA;
	s14 =	sadd.s32 $0xC80, s19;
	[sflag:s29] =	ssyncset.done $0x0  }
.LBB2_7:
0x96: {  	s18 =	sadd.s32 s16, s31  }
0x97: {  	[sflag:s29] =	ssyncadd.s32 $0xFFFFEC00;
	s16 =	smov.u32 s17;
	s19 =	sadd.s32 $0x5, s17  }
0x98: {  	[tilespmem:s30], [sflag:$0x7] =	stream.linear.gather [hbm4b:s18+s3], $0x28, $0x38;
	[tilespmem:$0x16980] =	vst v63  }
0x99: {  	p0 =	sne.s32 s17, $0x4B;
	_ =	swait.ge [sflag:s29], $0x28  }
0x9a: {  	[sflag:s29] =	ssyncset.done $0x0  }
0x9b: {  	[sflag:s29] =	ssyncadd.s32 $0xFFFFFFD8  }
0x9c: {  	[tilespmem:s28], [sflag:$0x7] =	stream.indirect.gather [spmem:s2], $0x80, s30, s1, $0xb8;
	[tilespmem:$0x16980] =	vst v63  }
0x9d: {  	_ =	swait.ge [sflag:s29], $0x1400  }
.Ltmp3:
0x9e: {  	[sflag:s29] =	ssyncset.done $0x0;
	(pc) =	sbr.rel @p0 .LBB2_7-.Ltmp3, $4  }
0x9f: {  	[sflag:s29] =	ssyncadd.s32 $0xFFFFEC00  }
0xa0: {  	[hbm4b:s14+s6] =	stream.strided.scatter [tilespmem:s28], [sflag:$0x7], $0x1400, s8, s6, $0x38;
	[tilespmem:$0x16980] =	vst v63  }
0xa1: {  	_ =	swait.ge [sflag:s29], $0x1400  }
0xa2: {  	s17 =	smov.u32 s19;
	s14 =	sadd.s32 $0xC80, s14;
	[sflag:s29] =	ssyncset.done $0x0  }
0xa3: {  	s16 =	sadd.s32 s16, s31;
	[sflag:s29] =	ssyncadd.s32 $0xFFFFEC00  }
0xa4: {  	[tilespmem:s30], [sflag:$0x7] =	stream.linear.gather [hbm4b:s16+s3], $0x28, $0x38;
	[tilespmem:$0x16980] =	vst v63  }
0xa5: {  	_ =	swait.ge [sflag:s29], $0x28  }
0xa6: {  	[sflag:s29] =	ssyncset.done $0x0  }
0xa7: {  	[sflag:s29] =	ssyncadd.s32 $0xFFFFFFD8  }
0xa8: {  	[tilespmem:s28], [sflag:$0x7] =	stream.indirect.gather [spmem:s2], $0x80, s30, s1, $0xb8;
	[tilespmem:$0x16980] =	vst v63  }
0xa9: {  	_ =	swait.ge [sflag:s29], $0x1400  }
0xaa: {  	[sflag:s29] =	ssyncset.done $0x0  }
0xab: {  	[sflag:s29] =	ssyncadd.s32 $0xFFFFEC00  }
0xac: {  	[hbm4b:s14+s6] =	stream.strided.scatter [tilespmem:s28], [sflag:$0x7], $0x1400, s8, s6, $0x38;
	[tilespmem:$0x16980] =	vst v63  }
0xad: {  	_ =	swait.ge [sflag:s29], $0x1400  }
0xae: {  	[sflag:s29] =	ssyncset.done $0x0  }
0xaf: {  	[sflag:s29] =	ssyncadd.s32 $0xFFFFEC00  }
0xb0: {  	s18 =	simm.s32 $0x0;
	[bflag:$0x0] =	sbarrier.arrive $0xFFFF  }
0xb1: {  	[tilespmem:s28], [sflag:$0x7] =	stream.linear.gather [hbm4b:s21+s18], $0x1400, $0x38;
	[tilespmem:$0x16980] =	vst v63  }
0xb2: {  	_ =	swait.ge [sflag:s29], $0x1400  }
0xb3: {  	[sflag:s29] =	ssyncset.done $0x0  }
0xb4: {  	s19 =	sadd.s32 $0x0, s31;
	[sflag:s29] =	ssyncadd.s32 $0xFFFFEC00  }
0xb5: {  	[tilespmem:s30], [sflag:$0x7] =	stream.linear.gather [hbm4b:s19+s3], $0x28, $0x38;
	[tilespmem:$0x16980] =	vst v63  }
0xb6: {  	_ =	swait.ge [sflag:s29], $0x28  }
0xb7: {  	[sflag:s29] =	ssyncset.done $0x0  }
0xb8: {  	[sflag:s29] =	ssyncadd.s32 $0xFFFFFFD8  }
0xb9: {  	[spmem:s2] =	stream.indirect.scatter [tilespmem:s28], [sflag:$0x7], $0x80, s30, s1, $0xb8;
	[tilespmem:$0x16980] =	vst v63  }
0xba: {  	_ =	swait.ge [sflag:s29], $0x1400  }
0xbb: {  	s16 =	simm.s32 $0xA;
	s14 =	simm.s32 $0x5;
	[sflag:s29] =	ssyncset.done $0x0  }
.LBB2_9:
0xbc: {  	s17 =	sadd.s32 s14, s31  }
0xbd: {  	[sflag:s29] =	ssyncadd.s32 $0xFFFFEC00;
	s14 =	smov.u32 s16;
	s18 =	sadd.s32 $0x5, s16  }
0xbe: {  	[tilespmem:s30], [sflag:$0x7] =	stream.linear.gather [hbm4b:s17+s3], $0x28, $0x38;
	[tilespmem:$0x16980] =	vst v63  }
0xbf: {  	p0 =	sne.s32 s16, $0x4B;
	_ =	swait.ge [sflag:s29], $0x28  }
.Ltmp4:
0xc0: {  	[sflag:s29] =	ssyncset.done $0x0;
	(pc) =	sbr.rel @p0 .LBB2_9-.Ltmp4, $4  }
0xc1: {  	[sflag:s29] =	ssyncadd.s32 $0xFFFFFFD8  }
0xc2: {  	[spmem:s2] =	stream.indirect.scatter [tilespmem:s28], [sflag:$0x7], $0x80, s30, s1, $0xb8;
	[tilespmem:$0x16980] =	vst v63  }
0xc3: {  	_ =	swait.ge [sflag:s29], $0x1400  }
0xc4: {  	s16 =	smov.u32 s18;
	[sflag:s29] =	ssyncset.done $0x0  }
0xc5: {  	s14 =	sadd.s32 s14, s31;
	[sflag:s29] =	ssyncadd.s32 $0xFFFFEC00  }
0xc6: {  	[tilespmem:s30], [sflag:$0x7] =	stream.linear.gather [hbm4b:s14+s3], $0x28, $0x38;
	[tilespmem:$0x16980] =	vst v63  }
0xc7: {  	_ =	swait.ge [sflag:s29], $0x28  }
0xc8: {  	[sflag:s29] =	ssyncset.done $0x0  }
0xc9: {  	[sflag:s29] =	ssyncadd.s32 $0xFFFFFFD8  }
0xca: {  	[spmem:s2] =	stream.indirect.scatter [tilespmem:s28], [sflag:$0x7], $0x80, s30, s1, $0xb8;
	[tilespmem:$0x16980] =	vst v63  }
0xcb: {  	_ =	swait.ge [sflag:s29], $0x1400  }
0xcc: {  	[sflag:s29] =	ssyncset.done $0x0  }
0xcd: {  	[sflag:s29] =	ssyncadd.s32 $0xFFFFEC00  }
0xce: {  	s14 =	simm.s32 $0x0;
	[bflag:$0x0] =	sbarrier.arrive $0xFFFF  }
0xcf: {  	[tilespmem:s0], [sflag:$0x1] =	stream.linear.gather [hbm4b:s4+s14], $0x28, $0x38;
	[tilespmem:$0x16980] =	vst v63  }
0xd0: {  	s16 =	rddreg [dreg:$0x4]  }
0xd1: {  	[tilespmem:s28], [sflag:$0x2] =	stream.strided.gather [hbm4b:s16+s6], $0x1400, s8, s6, $0x38;
	[tilespmem:$0x16980] =	vst v63  }
0xd2: {  	_ =	swait.ge [sflag:s10], $0x28  }
0xd3: {  	[sflag:s10] =	ssyncset.done $0x0  }
0xd4: {  	[sflag:s10] =	ssyncadd.s32 $0xFFFFFFD8  }
0xd5: {  	_ =	swait.ge [sflag:s11], $0x1400  }
0xd6: {  	[sflag:s11] =	ssyncset.done $0x0  }
0xd7: {  	[sflag:s11] =	ssyncadd.s32 $0xFFFFEC00  }
0xd8: {  	[spmem:s2] =	stream.indirect.scatter.add.f32 [tilespmem:s28], [sflag:$0x5], $0x80, s0, s1, $0xb8;
	[tilespmem:$0x16980] =	vst v63  }
0xd9: {  	_ = 	snop  }
0xda: {  	[tilespmem:s22], [sflag:$0x3] =	stream.linear.gather [hbm4b:s7+s14], $0x28, $0x38;
	[tilespmem:$0x16980] =	vst v63  }
0xdb: {  	s18 =	rddreg [dreg:$0xf]  }
0xdc: {  	[tilespmem:s23], [sflag:$0x4] =	stream.strided.gather [hbm4b:s18+s6], $0x1400, s8, s6, $0x38;
	[tilespmem:$0x16980] =	vst v63  }
0xdd: {  	_ =	swait.ge [sflag:s24], $0x28  }
0xde: {  	[sflag:s24] =	ssyncset.done $0x0  }
0xdf: {  	[sflag:s24] =	ssyncadd.s32 $0xFFFFFFD8  }
0xe0: {  	_ =	swait.ge [sflag:s25], $0x1400  }
0xe1: {  	[sflag:s25] =	ssyncset.done $0x0  }
0xe2: {  	[sflag:s25] =	ssyncadd.s32 $0xFFFFEC00  }
0xe3: {  	[spmem:s2] =	stream.indirect.scatter.add.f32 [tilespmem:s23], [sflag:$0x6], $0x80, s22, s1, $0xb8;
	[tilespmem:$0x16980] =	vst v63  }
0xe4: {  	_ =	swait.ge [sflag:s26], $0x1400  }
0xe5: {  	[sflag:s26] =	ssyncset.done $0x0;
	s19 =	rddreg [dreg:$0x7]  }
0xe6: {  	s16 =	rddreg [dreg:$0x1a];
	[sflag:s26] =	ssyncadd.s32 $0xFFFFEC00  }
0xe7: {  	[tilespmem:s0], [sflag:$0x1] =	stream.linear.gather [hbm4b:s9+s14], $0x28, $0x38;
	[tilespmem:$0x16980] =	vst v63  }
0xe8: {  	s17 =	rddreg [dreg:$0x19]  }
0xe9: {  	[tilespmem:s28], [sflag:$0x2] =	stream.strided.gather [hbm4b:s19+s6], $0x1400, s8, s6, $0x38;
	[tilespmem:$0x16980] =	vst v63  }
.LBB2_11:
0xea: {  	_ =	swait.ge [sflag:s10], $0x28  }
0xeb: {  	[sflag:s10] =	ssyncset.done $0x0  }
0xec: {  	[sflag:s10] =	ssyncadd.s32 $0xFFFFFFD8  }
0xed: {  	_ =	swait.ge [sflag:s11], $0x1400  }
0xee: {  	[sflag:s11] =	ssyncset.done $0x0  }
0xef: {  	[sflag:s11] =	ssyncadd.s32 $0xFFFFEC00  }
0xf0: {  	[spmem:s2] =	stream.indirect.scatter.add.f32 [tilespmem:s28], [sflag:$0x5], $0x80, s0, s1, $0xb8;
	[tilespmem:$0x16980] =	vst v63  }
0xf1: {  	_ =	swait.ge [sflag:s5], $0x1400  }
0xf2: {  	[sflag:s5] =	ssyncset.done $0x0  }
0xf3: {  	s18 =	sadd.s32 s14, s15;
	[sflag:s5] =	ssyncadd.s32 $0xFFFFEC00  }
0xf4: {  	[tilespmem:s22], [sflag:$0x3] =	stream.linear.gather [hbm4b:s18+s3], $0x28, $0x38;
	[tilespmem:$0x16980] =	vst v63  }
0xf5: {  	_ = 	snop  }
0xf6: {  	[tilespmem:s23], [sflag:$0x4] =	stream.strided.gather [hbm4b:s16+s6], $0x1400, s8, s6, $0x38;
	[tilespmem:$0x16980] =	vst v63  }
0xf7: {  	_ =	swait.ge [sflag:s24], $0x28  }
0xf8: {  	[sflag:s24] =	ssyncset.done $0x0  }
0xf9: {  	[sflag:s24] =	ssyncadd.s32 $0xFFFFFFD8  }
0xfa: {  	_ =	swait.ge [sflag:s25], $0x1400  }
0xfb: {  	p0 =	seq.s32 s14, $0x4F6;
	[sflag:s25] =	ssyncset.done $0x0  }
.Ltmp5:
0xfc: {  	[sflag:s25] =	ssyncadd.s32 $0xFFFFEC00;
	(pc) =	sbr.rel @p0 .LBB2_13-.Ltmp5, $4  }
0xfd: {  	[spmem:s2] =	stream.indirect.scatter.add.f32 [tilespmem:s23], [sflag:$0x6], $0x80, s22, s1, $0xb8;
	[tilespmem:$0x16980] =	vst v63  }
0xfe: {  	_ =	swait.ge [sflag:s26], $0x1400  }
0xff: {  	[sflag:s26] =	ssyncset.done $0x0  }
0x100: {  	[sflag:s26] =	ssyncadd.s32 $0xFFFFEC00  }
.Ltmp6:
0x101: {  	s18 =	sadd.s32 s14, s13;
	(pc) =	sbr.rel .LBB2_11-.Ltmp6, $4  }
0x102: {  	[tilespmem:s0], [sflag:$0x1] =	stream.linear.gather [hbm4b:s18+s3], $0x28, $0x38;
	[tilespmem:$0x16980] =	vst v63  }
0x103: {  	_ = 	snop  }
0x104: {  	[tilespmem:s28], [sflag:$0x2] =	stream.strided.gather [hbm4b:s17+s6], $0x1400, s8, s6, $0x38;
	[tilespmem:$0x16980] =	vst v63  }
0x105: {  	s14 =	sadd.s32 $0xA, s14;
	s16 =	sadd.s32 $0x1900, s16;
	s17 =	sadd.s32 $0x1900, s17  }
.LBB2_13:
0x106: {  	_ =	swait.ge [sflag:s5], $0x1400  }
0x107: {  	[sflag:s5] =	ssyncset.done $0x0  }
0x108: {  	[sflag:s5] =	ssyncadd.s32 $0xFFFFEC00  }
0x109: {  	s14 =	sadd.s32 $0x0, s31;
	[bflag:$0x0] =	sbarrier.arrive $0xFFFF  }
0x10a: {  	[tilespmem:s30], [sflag:$0x7] =	stream.linear.gather [hbm4b:s14+s3], $0x28, $0x38;
	[tilespmem:$0x16980] =	vst v63  }
0x10b: {  	_ =	swait.ge [sflag:s29], $0x28  }
0x10c: {  	[sflag:s29] =	ssyncset.done $0x0  }
0x10d: {  	[sflag:s29] =	ssyncadd.s32 $0xFFFFFFD8  }
0x10e: {  	[tilespmem:s28], [sflag:$0x7] =	stream.indirect.gather [spmem:s2], $0x80, s30, s1, $0xb8;
	[tilespmem:$0x16980] =	vst v63  }
0x10f: {  	_ =	swait.ge [sflag:s29], $0x1400  }
0x110: {  	[sflag:s29] =	ssyncset.done $0x0  }
0x111: {  	s19 =	rddreg [dreg:$0xb];
	[sflag:s29] =	ssyncadd.s32 $0xFFFFEC00  }
0x112: {  	[hbm4b:s19+s6] =	stream.strided.scatter [tilespmem:s28], [sflag:$0x7], $0x1400, s8, s6, $0x38;
	[tilespmem:$0x16980] =	vst v63  }
0x113: {  	s16 =	simm.s32 $0x5;
	_ =	swait.ge [sflag:s29], $0x1400  }
0x114: {  	s17 =	simm.s32 $0xA;
	s14 =	sadd.s32 $0xC80, s19;
	[sflag:s29] =	ssyncset.done $0x0  }
.LBB2_14:
0x115: {  	s18 =	sadd.s32 s16, s31  }
0x116: {  	[sflag:s29] =	ssyncadd.s32 $0xFFFFEC00;
	s16 =	smov.u32 s17;
	s19 =	sadd.s32 $0x5, s17  }
0x117: {  	[tilespmem:s30], [sflag:$0x7] =	stream.linear.gather [hbm4b:s18+s3], $0x28, $0x38;
	[tilespmem:$0x16980] =	vst v63  }
0x118: {  	p0 =	sne.s32 s17, $0x4B;
	_ =	swait.ge [sflag:s29], $0x28  }
0x119: {  	[sflag:s29] =	ssyncset.done $0x0  }
0x11a: {  	[sflag:s29] =	ssyncadd.s32 $0xFFFFFFD8  }
0x11b: {  	[tilespmem:s28], [sflag:$0x7] =	stream.indirect.gather [spmem:s2], $0x80, s30, s1, $0xb8;
	[tilespmem:$0x16980] =	vst v63  }
0x11c: {  	_ =	swait.ge [sflag:s29], $0x1400  }
.Ltmp7:
0x11d: {  	[sflag:s29] =	ssyncset.done $0x0;
	(pc) =	sbr.rel @p0 .LBB2_14-.Ltmp7, $4  }
0x11e: {  	[sflag:s29] =	ssyncadd.s32 $0xFFFFEC00  }
0x11f: {  	[hbm4b:s14+s6] =	stream.strided.scatter [tilespmem:s28], [sflag:$0x7], $0x1400, s8, s6, $0x38;
	[tilespmem:$0x16980] =	vst v63  }
0x120: {  	_ =	swait.ge [sflag:s29], $0x1400  }
0x121: {  	s17 =	smov.u32 s19;
	s14 =	sadd.s32 $0xC80, s14;
	[sflag:s29] =	ssyncset.done $0x0  }
0x122: {  	s16 =	sadd.s32 s16, s31;
	[sflag:s29] =	ssyncadd.s32 $0xFFFFEC00  }
0x123: {  	[tilespmem:s30], [sflag:$0x7] =	stream.linear.gather [hbm4b:s16+s3], $0x28, $0x38;
	[tilespmem:$0x16980] =	vst v63  }
0x124: {  	_ =	swait.ge [sflag:s29], $0x28  }
0x125: {  	[sflag:s29] =	ssyncset.done $0x0  }
0x126: {  	[sflag:s29] =	ssyncadd.s32 $0xFFFFFFD8  }
0x127: {  	[tilespmem:s28], [sflag:$0x7] =	stream.indirect.gather [spmem:s2], $0x80, s30, s1, $0xb8;
	[tilespmem:$0x16980] =	vst v63  }
0x128: {  	_ =	swait.ge [sflag:s29], $0x1400  }
0x129: {  	[sflag:s29] =	ssyncset.done $0x0  }
0x12a: {  	[sflag:s29] =	ssyncadd.s32 $0xFFFFEC00  }
0x12b: {  	[hbm4b:s14+s6] =	stream.strided.scatter [tilespmem:s28], [sflag:$0x7], $0x1400, s8, s6, $0x38;
	[tilespmem:$0x16980] =	vst v63  }
0x12c: {  	_ =	swait.ge [sflag:s29], $0x1400  }
0x12d: {  	[sflag:s29] =	ssyncset.done $0x0  }
0x12e: {  	[sflag:s29] =	ssyncadd.s32 $0xFFFFEC00  }
0x12f: {  	s18 =	simm.s32 $0x0;
	[bflag:$0x0] =	sbarrier.arrive $0xFFFF  }
0x130: {  	[tilespmem:s28], [sflag:$0x7] =	stream.linear.gather [hbm4b:s21+s18], $0x1400, $0x38;
	[tilespmem:$0x16980] =	vst v63  }
0x131: {  	_ =	swait.ge [sflag:s29], $0x1400  }
0x132: {  	[sflag:s29] =	ssyncset.done $0x0  }
0x133: {  	s19 =	sadd.s32 $0x0, s31;
	[sflag:s29] =	ssyncadd.s32 $0xFFFFEC00  }
0x134: {  	[tilespmem:s30], [sflag:$0x7] =	stream.linear.gather [hbm4b:s19+s3], $0x28, $0x38;
	[tilespmem:$0x16980] =	vst v63  }
0x135: {  	_ =	swait.ge [sflag:s29], $0x28  }
0x136: {  	[sflag:s29] =	ssyncset.done $0x0  }
0x137: {  	[sflag:s29] =	ssyncadd.s32 $0xFFFFFFD8  }
0x138: {  	[spmem:s2] =	stream.indirect.scatter [tilespmem:s28], [sflag:$0x7], $0x80, s30, s1, $0xb8;
	[tilespmem:$0x16980] =	vst v63  }
0x139: {  	_ =	swait.ge [sflag:s29], $0x1400  }
0x13a: {  	s16 =	simm.s32 $0xA;
	s14 =	simm.s32 $0x5;
	[sflag:s29] =	ssyncset.done $0x0  }
.LBB2_16:
0x13b: {  	s17 =	sadd.s32 s14, s31  }
0x13c: {  	[sflag:s29] =	ssyncadd.s32 $0xFFFFEC00;
	s14 =	smov.u32 s16;
	s18 =	sadd.s32 $0x5, s16  }
0x13d: {  	[tilespmem:s30], [sflag:$0x7] =	stream.linear.gather [hbm4b:s17+s3], $0x28, $0x38;
	[tilespmem:$0x16980] =	vst v63  }
0x13e: {  	p0 =	sne.s32 s16, $0x4B;
	_ =	swait.ge [sflag:s29], $0x28  }
.Ltmp8:
0x13f: {  	[sflag:s29] =	ssyncset.done $0x0;
	(pc) =	sbr.rel @p0 .LBB2_16-.Ltmp8, $4  }
0x140: {  	[sflag:s29] =	ssyncadd.s32 $0xFFFFFFD8  }
0x141: {  	[spmem:s2] =	stream.indirect.scatter [tilespmem:s28], [sflag:$0x7], $0x80, s30, s1, $0xb8;
	[tilespmem:$0x16980] =	vst v63  }
0x142: {  	_ =	swait.ge [sflag:s29], $0x1400  }
0x143: {  	s16 =	smov.u32 s18;
	[sflag:s29] =	ssyncset.done $0x0  }
0x144: {  	s14 =	sadd.s32 s14, s31;
	[sflag:s29] =	ssyncadd.s32 $0xFFFFEC00  }
0x145: {  	[tilespmem:s30], [sflag:$0x7] =	stream.linear.gather [hbm4b:s14+s3], $0x28, $0x38;
	[tilespmem:$0x16980] =	vst v63  }
0x146: {  	_ =	swait.ge [sflag:s29], $0x28  }
0x147: {  	[sflag:s29] =	ssyncset.done $0x0  }
0x148: {  	[sflag:s29] =	ssyncadd.s32 $0xFFFFFFD8  }
0x149: {  	[spmem:s2] =	stream.indirect.scatter [tilespmem:s28], [sflag:$0x7], $0x80, s30, s1, $0xb8;
	[tilespmem:$0x16980] =	vst v63  }
0x14a: {  	_ =	swait.ge [sflag:s29], $0x1400  }
0x14b: {  	[sflag:s29] =	ssyncset.done $0x0  }
0x14c: {  	[sflag:s29] =	ssyncadd.s32 $0xFFFFEC00  }
0x14d: {  	s14 =	simm.s32 $0x0;
	[bflag:$0x0] =	sbarrier.arrive $0xFFFF  }
0x14e: {  	[tilespmem:s0], [sflag:$0x1] =	stream.linear.gather [hbm4b:s4+s14], $0x28, $0x38;
	[tilespmem:$0x16980] =	vst v63  }
0x14f: {  	s16 =	rddreg [dreg:$0x16]  }
0x150: {  	[tilespmem:s28], [sflag:$0x2] =	stream.strided.gather [hbm4b:s16+s6], $0x1400, s8, s6, $0x38;
	[tilespmem:$0x16980] =	vst v63  }
0x151: {  	_ =	swait.ge [sflag:s10], $0x28  }
0x152: {  	[sflag:s10] =	ssyncset.done $0x0  }
0x153: {  	[sflag:s10] =	ssyncadd.s32 $0xFFFFFFD8  }
0x154: {  	_ =	swait.ge [sflag:s11], $0x1400  }
0x155: {  	[sflag:s11] =	ssyncset.done $0x0  }
0x156: {  	[sflag:s11] =	ssyncadd.s32 $0xFFFFEC00  }
0x157: {  	[spmem:s2] =	stream.indirect.scatter.add.f32 [tilespmem:s28], [sflag:$0x5], $0x80, s0, s1, $0xb8;
	[tilespmem:$0x16980] =	vst v63  }
0x158: {  	_ = 	snop  }
0x159: {  	[tilespmem:s22], [sflag:$0x3] =	stream.linear.gather [hbm4b:s7+s14], $0x28, $0x38;
	[tilespmem:$0x16980] =	vst v63  }
0x15a: {  	s18 =	rddreg [dreg:$0x10]  }
0x15b: {  	[tilespmem:s23], [sflag:$0x4] =	stream.strided.gather [hbm4b:s18+s6], $0x1400, s8, s6, $0x38;
	[tilespmem:$0x16980] =	vst v63  }
0x15c: {  	_ =	swait.ge [sflag:s24], $0x28  }
0x15d: {  	[sflag:s24] =	ssyncset.done $0x0  }
0x15e: {  	[sflag:s24] =	ssyncadd.s32 $0xFFFFFFD8  }
0x15f: {  	_ =	swait.ge [sflag:s25], $0x1400  }
0x160: {  	[sflag:s25] =	ssyncset.done $0x0  }
0x161: {  	[sflag:s25] =	ssyncadd.s32 $0xFFFFEC00  }
0x162: {  	[spmem:s2] =	stream.indirect.scatter.add.f32 [tilespmem:s23], [sflag:$0x6], $0x80, s22, s1, $0xb8;
	[tilespmem:$0x16980] =	vst v63  }
0x163: {  	_ =	swait.ge [sflag:s26], $0x1400  }
0x164: {  	[sflag:s26] =	ssyncset.done $0x0;
	s19 =	rddreg [dreg:$0x13]  }
0x165: {  	s16 =	rddreg [dreg:$0x1c];
	[sflag:s26] =	ssyncadd.s32 $0xFFFFEC00  }
0x166: {  	[tilespmem:s0], [sflag:$0x1] =	stream.linear.gather [hbm4b:s9+s14], $0x28, $0x38;
	[tilespmem:$0x16980] =	vst v63  }
0x167: {  	s17 =	rddreg [dreg:$0x1b]  }
0x168: {  	[tilespmem:s28], [sflag:$0x2] =	stream.strided.gather [hbm4b:s19+s6], $0x1400, s8, s6, $0x38;
	[tilespmem:$0x16980] =	vst v63  }
.LBB2_18:
0x169: {  	_ =	swait.ge [sflag:s10], $0x28  }
0x16a: {  	[sflag:s10] =	ssyncset.done $0x0  }
0x16b: {  	[sflag:s10] =	ssyncadd.s32 $0xFFFFFFD8  }
0x16c: {  	_ =	swait.ge [sflag:s11], $0x1400  }
0x16d: {  	[sflag:s11] =	ssyncset.done $0x0  }
0x16e: {  	[sflag:s11] =	ssyncadd.s32 $0xFFFFEC00  }
0x16f: {  	[spmem:s2] =	stream.indirect.scatter.add.f32 [tilespmem:s28], [sflag:$0x5], $0x80, s0, s1, $0xb8;
	[tilespmem:$0x16980] =	vst v63  }
0x170: {  	_ =	swait.ge [sflag:s5], $0x1400  }
0x171: {  	[sflag:s5] =	ssyncset.done $0x0  }
0x172: {  	s18 =	sadd.s32 s14, s15;
	[sflag:s5] =	ssyncadd.s32 $0xFFFFEC00  }
0x173: {  	[tilespmem:s22], [sflag:$0x3] =	stream.linear.gather [hbm4b:s18+s3], $0x28, $0x38;
	[tilespmem:$0x16980] =	vst v63  }
0x174: {  	_ = 	snop  }
0x175: {  	[tilespmem:s23], [sflag:$0x4] =	stream.strided.gather [hbm4b:s16+s6], $0x1400, s8, s6, $0x38;
	[tilespmem:$0x16980] =	vst v63  }
0x176: {  	_ =	swait.ge [sflag:s24], $0x28  }
0x177: {  	[sflag:s24] =	ssyncset.done $0x0  }
0x178: {  	[sflag:s24] =	ssyncadd.s32 $0xFFFFFFD8  }
0x179: {  	_ =	swait.ge [sflag:s25], $0x1400  }
0x17a: {  	p0 =	seq.s32 s14, $0x4F6;
	[sflag:s25] =	ssyncset.done $0x0  }
.Ltmp9:
0x17b: {  	[sflag:s25] =	ssyncadd.s32 $0xFFFFEC00;
	(pc) =	sbr.rel @p0 .LBB2_20-.Ltmp9, $4  }
0x17c: {  	[spmem:s2] =	stream.indirect.scatter.add.f32 [tilespmem:s23], [sflag:$0x6], $0x80, s22, s1, $0xb8;
	[tilespmem:$0x16980] =	vst v63  }
0x17d: {  	_ =	swait.ge [sflag:s26], $0x1400  }
0x17e: {  	[sflag:s26] =	ssyncset.done $0x0  }
0x17f: {  	[sflag:s26] =	ssyncadd.s32 $0xFFFFEC00  }
.Ltmp10:
0x180: {  	s18 =	sadd.s32 s14, s13;
	(pc) =	sbr.rel .LBB2_18-.Ltmp10, $4  }
0x181: {  	[tilespmem:s0], [sflag:$0x1] =	stream.linear.gather [hbm4b:s18+s3], $0x28, $0x38;
	[tilespmem:$0x16980] =	vst v63  }
0x182: {  	_ = 	snop  }
0x183: {  	[tilespmem:s28], [sflag:$0x2] =	stream.strided.gather [hbm4b:s17+s6], $0x1400, s8, s6, $0x38;
	[tilespmem:$0x16980] =	vst v63  }
0x184: {  	s14 =	sadd.s32 $0xA, s14;
	s16 =	sadd.s32 $0x1900, s16;
	s17 =	sadd.s32 $0x1900, s17  }
.LBB2_20:
0x185: {  	_ =	swait.ge [sflag:s5], $0x1400  }
0x186: {  	[sflag:s5] =	ssyncset.done $0x0  }
0x187: {  	[sflag:s5] =	ssyncadd.s32 $0xFFFFEC00  }
0x188: {  	s14 =	sadd.s32 $0x0, s31;
	[bflag:$0x0] =	sbarrier.arrive $0xFFFF  }
0x189: {  	[tilespmem:s30], [sflag:$0x7] =	stream.linear.gather [hbm4b:s14+s3], $0x28, $0x38;
	[tilespmem:$0x16980] =	vst v63  }
0x18a: {  	_ =	swait.ge [sflag:s29], $0x28  }
0x18b: {  	[sflag:s29] =	ssyncset.done $0x0  }
0x18c: {  	[sflag:s29] =	ssyncadd.s32 $0xFFFFFFD8  }
0x18d: {  	[tilespmem:s28], [sflag:$0x7] =	stream.indirect.gather [spmem:s2], $0x80, s30, s1, $0xb8;
	[tilespmem:$0x16980] =	vst v63  }
0x18e: {  	_ =	swait.ge [sflag:s29], $0x1400  }
0x18f: {  	[sflag:s29] =	ssyncset.done $0x0  }
0x190: {  	s19 =	rddreg [dreg:$0xc];
	[sflag:s29] =	ssyncadd.s32 $0xFFFFEC00  }
0x191: {  	[hbm4b:s19+s6] =	stream.strided.scatter [tilespmem:s28], [sflag:$0x7], $0x1400, s8, s6, $0x38;
	[tilespmem:$0x16980] =	vst v63  }
0x192: {  	s16 =	simm.s32 $0x5;
	_ =	swait.ge [sflag:s29], $0x1400  }
0x193: {  	s17 =	simm.s32 $0xA;
	s14 =	sadd.s32 $0xC80, s19;
	[sflag:s29] =	ssyncset.done $0x0  }
.LBB2_21:
0x194: {  	s18 =	sadd.s32 s16, s31  }
0x195: {  	[sflag:s29] =	ssyncadd.s32 $0xFFFFEC00;
	s16 =	smov.u32 s17;
	s19 =	sadd.s32 $0x5, s17  }
0x196: {  	[tilespmem:s30], [sflag:$0x7] =	stream.linear.gather [hbm4b:s18+s3], $0x28, $0x38;
	[tilespmem:$0x16980] =	vst v63  }
0x197: {  	p0 =	sne.s32 s17, $0x4B;
	_ =	swait.ge [sflag:s29], $0x28  }
0x198: {  	[sflag:s29] =	ssyncset.done $0x0  }
0x199: {  	[sflag:s29] =	ssyncadd.s32 $0xFFFFFFD8  }
0x19a: {  	[tilespmem:s28], [sflag:$0x7] =	stream.indirect.gather [spmem:s2], $0x80, s30, s1, $0xb8;
	[tilespmem:$0x16980] =	vst v63  }
0x19b: {  	_ =	swait.ge [sflag:s29], $0x1400  }
.Ltmp11:
0x19c: {  	[sflag:s29] =	ssyncset.done $0x0;
	(pc) =	sbr.rel @p0 .LBB2_21-.Ltmp11, $4  }
0x19d: {  	[sflag:s29] =	ssyncadd.s32 $0xFFFFEC00  }
0x19e: {  	[hbm4b:s14+s6] =	stream.strided.scatter [tilespmem:s28], [sflag:$0x7], $0x1400, s8, s6, $0x38;
	[tilespmem:$0x16980] =	vst v63  }
0x19f: {  	_ =	swait.ge [sflag:s29], $0x1400  }
0x1a0: {  	s17 =	smov.u32 s19;
	s14 =	sadd.s32 $0xC80, s14;
	[sflag:s29] =	ssyncset.done $0x0  }
0x1a1: {  	s16 =	sadd.s32 s16, s31;
	[sflag:s29] =	ssyncadd.s32 $0xFFFFEC00  }
0x1a2: {  	[tilespmem:s30], [sflag:$0x7] =	stream.linear.gather [hbm4b:s16+s3], $0x28, $0x38;
	[tilespmem:$0x16980] =	vst v63  }
0x1a3: {  	_ =	swait.ge [sflag:s29], $0x28  }
0x1a4: {  	[sflag:s29] =	ssyncset.done $0x0  }
0x1a5: {  	[sflag:s29] =	ssyncadd.s32 $0xFFFFFFD8  }
0x1a6: {  	[tilespmem:s28], [sflag:$0x7] =	stream.indirect.gather [spmem:s2], $0x80, s30, s1, $0xb8;
	[tilespmem:$0x16980] =	vst v63  }
0x1a7: {  	_ =	swait.ge [sflag:s29], $0x1400  }
0x1a8: {  	[sflag:s29] =	ssyncset.done $0x0  }
0x1a9: {  	[sflag:s29] =	ssyncadd.s32 $0xFFFFEC00  }
0x1aa: {  	[hbm4b:s14+s6] =	stream.strided.scatter [tilespmem:s28], [sflag:$0x7], $0x1400, s8, s6, $0x38;
	[tilespmem:$0x16980] =	vst v63  }
0x1ab: {  	_ =	swait.ge [sflag:s29], $0x1400  }
0x1ac: {  	[sflag:s29] =	ssyncset.done $0x0  }
0x1ad: {  	[sflag:s29] =	ssyncadd.s32 $0xFFFFEC00  }
0x1ae: {  	s18 =	simm.s32 $0x0;
	[bflag:$0x0] =	sbarrier.arrive $0xFFFF  }
0x1af: {  	[tilespmem:s28], [sflag:$0x7] =	stream.linear.gather [hbm4b:s21+s18], $0x1400, $0x38;
	[tilespmem:$0x16980] =	vst v63  }
0x1b0: {  	_ =	swait.ge [sflag:s29], $0x1400  }
0x1b1: {  	[sflag:s29] =	ssyncset.done $0x0  }
0x1b2: {  	s19 =	sadd.s32 $0x0, s31;
	[sflag:s29] =	ssyncadd.s32 $0xFFFFEC00  }
0x1b3: {  	[tilespmem:s30], [sflag:$0x7] =	stream.linear.gather [hbm4b:s19+s3], $0x28, $0x38;
	[tilespmem:$0x16980] =	vst v63  }
0x1b4: {  	_ =	swait.ge [sflag:s29], $0x28  }
0x1b5: {  	[sflag:s29] =	ssyncset.done $0x0  }
0x1b6: {  	[sflag:s29] =	ssyncadd.s32 $0xFFFFFFD8  }
0x1b7: {  	[spmem:s2] =	stream.indirect.scatter [tilespmem:s28], [sflag:$0x7], $0x80, s30, s1, $0xb8;
	[tilespmem:$0x16980] =	vst v63  }
0x1b8: {  	_ =	swait.ge [sflag:s29], $0x1400  }
0x1b9: {  	s16 =	simm.s32 $0xA;
	s14 =	simm.s32 $0x5;
	[sflag:s29] =	ssyncset.done $0x0  }
.LBB2_23:
0x1ba: {  	s17 =	sadd.s32 s14, s31  }
0x1bb: {  	[sflag:s29] =	ssyncadd.s32 $0xFFFFEC00;
	s14 =	smov.u32 s16;
	s18 =	sadd.s32 $0x5, s16  }
0x1bc: {  	[tilespmem:s30], [sflag:$0x7] =	stream.linear.gather [hbm4b:s17+s3], $0x28, $0x38;
	[tilespmem:$0x16980] =	vst v63  }
0x1bd: {  	p0 =	sne.s32 s16, $0x4B;
	_ =	swait.ge [sflag:s29], $0x28  }
.Ltmp12:
0x1be: {  	[sflag:s29] =	ssyncset.done $0x0;
	(pc) =	sbr.rel @p0 .LBB2_23-.Ltmp12, $4  }
0x1bf: {  	[sflag:s29] =	ssyncadd.s32 $0xFFFFFFD8  }
0x1c0: {  	[spmem:s2] =	stream.indirect.scatter [tilespmem:s28], [sflag:$0x7], $0x80, s30, s1, $0xb8;
	[tilespmem:$0x16980] =	vst v63  }
0x1c1: {  	_ =	swait.ge [sflag:s29], $0x1400  }
0x1c2: {  	s16 =	smov.u32 s18;
	[sflag:s29] =	ssyncset.done $0x0  }
0x1c3: {  	s14 =	sadd.s32 s14, s31;
	[sflag:s29] =	ssyncadd.s32 $0xFFFFEC00  }
0x1c4: {  	[tilespmem:s30], [sflag:$0x7] =	stream.linear.gather [hbm4b:s14+s3], $0x28, $0x38;
	[tilespmem:$0x16980] =	vst v63  }
0x1c5: {  	_ =	swait.ge [sflag:s29], $0x28  }
0x1c6: {  	[sflag:s29] =	ssyncset.done $0x0  }
0x1c7: {  	[sflag:s29] =	ssyncadd.s32 $0xFFFFFFD8  }
0x1c8: {  	[spmem:s2] =	stream.indirect.scatter [tilespmem:s28], [sflag:$0x7], $0x80, s30, s1, $0xb8;
	[tilespmem:$0x16980] =	vst v63  }
0x1c9: {  	_ =	swait.ge [sflag:s29], $0x1400  }
0x1ca: {  	[sflag:s29] =	ssyncset.done $0x0  }
0x1cb: {  	[sflag:s29] =	ssyncadd.s32 $0xFFFFEC00  }
0x1cc: {  	s14 =	simm.s32 $0x0;
	[bflag:$0x0] =	sbarrier.arrive $0xFFFF  }
0x1cd: {  	[tilespmem:s0], [sflag:$0x1] =	stream.linear.gather [hbm4b:s4+s14], $0x28, $0x38;
	[tilespmem:$0x16980] =	vst v63  }
0x1ce: {  	s16 =	rddreg [dreg:$0x17]  }
0x1cf: {  	[tilespmem:s28], [sflag:$0x2] =	stream.strided.gather [hbm4b:s16+s6], $0x1400, s8, s6, $0x38;
	[tilespmem:$0x16980] =	vst v63  }
0x1d0: {  	_ =	swait.ge [sflag:s10], $0x28  }
0x1d1: {  	[sflag:s10] =	ssyncset.done $0x0  }
0x1d2: {  	[sflag:s10] =	ssyncadd.s32 $0xFFFFFFD8  }
0x1d3: {  	_ =	swait.ge [sflag:s11], $0x1400  }
0x1d4: {  	[sflag:s11] =	ssyncset.done $0x0  }
0x1d5: {  	[sflag:s11] =	ssyncadd.s32 $0xFFFFEC00  }
0x1d6: {  	[spmem:s2] =	stream.indirect.scatter.add.f32 [tilespmem:s28], [sflag:$0x5], $0x80, s0, s1, $0xb8;
	[tilespmem:$0x16980] =	vst v63  }
0x1d7: {  	_ = 	snop  }
0x1d8: {  	[tilespmem:s22], [sflag:$0x3] =	stream.linear.gather [hbm4b:s7+s14], $0x28, $0x38;
	[tilespmem:$0x16980] =	vst v63  }
0x1d9: {  	s18 =	rddreg [dreg:$0x11]  }
0x1da: {  	[tilespmem:s23], [sflag:$0x4] =	stream.strided.gather [hbm4b:s18+s6], $0x1400, s8, s6, $0x38;
	[tilespmem:$0x16980] =	vst v63  }
0x1db: {  	_ =	swait.ge [sflag:s24], $0x28  }
0x1dc: {  	[sflag:s24] =	ssyncset.done $0x0  }
0x1dd: {  	[sflag:s24] =	ssyncadd.s32 $0xFFFFFFD8  }
0x1de: {  	_ =	swait.ge [sflag:s25], $0x1400  }
0x1df: {  	[sflag:s25] =	ssyncset.done $0x0  }
0x1e0: {  	[sflag:s25] =	ssyncadd.s32 $0xFFFFEC00  }
0x1e1: {  	[spmem:s2] =	stream.indirect.scatter.add.f32 [tilespmem:s23], [sflag:$0x6], $0x80, s22, s1, $0xb8;
	[tilespmem:$0x16980] =	vst v63  }
0x1e2: {  	_ =	swait.ge [sflag:s26], $0x1400  }
0x1e3: {  	[sflag:s26] =	ssyncset.done $0x0;
	s19 =	rddreg [dreg:$0x14]  }
0x1e4: {  	s16 =	rddreg [dreg:$0x1e];
	[sflag:s26] =	ssyncadd.s32 $0xFFFFEC00  }
0x1e5: {  	[tilespmem:s0], [sflag:$0x1] =	stream.linear.gather [hbm4b:s9+s14], $0x28, $0x38;
	[tilespmem:$0x16980] =	vst v63  }
0x1e6: {  	s17 =	rddreg [dreg:$0x1d]  }
0x1e7: {  	[tilespmem:s28], [sflag:$0x2] =	stream.strided.gather [hbm4b:s19+s6], $0x1400, s8, s6, $0x38;
	[tilespmem:$0x16980] =	vst v63  }
.LBB2_25:
0x1e8: {  	_ =	swait.ge [sflag:s10], $0x28  }
0x1e9: {  	[sflag:s10] =	ssyncset.done $0x0  }
0x1ea: {  	[sflag:s10] =	ssyncadd.s32 $0xFFFFFFD8  }
0x1eb: {  	_ =	swait.ge [sflag:s11], $0x1400  }
0x1ec: {  	[sflag:s11] =	ssyncset.done $0x0  }
0x1ed: {  	[sflag:s11] =	ssyncadd.s32 $0xFFFFEC00  }
0x1ee: {  	[spmem:s2] =	stream.indirect.scatter.add.f32 [tilespmem:s28], [sflag:$0x5], $0x80, s0, s1, $0xb8;
	[tilespmem:$0x16980] =	vst v63  }
0x1ef: {  	_ =	swait.ge [sflag:s5], $0x1400  }
0x1f0: {  	[sflag:s5] =	ssyncset.done $0x0  }
0x1f1: {  	s18 =	sadd.s32 s14, s15;
	[sflag:s5] =	ssyncadd.s32 $0xFFFFEC00  }
0x1f2: {  	[tilespmem:s22], [sflag:$0x3] =	stream.linear.gather [hbm4b:s18+s3], $0x28, $0x38;
	[tilespmem:$0x16980] =	vst v63  }
0x1f3: {  	_ = 	snop  }
0x1f4: {  	[tilespmem:s23], [sflag:$0x4] =	stream.strided.gather [hbm4b:s16+s6], $0x1400, s8, s6, $0x38;
	[tilespmem:$0x16980] =	vst v63  }
0x1f5: {  	_ =	swait.ge [sflag:s24], $0x28  }
0x1f6: {  	[sflag:s24] =	ssyncset.done $0x0  }
0x1f7: {  	[sflag:s24] =	ssyncadd.s32 $0xFFFFFFD8  }
0x1f8: {  	_ =	swait.ge [sflag:s25], $0x1400  }
0x1f9: {  	p0 =	seq.s32 s14, $0x4F6;
	[sflag:s25] =	ssyncset.done $0x0  }
.Ltmp13:
0x1fa: {  	[sflag:s25] =	ssyncadd.s32 $0xFFFFEC00;
	(pc) =	sbr.rel @p0 .LBB2_27-.Ltmp13, $4  }
0x1fb: {  	[spmem:s2] =	stream.indirect.scatter.add.f32 [tilespmem:s23], [sflag:$0x6], $0x80, s22, s1, $0xb8;
	[tilespmem:$0x16980] =	vst v63  }
0x1fc: {  	_ =	swait.ge [sflag:s26], $0x1400  }
0x1fd: {  	[sflag:s26] =	ssyncset.done $0x0  }
0x1fe: {  	[sflag:s26] =	ssyncadd.s32 $0xFFFFEC00  }
.Ltmp14:
0x1ff: {  	s18 =	sadd.s32 s14, s13;
	(pc) =	sbr.rel .LBB2_25-.Ltmp14, $4  }
0x200: {  	[tilespmem:s0], [sflag:$0x1] =	stream.linear.gather [hbm4b:s18+s3], $0x28, $0x38;
	[tilespmem:$0x16980] =	vst v63  }
0x201: {  	_ = 	snop  }
0x202: {  	[tilespmem:s28], [sflag:$0x2] =	stream.strided.gather [hbm4b:s17+s6], $0x1400, s8, s6, $0x38;
	[tilespmem:$0x16980] =	vst v63  }
0x203: {  	s14 =	sadd.s32 $0xA, s14;
	s16 =	sadd.s32 $0x1900, s16;
	s17 =	sadd.s32 $0x1900, s17  }
.LBB2_27:
0x204: {  	_ =	swait.ge [sflag:s5], $0x1400  }
0x205: {  	[sflag:s5] =	ssyncset.done $0x0  }
0x206: {  	[sflag:s5] =	ssyncadd.s32 $0xFFFFEC00  }
0x207: {  	s14 =	sadd.s32 $0x0, s31;
	[bflag:$0x0] =	sbarrier.arrive $0xFFFF  }
0x208: {  	[tilespmem:s30], [sflag:$0x7] =	stream.linear.gather [hbm4b:s14+s3], $0x28, $0x38;
	[tilespmem:$0x16980] =	vst v63  }
0x209: {  	_ =	swait.ge [sflag:s29], $0x28  }
0x20a: {  	[sflag:s29] =	ssyncset.done $0x0  }
0x20b: {  	[sflag:s29] =	ssyncadd.s32 $0xFFFFFFD8  }
0x20c: {  	[tilespmem:s28], [sflag:$0x7] =	stream.indirect.gather [spmem:s2], $0x80, s30, s1, $0xb8;
	[tilespmem:$0x16980] =	vst v63  }
0x20d: {  	_ =	swait.ge [sflag:s29], $0x1400  }
0x20e: {  	[sflag:s29] =	ssyncset.done $0x0  }
0x20f: {  	s19 =	rddreg [dreg:$0xd];
	[sflag:s29] =	ssyncadd.s32 $0xFFFFEC00  }
0x210: {  	[hbm4b:s19+s6] =	stream.strided.scatter [tilespmem:s28], [sflag:$0x7], $0x1400, s8, s6, $0x38;
	[tilespmem:$0x16980] =	vst v63  }
0x211: {  	s16 =	simm.s32 $0x5;
	_ =	swait.ge [sflag:s29], $0x1400  }
0x212: {  	s17 =	simm.s32 $0xA;
	s14 =	sadd.s32 $0xC80, s19;
	[sflag:s29] =	ssyncset.done $0x0  }
.LBB2_28:
0x213: {  	s18 =	sadd.s32 s16, s31  }
0x214: {  	[sflag:s29] =	ssyncadd.s32 $0xFFFFEC00;
	s16 =	smov.u32 s17;
	s19 =	sadd.s32 $0x5, s17  }
0x215: {  	[tilespmem:s30], [sflag:$0x7] =	stream.linear.gather [hbm4b:s18+s3], $0x28, $0x38;
	[tilespmem:$0x16980] =	vst v63  }
0x216: {  	p0 =	sne.s32 s17, $0x4B;
	_ =	swait.ge [sflag:s29], $0x28  }
0x217: {  	[sflag:s29] =	ssyncset.done $0x0  }
0x218: {  	[sflag:s29] =	ssyncadd.s32 $0xFFFFFFD8  }
0x219: {  	[tilespmem:s28], [sflag:$0x7] =	stream.indirect.gather [spmem:s2], $0x80, s30, s1, $0xb8;
	[tilespmem:$0x16980] =	vst v63  }
0x21a: {  	_ =	swait.ge [sflag:s29], $0x1400  }
.Ltmp15:
0x21b: {  	[sflag:s29] =	ssyncset.done $0x0;
	(pc) =	sbr.rel @p0 .LBB2_28-.Ltmp15, $4  }
0x21c: {  	[sflag:s29] =	ssyncadd.s32 $0xFFFFEC00  }
0x21d: {  	[hbm4b:s14+s6] =	stream.strided.scatter [tilespmem:s28], [sflag:$0x7], $0x1400, s8, s6, $0x38;
	[tilespmem:$0x16980] =	vst v63  }
0x21e: {  	_ =	swait.ge [sflag:s29], $0x1400  }
0x21f: {  	s17 =	smov.u32 s19;
	s14 =	sadd.s32 $0xC80, s14;
	[sflag:s29] =	ssyncset.done $0x0  }
0x220: {  	s16 =	sadd.s32 s16, s31;
	[sflag:s29] =	ssyncadd.s32 $0xFFFFEC00  }
0x221: {  	[tilespmem:s30], [sflag:$0x7] =	stream.linear.gather [hbm4b:s16+s3], $0x28, $0x38;
	[tilespmem:$0x16980] =	vst v63  }
0x222: {  	_ =	swait.ge [sflag:s29], $0x28  }
0x223: {  	[sflag:s29] =	ssyncset.done $0x0  }
0x224: {  	[sflag:s29] =	ssyncadd.s32 $0xFFFFFFD8  }
0x225: {  	[tilespmem:s28], [sflag:$0x7] =	stream.indirect.gather [spmem:s2], $0x80, s30, s1, $0xb8;
	[tilespmem:$0x16980] =	vst v63  }
0x226: {  	_ =	swait.ge [sflag:s29], $0x1400  }
0x227: {  	[sflag:s29] =	ssyncset.done $0x0  }
0x228: {  	[sflag:s29] =	ssyncadd.s32 $0xFFFFEC00  }
0x229: {  	[hbm4b:s14+s6] =	stream.strided.scatter [tilespmem:s28], [sflag:$0x7], $0x1400, s8, s6, $0x38;
	[tilespmem:$0x16980] =	vst v63  }
0x22a: {  	_ =	swait.ge [sflag:s29], $0x1400  }
0x22b: {  	[sflag:s29] =	ssyncset.done $0x0  }
0x22c: {  	[sflag:s29] =	ssyncadd.s32 $0xFFFFEC00  }
0x22d: {  	s18 =	simm.s32 $0x0;
	[bflag:$0x0] =	sbarrier.arrive $0xFFFF  }
0x22e: {  	[tilespmem:s28], [sflag:$0x7] =	stream.linear.gather [hbm4b:s21+s18], $0x1400, $0x38;
	[tilespmem:$0x16980] =	vst v63  }
0x22f: {  	_ =	swait.ge [sflag:s29], $0x1400  }
0x230: {  	[sflag:s29] =	ssyncset.done $0x0  }
0x231: {  	s19 =	sadd.s32 $0x0, s31;
	[sflag:s29] =	ssyncadd.s32 $0xFFFFEC00  }
0x232: {  	[tilespmem:s30], [sflag:$0x7] =	stream.linear.gather [hbm4b:s19+s3], $0x28, $0x38;
	[tilespmem:$0x16980] =	vst v63  }
0x233: {  	_ =	swait.ge [sflag:s29], $0x28  }
0x234: {  	[sflag:s29] =	ssyncset.done $0x0  }
0x235: {  	[sflag:s29] =	ssyncadd.s32 $0xFFFFFFD8  }
0x236: {  	[spmem:s2] =	stream.indirect.scatter [tilespmem:s28], [sflag:$0x7], $0x80, s30, s1, $0xb8;
	[tilespmem:$0x16980] =	vst v63  }
0x237: {  	_ =	swait.ge [sflag:s29], $0x1400  }
0x238: {  	s16 =	simm.s32 $0xA;
	s14 =	simm.s32 $0x5;
	[sflag:s29] =	ssyncset.done $0x0  }
.LBB2_30:
0x239: {  	s17 =	sadd.s32 s14, s31  }
0x23a: {  	[sflag:s29] =	ssyncadd.s32 $0xFFFFEC00;
	s14 =	smov.u32 s16;
	s18 =	sadd.s32 $0x5, s16  }
0x23b: {  	[tilespmem:s30], [sflag:$0x7] =	stream.linear.gather [hbm4b:s17+s3], $0x28, $0x38;
	[tilespmem:$0x16980] =	vst v63  }
0x23c: {  	p0 =	sne.s32 s16, $0x4B;
	_ =	swait.ge [sflag:s29], $0x28  }
.Ltmp16:
0x23d: {  	[sflag:s29] =	ssyncset.done $0x0;
	(pc) =	sbr.rel @p0 .LBB2_30-.Ltmp16, $4  }
0x23e: {  	[sflag:s29] =	ssyncadd.s32 $0xFFFFFFD8  }
0x23f: {  	[spmem:s2] =	stream.indirect.scatter [tilespmem:s28], [sflag:$0x7], $0x80, s30, s1, $0xb8;
	[tilespmem:$0x16980] =	vst v63  }
0x240: {  	_ =	swait.ge [sflag:s29], $0x1400  }
0x241: {  	s16 =	smov.u32 s18;
	[sflag:s29] =	ssyncset.done $0x0  }
0x242: {  	s14 =	sadd.s32 s14, s31;
	[sflag:s29] =	ssyncadd.s32 $0xFFFFEC00  }
0x243: {  	[tilespmem:s30], [sflag:$0x7] =	stream.linear.gather [hbm4b:s14+s3], $0x28, $0x38;
	[tilespmem:$0x16980] =	vst v63  }
0x244: {  	_ =	swait.ge [sflag:s29], $0x28  }
0x245: {  	[sflag:s29] =	ssyncset.done $0x0  }
0x246: {  	[sflag:s29] =	ssyncadd.s32 $0xFFFFFFD8  }
0x247: {  	[spmem:s2] =	stream.indirect.scatter [tilespmem:s28], [sflag:$0x7], $0x80, s30, s1, $0xb8;
	[tilespmem:$0x16980] =	vst v63  }
0x248: {  	_ =	swait.ge [sflag:s29], $0x1400  }
0x249: {  	[sflag:s29] =	ssyncset.done $0x0  }
0x24a: {  	[sflag:s29] =	ssyncadd.s32 $0xFFFFEC00  }
0x24b: {  	s14 =	simm.s32 $0x0;
	[bflag:$0x0] =	sbarrier.arrive $0xFFFF  }
0x24c: {  	[tilespmem:s0], [sflag:$0x1] =	stream.linear.gather [hbm4b:s4+s14], $0x28, $0x38;
	[tilespmem:$0x16980] =	vst v63  }
0x24d: {  	s16 =	rddreg [dreg:$0x18]  }
0x24e: {  	[tilespmem:s28], [sflag:$0x2] =	stream.strided.gather [hbm4b:s16+s6], $0x1400, s8, s6, $0x38;
	[tilespmem:$0x16980] =	vst v63  }
0x24f: {  	_ =	swait.ge [sflag:s10], $0x28  }
0x250: {  	[sflag:s10] =	ssyncset.done $0x0  }
0x251: {  	[sflag:s10] =	ssyncadd.s32 $0xFFFFFFD8  }
0x252: {  	_ =	swait.ge [sflag:s11], $0x1400  }
0x253: {  	[sflag:s11] =	ssyncset.done $0x0  }
0x254: {  	[sflag:s11] =	ssyncadd.s32 $0xFFFFEC00  }
0x255: {  	[spmem:s2] =	stream.indirect.scatter.add.f32 [tilespmem:s28], [sflag:$0x5], $0x80, s0, s1, $0xb8;
	[tilespmem:$0x16980] =	vst v63  }
0x256: {  	_ = 	snop  }
0x257: {  	[tilespmem:s22], [sflag:$0x3] =	stream.linear.gather [hbm4b:s7+s14], $0x28, $0x38;
	[tilespmem:$0x16980] =	vst v63  }
0x258: {  	s18 =	rddreg [dreg:$0x12]  }
0x259: {  	[tilespmem:s23], [sflag:$0x4] =	stream.strided.gather [hbm4b:s18+s6], $0x1400, s8, s6, $0x38;
	[tilespmem:$0x16980] =	vst v63  }
0x25a: {  	_ =	swait.ge [sflag:s24], $0x28  }
0x25b: {  	[sflag:s24] =	ssyncset.done $0x0  }
0x25c: {  	[sflag:s24] =	ssyncadd.s32 $0xFFFFFFD8  }
0x25d: {  	_ =	swait.ge [sflag:s25], $0x1400  }
0x25e: {  	[sflag:s25] =	ssyncset.done $0x0  }
0x25f: {  	[sflag:s25] =	ssyncadd.s32 $0xFFFFEC00  }
0x260: {  	[spmem:s2] =	stream.indirect.scatter.add.f32 [tilespmem:s23], [sflag:$0x6], $0x80, s22, s1, $0xb8;
	[tilespmem:$0x16980] =	vst v63  }
0x261: {  	_ =	swait.ge [sflag:s26], $0x1400  }
0x262: {  	[sflag:s26] =	ssyncset.done $0x0;
	s19 =	rddreg [dreg:$0x15]  }
0x263: {  	s16 =	sld [smem:$0x7FD];
	[sflag:s26] =	ssyncadd.s32 $0xFFFFEC00  }
0x264: {  	[tilespmem:s0], [sflag:$0x1] =	stream.linear.gather [hbm4b:s9+s14], $0x28, $0x38;
	[tilespmem:$0x16980] =	vst v63  }
0x265: {  	s17 =	rddreg [dreg:$0x1f]  }
0x266: {  	[tilespmem:s28], [sflag:$0x2] =	stream.strided.gather [hbm4b:s19+s6], $0x1400, s8, s6, $0x38;
	[tilespmem:$0x16980] =	vst v63  }
.LBB2_32:
0x267: {  	_ =	swait.ge [sflag:s10], $0x28  }
0x268: {  	[sflag:s10] =	ssyncset.done $0x0  }
0x269: {  	[sflag:s10] =	ssyncadd.s32 $0xFFFFFFD8  }
0x26a: {  	_ =	swait.ge [sflag:s11], $0x1400  }
0x26b: {  	[sflag:s11] =	ssyncset.done $0x0  }
0x26c: {  	[sflag:s11] =	ssyncadd.s32 $0xFFFFEC00  }
0x26d: {  	[spmem:s2] =	stream.indirect.scatter.add.f32 [tilespmem:s28], [sflag:$0x5], $0x80, s0, s1, $0xb8;
	[tilespmem:$0x16980] =	vst v63  }
0x26e: {  	_ =	swait.ge [sflag:s5], $0x1400  }
0x26f: {  	[sflag:s5] =	ssyncset.done $0x0  }
0x270: {  	s18 =	sadd.s32 s14, s15;
	[sflag:s5] =	ssyncadd.s32 $0xFFFFEC00  }
0x271: {  	[tilespmem:s22], [sflag:$0x3] =	stream.linear.gather [hbm4b:s18+s3], $0x28, $0x38;
	[tilespmem:$0x16980] =	vst v63  }
0x272: {  	_ = 	snop  }
0x273: {  	[tilespmem:s23], [sflag:$0x4] =	stream.strided.gather [hbm4b:s16+s6], $0x1400, s8, s6, $0x38;
	[tilespmem:$0x16980] =	vst v63  }
0x274: {  	_ =	swait.ge [sflag:s24], $0x28  }
0x275: {  	[sflag:s24] =	ssyncset.done $0x0  }
0x276: {  	[sflag:s24] =	ssyncadd.s32 $0xFFFFFFD8  }
0x277: {  	_ =	swait.ge [sflag:s25], $0x1400  }
0x278: {  	p0 =	seq.s32 s14, $0x4F6;
	[sflag:s25] =	ssyncset.done $0x0  }
.Ltmp17:
0x279: {  	[sflag:s25] =	ssyncadd.s32 $0xFFFFEC00;
	(pc) =	sbr.rel @p0 .LBB2_34-.Ltmp17, $4  }
0x27a: {  	[spmem:s2] =	stream.indirect.scatter.add.f32 [tilespmem:s23], [sflag:$0x6], $0x80, s22, s1, $0xb8;
	[tilespmem:$0x16980] =	vst v63  }
0x27b: {  	_ =	swait.ge [sflag:s26], $0x1400  }
0x27c: {  	[sflag:s26] =	ssyncset.done $0x0  }
0x27d: {  	[sflag:s26] =	ssyncadd.s32 $0xFFFFEC00  }
.Ltmp18:
0x27e: {  	s18 =	sadd.s32 s14, s13;
	(pc) =	sbr.rel .LBB2_32-.Ltmp18, $4  }
0x27f: {  	[tilespmem:s0], [sflag:$0x1] =	stream.linear.gather [hbm4b:s18+s3], $0x28, $0x38;
	[tilespmem:$0x16980] =	vst v63  }
0x280: {  	_ = 	snop  }
0x281: {  	[tilespmem:s28], [sflag:$0x2] =	stream.strided.gather [hbm4b:s17+s6], $0x1400, s8, s6, $0x38;
	[tilespmem:$0x16980] =	vst v63  }
0x282: {  	s14 =	sadd.s32 $0xA, s14;
	s16 =	sadd.s32 $0x1900, s16;
	s17 =	sadd.s32 $0x1900, s17  }
.LBB2_34:
0x283: {  	_ =	swait.ge [sflag:s5], $0x1400  }
0x284: {  	[sflag:s5] =	ssyncset.done $0x0  }
0x285: {  	[sflag:s5] =	ssyncadd.s32 $0xFFFFEC00  }
0x286: {  	s14 =	sadd.s32 $0x0, s31;
	[bflag:$0x0] =	sbarrier.arrive $0xFFFF  }
0x287: {  	[tilespmem:s30], [sflag:$0x7] =	stream.linear.gather [hbm4b:s14+s3], $0x28, $0x38;
	[tilespmem:$0x16980] =	vst v63  }
0x288: {  	_ =	swait.ge [sflag:s29], $0x28  }
0x289: {  	[sflag:s29] =	ssyncset.done $0x0  }
0x28a: {  	[sflag:s29] =	ssyncadd.s32 $0xFFFFFFD8  }
0x28b: {  	[tilespmem:s28], [sflag:$0x7] =	stream.indirect.gather [spmem:s2], $0x80, s30, s1, $0xb8;
	[tilespmem:$0x16980] =	vst v63  }
0x28c: {  	_ =	swait.ge [sflag:s29], $0x1400  }
0x28d: {  	[sflag:s29] =	ssyncset.done $0x0  }
0x28e: {  	[sflag:s29] =	ssyncadd.s32 $0xFFFFEC00  }
0x28f: {  	[hbm4b:s20+s6] =	stream.strided.scatter [tilespmem:s28], [sflag:$0x7], $0x1400, s8, s6, $0x38;
	[tilespmem:$0x16980] =	vst v63  }
0x290: {  	s16 =	simm.s32 $0x5;
	_ =	swait.ge [sflag:s29], $0x1400  }
0x291: {  	s17 =	simm.s32 $0xA;
	s14 =	sadd.s32 $0xC80, s20;
	[sflag:s29] =	ssyncset.done $0x0  }
.LBB2_35:
0x292: {  	s18 =	sadd.s32 s16, s31  }
0x293: {  	[sflag:s29] =	ssyncadd.s32 $0xFFFFEC00;
	s16 =	smov.u32 s17;
	s19 =	sadd.s32 $0x5, s17  }
0x294: {  	[tilespmem:s30], [sflag:$0x7] =	stream.linear.gather [hbm4b:s18+s3], $0x28, $0x38;
	[tilespmem:$0x16980] =	vst v63  }
0x295: {  	p0 =	sne.s32 s17, $0x4B;
	_ =	swait.ge [sflag:s29], $0x28  }
0x296: {  	[sflag:s29] =	ssyncset.done $0x0  }
0x297: {  	[sflag:s29] =	ssyncadd.s32 $0xFFFFFFD8  }
0x298: {  	[tilespmem:s28], [sflag:$0x7] =	stream.indirect.gather [spmem:s2], $0x80, s30, s1, $0xb8;
	[tilespmem:$0x16980] =	vst v63  }
0x299: {  	_ =	swait.ge [sflag:s29], $0x1400  }
.Ltmp19:
0x29a: {  	[sflag:s29] =	ssyncset.done $0x0;
	(pc) =	sbr.rel @p0 .LBB2_35-.Ltmp19, $4  }
0x29b: {  	[sflag:s29] =	ssyncadd.s32 $0xFFFFEC00  }
0x29c: {  	[hbm4b:s14+s6] =	stream.strided.scatter [tilespmem:s28], [sflag:$0x7], $0x1400, s8, s6, $0x38;
	[tilespmem:$0x16980] =	vst v63  }
0x29d: {  	_ =	swait.ge [sflag:s29], $0x1400  }
0x29e: {  	s17 =	smov.u32 s19;
	s14 =	sadd.s32 $0xC80, s14;
	[sflag:s29] =	ssyncset.done $0x0  }
0x29f: {  	s16 =	sadd.s32 s16, s31;
	[sflag:s29] =	ssyncadd.s32 $0xFFFFEC00  }
0x2a0: {  	[tilespmem:s30], [sflag:$0x7] =	stream.linear.gather [hbm4b:s16+s3], $0x28, $0x38;
	[tilespmem:$0x16980] =	vst v63  }
0x2a1: {  	_ =	swait.ge [sflag:s29], $0x28  }
0x2a2: {  	[sflag:s29] =	ssyncset.done $0x0  }
0x2a3: {  	[sflag:s29] =	ssyncadd.s32 $0xFFFFFFD8  }
0x2a4: {  	[tilespmem:s28], [sflag:$0x7] =	stream.indirect.gather [spmem:s2], $0x80, s30, s1, $0xb8;
	[tilespmem:$0x16980] =	vst v63  }
0x2a5: {  	_ =	swait.ge [sflag:s29], $0x1400  }
0x2a6: {  	[sflag:s29] =	ssyncset.done $0x0  }
0x2a7: {  	[sflag:s29] =	ssyncadd.s32 $0xFFFFEC00  }
0x2a8: {  	[hbm4b:s14+s6] =	stream.strided.scatter [tilespmem:s28], [sflag:$0x7], $0x1400, s8, s6, $0x38;
	[tilespmem:$0x16980] =	vst v63  }
0x2a9: {  	_ =	swait.ge [sflag:s29], $0x1400  }
0x2aa: {  	s12 =	sadd.s32 $0x1, s12;
	s19 =	rddreg [dreg:$0xe]  }
0x2ab: {  	p0 =	sne.s32 s12, s19  }
.Ltmp20:
0x2ac: {  	_ = 	snop;
	(pc) =	sbr.rel @p0 .LBB2_1-.Ltmp20, $3  }
0x2ad: {  	[sflag:s29] =	ssyncset.done $0x0  }
0x2ae: {  	[sflag:s29] =	ssyncadd.s32 $0xFFFFEC00  }
0x2af: {  	[bflag:$0x0] =	sbarrier.arrive $0xFFFF;
	_ =	sdelay $0x1  }
0x2b0: {  	_ =	sfence.sel $0x180000  }
0x2b1: {  	[bflag:$0x0] =	sbarrier.arrive $0xFFFF  }
0x2b2: {  	_ =	strace $0x9000004A  }
0x2b3: {  	s0 =	stileid.u32;
	[bflag:$0x2] =	sbarrier.arrive $0xFFFF  }
0x2b4: {  	p0 =	sne.s32 s0, $0x0;
	s0 =	rddreg [dreg:$0x2]  }
0x2b5: {  	s0 =	sadd.s32 @!p0 $0x100000, s0  }
0x2b6: {  	[sflag:s0] =	ssyncadd.tile.s32 @!p0 $0x1;
	_ =	shalt  }
.Lfunc_end2:
_tile_overlayer_lowered:
.L_overlay_start_2:
0x2b7: {  	(tag) =	ssettag $0x2  }
0x2b8: {  	s0 =	rddreg [dreg:$0x0];
	s2 =	stileid.u32  }
0x2b9: {  	s1 =	rddreg [dreg:$0x1];
	p0 =	sne.s32 s2, $0x0  }
0x2ba: {  	s3 =	rddreg [dreg:$0x2];
	[bflag:$0x3] =	sbarrier.arrive $0xFFFF;
	s2 =	simm.s32 @!p0 $0x1C07  }
0x2bb: {  	[timem:s3], [sflag:s2] =	dma.local @!p0 [hbm:s0], s1  }
0x2bc: {  	s0 =	simm.s32 @!p0 $0x7  }
0x2bd: {  	_ =	swait.ge @!p0 [sflag:s0], s1  }
0x2be: {  	s1 =	ssub.s32 @!p0 $0x0, s1;
	[sflag:s0] =	ssyncset.done @!p0 $0x0  }
0x2bf: {  	[sflag:s0] =	ssyncadd.s32 @!p0 s1  }
0x2c0: {  	[bflag:$0x3] =	sbarrier.arrive $0xFFFF  }
0x2c1: {  	_ =	shalt  }

// kernel: kernel.19.cloned.1.call-start
scs
__scs_entry_jumppad:
0x0: {  	(pc) =	sbr.rel $0x88, $3  }
0x1: {  	(tag) =	ssettag $0x0;
	lr =	simm.s32 $0x1  }
0x2: {  	[smem:$0x3F91] =	sst lr;
	_ =	strace $0xD0000000  }
0x3: {  	_ = 	snop  }
0x4: {  	_ = 	snop  }
0x5: {  	_ = 	snop  }
0x6: {  	_ = 	snop  }
0x7: {  	_ = 	snop  }
__scs_overlays_trampoline_lowered:
0x8: {  	[smem:$0x3FA0] =	sst s0  }
0x9: {  	[smem:$0x3FA1] =	sst s1  }
0xa: {  	[smem:$0x3FA2] =	sst s2  }
0xb: {  	[smem:$0x3FA3] =	sst s3  }
0xc: {  	[smem:$0x3FA4] =	sst s4  }
0xd: {  	[smem:$0x3FA5] =	sst s5  }
0xe: {  	[smem:$0x3FA6] =	sst s6  }
0xf: {  	[smem:$0x3FA7] =	sst s7  }
0x10: {  	[smem:$0x3FA8] =	sst s8  }
0x11: {  	[smem:$0x3FA9] =	sst s9;
	s0 =	simm.s32 @!p0 $0x0  }
0x12: {  	s1 =	sld [smem:$0x3F8F];
	s0 =	simm.s32 @p0 $0x1  }
0x13: {  	[smem:$0x3FAA] =	sst s0;
	s0 =	simm.s32 @!p1 $0x0  }
0x14: {  	s2 =	sld [smem:$0x3F8E];
	s0 =	simm.s32 @p1 $0x1  }
0x15: {  	[smem:$0x3FAB] =	sst s0;
	s0 =	simm.s32 @!p2 $0x0  }
0x16: {  	s3 =	sld [smem:$0x3FDB];
	s0 =	simm.s32 @p2 $0x1  }
0x17: {  	s4 =	simm.s32 $0x1BF5;
	[smem:$0x3FAD] =	sst s0  }
0x18: {  	s0 =	sld [smem:$0x3F90];
	_ =	swait.ge [sflag:s4], $0x0  }
0x19: {  	s7 =	sld [smem:$0x3F91]  }
0x1a: {  	s8 =	sadd.s32 $0xFFFFE003, lr  }
0x1b: {  	s9 =	sadd.s32 $0xFFFFFEF7, lr;
	s5 =	simm.s32 $0xFFFFFFFF;
	p2 =	slt.u32 s8, $0xFFFFF086  }
0x1c: {  	p1 =	slt.u32 s9, $0xF7A;
	s5 =	simm.s32 @!p2 $0x0  }
0x1d: {  	s5 =	simm.s32 @p1 $0x1;
	p0 =	seq.s32 s7, s2  }
0x1e: {  	s7 =	smul.u32 @!p0 $0xF7A, s2;
	p2 =	seq.s32 @!p0 s5, $0x0  }
0x1f: {  	s9 =	smul.u32 $0xF7A, s1;
	s8 =	simm.s32 @!p0 $0x1BF5;
	p2 =	por !p2, p0  }
0x20: {  	[sflag:s8] =	ssyncset.s32 @!p0 $0xFFFFF086;
	s6 =	sadd.s32 @!p0 s3, s7;
	s7 =	simm.s32 @!p0 $0x108  }
0x21: {  	s3 =	sadd.s32 s3, s9;
	s6 =	sadd.s32 @!p0 $0x88, s6;
	s7 =	simm.s32 @p2 $0x1082  }
0x22: {  	[simem:s7], [sflag:s8] =	dma.local @!p0 [hbm:s6], $0xF7A  }
0x23: {  	s9 =	sor.u32 $0xD0000000, s2;
	s6 =	simm.s32 $0x108;
	_ =	swait.ge @!p0 [sflag:s8], $0x0  }
0x24: {  	s3 =	sadd.s32 $0x88, s3;
	s6 =	simm.s32 @!p1 $0x1082;
	[sflag:s4] =	ssyncset.s32 $0xFFFFF086  }
0x25: {  	[simem:s6], [sflag:s4] =	dma.local [hbm:s3], $0xF7A  }
0x26: {  	[smem:$0x3F91] =	sst s1;
	(tag) =	ssettag s2;
	_ =	strace s9  }
0x27: {  	s1 =	sld [smem:$0x3FA1]  }
0x28: {  	s2 =	sld [smem:$0x3FA2]  }
0x29: {  	s4 =	sld [smem:$0x3FA4]  }
0x2a: {  	p0 =	seq.s32 s5, $0x0;
	s5 =	sld [smem:$0x3FA5]  }
0x2b: {  	s6 =	sld [smem:$0x3FA6]  }
0x2c: {  	s7 =	sld [smem:$0x3FA7]  }
0x2d: {  	s3 =	simm.s32 $0x108;
	s8 =	sld [smem:$0x3FA8]  }
0x2e: {  	s3 =	simm.s32 @!p0 $0x1082;
	s9 =	sld [smem:$0x3FA9]  }
0x2f: {  	lr =	sadd.s32 s0, s3;
	s0 =	sld [smem:$0x3FA0]  }
0x30: {  	s3 =	sld [smem:$0x3FA3]  }
0x31: {  	[smem:$0x3FAC] =	sst s10  }
0x32: {  	s10 =	sld [smem:$0x3FAA];
	_ =	sdelay $0x3  }
0x33: {  	p0 =	seq.s32 s10, $0x1;
	s10 =	sld [smem:$0x3FAC];
	_ =	sdelay $0x3  }
0x34: {  	[smem:$0x3FAC] =	sst s10  }
0x35: {  	s10 =	sld [smem:$0x3FAB];
	_ =	sdelay $0x3  }
0x36: {  	p1 =	seq.s32 s10, $0x1;
	s10 =	sld [smem:$0x3FAC];
	_ =	sdelay $0x3  }
0x37: {  	[smem:$0x3FAC] =	sst s10  }
0x38: {  	s10 =	sld [smem:$0x3FAD]  }
0x39: {  	_ = 	snop;
	(pc) =	sbr.ind lr, $3  }
0x3a: {  	_ = 	snop  }
0x3b: {  	_ = 	snop  }
0x3c: {  	p2 =	seq.s32 s10, $0x1;
	s10 =	sld [smem:$0x3FAC]  }
0x3d: {  	_ =	shalt  }
0x3e: {  	_ =	shalt  }
0x3f: {  	_ =	shalt  }
0x40: {  	_ =	shalt  }
0x41: {  	_ =	shalt  }
0x42: {  	_ =	shalt  }
0x43: {  	_ =	shalt  }
0x44: {  	_ =	shalt  }
0x45: {  	_ =	shalt  }
0x46: {  	_ =	shalt  }
0x47: {  	_ =	shalt  }
0x48: {  	_ =	shalt  }
0x49: {  	_ =	shalt  }
0x4a: {  	_ =	shalt  }
0x4b: {  	_ =	shalt  }
0x4c: {  	_ =	shalt  }
0x4d: {  	_ =	shalt  }
0x4e: {  	_ =	shalt  }
0x4f: {  	_ =	shalt  }
0x50: {  	_ =	shalt  }
0x51: {  	_ =	shalt  }
0x52: {  	_ =	shalt  }
0x53: {  	_ =	shalt  }
0x54: {  	_ =	shalt  }
0x55: {  	_ =	shalt  }
0x56: {  	_ =	shalt  }
0x57: {  	_ =	shalt  }
0x58: {  	_ =	shalt  }
0x59: {  	_ =	shalt  }
0x5a: {  	_ =	shalt  }
0x5b: {  	_ =	shalt  }
0x5c: {  	_ =	shalt  }
0x5d: {  	_ =	shalt  }
0x5e: {  	_ =	shalt  }
0x5f: {  	_ =	shalt  }
0x60: {  	_ =	shalt  }
0x61: {  	_ =	shalt  }
0x62: {  	_ =	shalt  }
0x63: {  	_ =	shalt  }
0x64: {  	_ =	shalt  }
0x65: {  	_ =	shalt  }
0x66: {  	_ =	shalt  }
0x67: {  	_ =	shalt  }
0x68: {  	_ =	shalt  }
0x69: {  	_ =	shalt  }
0x6a: {  	_ =	shalt  }
0x6b: {  	_ =	shalt  }
0x6c: {  	_ =	shalt  }
0x6d: {  	_ =	shalt  }
0x6e: {  	_ =	shalt  }
0x6f: {  	_ =	shalt  }
0x70: {  	_ =	shalt  }
0x71: {  	_ =	shalt  }
0x72: {  	_ =	shalt  }
0x73: {  	_ =	shalt  }
0x74: {  	_ =	shalt  }
0x75: {  	_ =	shalt  }
0x76: {  	_ =	shalt  }
0x77: {  	_ =	shalt  }
0x78: {  	_ =	shalt  }
0x79: {  	_ =	shalt  }
0x7a: {  	_ =	shalt  }
0x7b: {  	_ =	shalt  }
0x7c: {  	_ =	shalt  }
0x7d: {  	_ =	shalt  }
0x7e: {  	_ =	shalt  }
0x7f: {  	_ =	shalt  }
0x80: {  	_ =	shalt  }
0x81: {  	_ =	shalt  }
0x82: {  	_ =	shalt  }
0x83: {  	_ =	shalt  }
0x84: {  	_ =	shalt  }
0x85: {  	_ =	shalt  }
0x86: {  	_ =	shalt  }
0x87: {  	_ =	shalt  }
.Lfunc_end0:
.L_simem_size_0:
called_computation.2_lowered:
.L_overlay_start_0:
0x88: {  	s2 =	sld [smem:$0x3FD9]  }
0x89: {  	s3 =	sld [smem:$0x3FFE];
	_ =	sdelay $0x1  }
0x8a: {  	s1 =	srdreg.scid  }
0x8b: {  	s0 =	sand.u32 $0x1, s1  }
0x8c: {  	s17 =	sshll.u32 s0, $0xA;
	s2 =	sadd.s32 s3, s2  }
0x8d: {  	s2 =	sadd.s32 s2, s17  }
0x8e: {  	[smem:$0x3FB8] =	sst s2  }
0x8f: {  	_ = 	snop  }
0x90: {  	s2 =	sld [smem:$0x3FD0];
	(tm) =	ssettm $0x1  }
0x91: {  	s18 =	sld [smem:$0x3FFB];
	_ =	sdelay $0x3  }
0x92: {  	_ =	strace s18  }
0x93: {  	s3 =	sld [smem:$0x3FFC];
	_ =	sdelay $0x3  }
0x94: {  	_ =	strace s3  }
0x95: {  	s3 =	sld [smem:$0x3FFD];
	_ =	sdelay $0x3  }
0x96: {  	_ =	strace s3  }
0x97: {  	_ =	strace $0x8FFFFFFF  }
0x98: {  	s19 =	sld [smem:$0x3FDB];
	_ =	sdelay $0x1  }
0x99: {  	s4 =	simm.s32 $_scs_section_size  }
0x9a: {  	s5 =	simm.s32 $_size__tile_overlayer_lowered;
	s6 =	simm.s32 $_tile_overlayer_lowered  }
0x9b: {  	s22 =	simm.s32 $0x1BFF;
	s21 =	sshll.u32 s6, $0x1;
	s3 =	sadd.s32 s4, s19  }
0x9c: {  	s7 =	simm.s32 $0x0;
	s20 =	sshll.u32 s5, $0x1;
	s5 =	sadd.s32 s21, s3  }
0x9d: {  	[timem:s7], [sflag:s22] =	dma.local [hbm:s5], s20  }
0x9e: {  	_ =	swait.ge [sflag:s22], s20  }
0x9f: {  	s4 =	ssub.s32 $0x0, s20;
	[sflag:s22] =	ssyncset.done $0x0  }
0xa0: {  	[sflag:s22] =	ssyncadd.s32 s4;
	_ =	sdelay $0x1  }
0xa1: {  	s23 =	simm.s32 $0x1B8B  }
0xa2: {  	_ =	swait.ge [sflag:s23], $0x1  }
0xa3: {  	[sflag:s23] =	ssyncset.done $0x0  }
0xa4: {  	s25 =	simm.s32 $0x1B8E;
	s24 =	sld [smem:$0x3FFE];
	[sflag:s23] =	ssyncadd.s32 $0xFFFFFFFF  }
0xa5: {  	s26 =	simm.s32 $execute0_lowered;
	[smem:$0x3FD2] =	sst s25  }
0xa6: {  	s5 =	sshll.u32 s26, $0x1;
	_ =	strace $0x8000004C;
	[dreg:$0x1] =	wrdreg $0xFFFFFFFF  }
0xa7: {  	s28 =	simm.s32 $_size_execute0_lowered;
	s3 =	sadd.s32 s3, s5;
	[dreg:$0x0] =	wrdreg $0x0  }
0xa8: {  	s5 =	sshll.u32 s28, $0x1;
	[dreg:$0x2] =	wrdreg s3  }
0xa9: {  	[dreg:$0x3] =	wrdreg s5  }
0xaa: {  	[dreg:$0x4] =	wrdreg $0xC0  }
0xab: {  	_ =	task [dreg:s7], $0x5FFFF  }
0xac: {  	[dreg:$0x1] =	wrdreg $0xFFFFFFFF  }
0xad: {  	[dreg:$0x0] =	wrdreg $0x60  }
0xae: {  	[dreg:$0x2] =	wrdreg s24  }
0xaf: {  	[dreg:$0x3] =	wrdreg s2  }
0xb0: {  	[dreg:$0x4] =	wrdreg $0x9  }
0xb1: {  	_ =	task.clear_ibuf [dreg:s7], $0x5FFFF;
	_ =	strace $0x9000004C  }
0xb2: {  	s29 =	simm.s32 $0x9;
	_ =	strace $0x8000004E  }
0xb3: {  	_ =	swait.ge [sflag:s29], $0x1  }
0xb4: {  	[sflag:s29] =	ssyncadd.s32 $0xFFFFFFFF  }
0xb5: {  	_ =	strace $0x9000004E  }
0xb6: {  	_ =	sfence  }
0xb7: {  	s30 =	sld [smem:$0x0];
	_ =	sdelay $0x2  }
0xb8: {  	s31 =	sshll.u32 s1, $0xD;
	s1 =	sshrl.u32 s1, $0x2  }
0xb9: {  	s3 =	sand.u32 $0x4000, s31;
	s1 =	sadd.s32 s1, s30  }
0xba: {  	s0 =	sor.u32 s3, s0;
	s1 =	sshll.u32 s1, $0x11  }
0xbb: {  	s0 =	sor.u32 s1, s0  }
0xbc: {  	s0 =	sadd.s32 $0x8F2B, s0  }
0xbd: {  	[sflag:s0] =	ssyncadd.remote.s32 $0x1  }
0xbe: {  	_ =	sfence.sel $0xFFFF  }
0xbf: {  	[dreg:$0x0] =	wrdreg $0xFFFFFFFF;
	(pc) =	sbr.abs _section_cstart, $3  }
0xc0: {  	[dreg:$0x1] =	wrdreg $0xFFFFFFFF  }
0xc1: {  	_ =	task.clear_ibuf [dreg:s7], $0x2FFFF;
	_ =	strace $0x9FFFFFFF  }
0xc2: {  	(tm) =	ssettm $0x7FFFFFFF  }
0xc3: {  	_ =	shalt  }
tec
execute0_lowered:
.L_overlay_start_1:
0x0: {  	(tag) =	ssettag $0x1  }
0x1: {  	s0 =	rddreg [dreg:$0x0]  }
0x2: {  	s2 =	rddreg [dreg:$0x1]  }
0x3: {  	s3 =	simm.s32 $0x0;
	s10 =	stileid.u32;
	s1 =	srdreg.scid  }
0x4: {  	s15 =	simm.s32 $0x9;
	s16 =	simm.s32 $0x80;
	s17 =	simm.s32 $0x28  }
0x5: {  	s18 =	simm.s32 $0x200;
	s19 =	simm.s32 $0x1600;
	s20 =	simm.s32 $0x1  }
0x6: {  	s28 =	simm.s32 $0x4;
	s29 =	simm.s32 $0x5;
	s30 =	simm.s32 $0x6  }
0x7: {  	[smem:$0x7FF] =	sst s3;
	s1 =	sand.u32 $0x1, s1;
	s7 =	smul.u32 $0x50A00, s10  }
0x8: {  	s4 =	sshll.u32 s10, $0x1;
	s5 =	sadd.s32 $0x36A00, s0;
	s10 =	smul.u32 $0x50A0, s10  }
0x9: {  	_ =	strace $0x8000004D;
	s6 =	sor.u32 s1, s4;
	s11 =	smul.u32 $0x2850, s1  }
0xa: {  	s4 =	sadd.s32 $0xEA00, s0;
	s9 =	ssub.s32 $0x2, s1;
	s1 =	smul.u32 $0x28500, s1  }
0xb: {  	s8 =	smul.u32 $0x2850, s6;
	s6 =	sadd.s32 $0x3E00, s0;
	s21 =	sshrl.u32 s9, $0x1  }
0xc: {  	s0 =	sadd.s32 s7, s0;
	s7 =	ssub.s32 s9, s21;
	s23 =	sadd.s32 s11, s10  }
0xd: {  	s0 =	sadd.s32 s1, s0;
	s21 =	simm.s32 $0x2;
	s1 =	simm.s32 $0x0  }
0xe: {  	s8 =	sshrl.u32 s8, $0x3;
	s7 =	smax.u32 s7, $0x1;
	s24 =	sadd.s32 $0x28, s23  }
0xf: {  	s10 =	sadd.s32 $0x5EA00, s0;
	s11 =	sadd.s32 $0x568A00, s0;
	s26 =	sadd.s32 $0x50, s23  }
0x10: {  	s23 =	simm.s32 $0x180;
	s22 =	sadd.s32 s2, s8;
	[dreg:$0x5] =	wrdreg s7  }
.Ltmp0:
0x11: {  	s8 =	sadd.s32 s6, s8;
	[dreg:$0x6] =	wrdreg s26;
	(pc) =	sbr.rel .LBB2_1-.Ltmp0, $4  }
0x12: {  	s25 =	sshrl.u32 s24, $0x3;
	s24 =	simm.s32 $0x2A00;
	[dreg:$0x3] =	wrdreg s22  }
0x13: {  	s26 =	simm.s32 $0x3;
	[dreg:$0x4] =	wrdreg s8;
	s31 =	sadd.s32 s25, s6  }
0x14: {  	s0 =	sadd.s32 s25, s2;
	s22 =	simm.s32 $0x100;
	[dreg:$0x7] =	wrdreg s31  }
0x15: {  	s25 =	simm.s32 $0x3E00;
	[dreg:$0x8] =	wrdreg s0;
	s0 =	simm.s32 $0x8  }
.LBB2_4:
0x16: {  	_ =	swait.ge [sflag:s29], $0x1400  }
0x17: {  	[sflag:s29] =	ssyncset.done $0x0  }
0x18: {  	[sflag:s29] =	ssyncadd.s32 $0xFFFFEC00  }
0x19: {  	_ =	swait.ge [sflag:s30], $0x1400  }
0x1a: {  	[sflag:s30] =	ssyncset.done $0x0  }
0x1b: {  	s7 =	simm.s32 $0x7;
	[sflag:s30] =	ssyncadd.s32 $0xFFFFEC00  }
0x1c: {  	_ =	swait.ge [sflag:s7], $0x1400  }
0x1d: {  	[sflag:s7] =	ssyncset.done $0x0  }
0x1e: {  	[sflag:s7] =	ssyncadd.s32 $0xFFFFEC00  }
0x1f: {  	_ =	swait.ge [sflag:s0], $0x1400  }
0x20: {  	s1 =	sadd.s32 $0x1, s1;
	s31 =	rddreg [dreg:$0x5]  }
0x21: {  	p0 =	sne.s32 s1, s31  }
.Ltmp1:
0x22: {  	_ = 	snop;
	(pc) =	sbr.rel @!p0 .LBB2_5-.Ltmp1, $3  }
0x23: {  	_ =	sdelay $0x1  }
0x24: {  	[sflag:s0] =	ssyncset.done $0x0  }
0x25: {  	[sflag:s0] =	ssyncadd.s32 $0xFFFFEC00  }
.LBB2_1:
0x26: {  	s7 =	rddreg [dreg:$0x3]  }
0x27: {  	[tilespmem:s3], [sflag:$0x9] =	stream.linear.gather [hbm4b:s7+s3], $0x28, $0x38;
	[tilespmem:$0x5200] =	vst v63  }
0x28: {  	_ =	swait.ge [sflag:s15], $0x28  }
0x29: {  	[sflag:s15] =	ssyncset.done $0x0  }
0x2a: {  	s31 =	rddreg [dreg:$0x4];
	[sflag:s15] =	ssyncadd.s32 $0xFFFFFFD8  }
0x2b: {  	[tilespmem:s16], [sflag:$0x9] =	stream.linear.gather [hbm4b:s31+s3], $0x28, $0x38;
	[tilespmem:$0x5200] =	vst v63  }
0x2c: {  	_ =	swait.ge [sflag:s15], $0x28  }
0x2d: {  	[sflag:s15] =	ssyncset.done $0x0;
	s14 =	rddreg [dreg:$0x8]  }
0x2e: {  	s13 =	rddreg [dreg:$0x7];
	[sflag:s15] =	ssyncadd.s32 $0xFFFFFFD8  }
0x2f: {  	[tilespmem:s18], [sflag:$0x1] =	stream.indirect.gather [hbm4b:s4+s17], $0x80, s3, s17, $0xb8;
	[tilespmem:$0x5200] =	vst v63  }
0x30: {  	s9 =	simm.s32 $0x0;
	s12 =	rddreg [dreg:$0x6]  }
0x31: {  	[tilespmem:s19], [sflag:$0x2] =	stream.indirect.gather [hbm4b:s5+s17], $0x80, s16, s17, $0xb8;
	[tilespmem:$0x5200] =	vst v63  }
.LBB2_2:
0x32: {  	_ =	swait.ge [sflag:s20], $0x1400  }
0x33: {  	[sflag:s20] =	ssyncset.done $0x0  }
0x34: {  	[sflag:s20] =	ssyncadd.s32 $0xFFFFEC00  }
0x35: {  	_ =	swait.ge [sflag:s21], $0x1400  }
0x36: {  	[sflag:s21] =	ssyncset.done $0x0  }
0x37: {  	s8 =	sadd.s32 s9, s10;
	[sflag:s21] =	ssyncadd.s32 $0xFFFFEC00  }
0x38: {  	[hbm4b:s8+s3] =	stream.linear.scatter [tilespmem:s18], [sflag:$0x5], $0x1400, $0x38;
	[tilespmem:$0x5200] =	vst v63  }
0x39: {  	s7 =	sadd.s32 s9, s11  }
0x3a: {  	[hbm4b:s7+s3] =	stream.linear.scatter [tilespmem:s19], [sflag:$0x6], $0x1400, $0x38;
	[tilespmem:$0x5200] =	vst v63  }
0x3b: {  	_ = 	snop  }
0x3c: {  	[tilespmem:s22], [sflag:$0x9] =	stream.linear.gather [hbm4b:s14+s3], $0x28, $0x38;
	[tilespmem:$0x5200] =	vst v63  }
0x3d: {  	_ =	swait.ge [sflag:s15], $0x28  }
0x3e: {  	[sflag:s15] =	ssyncset.done $0x0  }
0x3f: {  	[sflag:s15] =	ssyncadd.s32 $0xFFFFFFD8  }
0x40: {  	[tilespmem:s23], [sflag:$0x9] =	stream.linear.gather [hbm4b:s13+s3], $0x28, $0x38;
	[tilespmem:$0x5200] =	vst v63  }
0x41: {  	_ =	swait.ge [sflag:s15], $0x28  }
0x42: {  	p0 =	seq.s32 s9, $0x0;
	[sflag:s15] =	ssyncset.done $0x0  }
0x43: {  	s31 =	simm.s32 @!p0 $0x7;
	[sflag:s15] =	ssyncadd.s32 $0xFFFFFFD8  }
0x44: {  	_ =	swait.ge @!p0 [sflag:s31], $0x1400  }
0x45: {  	[sflag:s31] =	ssyncset.done @!p0 $0x0  }
0x46: {  	[sflag:s31] =	ssyncadd.s32 @!p0 $0xFFFFEC00;
	s31 =	simm.s32 @!p0 $0x8  }
0x47: {  	_ =	swait.ge @!p0 [sflag:s31], $0x1400  }
0x48: {  	[sflag:s31] =	ssyncset.done @!p0 $0x0  }
0x49: {  	[sflag:s31] =	ssyncadd.s32 @!p0 $0xFFFFEC00  }
0x4a: {  	[tilespmem:s24], [sflag:$0x3] =	stream.indirect.gather [hbm4b:s4+s17], $0x80, s22, s17, $0xb8;
	[tilespmem:$0x5200] =	vst v63  }
0x4b: {  	_ = 	snop  }
0x4c: {  	[tilespmem:s25], [sflag:$0x4] =	stream.indirect.gather [hbm4b:s5+s17], $0x80, s23, s17, $0xb8;
	[tilespmem:$0x5200] =	vst v63  }
0x4d: {  	_ =	swait.ge [sflag:s26], $0x1400  }
0x4e: {  	[sflag:s26] =	ssyncset.done $0x0  }
0x4f: {  	[sflag:s26] =	ssyncadd.s32 $0xFFFFEC00  }
0x50: {  	p0 =	seq.s32 s9, $0x28000;
	_ =	swait.ge [sflag:s28], $0x1400  }
.Ltmp2:
0x51: {  	[sflag:s28] =	ssyncset.done $0x0;
	(pc) =	sbr.rel @p0 .LBB2_4-.Ltmp2, $4  }
0x52: {  	s8 =	sadd.s32 $0x280, s8;
	[sflag:s28] =	ssyncadd.s32 $0xFFFFEC00  }
0x53: {  	[hbm4b:s8+s3] =	stream.linear.scatter [tilespmem:s24], [sflag:$0x7], $0x1400, $0x38;
	[tilespmem:$0x5200] =	vst v63  }
0x54: {  	s7 =	sadd.s32 $0x280, s7  }
0x55: {  	[hbm4b:s7+s3] =	stream.linear.scatter [tilespmem:s25], [sflag:$0x8], $0x1400, $0x38;
	[tilespmem:$0x5200] =	vst v63  }
0x56: {  	s7 =	sshrl.u32 s12, $0x3  }
0x57: {  	s8 =	sadd.s32 s2, s7  }
0x58: {  	[tilespmem:s3], [sflag:$0x9] =	stream.linear.gather [hbm4b:s8+s3], $0x28, $0x38;
	[tilespmem:$0x5200] =	vst v63  }
0x59: {  	_ =	swait.ge [sflag:s15], $0x28  }
0x5a: {  	[sflag:s15] =	ssyncset.done $0x0  }
0x5b: {  	s7 =	sadd.s32 s6, s7;
	[sflag:s15] =	ssyncadd.s32 $0xFFFFFFD8  }
0x5c: {  	[tilespmem:s16], [sflag:$0x9] =	stream.linear.gather [hbm4b:s7+s3], $0x28, $0x38;
	[tilespmem:$0x5200] =	vst v63  }
0x5d: {  	_ =	swait.ge [sflag:s15], $0x28  }
0x5e: {  	[sflag:s15] =	ssyncset.done $0x0  }
0x5f: {  	[sflag:s15] =	ssyncadd.s32 $0xFFFFFFD8  }
0x60: {  	_ =	swait.ge [sflag:s29], $0x1400  }
0x61: {  	[sflag:s29] =	ssyncset.done $0x0  }
0x62: {  	[sflag:s29] =	ssyncadd.s32 $0xFFFFEC00  }
0x63: {  	_ =	swait.ge [sflag:s30], $0x1400  }
.Ltmp3:
0x64: {  	[sflag:s30] =	ssyncset.done $0x0;
	(pc) =	sbr.rel .LBB2_2-.Ltmp3, $4  }
0x65: {  	s9 =	sadd.s32 $0x500, s9;
	[sflag:s30] =	ssyncadd.s32 $0xFFFFEC00  }
0x66: {  	[tilespmem:s18], [sflag:$0x1] =	stream.indirect.gather [hbm4b:s4+s17], $0x80, s3, s17, $0xb8;
	[tilespmem:$0x5200] =	vst v63  }
0x67: {  	s12 =	sadd.s32 $0x50, s12;
	s13 =	sadd.s32 $0xA, s13;
	s14 =	sadd.s32 $0xA, s14  }
0x68: {  	[tilespmem:s19], [sflag:$0x2] =	stream.indirect.gather [hbm4b:s5+s17], $0x80, s16, s17, $0xb8;
	[tilespmem:$0x5200] =	vst v63  }
.LBB2_5:
0x69: {  	_ =	sfence.sel $0x180000  }
0x6a: {  	[bflag:$0x0] =	sbarrier.arrive $0xFFFF  }
0x6b: {  	_ =	strace $0x9000004D  }
0x6c: {  	s0 =	stileid.u32;
	[bflag:$0x2] =	sbarrier.arrive $0xFFFF  }
0x6d: {  	p0 =	sne.s32 s0, $0x0;
	s0 =	rddreg [dreg:$0x2]  }
0x6e: {  	s0 =	sadd.s32 @!p0 $0x100000, s0  }
0x6f: {  	[sflag:s0] =	ssyncadd.tile.s32 @!p0 $0x1;
	_ =	shalt  }
.Lfunc_end2:
_tile_overlayer_lowered:
.L_overlay_start_2:
0x70: {  	(tag) =	ssettag $0x2  }
0x71: {  	s0 =	rddreg [dreg:$0x0];
	s2 =	stileid.u32  }
0x72: {  	s1 =	rddreg [dreg:$0x1];
	p0 =	sne.s32 s2, $0x0  }
0x73: {  	s3 =	rddreg [dreg:$0x2];
	[bflag:$0x3] =	sbarrier.arrive $0xFFFF;
	s2 =	simm.s32 @!p0 $0x1C09  }
0x74: {  	[timem:s3], [sflag:s2] =	dma.local @!p0 [hbm:s0], s1  }
0x75: {  	s0 =	simm.s32 @!p0 $0x9  }
0x76: {  	_ =	swait.ge @!p0 [sflag:s0], s1  }
0x77: {  	s1 =	ssub.s32 @!p0 $0x0, s1;
	[sflag:s0] =	ssyncset.done @!p0 $0x0  }
0x78: {  	[sflag:s0] =	ssyncadd.s32 @!p0 s1  }
0x79: {  	[bflag:$0x3] =	sbarrier.arrive $0xFFFF  }
0x7a: {  	_ =	shalt  }

// kernel: kernel.22.cloned.1.call-start
scs
__scs_entry_jumppad:
0x0: {  	(pc) =	sbr.rel $0x88, $3  }
0x1: {  	(tag) =	ssettag $0x0;
	lr =	simm.s32 $0x1  }
0x2: {  	[smem:$0x3F91] =	sst lr;
	_ =	strace $0xD0000000  }
0x3: {  	_ = 	snop  }
0x4: {  	_ = 	snop  }
0x5: {  	_ = 	snop  }
0x6: {  	_ = 	snop  }
0x7: {  	_ = 	snop  }
__scs_overlays_trampoline_lowered:
0x8: {  	[smem:$0x3FA0] =	sst s0  }
0x9: {  	[smem:$0x3FA1] =	sst s1  }
0xa: {  	[smem:$0x3FA2] =	sst s2  }
0xb: {  	[smem:$0x3FA3] =	sst s3  }
0xc: {  	[smem:$0x3FA4] =	sst s4  }
0xd: {  	[smem:$0x3FA5] =	sst s5  }
0xe: {  	[smem:$0x3FA6] =	sst s6  }
0xf: {  	[smem:$0x3FA7] =	sst s7  }
0x10: {  	[smem:$0x3FA8] =	sst s8  }
0x11: {  	[smem:$0x3FA9] =	sst s9;
	s0 =	simm.s32 @!p0 $0x0  }
0x12: {  	s1 =	sld [smem:$0x3F8F];
	s0 =	simm.s32 @p0 $0x1  }
0x13: {  	[smem:$0x3FAA] =	sst s0;
	s0 =	simm.s32 @!p1 $0x0  }
0x14: {  	s2 =	sld [smem:$0x3F8E];
	s0 =	simm.s32 @p1 $0x1  }
0x15: {  	[smem:$0x3FAB] =	sst s0;
	s0 =	simm.s32 @!p2 $0x0  }
0x16: {  	s3 =	sld [smem:$0x3FDB];
	s0 =	simm.s32 @p2 $0x1  }
0x17: {  	s4 =	simm.s32 $0x1BF5;
	[smem:$0x3FAD] =	sst s0  }
0x18: {  	s0 =	sld [smem:$0x3F90];
	_ =	swait.ge [sflag:s4], $0x0  }
0x19: {  	s7 =	sld [smem:$0x3F91]  }
0x1a: {  	s8 =	sadd.s32 $0xFFFFE003, lr  }
0x1b: {  	s9 =	sadd.s32 $0xFFFFFEF7, lr;
	s5 =	simm.s32 $0xFFFFFFFF;
	p2 =	slt.u32 s8, $0xFFFFF086  }
0x1c: {  	p1 =	slt.u32 s9, $0xF7A;
	s5 =	simm.s32 @!p2 $0x0  }
0x1d: {  	s5 =	simm.s32 @p1 $0x1;
	p0 =	seq.s32 s7, s2  }
0x1e: {  	s7 =	smul.u32 @!p0 $0xF7A, s2;
	p2 =	seq.s32 @!p0 s5, $0x0  }
0x1f: {  	s9 =	smul.u32 $0xF7A, s1;
	s8 =	simm.s32 @!p0 $0x1BF5;
	p2 =	por !p2, p0  }
0x20: {  	[sflag:s8] =	ssyncset.s32 @!p0 $0xFFFFF086;
	s6 =	sadd.s32 @!p0 s3, s7;
	s7 =	simm.s32 @!p0 $0x108  }
0x21: {  	s3 =	sadd.s32 s3, s9;
	s6 =	sadd.s32 @!p0 $0x88, s6;
	s7 =	simm.s32 @p2 $0x1082  }
0x22: {  	[simem:s7], [sflag:s8] =	dma.local @!p0 [hbm:s6], $0xF7A  }
0x23: {  	s9 =	sor.u32 $0xD0000000, s2;
	s6 =	simm.s32 $0x108;
	_ =	swait.ge @!p0 [sflag:s8], $0x0  }
0x24: {  	s3 =	sadd.s32 $0x88, s3;
	s6 =	simm.s32 @!p1 $0x1082;
	[sflag:s4] =	ssyncset.s32 $0xFFFFF086  }
0x25: {  	[simem:s6], [sflag:s4] =	dma.local [hbm:s3], $0xF7A  }
0x26: {  	[smem:$0x3F91] =	sst s1;
	(tag) =	ssettag s2;
	_ =	strace s9  }
0x27: {  	s1 =	sld [smem:$0x3FA1]  }
0x28: {  	s2 =	sld [smem:$0x3FA2]  }
0x29: {  	s4 =	sld [smem:$0x3FA4]  }
0x2a: {  	p0 =	seq.s32 s5, $0x0;
	s5 =	sld [smem:$0x3FA5]  }
0x2b: {  	s6 =	sld [smem:$0x3FA6]  }
0x2c: {  	s7 =	sld [smem:$0x3FA7]  }
0x2d: {  	s3 =	simm.s32 $0x108;
	s8 =	sld [smem:$0x3FA8]  }
0x2e: {  	s3 =	simm.s32 @!p0 $0x1082;
	s9 =	sld [smem:$0x3FA9]  }
0x2f: {  	lr =	sadd.s32 s0, s3;
	s0 =	sld [smem:$0x3FA0]  }
0x30: {  	s3 =	sld [smem:$0x3FA3]  }
0x31: {  	[smem:$0x3FAC] =	sst s10  }
0x32: {  	s10 =	sld [smem:$0x3FAA];
	_ =	sdelay $0x3  }
0x33: {  	p0 =	seq.s32 s10, $0x1;
	s10 =	sld [smem:$0x3FAC];
	_ =	sdelay $0x3  }
0x34: {  	[smem:$0x3FAC] =	sst s10  }
0x35: {  	s10 =	sld [smem:$0x3FAB];
	_ =	sdelay $0x3  }
0x36: {  	p1 =	seq.s32 s10, $0x1;
	s10 =	sld [smem:$0x3FAC];
	_ =	sdelay $0x3  }
0x37: {  	[smem:$0x3FAC] =	sst s10  }
0x38: {  	s10 =	sld [smem:$0x3FAD]  }
0x39: {  	_ = 	snop;
	(pc) =	sbr.ind lr, $3  }
0x3a: {  	_ = 	snop  }
0x3b: {  	_ = 	snop  }
0x3c: {  	p2 =	seq.s32 s10, $0x1;
	s10 =	sld [smem:$0x3FAC]  }
0x3d: {  	_ =	shalt  }
0x3e: {  	_ =	shalt  }
0x3f: {  	_ =	shalt  }
0x40: {  	_ =	shalt  }
0x41: {  	_ =	shalt  }
0x42: {  	_ =	shalt  }
0x43: {  	_ =	shalt  }
0x44: {  	_ =	shalt  }
0x45: {  	_ =	shalt  }
0x46: {  	_ =	shalt  }
0x47: {  	_ =	shalt  }
0x48: {  	_ =	shalt  }
0x49: {  	_ =	shalt  }
0x4a: {  	_ =	shalt  }
0x4b: {  	_ =	shalt  }
0x4c: {  	_ =	shalt  }
0x4d: {  	_ =	shalt  }
0x4e: {  	_ =	shalt  }
0x4f: {  	_ =	shalt  }
0x50: {  	_ =	shalt  }
0x51: {  	_ =	shalt  }
0x52: {  	_ =	shalt  }
0x53: {  	_ =	shalt  }
0x54: {  	_ =	shalt  }
0x55: {  	_ =	shalt  }
0x56: {  	_ =	shalt  }
0x57: {  	_ =	shalt  }
0x58: {  	_ =	shalt  }
0x59: {  	_ =	shalt  }
0x5a: {  	_ =	shalt  }
0x5b: {  	_ =	shalt  }
0x5c: {  	_ =	shalt  }
0x5d: {  	_ =	shalt  }
0x5e: {  	_ =	shalt  }
0x5f: {  	_ =	shalt  }
0x60: {  	_ =	shalt  }
0x61: {  	_ =	shalt  }
0x62: {  	_ =	shalt  }
0x63: {  	_ =	shalt  }
0x64: {  	_ =	shalt  }
0x65: {  	_ =	shalt  }
0x66: {  	_ =	shalt  }
0x67: {  	_ =	shalt  }
0x68: {  	_ =	shalt  }
0x69: {  	_ =	shalt  }
0x6a: {  	_ =	shalt  }
0x6b: {  	_ =	shalt  }
0x6c: {  	_ =	shalt  }
0x6d: {  	_ =	shalt  }
0x6e: {  	_ =	shalt  }
0x6f: {  	_ =	shalt  }
0x70: {  	_ =	shalt  }
0x71: {  	_ =	shalt  }
0x72: {  	_ =	shalt  }
0x73: {  	_ =	shalt  }
0x74: {  	_ =	shalt  }
0x75: {  	_ =	shalt  }
0x76: {  	_ =	shalt  }
0x77: {  	_ =	shalt  }
0x78: {  	_ =	shalt  }
0x79: {  	_ =	shalt  }
0x7a: {  	_ =	shalt  }
0x7b: {  	_ =	shalt  }
0x7c: {  	_ =	shalt  }
0x7d: {  	_ =	shalt  }
0x7e: {  	_ =	shalt  }
0x7f: {  	_ =	shalt  }
0x80: {  	_ =	shalt  }
0x81: {  	_ =	shalt  }
0x82: {  	_ =	shalt  }
0x83: {  	_ =	shalt  }
0x84: {  	_ =	shalt  }
0x85: {  	_ =	shalt  }
0x86: {  	_ =	shalt  }
0x87: {  	_ =	shalt  }
.Lfunc_end0:
.L_simem_size_0:
called_computation.3_lowered:
.L_overlay_start_0:
0x88: {  	s2 =	sld [smem:$0x3FD9]  }
0x89: {  	s3 =	sld [smem:$0x3FFE];
	_ =	sdelay $0x1  }
0x8a: {  	s1 =	srdreg.scid  }
0x8b: {  	s0 =	sand.u32 $0x1, s1  }
0x8c: {  	s16 =	sshll.u32 s0, $0xA;
	s2 =	sadd.s32 s3, s2  }
0x8d: {  	s2 =	sadd.s32 s2, s16  }
0x8e: {  	[smem:$0x3FB8] =	sst s2  }
0x8f: {  	_ = 	snop  }
0x90: {  	(tm) =	ssettm $0x1  }
0x91: {  	s17 =	sld [smem:$0x3FFB];
	_ =	sdelay $0x3  }
0x92: {  	_ =	strace s17  }
0x93: {  	s2 =	sld [smem:$0x3FFC];
	_ =	sdelay $0x3  }
0x94: {  	_ =	strace s2  }
0x95: {  	s2 =	sld [smem:$0x3FFD];
	_ =	sdelay $0x3  }
0x96: {  	_ =	strace s2  }
0x97: {  	_ =	strace $0x8FFFFFFF  }
0x98: {  	s18 =	sld [smem:$0x3FDB];
	_ =	sdelay $0x1  }
0x99: {  	s19 =	simm.s32 $_scs_section_size  }
0x9a: {  	s4 =	simm.s32 $_size__tile_overlayer_lowered;
	s5 =	simm.s32 $_tile_overlayer_lowered  }
0x9b: {  	s22 =	simm.s32 $0x1BFF;
	s21 =	sshll.u32 s5, $0x1;
	s2 =	sadd.s32 s19, s18  }
0x9c: {  	s6 =	simm.s32 $0x0;
	s20 =	sshll.u32 s4, $0x1;
	s4 =	sadd.s32 s21, s2  }
0x9d: {  	[timem:s6], [sflag:s22] =	dma.local [hbm:s4], s20  }
0x9e: {  	_ =	swait.ge [sflag:s22], s20  }
0x9f: {  	s3 =	ssub.s32 $0x0, s20;
	[sflag:s22] =	ssyncset.done $0x0  }
0xa0: {  	[sflag:s22] =	ssyncadd.s32 s3;
	_ =	sdelay $0x1  }
0xa1: {  	s23 =	simm.s32 $0x1B8B  }
0xa2: {  	_ =	swait.ge [sflag:s23], $0x1  }
0xa3: {  	[sflag:s23] =	ssyncset.done $0x0  }
0xa4: {  	s25 =	simm.s32 $0x1B8E;
	s24 =	sld [smem:$0x3FFE];
	[sflag:s23] =	ssyncadd.s32 $0xFFFFFFFF  }
0xa5: {  	s26 =	simm.s32 $execute0_lowered;
	[smem:$0x3FD2] =	sst s25  }
0xa6: {  	s4 =	sshll.u32 s26, $0x1;
	_ =	strace $0x8000004F;
	[dreg:$0x1] =	wrdreg $0xFFFFFFFF  }
0xa7: {  	s28 =	simm.s32 $_size_execute0_lowered;
	s2 =	sadd.s32 s2, s4;
	[dreg:$0x0] =	wrdreg $0x0  }
0xa8: {  	s4 =	sshll.u32 s28, $0x1;
	[dreg:$0x2] =	wrdreg s2  }
0xa9: {  	[dreg:$0x3] =	wrdreg s4  }
0xaa: {  	[dreg:$0x4] =	wrdreg $0xC0  }
0xab: {  	_ =	task [dreg:s6], $0x5FFFF  }
0xac: {  	[dreg:$0x1] =	wrdreg $0xFFFFFFFF  }
0xad: {  	[dreg:$0x0] =	wrdreg $0x60  }
0xae: {  	[dreg:$0x2] =	wrdreg s24  }
0xaf: {  	[dreg:$0x3] =	wrdreg $0x0  }
0xb0: {  	[dreg:$0x4] =	wrdreg $0x9  }
0xb1: {  	_ =	task.clear_ibuf [dreg:s6], $0x5FFFF;
	_ =	strace $0x9000004F  }
0xb2: {  	s29 =	simm.s32 $0x9;
	_ =	strace $0x80000051  }
0xb3: {  	_ =	swait.ge [sflag:s29], $0x1  }
0xb4: {  	[sflag:s29] =	ssyncadd.s32 $0xFFFFFFFF  }
0xb5: {  	_ =	strace $0x90000051  }
0xb6: {  	_ =	sfence  }
0xb7: {  	s30 =	sld [smem:$0x0];
	_ =	sdelay $0x2  }
0xb8: {  	s31 =	sshll.u32 s1, $0xD;
	s1 =	sshrl.u32 s1, $0x2  }
0xb9: {  	s3 =	sand.u32 $0x4000, s31;
	s1 =	sadd.s32 s1, s30  }
0xba: {  	s0 =	sor.u32 s3, s0;
	s1 =	sshll.u32 s1, $0x11  }
0xbb: {  	s0 =	sor.u32 s1, s0  }
0xbc: {  	s0 =	sadd.s32 $0x8F2B, s0  }
0xbd: {  	[sflag:s0] =	ssyncadd.remote.s32 $0x1  }
0xbe: {  	_ =	sfence.sel $0xFFFF  }
0xbf: {  	[dreg:$0x0] =	wrdreg $0xFFFFFFFF;
	(pc) =	sbr.abs _section_cstart, $3  }
0xc0: {  	[dreg:$0x1] =	wrdreg $0xFFFFFFFF  }
0xc1: {  	_ =	task.clear_ibuf [dreg:s6], $0x2FFFF;
	_ =	strace $0x9FFFFFFF  }
0xc2: {  	(tm) =	ssettm $0x7FFFFFFF  }
0xc3: {  	_ =	shalt  }
tec
execute0_lowered:
.L_overlay_start_1:
0x0: {  	(tag) =	ssettag $0x1  }
0x1: {  	s0 =	rddreg [dreg:$0x0]  }
0x2: {  	s2 =	rddreg [dreg:$0x1];
	s12 =	stileid.u32  }
0x3: {  	s1 =	srdreg.scid;
	s3 =	simm.s32 $0x0;
	s28 =	simm.s32 $0x4  }
0x4: {  	s29 =	simm.s32 $0x5;
	s30 =	simm.s32 $0x6;
	s4 =	smul.u32 $0x50, s12  }
0x5: {  	s31 =	simm.s32 $0x0;
	s1 =	sand.u32 $0x1, s1;
	s6 =	smul.u32 $0x14000, s12  }
0x6: {  	[smem:$0x7FF] =	sst s3;
	s7 =	sshll.u32 s12, $0x1;
	s14 =	smul.u32 $0x50A0, s12  }
0x7: {  	s13 =	sadd.s32 $0xA72C00, s0;
	s15 =	sadd.s32 $0x3E00, s0;
	s17 =	smul.u32 $0x50A00, s12  }
0x8: {  	s18 =	sadd.s32 $0xE600, s0;
	s5 =	smul.u32 $0x140000, s1;
	_ =	strace $0x80000050  }
0x9: {  	s7 =	sor.u32 s1, s7;
	[dreg:$0x3] =	wrdreg s18;
	s16 =	smul.u32 $0x2850, s1  }
0xa: {  	s19 =	ssub.s32 $0x2, s1;
	s1 =	smul.u32 $0x28500, s1;
	s18 =	simm.s32 $0x7  }
0xb: {  	s4 =	sadd.s32 s4, s0;
	s8 =	smul.u32 $0x2850, s7;
	s9 =	sshrl.u32 s19, $0x1  }
0xc: {  	s7 =	smul.u32 $0x28500, s7;
	s5 =	sadd.s32 s6, s5;
	s9 =	ssub.s32 s19, s9  }
0xd: {  	s12 =	sadd.s32 $0xE000, s4;
	s26 =	sadd.s32 s16, s14;
	s19 =	simm.s32 $0x16900  }
0xe: {  	s5 =	sshrl.u32 s5, $0x3;
	s10 =	sshrl.u32 s8, $0x3;
	s21 =	sadd.s32 s13, s7  }
0xf: {  	s22 =	sadd.s32 $0x28, s8;
	s11 =	sadd.s32 $0x50, s8;
	s7 =	smax.u32 s9, $0x1  }
0x10: {  	s14 =	sadd.s32 $0xA0, s26;
	s4 =	sadd.s32 $0x78, s26;
	s26 =	simm.s32 $0x3  }
0x11: {  	s0 =	sadd.s32 s5, s0;
	s20 =	sadd.s32 s15, s10;
	[dreg:$0x5] =	wrdreg s21  }
0x12: {  	s23 =	sshrl.u32 s22, $0x3;
	s24 =	sshll.u32 s22, $0x4;
	s25 =	sshrl.u32 s11, $0x3  }
0x13: {  	s11 =	sshll.u32 s11, $0x4;
	s14 =	sshrl.u32 s14, $0x3;
	s4 =	sshrl.u32 s4, $0x3  }
0x14: {  	s21 =	simm.s32 $0x16800;
	s22 =	simm.s32 $0x1;
	[dreg:$0x4] =	wrdreg s20  }
0x15: {  	s8 =	sadd.s32 s15, s23;
	s9 =	sadd.s32 s13, s24;
	s10 =	sadd.s32 s15, s25  }
0x16: {  	s11 =	sadd.s32 s13, s11;
	s13 =	sadd.s32 s17, s13;
	s14 =	sadd.s32 s14, s15  }
0x17: {  	s15 =	sadd.s32 s4, s15;
	s16 =	sadd.s32 $0xEA00, s0;
	s17 =	simm.s32 $0x14000  }
0x18: {  	s20 =	simm.s32 $0x28;
	s23 =	simm.s32 $0x2;
	s1 =	sadd.s32 s1, s13  }
0x19: {  	s24 =	simm.s32 $0x16880;
	s25 =	simm.s32 $0x15400;
	s13 =	sadd.s32 $0xA00, s1  }
.LBB2_1:
0x1a: {  	s0 =	rddreg [dreg:$0x3]  }
0x1b: {  	[tilespmem:s17], [sflag:$0x7] =	stream.linear.gather [hbm4b:s0+s3], $0x1400, $0x38;
	[tilespmem:$0x16980] =	vst v63  }
0x1c: {  	_ =	swait.ge [sflag:s18], $0x1400  }
0x1d: {  	[sflag:s18] =	ssyncset.done $0x0  }
0x1e: {  	s6 =	sadd.s32 $0x0, s12;
	[sflag:s18] =	ssyncadd.s32 $0xFFFFEC00  }
0x1f: {  	[tilespmem:s19], [sflag:$0x7] =	stream.linear.gather [hbm4b:s6+s3], $0x28, $0x38;
	[tilespmem:$0x16980] =	vst v63  }
0x20: {  	_ =	swait.ge [sflag:s18], $0x28  }
0x21: {  	[sflag:s18] =	ssyncset.done $0x0  }
0x22: {  	[sflag:s18] =	ssyncadd.s32 $0xFFFFFFD8  }
0x23: {  	[spmem:s2] =	stream.indirect.scatter [tilespmem:s17], [sflag:$0x7], $0x80, s19, s20, $0xb8;
	[tilespmem:$0x16980] =	vst v63  }
0x24: {  	_ =	swait.ge [sflag:s18], $0x1400  }
0x25: {  	s1 =	simm.s32 $0xA;
	s0 =	simm.s32 $0x5;
	[sflag:s18] =	ssyncset.done $0x0  }
.LBB2_2:
0x26: {  	s4 =	sadd.s32 s0, s12  }
0x27: {  	[sflag:s18] =	ssyncadd.s32 $0xFFFFEC00;
	s0 =	smov.u32 s1;
	s5 =	sadd.s32 $0x5, s1  }
0x28: {  	[tilespmem:s19], [sflag:$0x7] =	stream.linear.gather [hbm4b:s4+s3], $0x28, $0x38;
	[tilespmem:$0x16980] =	vst v63  }
0x29: {  	p0 =	sne.s32 s1, $0x4B;
	_ =	swait.ge [sflag:s18], $0x28  }
.Ltmp0:
0x2a: {  	[sflag:s18] =	ssyncset.done $0x0;
	(pc) =	sbr.rel @p0 .LBB2_2-.Ltmp0, $4  }
0x2b: {  	[sflag:s18] =	ssyncadd.s32 $0xFFFFFFD8  }
0x2c: {  	[spmem:s2] =	stream.indirect.scatter [tilespmem:s17], [sflag:$0x7], $0x80, s19, s20, $0xb8;
	[tilespmem:$0x16980] =	vst v63  }
0x2d: {  	_ =	swait.ge [sflag:s18], $0x1400  }
0x2e: {  	s1 =	smov.u32 s5;
	[sflag:s18] =	ssyncset.done $0x0  }
0x2f: {  	s0 =	sadd.s32 s0, s12;
	[sflag:s18] =	ssyncadd.s32 $0xFFFFEC00  }
0x30: {  	[tilespmem:s19], [sflag:$0x7] =	stream.linear.gather [hbm4b:s0+s3], $0x28, $0x38;
	[tilespmem:$0x16980] =	vst v63  }
0x31: {  	_ =	swait.ge [sflag:s18], $0x28  }
0x32: {  	[sflag:s18] =	ssyncset.done $0x0  }
0x33: {  	[sflag:s18] =	ssyncadd.s32 $0xFFFFFFD8  }
0x34: {  	[spmem:s2] =	stream.indirect.scatter [tilespmem:s17], [sflag:$0x7], $0x80, s19, s20, $0xb8;
	[tilespmem:$0x16980] =	vst v63  }
0x35: {  	_ =	swait.ge [sflag:s18], $0x1400  }
0x36: {  	[sflag:s18] =	ssyncset.done $0x0  }
0x37: {  	[sflag:s18] =	ssyncadd.s32 $0xFFFFEC00  }
0x38: {  	[bflag:$0x0] =	sbarrier.arrive $0xFFFF  }
0x39: {  	s0 =	simm.s32 $0x0;
	s1 =	rddreg [dreg:$0x4]  }
0x3a: {  	[tilespmem:s21], [sflag:$0x1] =	stream.linear.gather [hbm4b:s1+s0], $0x28, $0x38;
	[tilespmem:$0x16980] =	vst v63  }
0x3b: {  	s6 =	rddreg [dreg:$0x5]  }
0x3c: {  	[tilespmem:s17], [sflag:$0x2] =	stream.linear.gather [hbm4b:s6+s0], $0x1400, $0x38;
	[tilespmem:$0x16980] =	vst v63  }
0x3d: {  	_ =	swait.ge [sflag:s22], $0x28  }
0x3e: {  	[sflag:s22] =	ssyncset.done $0x0  }
0x3f: {  	[sflag:s22] =	ssyncadd.s32 $0xFFFFFFD8  }
0x40: {  	_ =	swait.ge [sflag:s23], $0x1400  }
0x41: {  	[sflag:s23] =	ssyncset.done $0x0  }
0x42: {  	[sflag:s23] =	ssyncadd.s32 $0xFFFFEC00  }
0x43: {  	[spmem:s2] =	stream.indirect.scatter.add.f32 [tilespmem:s17], [sflag:$0x5], $0x80, s21, s20, $0xb8;
	[tilespmem:$0x16980] =	vst v63  }
0x44: {  	_ = 	snop  }
0x45: {  	[tilespmem:s24], [sflag:$0x3] =	stream.linear.gather [hbm4b:s8+s0], $0x28, $0x38;
	[tilespmem:$0x16980] =	vst v63  }
0x46: {  	_ = 	snop  }
0x47: {  	[tilespmem:s25], [sflag:$0x4] =	stream.linear.gather [hbm4b:s9+s0], $0x1400, $0x38;
	[tilespmem:$0x16980] =	vst v63  }
0x48: {  	_ =	swait.ge [sflag:s26], $0x28  }
0x49: {  	[sflag:s26] =	ssyncset.done $0x0  }
0x4a: {  	[sflag:s26] =	ssyncadd.s32 $0xFFFFFFD8  }
0x4b: {  	_ =	swait.ge [sflag:s28], $0x1400  }
0x4c: {  	[sflag:s28] =	ssyncset.done $0x0  }
0x4d: {  	[sflag:s28] =	ssyncadd.s32 $0xFFFFEC00  }
0x4e: {  	[spmem:s2] =	stream.indirect.scatter.add.f32 [tilespmem:s25], [sflag:$0x6], $0x80, s24, s20, $0xb8;
	[tilespmem:$0x16980] =	vst v63  }
0x4f: {  	_ =	swait.ge [sflag:s29], $0x1400  }
0x50: {  	[sflag:s29] =	ssyncset.done $0x0  }
0x51: {  	[sflag:s29] =	ssyncadd.s32 $0xFFFFEC00  }
0x52: {  	[tilespmem:s21], [sflag:$0x1] =	stream.linear.gather [hbm4b:s10+s0], $0x28, $0x38;
	[tilespmem:$0x16980] =	vst v63  }
0x53: {  	s1 =	smov.u32 s13  }
0x54: {  	[tilespmem:s17], [sflag:$0x2] =	stream.linear.gather [hbm4b:s11+s0], $0x1400, $0x38;
	[tilespmem:$0x16980] =	vst v63  }
.LBB2_4:
0x55: {  	_ =	swait.ge [sflag:s22], $0x28  }
0x56: {  	[sflag:s22] =	ssyncset.done $0x0  }
0x57: {  	[sflag:s22] =	ssyncadd.s32 $0xFFFFFFD8  }
0x58: {  	_ =	swait.ge [sflag:s23], $0x1400  }
0x59: {  	[sflag:s23] =	ssyncset.done $0x0  }
0x5a: {  	[sflag:s23] =	ssyncadd.s32 $0xFFFFEC00  }
0x5b: {  	[spmem:s2] =	stream.indirect.scatter.add.f32 [tilespmem:s17], [sflag:$0x5], $0x80, s21, s20, $0xb8;
	[tilespmem:$0x16980] =	vst v63  }
0x5c: {  	_ =	swait.ge [sflag:s30], $0x1400  }
0x5d: {  	[sflag:s30] =	ssyncset.done $0x0  }
0x5e: {  	s4 =	sadd.s32 s0, s15;
	[sflag:s30] =	ssyncadd.s32 $0xFFFFEC00  }
0x5f: {  	[tilespmem:s24], [sflag:$0x3] =	stream.linear.gather [hbm4b:s4+s3], $0x28, $0x38;
	[tilespmem:$0x16980] =	vst v63  }
0x60: {  	s6 =	sadd.s32 $0xFFFFFD80, s1  }
0x61: {  	[tilespmem:s25], [sflag:$0x4] =	stream.linear.gather [hbm4b:s6+s3], $0x1400, $0x38;
	[tilespmem:$0x16980] =	vst v63  }
0x62: {  	_ =	swait.ge [sflag:s26], $0x28  }
0x63: {  	[sflag:s26] =	ssyncset.done $0x0  }
0x64: {  	[sflag:s26] =	ssyncadd.s32 $0xFFFFFFD8  }
0x65: {  	_ =	swait.ge [sflag:s28], $0x1400  }
0x66: {  	p0 =	seq.s32 s0, $0x4F6;
	[sflag:s28] =	ssyncset.done $0x0  }
.Ltmp1:
0x67: {  	[sflag:s28] =	ssyncadd.s32 $0xFFFFEC00;
	(pc) =	sbr.rel @p0 .LBB2_6-.Ltmp1, $4  }
0x68: {  	[spmem:s2] =	stream.indirect.scatter.add.f32 [tilespmem:s25], [sflag:$0x6], $0x80, s24, s20, $0xb8;
	[tilespmem:$0x16980] =	vst v63  }
0x69: {  	_ =	swait.ge [sflag:s29], $0x1400  }
0x6a: {  	[sflag:s29] =	ssyncset.done $0x0  }
0x6b: {  	[sflag:s29] =	ssyncadd.s32 $0xFFFFEC00  }
.Ltmp2:
0x6c: {  	s4 =	sadd.s32 s0, s14;
	(pc) =	sbr.rel .LBB2_4-.Ltmp2, $4  }
0x6d: {  	[tilespmem:s21], [sflag:$0x1] =	stream.linear.gather [hbm4b:s4+s3], $0x28, $0x38;
	[tilespmem:$0x16980] =	vst v63  }
0x6e: {  	_ = 	snop  }
0x6f: {  	[tilespmem:s17], [sflag:$0x2] =	stream.linear.gather [hbm4b:s1+s3], $0x1400, $0x38;
	[tilespmem:$0x16980] =	vst v63  }
0x70: {  	s0 =	sadd.s32 $0xA, s0;
	s1 =	sadd.s32 $0x500, s1  }
.LBB2_6:
0x71: {  	_ =	swait.ge [sflag:s30], $0x1400  }
0x72: {  	[sflag:s30] =	ssyncset.done $0x0  }
0x73: {  	[sflag:s30] =	ssyncadd.s32 $0xFFFFEC00  }
0x74: {  	s0 =	sadd.s32 $0x0, s12;
	[bflag:$0x0] =	sbarrier.arrive $0xFFFF  }
0x75: {  	[tilespmem:s19], [sflag:$0x7] =	stream.linear.gather [hbm4b:s0+s3], $0x28, $0x38;
	[tilespmem:$0x16980] =	vst v63  }
0x76: {  	_ =	swait.ge [sflag:s18], $0x28  }
0x77: {  	[sflag:s18] =	ssyncset.done $0x0  }
0x78: {  	[sflag:s18] =	ssyncadd.s32 $0xFFFFFFD8  }
0x79: {  	[tilespmem:s17], [sflag:$0x7] =	stream.indirect.gather [spmem:s2], $0x80, s19, s20, $0xb8;
	[tilespmem:$0x16980] =	vst v63  }
0x7a: {  	_ =	swait.ge [sflag:s18], $0x1400  }
0x7b: {  	[sflag:s18] =	ssyncset.done $0x0  }
0x7c: {  	[sflag:s18] =	ssyncadd.s32 $0xFFFFEC00  }
0x7d: {  	[hbm4b:s16+s3] =	stream.linear.scatter [tilespmem:s17], [sflag:$0x7], $0x1400, $0x38;
	[tilespmem:$0x16980] =	vst v63  }
0x7e: {  	s1 =	simm.s32 $0x5;
	_ =	swait.ge [sflag:s18], $0x1400  }
0x7f: {  	s4 =	simm.s32 $0xA;
	s0 =	sadd.s32 $0x280, s16;
	[sflag:s18] =	ssyncset.done $0x0  }
.LBB2_7:
0x80: {  	s5 =	sadd.s32 s1, s12  }
0x81: {  	[sflag:s18] =	ssyncadd.s32 $0xFFFFEC00;
	s1 =	smov.u32 s4;
	s6 =	sadd.s32 $0x5, s4  }
0x82: {  	[tilespmem:s19], [sflag:$0x7] =	stream.linear.gather [hbm4b:s5+s3], $0x28, $0x38;
	[tilespmem:$0x16980] =	vst v63  }
0x83: {  	p0 =	sne.s32 s4, $0x4B;
	_ =	swait.ge [sflag:s18], $0x28  }
0x84: {  	[sflag:s18] =	ssyncset.done $0x0  }
0x85: {  	[sflag:s18] =	ssyncadd.s32 $0xFFFFFFD8  }
0x86: {  	[tilespmem:s17], [sflag:$0x7] =	stream.indirect.gather [spmem:s2], $0x80, s19, s20, $0xb8;
	[tilespmem:$0x16980] =	vst v63  }
0x87: {  	_ =	swait.ge [sflag:s18], $0x1400  }
.Ltmp3:
0x88: {  	[sflag:s18] =	ssyncset.done $0x0;
	(pc) =	sbr.rel @p0 .LBB2_7-.Ltmp3, $4  }
0x89: {  	[sflag:s18] =	ssyncadd.s32 $0xFFFFEC00  }
0x8a: {  	[hbm4b:s0+s3] =	stream.linear.scatter [tilespmem:s17], [sflag:$0x7], $0x1400, $0x38;
	[tilespmem:$0x16980] =	vst v63  }
0x8b: {  	_ =	swait.ge [sflag:s18], $0x1400  }
0x8c: {  	s4 =	smov.u32 s6;
	s0 =	sadd.s32 $0x280, s0;
	[sflag:s18] =	ssyncset.done $0x0  }
0x8d: {  	s1 =	sadd.s32 s1, s12;
	[sflag:s18] =	ssyncadd.s32 $0xFFFFEC00  }
0x8e: {  	[tilespmem:s19], [sflag:$0x7] =	stream.linear.gather [hbm4b:s1+s3], $0x28, $0x38;
	[tilespmem:$0x16980] =	vst v63  }
0x8f: {  	_ =	swait.ge [sflag:s18], $0x28  }
0x90: {  	[sflag:s18] =	ssyncset.done $0x0  }
0x91: {  	[sflag:s18] =	ssyncadd.s32 $0xFFFFFFD8  }
0x92: {  	[tilespmem:s17], [sflag:$0x7] =	stream.indirect.gather [spmem:s2], $0x80, s19, s20, $0xb8;
	[tilespmem:$0x16980] =	vst v63  }
0x93: {  	_ =	swait.ge [sflag:s18], $0x1400  }
0x94: {  	s31 =	sadd.s32 $0x1, s31;
	[sflag:s18] =	ssyncset.done $0x0  }
0x95: {  	p0 =	sne.s32 s31, s7;
	[sflag:s18] =	ssyncadd.s32 $0xFFFFEC00  }
0x96: {  	[hbm4b:s0+s3] =	stream.linear.scatter [tilespmem:s17], [sflag:$0x7], $0x1400, $0x38;
	[tilespmem:$0x16980] =	vst v63  }
.Ltmp4:
0x97: {  	_ =	swait.ge [sflag:s18], $0x1400;
	(pc) =	sbr.rel @p0 .LBB2_1-.Ltmp4, $3  }
0x98: {  	[sflag:s18] =	ssyncset.done $0x0  }
0x99: {  	[sflag:s18] =	ssyncadd.s32 $0xFFFFEC00  }
0x9a: {  	[bflag:$0x0] =	sbarrier.arrive $0xFFFF;
	_ =	sdelay $0x1  }
0x9b: {  	_ =	sfence.sel $0x180000  }
0x9c: {  	[bflag:$0x0] =	sbarrier.arrive $0xFFFF  }
0x9d: {  	_ =	strace $0x90000050  }
0x9e: {  	s0 =	stileid.u32;
	[bflag:$0x2] =	sbarrier.arrive $0xFFFF  }
0x9f: {  	p0 =	sne.s32 s0, $0x0;
	s0 =	rddreg [dreg:$0x2]  }
0xa0: {  	s0 =	sadd.s32 @!p0 $0x100000, s0  }
0xa1: {  	[sflag:s0] =	ssyncadd.tile.s32 @!p0 $0x1;
	_ =	shalt  }
.Lfunc_end2:
_tile_overlayer_lowered:
.L_overlay_start_2:
0xa2: {  	(tag) =	ssettag $0x2  }
0xa3: {  	s0 =	rddreg [dreg:$0x0];
	s2 =	stileid.u32  }
0xa4: {  	s1 =	rddreg [dreg:$0x1];
	p0 =	sne.s32 s2, $0x0  }
0xa5: {  	s3 =	rddreg [dreg:$0x2];
	[bflag:$0x3] =	sbarrier.arrive $0xFFFF;
	s2 =	simm.s32 @!p0 $0x1C07  }
0xa6: {  	[timem:s3], [sflag:s2] =	dma.local @!p0 [hbm:s0], s1  }
0xa7: {  	s0 =	simm.s32 @!p0 $0x7  }
0xa8: {  	_ =	swait.ge @!p0 [sflag:s0], s1  }
0xa9: {  	s1 =	ssub.s32 @!p0 $0x0, s1;
	[sflag:s0] =	ssyncset.done @!p0 $0x0  }
0xaa: {  	[sflag:s0] =	ssyncadd.s32 @!p0 s1  }
0xab: {  	[bflag:$0x3] =	sbarrier.arrive $0xFFFF  }
0xac: {  	_ =	shalt  }

</sc_bundles>
